<compile_context>
chip_gen: v7x
topology: tpu7x:2x2x1
jax: 0.10.2.dev20260603
libtpu: 0.0.44.dev20260713+nightly
codegen_flags: <defaults>
</compile_context>

<pallas_src>
import functools

import jax
import jax.numpy as jnp
from jax import lax
from jax.experimental import pallas as pl
from jax.experimental.pallas import tpu as pltpu
from jax.experimental.pallas import tpu_sc as plsc

C = 512
B = 16
L = 2048
D = 64
KEEP = 64
H = 128

NC = 2
NS = 16
LANES = 16
NW = NC * NS
CPW = C // NW
ROWS_PW = CPW * KEEP
LP = L // 4
STEPS = L // (4 * LANES)
GCHUNK = 128


def _sc_scan(mask, batch_idx):
    mesh = plsc.VectorSubcoreMesh(core_axis_name="c", subcore_axis_name="s")

    @functools.partial(
        pl.kernel,
        out_type=(
            jax.ShapeDtypeStruct((C * KEEP,), jnp.int32),
            jax.ShapeDtypeStruct((C,), jnp.int32),
        ),
        mesh=mesh,
        compiler_params=pltpu.CompilerParams(
            needs_layout_passes=False, use_tc_tiling_on_sc=False),
        scratch_types=[
            pltpu.VMEM((CPW, L), jnp.int8),
            pltpu.VMEM((ROWS_PW,), jnp.int32),
            pltpu.VMEM((CPW,), jnp.int32),
            pltpu.VMEM((CPW,), jnp.int32),
            pltpu.SemaphoreType.DMA,
        ],
    )
    def scan_kernel(mask_hbm, bidx_hbm, idx_hbm, cnt_hbm,
                    mrow, idxv, bvec, cntv, sem):
        wid = lax.axis_index("s") * NC + lax.axis_index("c")
        base_chain = wid * CPW
        mask_cp = pltpu.async_copy(
            mask_hbm.at[pl.ds(base_chain, CPW)], mrow, sem)
        pltpu.sync_copy(bidx_hbm.at[pl.ds(base_chain, CPW)], bvec)

        iota = lax.iota(jnp.int32, LANES)

        pad_base = wid * ROWS_PW
        for jj in range(ROWS_PW // LANES):
            idxv[pl.ds(jj * LANES, LANES)] = pad_base + jj * LANES + iota

        mask_cp.wait()

        for i in range(CPW):
            bvals = bvec[...]
            bl = jnp.sum(jnp.where(iota == i, bvals, 0)) * L

            def cond(sc):
                step, cnt = sc
                return jnp.logical_and(step < STEPS, cnt < KEEP)

            def body(sc):
                step, cnt = sc
                v = plsc.bitcast(
                    mrow[i, pl.ds(step * 4 * LANES, 4 * LANES)], jnp.int32)
                c0 = v & 1
                c1 = (v >> 8) & 1
                c2 = (v >> 16) & 1
                c3 = (v >> 24) & 1
                t = c0 + c1 + c2 + c3
                rbase = plsc.cumsum(t) + cnt - t
                pos0 = bl + step * (4 * LANES) + iota * 4
                s = rbase
                for j, c in enumerate((c0, c1, c2, c3)):
                    rank = s + c
                    valid = jnp.logical_and(c > 0, rank <= KEEP)
                    plsc.store_scatter(
                        idxv, [i * KEEP + rank - 1], pos0 + j, mask=valid)
                    s = rank
                return step + 1, cnt + jnp.sum(t)

            _, cnt = lax.while_loop(
                cond, body, (jnp.int32(0), jnp.int32(0)))
            cnt = jnp.minimum(cnt, KEEP)
            plsc.store_scatter(
                cntv,
                [jnp.full((LANES,), i, jnp.int32)],
                jnp.full((LANES,), cnt, jnp.int32),
                mask=iota == 0,
            )

        pltpu.sync_copy(cntv, cnt_hbm.at[pl.ds(base_chain, CPW)])
        pltpu.sync_copy(idxv, idx_hbm.at[pl.ds(wid * ROWS_PW, ROWS_PW)])

    return scan_kernel(mask, batch_idx)


def _sc_gather(idx_all, kflat):
    mesh = plsc.VectorSubcoreMesh(core_axis_name="c", subcore_axis_name="s")

    @functools.partial(
        pl.kernel,
        out_type=jax.ShapeDtypeStruct((C * KEEP, D), jnp.float32),
        mesh=mesh,
        compiler_params=pltpu.CompilerParams(
            needs_layout_passes=False, use_tc_tiling_on_sc=False),
        scratch_types=[
            pltpu.VMEM((ROWS_PW,), jnp.int32),
            pltpu.VMEM((ROWS_PW, D), jnp.float32),
            pltpu.SemaphoreType.DMA,
            pltpu.SemaphoreType.DMA,
        ],
    )
    def gather_kernel(idx_hbm, kflat_hbm, out_hbm, idxv, rows, sem, sem2):
        wid = lax.axis_index("s") * NC + lax.axis_index("c")
        base = wid * ROWS_PW
        pltpu.sync_copy(idx_hbm.at[pl.ds(base, ROWS_PW)], idxv)

        gathers = []
        outs = []
        for g in range(ROWS_PW // GCHUNK):
            gathers.append(pltpu.async_copy(
                kflat_hbm.at[idxv.at[pl.ds(g * GCHUNK, GCHUNK)]],
                rows.at[pl.ds(g * GCHUNK, GCHUNK)],
                sem,
            ))
        for g in range(ROWS_PW // GCHUNK):
            gathers[g].wait()
            outs.append(pltpu.async_copy(
                rows.at[pl.ds(g * GCHUNK, GCHUNK)],
                out_hbm.at[pl.ds(base + g * GCHUNK, GCHUNK)],
                sem2,
            ))
        for cp in outs:
            cp.wait()

    return gather_kernel(idx_all, kflat)


def _mlp_body(q_ref, p_ref, cnt_ref, count_ref, w1_ref,
              b1_ref, w2_ref, b2_ref, o_ref):
    slot = lax.broadcasted_iota(jnp.int32, (C, KEEP * D), 1) >> 6
    keepm = (slot < cnt_ref[...]).astype(jnp.float32)
    pm = p_ref[...] * keepm
    logc = jnp.log1p(count_ref[...].astype(jnp.float32))
    h = (jnp.dot(q_ref[...], w1_ref[0:D, :],
                 preferred_element_type=jnp.float32)
         + jnp.dot(pm, w1_ref[D:D + KEEP * D, :],
                   preferred_element_type=jnp.float32)
         + logc * w1_ref[D + KEEP * D:D + KEEP * D + 1, :]
         + b1_ref[...])
    h = 0.5 * h * (1.0 + lax.erf(h * 0.7071067811865476))
    o_ref[...] = (jnp.dot(h, w2_ref[...], preferred_element_type=jnp.float32)
                  + b2_ref[...])


def _tc_mlp(q, packed, cnt, count, W1, b1, W2, b2):
    return pl.pallas_call(
        _mlp_body,
        out_shape=jax.ShapeDtypeStruct((C, 1), jnp.float32),
    )(q, packed, cnt, count, W1, b1, W2, b2)


def kernel(q, k, batch_idx, mask, count, W1, b1, W2, b2):
    kflat = k.reshape(B * L, D)
    idx_all, cnt = _sc_scan(mask.view(jnp.int8), batch_idx.astype(jnp.int32))
    packed_rows = _sc_gather(idx_all, kflat)
    packed = packed_rows.reshape(C, KEEP * D)
    out = _tc_mlp(
        q, packed,
        cnt.reshape(C, 1),
        count.reshape(C, 1).astype(jnp.int32),
        W1,
        b1.reshape(1, H), W2, b2.reshape(1, 1),
    )
    return out.reshape(C)

# --- scband reference (transcript-rebuilt; emitter-appended) ---
"""Pipeline reference for scband-neural-mlpf2-87969520156962 (READ-ONLY COPY).

The authoritative reference and input builder live on the scoring server;
editing this copy changes nothing except your own understanding.
"""

import jax, jax.numpy as jnp
import numpy as np

C = 512
B = 16
L = 2048
D = 64
KEEP = 64
H = 128
FEAT = D + KEEP * D + 1


def setup_inputs(seed: int = 0) -> dict:
    key = jax.random.key(seed)
    ks = jax.random.split(key, 9)
    q = jax.random.normal(ks[0], (C, D), dtype=jnp.float32)
    k = jax.random.normal(ks[1], (B, L, D), dtype=jnp.float32)
    batch_idx = jax.random.randint(ks[2], (C,), 0, B, dtype=jnp.int32)
    mask = jax.random.randint(ks[3], (C, L), 0, 2).astype(bool)
    count = jax.random.randint(ks[4], (C,), 0, L, dtype=jnp.int32)
    W1 = jax.random.normal(ks[5], (FEAT, H), dtype=jnp.float32) * (1.0 / np.sqrt(FEAT))
    b1 = jnp.zeros((H,), dtype=jnp.float32)
    W2 = jax.random.normal(ks[6], (H, 1), dtype=jnp.float32) * (1.0 / np.sqrt(H))
    b2 = jnp.zeros((1,), dtype=jnp.float32)
    return {"q": q, "k": k, "batch_idx": batch_idx, "mask": mask, "count": count,
            "W1": W1, "b1": b1, "W2": W2, "b2": b2}


def _pack_subset_keys(k, batch_idx, mask):
    chain_k = k[batch_idx]  # gather: [C, L, D]
    pos = jnp.arange(L, dtype=jnp.float32)
    scores = mask.astype(jnp.float32) * (float(L) - pos)[None, :]
    top_scores, top_idx = jax.lax.top_k(scores, KEEP)
    picked = top_scores > 0
    sentinel = jnp.full_like(top_idx, L)
    sortable = jnp.where(picked, top_idx, sentinel)
    order = jnp.argsort(sortable, axis=1)
    sortable = jnp.take_along_axis(sortable, order, axis=1)
    picked = jnp.take_along_axis(picked, order, axis=1)
    safe_idx = jnp.where(picked, sortable, jnp.zeros_like(sortable))
    gather_idx = jnp.broadcast_to(safe_idx[:, :, None], (C, KEEP, D))
    packed = jnp.take_along_axis(chain_k, gather_idx, axis=1)
    packed = packed * picked[:, :, None].astype(packed.dtype)
    return packed.reshape(C, -1)


def reference(q, k, batch_idx, mask, count, W1, b1, W2, b2):
    packed = _pack_subset_keys(k, batch_idx, mask)
    log_count = jnp.log1p(count.astype(q.dtype))[:, None]
    feat = jnp.concatenate([q, packed.astype(q.dtype), log_count], axis=-1)
    h = jax.nn.gelu(feat @ W1 + b1, approximate=False)
    out = h @ W2 + b2
    return out.squeeze(-1)

if __name__ == "__main__":
    import jax
    _d = setup_inputs()
    print(jax.jit(kernel)(*tuple(_d.values())))

</pallas_src>

<mosaic_0001>
#map = affine_map<(d0, d1) -> (0, 0)>
#map1 = affine_map<(d0, d1) -> (0)>
module attributes {stable_mosaic.version = 14 : i64} {
  func.func @scan_kernel(%arg0: i32, %arg1: i32, %arg2: memref<512x2048xi8, #tpu.memory_space<hbm>>, %arg3: memref<512xi32, #tpu.memory_space<hbm>>, %arg4: memref<32768xi32, #tpu.memory_space<hbm>>, %arg5: memref<512xi32, #tpu.memory_space<hbm>>, %arg6: memref<16x2048xi8, #tpu.memory_space<vmem>>, %arg7: memref<1024xi32, #tpu.memory_space<vmem>>, %arg8: memref<16xi32, #tpu.memory_space<vmem>>, %arg9: memref<16xi32, #tpu.memory_space<vmem>>, %arg10: memref<!tpu.dma_semaphore, #tpu.memory_space<semaphore_mem>>) attributes {dimension_semantics = [#tpu.dimension_semantics<core_parallel>, #tpu.dimension_semantics<subcore_parallel>], iteration_bounds = array<i64: 2, 16>, scalar_prefetch = 0 : i64, scratch_operands = 5 : i64, tpu.core_type = #tpu.core_type<sc_vector_subcore>, window_params = [{transform_indices = #map}, {transform_indices = #map1}, {transform_indices = #map1}, {transform_indices = #map1}]} {
    %mul3A = arith.constant 2 : i32
    %mul3A_0 = arith.muli %arg1, %mul3A : i32
    %add3A = arith.addi %mul3A_0, %arg0 : i32
    %mul3A_1 = arith.constant 16 : i32
    %mul3A_2 = arith.muli %add3A, %mul3A_1 : i32
    %dma_start3A = arith.constant 0 : i32
    %dma_start3A_3 = tpu.memref_slice %arg2[%mul3A_2, %dma_start3A] : memref<512x2048xi8, #tpu.memory_space<hbm>> -> memref<16x2048xi8, #tpu.memory_space<hbm>>
    %dma_start3A_4 = arith.constant 0 : i32
    %dma_start3A_5 = tpu.memref_slice %arg2[%mul3A_2, %dma_start3A_4] : memref<512x2048xi8, #tpu.memory_space<hbm>> -> memref<16x2048xi8, #tpu.memory_space<hbm>>
    tpu.enqueue_dma source(%dma_start3A_5 : memref<16x2048xi8, #tpu.memory_space<hbm>>) target(%arg6 : memref<16x2048xi8, #tpu.memory_space<vmem>>) target_semaphore(%arg10 : memref<!tpu.dma_semaphore, #tpu.memory_space<semaphore_mem>>)
    "tpu.region"() ({
      %run_scoped3A = tpu.sem_alloc : memref<!tpu.dma_semaphore, #tpu.memory_space<semaphore_mem>>
      %dma_start3A_788 = tpu.memref_slice %arg3[%mul3A_2] : memref<512xi32, #tpu.memory_space<hbm>> -> memref<16xi32, #tpu.memory_space<hbm>>
      %dma_start3A_789 = tpu.memref_slice %arg3[%mul3A_2] : memref<512xi32, #tpu.memory_space<hbm>> -> memref<16xi32, #tpu.memory_space<hbm>>
      tpu.enqueue_dma source(%dma_start3A_789 : memref<16xi32, #tpu.memory_space<hbm>>) target(%arg8 : memref<16xi32, #tpu.memory_space<vmem>>) target_semaphore(%run_scoped3A : memref<!tpu.dma_semaphore, #tpu.memory_space<semaphore_mem>>)
      %dma_wait3A_790 = tpu.memref_slice %arg3[%mul3A_2] : memref<512xi32, #tpu.memory_space<hbm>> -> memref<16xi32, #tpu.memory_space<hbm>>
      %dma_wait3A_791 = tpu.memref_slice %arg3[%mul3A_2] : memref<512xi32, #tpu.memory_space<hbm>> -> memref<16xi32, #tpu.memory_space<hbm>>
      tpu.wait_dma2 semaphore(%run_scoped3A : memref<!tpu.dma_semaphore, #tpu.memory_space<semaphore_mem>>) src(%dma_wait3A_791 : memref<16xi32, #tpu.memory_space<hbm>>) dst(%arg8 : memref<16xi32, #tpu.memory_space<vmem>>)
      tpu.yield
    }) : () -> ()
    %iota3A = tpu.iota {dimensions = array<i32: 0>} : vector<16xi32>
    %mul3A_6 = arith.constant 1024 : i32
    %mul3A_7 = arith.muli %add3A, %mul3A_6 : i32
    %add3A_8 = arith.constant 0 : i32
    %add3A_9 = arith.addi %mul3A_7, %add3A_8 : i32
    %add3A_10 = vector.broadcast %add3A_9 : i32 to vector<16xi32>
    %add3A_11 = arith.addi %add3A_10, %iota3A : vector<16xi32>
    %swap3A = arith.constant 0 : index
    %swap3A_12 = tpu.vector_load %arg7[%swap3A] {strides = array<i32>} : memref<1024xi32, #tpu.memory_space<vmem>>, vector<16xi32>,
    tpu.vector_store %arg7[%swap3A], %add3A_11 {strides = array<i32>} : memref<1024xi32, #tpu.memory_space<vmem>>, vector<16xi32>,
    %add3A_13 = arith.constant 16 : i32
    %add3A_14 = arith.addi %mul3A_7, %add3A_13 : i32
    %add3A_15 = vector.broadcast %add3A_14 : i32 to vector<16xi32>
    %add3A_16 = arith.addi %add3A_15, %iota3A : vector<16xi32>
    %swap3A_17 = arith.constant 16 : index
    %swap3A_18 = tpu.vector_load %arg7[%swap3A_17] {strides = array<i32>} : memref<1024xi32, #tpu.memory_space<vmem>>, vector<16xi32>,
    tpu.vector_store %arg7[%swap3A_17], %add3A_16 {strides = array<i32>} : memref<1024xi32, #tpu.memory_space<vmem>>, vector<16xi32>,
    %add3A_19 = arith.constant 32 : i32
    %add3A_20 = arith.addi %mul3A_7, %add3A_19 : i32
    %add3A_21 = vector.broadcast %add3A_20 : i32 to vector<16xi32>
    %add3A_22 = arith.addi %add3A_21, %iota3A : vector<16xi32>
    %swap3A_23 = arith.constant 32 : index
    %swap3A_24 = tpu.vector_load %arg7[%swap3A_23] {strides = array<i32>} : memref<1024xi32, #tpu.memory_space<vmem>>, vector<16xi32>,
    tpu.vector_store %arg7[%swap3A_23], %add3A_22 {strides = array<i32>} : memref<1024xi32, #tpu.memory_space<vmem>>, vector<16xi32>,
    %add3A_25 = arith.constant 48 : i32
    %add3A_26 = arith.addi %mul3A_7, %add3A_25 : i32
    %add3A_27 = vector.broadcast %add3A_26 : i32 to vector<16xi32>
    %add3A_28 = arith.addi %add3A_27, %iota3A : vector<16xi32>
    %swap3A_29 = arith.constant 48 : index
    %swap3A_30 = tpu.vector_load %arg7[%swap3A_29] {strides = array<i32>} : memref<1024xi32, #tpu.memory_space<vmem>>, vector<16xi32>,
    tpu.vector_store %arg7[%swap3A_29], %add3A_28 {strides = array<i32>} : memref<1024xi32, #tpu.memory_space<vmem>>, vector<16xi32>,
    %add3A_31 = arith.constant 64 : i32
    %add3A_32 = arith.addi %mul3A_7, %add3A_31 : i32
    %add3A_33 = vector.broadcast %add3A_32 : i32 to vector<16xi32>
    %add3A_34 = arith.addi %add3A_33, %iota3A : vector<16xi32>
    %swap3A_35 = arith.constant 64 : index
    %swap3A_36 = tpu.vector_load %arg7[%swap3A_35] {strides = array<i32>} : memref<1024xi32, #tpu.memory_space<vmem>>, vector<16xi32>,
    tpu.vector_store %arg7[%swap3A_35], %add3A_34 {strides = array<i32>} : memref<1024xi32, #tpu.memory_space<vmem>>, vector<16xi32>,
    %add3A_37 = arith.constant 80 : i32
    %add3A_38 = arith.addi %mul3A_7, %add3A_37 : i32
    %add3A_39 = vector.broadcast %add3A_38 : i32 to vector<16xi32>
    %add3A_40 = arith.addi %add3A_39, %iota3A : vector<16xi32>
    %swap3A_41 = arith.constant 80 : index
    %swap3A_42 = tpu.vector_load %arg7[%swap3A_41] {strides = array<i32>} : memref<1024xi32, #tpu.memory_space<vmem>>, vector<16xi32>,
    tpu.vector_store %arg7[%swap3A_41], %add3A_40 {strides = array<i32>} : memref<1024xi32, #tpu.memory_space<vmem>>, vector<16xi32>,
    %add3A_43 = arith.constant 96 : i32
    %add3A_44 = arith.addi %mul3A_7, %add3A_43 : i32
    %add3A_45 = vector.broadcast %add3A_44 : i32 to vector<16xi32>
    %add3A_46 = arith.addi %add3A_45, %iota3A : vector<16xi32>
    %swap3A_47 = arith.constant 96 : index
    %swap3A_48 = tpu.vector_load %arg7[%swap3A_47] {strides = array<i32>} : memref<1024xi32, #tpu.memory_space<vmem>>, vector<16xi32>,
    tpu.vector_store %arg7[%swap3A_47], %add3A_46 {strides = array<i32>} : memref<1024xi32, #tpu.memory_space<vmem>>, vector<16xi32>,
    %add3A_49 = arith.constant 112 : i32
    %add3A_50 = arith.addi %mul3A_7, %add3A_49 : i32
    %add3A_51 = vector.broadcast %add3A_50 : i32 to vector<16xi32>
    %add3A_52 = arith.addi %add3A_51, %iota3A : vector<16xi32>
    %swap3A_53 = arith.constant 112 : index
    %swap3A_54 = tpu.vector_load %arg7[%swap3A_53] {strides = array<i32>} : memref<1024xi32, #tpu.memory_space<vmem>>, vector<16xi32>,
    tpu.vector_store %arg7[%swap3A_53], %add3A_52 {strides = array<i32>} : memref<1024xi32, #tpu.memory_space<vmem>>, vector<16xi32>,
    %add3A_55 = arith.constant 128 : i32
    %add3A_56 = arith.addi %mul3A_7, %add3A_55 : i32
    %add3A_57 = vector.broadcast %add3A_56 : i32 to vector<16xi32>
    %add3A_58 = arith.addi %add3A_57, %iota3A : vector<16xi32>
    %swap3A_59 = arith.constant 128 : index
    %swap3A_60 = tpu.vector_load %arg7[%swap3A_59] {strides = array<i32>} : memref<1024xi32, #tpu.memory_space<vmem>>, vector<16xi32>,
    tpu.vector_store %arg7[%swap3A_59], %add3A_58 {strides = array<i32>} : memref<1024xi32, #tpu.memory_space<vmem>>, vector<16xi32>,
    %add3A_61 = arith.constant 144 : i32
    %add3A_62 = arith.addi %mul3A_7, %add3A_61 : i32
    %add3A_63 = vector.broadcast %add3A_62 : i32 to vector<16xi32>
    %add3A_64 = arith.addi %add3A_63, %iota3A : vector<16xi32>
    %swap3A_65 = arith.constant 144 : index
    %swap3A_66 = tpu.vector_load %arg7[%swap3A_65] {strides = array<i32>} : memref<1024xi32, #tpu.memory_space<vmem>>, vector<16xi32>,
    tpu.vector_store %arg7[%swap3A_65], %add3A_64 {strides = array<i32>} : memref<1024xi32, #tpu.memory_space<vmem>>, vector<16xi32>,
    %add3A_67 = arith.constant 160 : i32
    %add3A_68 = arith.addi %mul3A_7, %add3A_67 : i32
    %add3A_69 = vector.broadcast %add3A_68 : i32 to vector<16xi32>
    %add3A_70 = arith.addi %add3A_69, %iota3A : vector<16xi32>
    %swap3A_71 = arith.constant 160 : index
    %swap3A_72 = tpu.vector_load %arg7[%swap3A_71] {strides = array<i32>} : memref<1024xi32, #tpu.memory_space<vmem>>, vector<16xi32>,
    tpu.vector_store %arg7[%swap3A_71], %add3A_70 {strides = array<i32>} : memref<1024xi32, #tpu.memory_space<vmem>>, vector<16xi32>,
    %add3A_73 = arith.constant 176 : i32
    %add3A_74 = arith.addi %mul3A_7, %add3A_73 : i32
    %add3A_75 = vector.broadcast %add3A_74 : i32 to vector<16xi32>
    %add3A_76 = arith.addi %add3A_75, %iota3A : vector<16xi32>
    %swap3A_77 = arith.constant 176 : index
    %swap3A_78 = tpu.vector_load %arg7[%swap3A_77] {strides = array<i32>} : memref<1024xi32, #tpu.memory_space<vmem>>, vector<16xi32>,
    tpu.vector_store %arg7[%swap3A_77], %add3A_76 {strides = array<i32>} : memref<1024xi32, #tpu.memory_space<vmem>>, vector<16xi32>,
    %add3A_79 = arith.constant 192 : i32
    %add3A_80 = arith.addi %mul3A_7, %add3A_79 : i32
    %add3A_81 = vector.broadcast %add3A_80 : i32 to vector<16xi32>
    %add3A_82 = arith.addi %add3A_81, %iota3A : vector<16xi32>
    %swap3A_83 = arith.constant 192 : index
    %swap3A_84 = tpu.vector_load %arg7[%swap3A_83] {strides = array<i32>} : memref<1024xi32, #tpu.memory_space<vmem>>, vector<16xi32>,
    tpu.vector_store %arg7[%swap3A_83], %add3A_82 {strides = array<i32>} : memref<1024xi32, #tpu.memory_space<vmem>>, vector<16xi32>,
    %add3A_85 = arith.constant 208 : i32
    %add3A_86 = arith.addi %mul3A_7, %add3A_85 : i32
    %add3A_87 = vector.broadcast %add3A_86 : i32 to vector<16xi32>
    %add3A_88 = arith.addi %add3A_87, %iota3A : vector<16xi32>
    %swap3A_89 = arith.constant 208 : index
    %swap3A_90 = tpu.vector_load %arg7[%swap3A_89] {strides = array<i32>} : memref<1024xi32, #tpu.memory_space<vmem>>, vector<16xi32>,
    tpu.vector_store %arg7[%swap3A_89], %add3A_88 {strides = array<i32>} : memref<1024xi32, #tpu.memory_space<vmem>>, vector<16xi32>,
    %add3A_91 = arith.constant 224 : i32
    %add3A_92 = arith.addi %mul3A_7, %add3A_91 : i32
    %add3A_93 = vector.broadcast %add3A_92 : i32 to vector<16xi32>
    %add3A_94 = arith.addi %add3A_93, %iota3A : vector<16xi32>
    %swap3A_95 = arith.constant 224 : index
    %swap3A_96 = tpu.vector_load %arg7[%swap3A_95] {strides = array<i32>} : memref<1024xi32, #tpu.memory_space<vmem>>, vector<16xi32>,
    tpu.vector_store %arg7[%swap3A_95], %add3A_94 {strides = array<i32>} : memref<1024xi32, #tpu.memory_space<vmem>>, vector<16xi32>,
    %add3A_97 = arith.constant 240 : i32
    %add3A_98 = arith.addi %mul3A_7, %add3A_97 : i32
    %add3A_99 = vector.broadcast %add3A_98 : i32 to vector<16xi32>
    %add3A_100 = arith.addi %add3A_99, %iota3A : vector<16xi32>
    %swap3A_101 = arith.constant 240 : index
    %swap3A_102 = tpu.vector_load %arg7[%swap3A_101] {strides = array<i32>} : memref<1024xi32, #tpu.memory_space<vmem>>, vector<16xi32>,
    tpu.vector_store %arg7[%swap3A_101], %add3A_100 {strides = array<i32>} : memref<1024xi32, #tpu.memory_space<vmem>>, vector<16xi32>,
    %add3A_103 = arith.constant 256 : i32
    %add3A_104 = arith.addi %mul3A_7, %add3A_103 : i32
    %add3A_105 = vector.broadcast %add3A_104 : i32 to vector<16xi32>
    %add3A_106 = arith.addi %add3A_105, %iota3A : vector<16xi32>
    %swap3A_107 = arith.constant 256 : index
    %swap3A_108 = tpu.vector_load %arg7[%swap3A_107] {strides = array<i32>} : memref<1024xi32, #tpu.memory_space<vmem>>, vector<16xi32>,
    tpu.vector_store %arg7[%swap3A_107], %add3A_106 {strides = array<i32>} : memref<1024xi32, #tpu.memory_space<vmem>>, vector<16xi32>,
    %add3A_109 = arith.constant 272 : i32
    %add3A_110 = arith.addi %mul3A_7, %add3A_109 : i32
    %add3A_111 = vector.broadcast %add3A_110 : i32 to vector<16xi32>
    %add3A_112 = arith.addi %add3A_111, %iota3A : vector<16xi32>
    %swap3A_113 = arith.constant 272 : index
    %swap3A_114 = tpu.vector_load %arg7[%swap3A_113] {strides = array<i32>} : memref<1024xi32, #tpu.memory_space<vmem>>, vector<16xi32>,
    tpu.vector_store %arg7[%swap3A_113], %add3A_112 {strides = array<i32>} : memref<1024xi32, #tpu.memory_space<vmem>>, vector<16xi32>,
    %add3A_115 = arith.constant 288 : i32
    %add3A_116 = arith.addi %mul3A_7, %add3A_115 : i32
    %add3A_117 = vector.broadcast %add3A_116 : i32 to vector<16xi32>
    %add3A_118 = arith.addi %add3A_117, %iota3A : vector<16xi32>
    %swap3A_119 = arith.constant 288 : index
    %swap3A_120 = tpu.vector_load %arg7[%swap3A_119] {strides = array<i32>} : memref<1024xi32, #tpu.memory_space<vmem>>, vector<16xi32>,
    tpu.vector_store %arg7[%swap3A_119], %add3A_118 {strides = array<i32>} : memref<1024xi32, #tpu.memory_space<vmem>>, vector<16xi32>,
    %add3A_121 = arith.constant 304 : i32
    %add3A_122 = arith.addi %mul3A_7, %add3A_121 : i32
    %add3A_123 = vector.broadcast %add3A_122 : i32 to vector<16xi32>
    %add3A_124 = arith.addi %add3A_123, %iota3A : vector<16xi32>
    %swap3A_125 = arith.constant 304 : index
    %swap3A_126 = tpu.vector_load %arg7[%swap3A_125] {strides = array<i32>} : memref<1024xi32, #tpu.memory_space<vmem>>, vector<16xi32>,
    tpu.vector_store %arg7[%swap3A_125], %add3A_124 {strides = array<i32>} : memref<1024xi32, #tpu.memory_space<vmem>>, vector<16xi32>,
    %add3A_127 = arith.constant 320 : i32
    %add3A_128 = arith.addi %mul3A_7, %add3A_127 : i32
    %add3A_129 = vector.broadcast %add3A_128 : i32 to vector<16xi32>
    %add3A_130 = arith.addi %add3A_129, %iota3A : vector<16xi32>
    %swap3A_131 = arith.constant 320 : index
    %swap3A_132 = tpu.vector_load %arg7[%swap3A_131] {strides = array<i32>} : memref<1024xi32, #tpu.memory_space<vmem>>, vector<16xi32>,
    tpu.vector_store %arg7[%swap3A_131], %add3A_130 {strides = array<i32>} : memref<1024xi32, #tpu.memory_space<vmem>>, vector<16xi32>,
    %add3A_133 = arith.constant 336 : i32
    %add3A_134 = arith.addi %mul3A_7, %add3A_133 : i32
    %add3A_135 = vector.broadcast %add3A_134 : i32 to vector<16xi32>
    %add3A_136 = arith.addi %add3A_135, %iota3A : vector<16xi32>
    %swap3A_137 = arith.constant 336 : index
    %swap3A_138 = tpu.vector_load %arg7[%swap3A_137] {strides = array<i32>} : memref<1024xi32, #tpu.memory_space<vmem>>, vector<16xi32>,
    tpu.vector_store %arg7[%swap3A_137], %add3A_136 {strides = array<i32>} : memref<1024xi32, #tpu.memory_space<vmem>>, vector<16xi32>,
    %add3A_139 = arith.constant 352 : i32
    %add3A_140 = arith.addi %mul3A_7, %add3A_139 : i32
    %add3A_141 = vector.broadcast %add3A_140 : i32 to vector<16xi32>
    %add3A_142 = arith.addi %add3A_141, %iota3A : vector<16xi32>
    %swap3A_143 = arith.constant 352 : index
    %swap3A_144 = tpu.vector_load %arg7[%swap3A_143] {strides = array<i32>} : memref<1024xi32, #tpu.memory_space<vmem>>, vector<16xi32>,
    tpu.vector_store %arg7[%swap3A_143], %add3A_142 {strides = array<i32>} : memref<1024xi32, #tpu.memory_space<vmem>>, vector<16xi32>,
    %add3A_145 = arith.constant 368 : i32
    %add3A_146 = arith.addi %mul3A_7, %add3A_145 : i32
    %add3A_147 = vector.broadcast %add3A_146 : i32 to vector<16xi32>
    %add3A_148 = arith.addi %add3A_147, %iota3A : vector<16xi32>
    %swap3A_149 = arith.constant 368 : index
    %swap3A_150 = tpu.vector_load %arg7[%swap3A_149] {strides = array<i32>} : memref<1024xi32, #tpu.memory_space<vmem>>, vector<16xi32>,
    tpu.vector_store %arg7[%swap3A_149], %add3A_148 {strides = array<i32>} : memref<1024xi32, #tpu.memory_space<vmem>>, vector<16xi32>,
    %add3A_151 = arith.constant 384 : i32
    %add3A_152 = arith.addi %mul3A_7, %add3A_151 : i32
    %add3A_153 = vector.broadcast %add3A_152 : i32 to vector<16xi32>
    %add3A_154 = arith.addi %add3A_153, %iota3A : vector<16xi32>
    %swap3A_155 = arith.constant 384 : index
    %swap3A_156 = tpu.vector_load %arg7[%swap3A_155] {strides = array<i32>} : memref<1024xi32, #tpu.memory_space<vmem>>, vector<16xi32>,
    tpu.vector_store %arg7[%swap3A_155], %add3A_154 {strides = array<i32>} : memref<1024xi32, #tpu.memory_space<vmem>>, vector<16xi32>,
    %add3A_157 = arith.constant 400 : i32
    %add3A_158 = arith.addi %mul3A_7, %add3A_157 : i32
    %add3A_159 = vector.broadcast %add3A_158 : i32 to vector<16xi32>
    %add3A_160 = arith.addi %add3A_159, %iota3A : vector<16xi32>
    %swap3A_161 = arith.constant 400 : index
    %swap3A_162 = tpu.vector_load %arg7[%swap3A_161] {strides = array<i32>} : memref<1024xi32, #tpu.memory_space<vmem>>, vector<16xi32>,
    tpu.vector_store %arg7[%swap3A_161], %add3A_160 {strides = array<i32>} : memref<1024xi32, #tpu.memory_space<vmem>>, vector<16xi32>,
    %add3A_163 = arith.constant 416 : i32
    %add3A_164 = arith.addi %mul3A_7, %add3A_163 : i32
    %add3A_165 = vector.broadcast %add3A_164 : i32 to vector<16xi32>
    %add3A_166 = arith.addi %add3A_165, %iota3A : vector<16xi32>
    %swap3A_167 = arith.constant 416 : index
    %swap3A_168 = tpu.vector_load %arg7[%swap3A_167] {strides = array<i32>} : memref<1024xi32, #tpu.memory_space<vmem>>, vector<16xi32>,
    tpu.vector_store %arg7[%swap3A_167], %add3A_166 {strides = array<i32>} : memref<1024xi32, #tpu.memory_space<vmem>>, vector<16xi32>,
    %add3A_169 = arith.constant 432 : i32
    %add3A_170 = arith.addi %mul3A_7, %add3A_169 : i32
    %add3A_171 = vector.broadcast %add3A_170 : i32 to vector<16xi32>
    %add3A_172 = arith.addi %add3A_171, %iota3A : vector<16xi32>
    %swap3A_173 = arith.constant 432 : index
    %swap3A_174 = tpu.vector_load %arg7[%swap3A_173] {strides = array<i32>} : memref<1024xi32, #tpu.memory_space<vmem>>, vector<16xi32>,
    tpu.vector_store %arg7[%swap3A_173], %add3A_172 {strides = array<i32>} : memref<1024xi32, #tpu.memory_space<vmem>>, vector<16xi32>,
    %add3A_175 = arith.constant 448 : i32
    %add3A_176 = arith.addi %mul3A_7, %add3A_175 : i32
    %add3A_177 = vector.broadcast %add3A_176 : i32 to vector<16xi32>
    %add3A_178 = arith.addi %add3A_177, %iota3A : vector<16xi32>
    %swap3A_179 = arith.constant 448 : index
    %swap3A_180 = tpu.vector_load %arg7[%swap3A_179] {strides = array<i32>} : memref<1024xi32, #tpu.memory_space<vmem>>, vector<16xi32>,
    tpu.vector_store %arg7[%swap3A_179], %add3A_178 {strides = array<i32>} : memref<1024xi32, #tpu.memory_space<vmem>>, vector<16xi32>,
    %add3A_181 = arith.constant 464 : i32
    %add3A_182 = arith.addi %mul3A_7, %add3A_181 : i32
    %add3A_183 = vector.broadcast %add3A_182 : i32 to vector<16xi32>
    %add3A_184 = arith.addi %add3A_183, %iota3A : vector<16xi32>
    %swap3A_185 = arith.constant 464 : index
    %swap3A_186 = tpu.vector_load %arg7[%swap3A_185] {strides = array<i32>} : memref<1024xi32, #tpu.memory_space<vmem>>, vector<16xi32>,
    tpu.vector_store %arg7[%swap3A_185], %add3A_184 {strides = array<i32>} : memref<1024xi32, #tpu.memory_space<vmem>>, vector<16xi32>,
    %add3A_187 = arith.constant 480 : i32
    %add3A_188 = arith.addi %mul3A_7, %add3A_187 : i32
    %add3A_189 = vector.broadcast %add3A_188 : i32 to vector<16xi32>
    %add3A_190 = arith.addi %add3A_189, %iota3A : vector<16xi32>
    %swap3A_191 = arith.constant 480 : index
    %swap3A_192 = tpu.vector_load %arg7[%swap3A_191] {strides = array<i32>} : memref<1024xi32, #tpu.memory_space<vmem>>, vector<16xi32>,
    tpu.vector_store %arg7[%swap3A_191], %add3A_190 {strides = array<i32>} : memref<1024xi32, #tpu.memory_space<vmem>>, vector<16xi32>,
    %add3A_193 = arith.constant 496 : i32
    %add3A_194 = arith.addi %mul3A_7, %add3A_193 : i32
    %add3A_195 = vector.broadcast %add3A_194 : i32 to vector<16xi32>
    %add3A_196 = arith.addi %add3A_195, %iota3A : vector<16xi32>
    %swap3A_197 = arith.constant 496 : index
    %swap3A_198 = tpu.vector_load %arg7[%swap3A_197] {strides = array<i32>} : memref<1024xi32, #tpu.memory_space<vmem>>, vector<16xi32>,
    tpu.vector_store %arg7[%swap3A_197], %add3A_196 {strides = array<i32>} : memref<1024xi32, #tpu.memory_space<vmem>>, vector<16xi32>,
    %add3A_199 = arith.constant 512 : i32
    %add3A_200 = arith.addi %mul3A_7, %add3A_199 : i32
    %add3A_201 = vector.broadcast %add3A_200 : i32 to vector<16xi32>
    %add3A_202 = arith.addi %add3A_201, %iota3A : vector<16xi32>
    %swap3A_203 = arith.constant 512 : index
    %swap3A_204 = tpu.vector_load %arg7[%swap3A_203] {strides = array<i32>} : memref<1024xi32, #tpu.memory_space<vmem>>, vector<16xi32>,
    tpu.vector_store %arg7[%swap3A_203], %add3A_202 {strides = array<i32>} : memref<1024xi32, #tpu.memory_space<vmem>>, vector<16xi32>,
    %add3A_205 = arith.constant 528 : i32
    %add3A_206 = arith.addi %mul3A_7, %add3A_205 : i32
    %add3A_207 = vector.broadcast %add3A_206 : i32 to vector<16xi32>
    %add3A_208 = arith.addi %add3A_207, %iota3A : vector<16xi32>
    %swap3A_209 = arith.constant 528 : index
    %swap3A_210 = tpu.vector_load %arg7[%swap3A_209] {strides = array<i32>} : memref<1024xi32, #tpu.memory_space<vmem>>, vector<16xi32>,
    tpu.vector_store %arg7[%swap3A_209], %add3A_208 {strides = array<i32>} : memref<1024xi32, #tpu.memory_space<vmem>>, vector<16xi32>,
    %add3A_211 = arith.constant 544 : i32
    %add3A_212 = arith.addi %mul3A_7, %add3A_211 : i32
    %add3A_213 = vector.broadcast %add3A_212 : i32 to vector<16xi32>
    %add3A_214 = arith.addi %add3A_213, %iota3A : vector<16xi32>
    %swap3A_215 = arith.constant 544 : index
    %swap3A_216 = tpu.vector_load %arg7[%swap3A_215] {strides = array<i32>} : memref<1024xi32, #tpu.memory_space<vmem>>, vector<16xi32>,
    tpu.vector_store %arg7[%swap3A_215], %add3A_214 {strides = array<i32>} : memref<1024xi32, #tpu.memory_space<vmem>>, vector<16xi32>,
    %add3A_217 = arith.constant 560 : i32
    %add3A_218 = arith.addi %mul3A_7, %add3A_217 : i32
    %add3A_219 = vector.broadcast %add3A_218 : i32 to vector<16xi32>
    %add3A_220 = arith.addi %add3A_219, %iota3A : vector<16xi32>
    %swap3A_221 = arith.constant 560 : index
    %swap3A_222 = tpu.vector_load %arg7[%swap3A_221] {strides = array<i32>} : memref<1024xi32, #tpu.memory_space<vmem>>, vector<16xi32>,
    tpu.vector_store %arg7[%swap3A_221], %add3A_220 {strides = array<i32>} : memref<1024xi32, #tpu.memory_space<vmem>>, vector<16xi32>,
    %add3A_223 = arith.constant 576 : i32
    %add3A_224 = arith.addi %mul3A_7, %add3A_223 : i32
    %add3A_225 = vector.broadcast %add3A_224 : i32 to vector<16xi32>
    %add3A_226 = arith.addi %add3A_225, %iota3A : vector<16xi32>
    %swap3A_227 = arith.constant 576 : index
    %swap3A_228 = tpu.vector_load %arg7[%swap3A_227] {strides = array<i32>} : memref<1024xi32, #tpu.memory_space<vmem>>, vector<16xi32>,
    tpu.vector_store %arg7[%swap3A_227], %add3A_226 {strides = array<i32>} : memref<1024xi32, #tpu.memory_space<vmem>>, vector<16xi32>,
    %add3A_229 = arith.constant 592 : i32
    %add3A_230 = arith.addi %mul3A_7, %add3A_229 : i32
    %add3A_231 = vector.broadcast %add3A_230 : i32 to vector<16xi32>
    %add3A_232 = arith.addi %add3A_231, %iota3A : vector<16xi32>
    %swap3A_233 = arith.constant 592 : index
    %swap3A_234 = tpu.vector_load %arg7[%swap3A_233] {strides = array<i32>} : memref<1024xi32, #tpu.memory_space<vmem>>, vector<16xi32>,
    tpu.vector_store %arg7[%swap3A_233], %add3A_232 {strides = array<i32>} : memref<1024xi32, #tpu.memory_space<vmem>>, vector<16xi32>,
    %add3A_235 = arith.constant 608 : i32
    %add3A_236 = arith.addi %mul3A_7, %add3A_235 : i32
    %add3A_237 = vector.broadcast %add3A_236 : i32 to vector<16xi32>
    %add3A_238 = arith.addi %add3A_237, %iota3A : vector<16xi32>
    %swap3A_239 = arith.constant 608 : index
    %swap3A_240 = tpu.vector_load %arg7[%swap3A_239] {strides = array<i32>} : memref<1024xi32, #tpu.memory_space<vmem>>, vector<16xi32>,
    tpu.vector_store %arg7[%swap3A_239], %add3A_238 {strides = array<i32>} : memref<1024xi32, #tpu.memory_space<vmem>>, vector<16xi32>,
    %add3A_241 = arith.constant 624 : i32
    %add3A_242 = arith.addi %mul3A_7, %add3A_241 : i32
    %add3A_243 = vector.broadcast %add3A_242 : i32 to vector<16xi32>
    %add3A_244 = arith.addi %add3A_243, %iota3A : vector<16xi32>
    %swap3A_245 = arith.constant 624 : index
    %swap3A_246 = tpu.vector_load %arg7[%swap3A_245] {strides = array<i32>} : memref<1024xi32, #tpu.memory_space<vmem>>, vector<16xi32>,
    tpu.vector_store %arg7[%swap3A_245], %add3A_244 {strides = array<i32>} : memref<1024xi32, #tpu.memory_space<vmem>>, vector<16xi32>,
    %add3A_247 = arith.constant 640 : i32
    %add3A_248 = arith.addi %mul3A_7, %add3A_247 : i32
    %add3A_249 = vector.broadcast %add3A_248 : i32 to vector<16xi32>
    %add3A_250 = arith.addi %add3A_249, %iota3A : vector<16xi32>
    %swap3A_251 = arith.constant 640 : index
    %swap3A_252 = tpu.vector_load %arg7[%swap3A_251] {strides = array<i32>} : memref<1024xi32, #tpu.memory_space<vmem>>, vector<16xi32>,
    tpu.vector_store %arg7[%swap3A_251], %add3A_250 {strides = array<i32>} : memref<1024xi32, #tpu.memory_space<vmem>>, vector<16xi32>,
    %add3A_253 = arith.constant 656 : i32
    %add3A_254 = arith.addi %mul3A_7, %add3A_253 : i32
    %add3A_255 = vector.broadcast %add3A_254 : i32 to vector<16xi32>
    %add3A_256 = arith.addi %add3A_255, %iota3A : vector<16xi32>
    %swap3A_257 = arith.constant 656 : index
    %swap3A_258 = tpu.vector_load %arg7[%swap3A_257] {strides = array<i32>} : memref<1024xi32, #tpu.memory_space<vmem>>, vector<16xi32>,
    tpu.vector_store %arg7[%swap3A_257], %add3A_256 {strides = array<i32>} : memref<1024xi32, #tpu.memory_space<vmem>>, vector<16xi32>,
    %add3A_259 = arith.constant 672 : i32
    %add3A_260 = arith.addi %mul3A_7, %add3A_259 : i32
    %add3A_261 = vector.broadcast %add3A_260 : i32 to vector<16xi32>
    %add3A_262 = arith.addi %add3A_261, %iota3A : vector<16xi32>
    %swap3A_263 = arith.constant 672 : index
    %swap3A_264 = tpu.vector_load %arg7[%swap3A_263] {strides = array<i32>} : memref<1024xi32, #tpu.memory_space<vmem>>, vector<16xi32>,
    tpu.vector_store %arg7[%swap3A_263], %add3A_262 {strides = array<i32>} : memref<1024xi32, #tpu.memory_space<vmem>>, vector<16xi32>,
    %add3A_265 = arith.constant 688 : i32
    %add3A_266 = arith.addi %mul3A_7, %add3A_265 : i32
    %add3A_267 = vector.broadcast %add3A_266 : i32 to vector<16xi32>
    %add3A_268 = arith.addi %add3A_267, %iota3A : vector<16xi32>
    %swap3A_269 = arith.constant 688 : index
    %swap3A_270 = tpu.vector_load %arg7[%swap3A_269] {strides = array<i32>} : memref<1024xi32, #tpu.memory_space<vmem>>, vector<16xi32>,
    tpu.vector_store %arg7[%swap3A_269], %add3A_268 {strides = array<i32>} : memref<1024xi32, #tpu.memory_space<vmem>>, vector<16xi32>,
    %add3A_271 = arith.constant 704 : i32
    %add3A_272 = arith.addi %mul3A_7, %add3A_271 : i32
    %add3A_273 = vector.broadcast %add3A_272 : i32 to vector<16xi32>
    %add3A_274 = arith.addi %add3A_273, %iota3A : vector<16xi32>
    %swap3A_275 = arith.constant 704 : index
    %swap3A_276 = tpu.vector_load %arg7[%swap3A_275] {strides = array<i32>} : memref<1024xi32, #tpu.memory_space<vmem>>, vector<16xi32>,
    tpu.vector_store %arg7[%swap3A_275], %add3A_274 {strides = array<i32>} : memref<1024xi32, #tpu.memory_space<vmem>>, vector<16xi32>,
    %add3A_277 = arith.constant 720 : i32
    %add3A_278 = arith.addi %mul3A_7, %add3A_277 : i32
    %add3A_279 = vector.broadcast %add3A_278 : i32 to vector<16xi32>
    %add3A_280 = arith.addi %add3A_279, %iota3A : vector<16xi32>
    %swap3A_281 = arith.constant 720 : index
    %swap3A_282 = tpu.vector_load %arg7[%swap3A_281] {strides = array<i32>} : memref<1024xi32, #tpu.memory_space<vmem>>, vector<16xi32>,
    tpu.vector_store %arg7[%swap3A_281], %add3A_280 {strides = array<i32>} : memref<1024xi32, #tpu.memory_space<vmem>>, vector<16xi32>,
    %add3A_283 = arith.constant 736 : i32
    %add3A_284 = arith.addi %mul3A_7, %add3A_283 : i32
    %add3A_285 = vector.broadcast %add3A_284 : i32 to vector<16xi32>
    %add3A_286 = arith.addi %add3A_285, %iota3A : vector<16xi32>
    %swap3A_287 = arith.constant 736 : index
    %swap3A_288 = tpu.vector_load %arg7[%swap3A_287] {strides = array<i32>} : memref<1024xi32, #tpu.memory_space<vmem>>, vector<16xi32>,
    tpu.vector_store %arg7[%swap3A_287], %add3A_286 {strides = array<i32>} : memref<1024xi32, #tpu.memory_space<vmem>>, vector<16xi32>,
    %add3A_289 = arith.constant 752 : i32
    %add3A_290 = arith.addi %mul3A_7, %add3A_289 : i32
    %add3A_291 = vector.broadcast %add3A_290 : i32 to vector<16xi32>
    %add3A_292 = arith.addi %add3A_291, %iota3A : vector<16xi32>
    %swap3A_293 = arith.constant 752 : index
    %swap3A_294 = tpu.vector_load %arg7[%swap3A_293] {strides = array<i32>} : memref<1024xi32, #tpu.memory_space<vmem>>, vector<16xi32>,
    tpu.vector_store %arg7[%swap3A_293], %add3A_292 {strides = array<i32>} : memref<1024xi32, #tpu.memory_space<vmem>>, vector<16xi32>,
    %add3A_295 = arith.constant 768 : i32
    %add3A_296 = arith.addi %mul3A_7, %add3A_295 : i32
    %add3A_297 = vector.broadcast %add3A_296 : i32 to vector<16xi32>
    %add3A_298 = arith.addi %add3A_297, %iota3A : vector<16xi32>
    %swap3A_299 = arith.constant 768 : index
    %swap3A_300 = tpu.vector_load %arg7[%swap3A_299] {strides = array<i32>} : memref<1024xi32, #tpu.memory_space<vmem>>, vector<16xi32>,
    tpu.vector_store %arg7[%swap3A_299], %add3A_298 {strides = array<i32>} : memref<1024xi32, #tpu.memory_space<vmem>>, vector<16xi32>,
    %add3A_301 = arith.constant 784 : i32
    %add3A_302 = arith.addi %mul3A_7, %add3A_301 : i32
    %add3A_303 = vector.broadcast %add3A_302 : i32 to vector<16xi32>
    %add3A_304 = arith.addi %add3A_303, %iota3A : vector<16xi32>
    %swap3A_305 = arith.constant 784 : index
    %swap3A_306 = tpu.vector_load %arg7[%swap3A_305] {strides = array<i32>} : memref<1024xi32, #tpu.memory_space<vmem>>, vector<16xi32>,
    tpu.vector_store %arg7[%swap3A_305], %add3A_304 {strides = array<i32>} : memref<1024xi32, #tpu.memory_space<vmem>>, vector<16xi32>,
    %add3A_307 = arith.constant 800 : i32
    %add3A_308 = arith.addi %mul3A_7, %add3A_307 : i32
    %add3A_309 = vector.broadcast %add3A_308 : i32 to vector<16xi32>
    %add3A_310 = arith.addi %add3A_309, %iota3A : vector<16xi32>
    %swap3A_311 = arith.constant 800 : index
    %swap3A_312 = tpu.vector_load %arg7[%swap3A_311] {strides = array<i32>} : memref<1024xi32, #tpu.memory_space<vmem>>, vector<16xi32>,
    tpu.vector_store %arg7[%swap3A_311], %add3A_310 {strides = array<i32>} : memref<1024xi32, #tpu.memory_space<vmem>>, vector<16xi32>,
    %add3A_313 = arith.constant 816 : i32
    %add3A_314 = arith.addi %mul3A_7, %add3A_313 : i32
    %add3A_315 = vector.broadcast %add3A_314 : i32 to vector<16xi32>
    %add3A_316 = arith.addi %add3A_315, %iota3A : vector<16xi32>
    %swap3A_317 = arith.constant 816 : index
    %swap3A_318 = tpu.vector_load %arg7[%swap3A_317] {strides = array<i32>} : memref<1024xi32, #tpu.memory_space<vmem>>, vector<16xi32>,
    tpu.vector_store %arg7[%swap3A_317], %add3A_316 {strides = array<i32>} : memref<1024xi32, #tpu.memory_space<vmem>>, vector<16xi32>,
    %add3A_319 = arith.constant 832 : i32
    %add3A_320 = arith.addi %mul3A_7, %add3A_319 : i32
    %add3A_321 = vector.broadcast %add3A_320 : i32 to vector<16xi32>
    %add3A_322 = arith.addi %add3A_321, %iota3A : vector<16xi32>
    %swap3A_323 = arith.constant 832 : index
    %swap3A_324 = tpu.vector_load %arg7[%swap3A_323] {strides = array<i32>} : memref<1024xi32, #tpu.memory_space<vmem>>, vector<16xi32>,
    tpu.vector_store %arg7[%swap3A_323], %add3A_322 {strides = array<i32>} : memref<1024xi32, #tpu.memory_space<vmem>>, vector<16xi32>,
    %add3A_325 = arith.constant 848 : i32
    %add3A_326 = arith.addi %mul3A_7, %add3A_325 : i32
    %add3A_327 = vector.broadcast %add3A_326 : i32 to vector<16xi32>
    %add3A_328 = arith.addi %add3A_327, %iota3A : vector<16xi32>
    %swap3A_329 = arith.constant 848 : index
    %swap3A_330 = tpu.vector_load %arg7[%swap3A_329] {strides = array<i32>} : memref<1024xi32, #tpu.memory_space<vmem>>, vector<16xi32>,
    tpu.vector_store %arg7[%swap3A_329], %add3A_328 {strides = array<i32>} : memref<1024xi32, #tpu.memory_space<vmem>>, vector<16xi32>,
    %add3A_331 = arith.constant 864 : i32
    %add3A_332 = arith.addi %mul3A_7, %add3A_331 : i32
    %add3A_333 = vector.broadcast %add3A_332 : i32 to vector<16xi32>
    %add3A_334 = arith.addi %add3A_333, %iota3A : vector<16xi32>
    %swap3A_335 = arith.constant 864 : index
    %swap3A_336 = tpu.vector_load %arg7[%swap3A_335] {strides = array<i32>} : memref<1024xi32, #tpu.memory_space<vmem>>, vector<16xi32>,
    tpu.vector_store %arg7[%swap3A_335], %add3A_334 {strides = array<i32>} : memref<1024xi32, #tpu.memory_space<vmem>>, vector<16xi32>,
    %add3A_337 = arith.constant 880 : i32
    %add3A_338 = arith.addi %mul3A_7, %add3A_337 : i32
    %add3A_339 = vector.broadcast %add3A_338 : i32 to vector<16xi32>
    %add3A_340 = arith.addi %add3A_339, %iota3A : vector<16xi32>
    %swap3A_341 = arith.constant 880 : index
    %swap3A_342 = tpu.vector_load %arg7[%swap3A_341] {strides = array<i32>} : memref<1024xi32, #tpu.memory_space<vmem>>, vector<16xi32>,
    tpu.vector_store %arg7[%swap3A_341], %add3A_340 {strides = array<i32>} : memref<1024xi32, #tpu.memory_space<vmem>>, vector<16xi32>,
    %add3A_343 = arith.constant 896 : i32
    %add3A_344 = arith.addi %mul3A_7, %add3A_343 : i32
    %add3A_345 = vector.broadcast %add3A_344 : i32 to vector<16xi32>
    %add3A_346 = arith.addi %add3A_345, %iota3A : vector<16xi32>
    %swap3A_347 = arith.constant 896 : index
    %swap3A_348 = tpu.vector_load %arg7[%swap3A_347] {strides = array<i32>} : memref<1024xi32, #tpu.memory_space<vmem>>, vector<16xi32>,
    tpu.vector_store %arg7[%swap3A_347], %add3A_346 {strides = array<i32>} : memref<1024xi32, #tpu.memory_space<vmem>>, vector<16xi32>,
    %add3A_349 = arith.constant 912 : i32
    %add3A_350 = arith.addi %mul3A_7, %add3A_349 : i32
    %add3A_351 = vector.broadcast %add3A_350 : i32 to vector<16xi32>
    %add3A_352 = arith.addi %add3A_351, %iota3A : vector<16xi32>
    %swap3A_353 = arith.constant 912 : index
    %swap3A_354 = tpu.vector_load %arg7[%swap3A_353] {strides = array<i32>} : memref<1024xi32, #tpu.memory_space<vmem>>, vector<16xi32>,
    tpu.vector_store %arg7[%swap3A_353], %add3A_352 {strides = array<i32>} : memref<1024xi32, #tpu.memory_space<vmem>>, vector<16xi32>,
    %add3A_355 = arith.constant 928 : i32
    %add3A_356 = arith.addi %mul3A_7, %add3A_355 : i32
    %add3A_357 = vector.broadcast %add3A_356 : i32 to vector<16xi32>
    %add3A_358 = arith.addi %add3A_357, %iota3A : vector<16xi32>
    %swap3A_359 = arith.constant 928 : index
    %swap3A_360 = tpu.vector_load %arg7[%swap3A_359] {strides = array<i32>} : memref<1024xi32, #tpu.memory_space<vmem>>, vector<16xi32>,
    tpu.vector_store %arg7[%swap3A_359], %add3A_358 {strides = array<i32>} : memref<1024xi32, #tpu.memory_space<vmem>>, vector<16xi32>,
    %add3A_361 = arith.constant 944 : i32
    %add3A_362 = arith.addi %mul3A_7, %add3A_361 : i32
    %add3A_363 = vector.broadcast %add3A_362 : i32 to vector<16xi32>
    %add3A_364 = arith.addi %add3A_363, %iota3A : vector<16xi32>
    %swap3A_365 = arith.constant 944 : index
    %swap3A_366 = tpu.vector_load %arg7[%swap3A_365] {strides = array<i32>} : memref<1024xi32, #tpu.memory_space<vmem>>, vector<16xi32>,
    tpu.vector_store %arg7[%swap3A_365], %add3A_364 {strides = array<i32>} : memref<1024xi32, #tpu.memory_space<vmem>>, vector<16xi32>,
    %add3A_367 = arith.constant 960 : i32
    %add3A_368 = arith.addi %mul3A_7, %add3A_367 : i32
    %add3A_369 = vector.broadcast %add3A_368 : i32 to vector<16xi32>
    %add3A_370 = arith.addi %add3A_369, %iota3A : vector<16xi32>
    %swap3A_371 = arith.constant 960 : index
    %swap3A_372 = tpu.vector_load %arg7[%swap3A_371] {strides = array<i32>} : memref<1024xi32, #tpu.memory_space<vmem>>, vector<16xi32>,
    tpu.vector_store %arg7[%swap3A_371], %add3A_370 {strides = array<i32>} : memref<1024xi32, #tpu.memory_space<vmem>>, vector<16xi32>,
    %add3A_373 = arith.constant 976 : i32
    %add3A_374 = arith.addi %mul3A_7, %add3A_373 : i32
    %add3A_375 = vector.broadcast %add3A_374 : i32 to vector<16xi32>
    %add3A_376 = arith.addi %add3A_375, %iota3A : vector<16xi32>
    %swap3A_377 = arith.constant 976 : index
    %swap3A_378 = tpu.vector_load %arg7[%swap3A_377] {strides = array<i32>} : memref<1024xi32, #tpu.memory_space<vmem>>, vector<16xi32>,
    tpu.vector_store %arg7[%swap3A_377], %add3A_376 {strides = array<i32>} : memref<1024xi32, #tpu.memory_space<vmem>>, vector<16xi32>,
    %add3A_379 = arith.constant 992 : i32
    %add3A_380 = arith.addi %mul3A_7, %add3A_379 : i32
    %add3A_381 = vector.broadcast %add3A_380 : i32 to vector<16xi32>
    %add3A_382 = arith.addi %add3A_381, %iota3A : vector<16xi32>
    %swap3A_383 = arith.constant 992 : index
    %swap3A_384 = tpu.vector_load %arg7[%swap3A_383] {strides = array<i32>} : memref<1024xi32, #tpu.memory_space<vmem>>, vector<16xi32>,
    tpu.vector_store %arg7[%swap3A_383], %add3A_382 {strides = array<i32>} : memref<1024xi32, #tpu.memory_space<vmem>>, vector<16xi32>,
    %add3A_385 = arith.constant 1008 : i32
    %add3A_386 = arith.addi %mul3A_7, %add3A_385 : i32
    %add3A_387 = vector.broadcast %add3A_386 : i32 to vector<16xi32>
    %add3A_388 = arith.addi %add3A_387, %iota3A : vector<16xi32>
    %swap3A_389 = arith.constant 1008 : index
    %swap3A_390 = tpu.vector_load %arg7[%swap3A_389] {strides = array<i32>} : memref<1024xi32, #tpu.memory_space<vmem>>, vector<16xi32>,
    tpu.vector_store %arg7[%swap3A_389], %add3A_388 {strides = array<i32>} : memref<1024xi32, #tpu.memory_space<vmem>>, vector<16xi32>,
    %dma_wait3A = arith.constant 0 : i32
    %dma_wait3A_391 = tpu.memref_slice %arg2[%mul3A_2, %dma_wait3A] : memref<512x2048xi8, #tpu.memory_space<hbm>> -> memref<16x2048xi8, #tpu.memory_space<hbm>>
    %dma_wait3A_392 = arith.constant 0 : i32
    %dma_wait3A_393 = tpu.memref_slice %arg2[%mul3A_2, %dma_wait3A_392] : memref<512x2048xi8, #tpu.memory_space<hbm>> -> memref<16x2048xi8, #tpu.memory_space<hbm>>
    tpu.wait_dma2 semaphore(%arg10 : memref<!tpu.dma_semaphore, #tpu.memory_space<semaphore_mem>>) src(%dma_wait3A_393 : memref<16x2048xi8, #tpu.memory_space<hbm>>) dst(%arg6 : memref<16x2048xi8, #tpu.memory_space<vmem>>)
    %get3A = arith.constant 0 : index
    %get3A_394 = tpu.vector_load %arg8[%get3A] {strides = array<i32>} : memref<16xi32, #tpu.memory_space<vmem>>, vector<16xi32>,
    %eq3A = arith.constant 0 : i32
    %eq3A_395 = vector.broadcast %eq3A : i32 to vector<16xi32>
    %eq3A_396 = arith.cmpi eq, %iota3A, %eq3A_395 : vector<16xi32>
    %jit3A = arith.constant 0 : i32
    %broadcast_in_dim3A = vector.broadcast %jit3A : i32 to vector<16xi32>
    %select_n3A = arith.select %eq3A_396, %get3A_394, %broadcast_in_dim3A : vector<16xi1>, vector<16xi32>
    %reduce_sum3A = arith.constant true
    %reduce_sum3A_397 = vector.broadcast %reduce_sum3A : i1 to vector<16xi1>
    %reduce_sum3A_398 = tpu.scan <sum>, %select_n3A masked %reduce_sum3A_397 : vector<16xi32>, vector<16xi1> -> vector<16xi32>
    %reduce_sum3A_399 = vector.extract %reduce_sum3A_398[15] : i32 from vector<16xi32>
    %mul3A_400 = arith.constant 2048 : i32
    %mul3A_401 = arith.muli %reduce_sum3A_399, %mul3A_400 : i32
    %while3A = arith.constant 0 : i32
    %while3A_402 = arith.constant 0 : i32
    %while3A_403:2 = scf.while (%while3A_788 = %while3A, %while3A_789 = %while3A_402) : (i32, i32) -> (i32, i32) {
      %lt3A = arith.constant 32 : i32
      %lt3A_790 = arith.cmpi slt, %while3A_788, %lt3A : i32
      %lt3A_791 = arith.constant 64 : i32
      %lt3A_792 = arith.cmpi slt, %while3A_789, %lt3A_791 : i32
      %and3A = arith.andi %lt3A_790, %lt3A_792 : i1
      scf.condition(%and3A) %while3A_788, %while3A_789 : i32, i32
    } do {
    ^bb0(%while3A_788: i32, %while3A_789: i32):
      %mul3A_790 = arith.constant 4 : i32
      %mul3A_791 = arith.muli %while3A_788, %mul3A_790 : i32
      %mul3A_792 = arith.constant 16 : i32
      %mul3A_793 = arith.muli %mul3A_791, %mul3A_792 : i32
      %get3A_794 = arith.constant 0 : i32
      %get3A_795 = arith.index_cast %get3A_794 : i32 to index
      %get3A_796 = arith.index_cast %mul3A_793 : i32 to index
      %get3A_797 = tpu.vector_load %arg6[%get3A_795, %get3A_796] {strides = array<i32>} : memref<16x2048xi8, #tpu.memory_space<vmem>>, vector<64xi8>,
      %bitcast3A = vector.bitcast %get3A_797 : vector<64xi8> to vector<16xi32>
      %and3A = arith.constant 1 : i32
      %and3A_798 = vector.broadcast %and3A : i32 to vector<16xi32>
      %and3A_799 = arith.andi %bitcast3A, %and3A_798 : vector<16xi32>
      %shift_right_arithmetic3A = arith.constant 8 : i32
      %shift_right_arithmetic3A_800 = vector.broadcast %shift_right_arithmetic3A : i32 to vector<16xi32>
      %shift_right_arithmetic3A_801 = arith.shrsi %bitcast3A, %shift_right_arithmetic3A_800 : vector<16xi32>
      %and3A_802 = arith.constant 1 : i32
      %and3A_803 = vector.broadcast %and3A_802 : i32 to vector<16xi32>
      %and3A_804 = arith.andi %shift_right_arithmetic3A_801, %and3A_803 : vector<16xi32>
      %shift_right_arithmetic3A_805 = arith.constant 16 : i32
      %shift_right_arithmetic3A_806 = vector.broadcast %shift_right_arithmetic3A_805 : i32 to vector<16xi32>
      %shift_right_arithmetic3A_807 = arith.shrsi %bitcast3A, %shift_right_arithmetic3A_806 : vector<16xi32>
      %and3A_808 = arith.constant 1 : i32
      %and3A_809 = vector.broadcast %and3A_808 : i32 to vector<16xi32>
      %and3A_810 = arith.andi %shift_right_arithmetic3A_807, %and3A_809 : vector<16xi32>
      %shift_right_arithmetic3A_811 = arith.constant 24 : i32
      %shift_right_arithmetic3A_812 = vector.broadcast %shift_right_arithmetic3A_811 : i32 to vector<16xi32>
      %shift_right_arithmetic3A_813 = arith.shrsi %bitcast3A, %shift_right_arithmetic3A_812 : vector<16xi32>
      %and3A_814 = arith.constant 1 : i32
      %and3A_815 = vector.broadcast %and3A_814 : i32 to vector<16xi32>
      %and3A_816 = arith.andi %shift_right_arithmetic3A_813, %and3A_815 : vector<16xi32>
      %add3A_817 = arith.addi %and3A_799, %and3A_804 : vector<16xi32>
      %add3A_818 = arith.addi %add3A_817, %and3A_810 : vector<16xi32>
      %add3A_819 = arith.addi %add3A_818, %and3A_816 : vector<16xi32>
      %broadcast_in_dim3A_820 = arith.constant true
      %broadcast_in_dim3A_821 = vector.broadcast %broadcast_in_dim3A_820 : i1 to vector<16xi1>
      %masked_cumsum3A = tpu.scan <sum>, %add3A_819 masked %broadcast_in_dim3A_821 : vector<16xi32>, vector<16xi1> -> vector<16xi32>
      %add3A_822 = vector.broadcast %while3A_789 : i32 to vector<16xi32>
      %add3A_823 = arith.addi %masked_cumsum3A, %add3A_822 : vector<16xi32>
      %sub3A = arith.subi %add3A_823, %add3A_819 : vector<16xi32>
      %mul3A_824 = arith.constant 64 : i32
      %mul3A_825 = arith.muli %while3A_788, %mul3A_824 : i32
      %add3A_826 = arith.addi %mul3A_401, %mul3A_825 : i32
      %mul3A_827 = arith.constant 4 : i32
      %mul3A_828 = vector.broadcast %mul3A_827 : i32 to vector<16xi32>
      %mul3A_829 = arith.muli %iota3A, %mul3A_828 : vector<16xi32>
      %add3A_830 = vector.broadcast %add3A_826 : i32 to vector<16xi32>
      %add3A_831 = arith.addi %add3A_830, %mul3A_829 : vector<16xi32>
      %add3A_832 = arith.addi %sub3A, %and3A_799 : vector<16xi32>
      %gt3A = arith.constant 0 : i32
      %gt3A_833 = vector.broadcast %gt3A : i32 to vector<16xi32>
      %gt3A_834 = arith.cmpi sgt, %and3A_799, %gt3A_833 : vector<16xi32>
      %le3A = arith.constant 64 : i32
      %le3A_835 = vector.broadcast %le3A : i32 to vector<16xi32>
      %le3A_836 = arith.cmpi sle, %add3A_832, %le3A_835 : vector<16xi32>
      %and3A_837 = arith.andi %gt3A_834, %le3A_836 : vector<16xi1>
      %add3A_838 = arith.constant 0 : i32
      %add3A_839 = vector.broadcast %add3A_838 : i32 to vector<16xi32>
      %add3A_840 = arith.addi %add3A_839, %add3A_832 : vector<16xi32>
      %sub3A_841 = arith.constant 1 : i32
      %sub3A_842 = vector.broadcast %sub3A_841 : i32 to vector<16xi32>
      %sub3A_843 = arith.subi %add3A_840, %sub3A_842 : vector<16xi32>
      %add3A_844 = arith.constant 0 : i32
      %add3A_845 = vector.broadcast %add3A_844 : i32 to vector<16xi32>
      %add3A_846 = arith.addi %add3A_831, %add3A_845 : vector<16xi32>
      tpu.vector_store_idx %arg7[%sub3A_843], %add3A_846 masked %and3A_837 : memref<1024xi32, #tpu.memory_space<vmem>>[vector<16xi32>], vector<16xi32>, vector<16xi1>
      %add3A_847 = arith.addi %add3A_832, %and3A_804 : vector<16xi32>
      %gt3A_848 = arith.constant 0 : i32
      %gt3A_849 = vector.broadcast %gt3A_848 : i32 to vector<16xi32>
      %gt3A_850 = arith.cmpi sgt, %and3A_804, %gt3A_849 : vector<16xi32>
      %le3A_851 = arith.constant 64 : i32
      %le3A_852 = vector.broadcast %le3A_851 : i32 to vector<16xi32>
      %le3A_853 = arith.cmpi sle, %add3A_847, %le3A_852 : vector<16xi32>
      %and3A_854 = arith.andi %gt3A_850, %le3A_853 : vector<16xi1>
      %add3A_855 = arith.constant 0 : i32
      %add3A_856 = vector.broadcast %add3A_855 : i32 to vector<16xi32>
      %add3A_857 = arith.addi %add3A_856, %add3A_847 : vector<16xi32>
      %sub3A_858 = arith.constant 1 : i32
      %sub3A_859 = vector.broadcast %sub3A_858 : i32 to vector<16xi32>
      %sub3A_860 = arith.subi %add3A_857, %sub3A_859 : vector<16xi32>
      %add3A_861 = arith.constant 1 : i32
      %add3A_862 = vector.broadcast %add3A_861 : i32 to vector<16xi32>
      %add3A_863 = arith.addi %add3A_831, %add3A_862 : vector<16xi32>
      tpu.vector_store_idx %arg7[%sub3A_860], %add3A_863 masked %and3A_854 : memref<1024xi32, #tpu.memory_space<vmem>>[vector<16xi32>], vector<16xi32>, vector<16xi1>
      %add3A_864 = arith.addi %add3A_847, %and3A_810 : vector<16xi32>
      %gt3A_865 = arith.constant 0 : i32
      %gt3A_866 = vector.broadcast %gt3A_865 : i32 to vector<16xi32>
      %gt3A_867 = arith.cmpi sgt, %and3A_810, %gt3A_866 : vector<16xi32>
      %le3A_868 = arith.constant 64 : i32
      %le3A_869 = vector.broadcast %le3A_868 : i32 to vector<16xi32>
      %le3A_870 = arith.cmpi sle, %add3A_864, %le3A_869 : vector<16xi32>
      %and3A_871 = arith.andi %gt3A_867, %le3A_870 : vector<16xi1>
      %add3A_872 = arith.constant 0 : i32
      %add3A_873 = vector.broadcast %add3A_872 : i32 to vector<16xi32>
      %add3A_874 = arith.addi %add3A_873, %add3A_864 : vector<16xi32>
      %sub3A_875 = arith.constant 1 : i32
      %sub3A_876 = vector.broadcast %sub3A_875 : i32 to vector<16xi32>
      %sub3A_877 = arith.subi %add3A_874, %sub3A_876 : vector<16xi32>
      %add3A_878 = arith.constant 2 : i32
      %add3A_879 = vector.broadcast %add3A_878 : i32 to vector<16xi32>
      %add3A_880 = arith.addi %add3A_831, %add3A_879 : vector<16xi32>
      tpu.vector_store_idx %arg7[%sub3A_877], %add3A_880 masked %and3A_871 : memref<1024xi32, #tpu.memory_space<vmem>>[vector<16xi32>], vector<16xi32>, vector<16xi1>
      %add3A_881 = arith.addi %add3A_864, %and3A_816 : vector<16xi32>
      %gt3A_882 = arith.constant 0 : i32
      %gt3A_883 = vector.broadcast %gt3A_882 : i32 to vector<16xi32>
      %gt3A_884 = arith.cmpi sgt, %and3A_816, %gt3A_883 : vector<16xi32>
      %le3A_885 = arith.constant 64 : i32
      %le3A_886 = vector.broadcast %le3A_885 : i32 to vector<16xi32>
      %le3A_887 = arith.cmpi sle, %add3A_881, %le3A_886 : vector<16xi32>
      %and3A_888 = arith.andi %gt3A_884, %le3A_887 : vector<16xi1>
      %add3A_889 = arith.constant 0 : i32
      %add3A_890 = vector.broadcast %add3A_889 : i32 to vector<16xi32>
      %add3A_891 = arith.addi %add3A_890, %add3A_881 : vector<16xi32>
      %sub3A_892 = arith.constant 1 : i32
      %sub3A_893 = vector.broadcast %sub3A_892 : i32 to vector<16xi32>
      %sub3A_894 = arith.subi %add3A_891, %sub3A_893 : vector<16xi32>
      %add3A_895 = arith.constant 3 : i32
      %add3A_896 = vector.broadcast %add3A_895 : i32 to vector<16xi32>
      %add3A_897 = arith.addi %add3A_831, %add3A_896 : vector<16xi32>
      tpu.vector_store_idx %arg7[%sub3A_894], %add3A_897 masked %and3A_888 : memref<1024xi32, #tpu.memory_space<vmem>>[vector<16xi32>], vector<16xi32>, vector<16xi1>
      %add3A_898 = arith.constant 1 : i32
      %add3A_899 = arith.addi %while3A_788, %add3A_898 : i32
      %reduce_sum3A_900 = arith.constant true
      %reduce_sum3A_901 = vector.broadcast %reduce_sum3A_900 : i1 to vector<16xi1>
      %reduce_sum3A_902 = tpu.scan <sum>, %add3A_819 masked %reduce_sum3A_901 : vector<16xi32>, vector<16xi1> -> vector<16xi32>
      %reduce_sum3A_903 = vector.extract %reduce_sum3A_902[15] : i32 from vector<16xi32>
      %add3A_904 = arith.addi %while3A_789, %reduce_sum3A_903 : i32
      scf.yield %add3A_899, %add3A_904 : i32, i32
    }
    %min3A = arith.constant 64 : i32
    %min3A_404 = arith.minsi %while3A_403#1, %min3A : i32
    %broadcast_in_dim3A_405 = arith.constant 0 : i32
    %broadcast_in_dim3A_406 = vector.broadcast %broadcast_in_dim3A_405 : i32 to vector<16xi32>
    %broadcast_in_dim3A_407 = vector.broadcast %min3A_404 : i32 to vector<16xi32>
    %eq3A_408 = arith.constant 0 : i32
    %eq3A_409 = vector.broadcast %eq3A_408 : i32 to vector<16xi32>
    %eq3A_410 = arith.cmpi eq, %iota3A, %eq3A_409 : vector<16xi32>
    tpu.vector_store_idx %arg9[%broadcast_in_dim3A_406], %broadcast_in_dim3A_407 masked %eq3A_410 : memref<16xi32, #tpu.memory_space<vmem>>[vector<16xi32>], vector<16xi32>, vector<16xi1>
    %get3A_411 = arith.constant 0 : index
    %get3A_412 = tpu.vector_load %arg8[%get3A_411] {strides = array<i32>} : memref<16xi32, #tpu.memory_space<vmem>>, vector<16xi32>,
    %eq3A_413 = arith.constant 1 : i32
    %eq3A_414 = vector.broadcast %eq3A_413 : i32 to vector<16xi32>
    %eq3A_415 = arith.cmpi eq, %iota3A, %eq3A_414 : vector<16xi32>
    %jit3A_416 = arith.constant 0 : i32
    %broadcast_in_dim3A_417 = vector.broadcast %jit3A_416 : i32 to vector<16xi32>
    %select_n3A_418 = arith.select %eq3A_415, %get3A_412, %broadcast_in_dim3A_417 : vector<16xi1>, vector<16xi32>
    %reduce_sum3A_419 = arith.constant true
    %reduce_sum3A_420 = vector.broadcast %reduce_sum3A_419 : i1 to vector<16xi1>
    %reduce_sum3A_421 = tpu.scan <sum>, %select_n3A_418 masked %reduce_sum3A_420 : vector<16xi32>, vector<16xi1> -> vector<16xi32>
    %reduce_sum3A_422 = vector.extract %reduce_sum3A_421[15] : i32 from vector<16xi32>
    %mul3A_423 = arith.constant 2048 : i32
    %mul3A_424 = arith.muli %reduce_sum3A_422, %mul3A_423 : i32
    %while3A_425 = arith.constant 0 : i32
    %while3A_426 = arith.constant 0 : i32
    %while3A_427:2 = scf.while (%while3A_788 = %while3A_425, %while3A_789 = %while3A_426) : (i32, i32) -> (i32, i32) {
      %lt3A = arith.constant 32 : i32
      %lt3A_790 = arith.cmpi slt, %while3A_788, %lt3A : i32
      %lt3A_791 = arith.constant 64 : i32
      %lt3A_792 = arith.cmpi slt, %while3A_789, %lt3A_791 : i32
      %and3A = arith.andi %lt3A_790, %lt3A_792 : i1
      scf.condition(%and3A) %while3A_788, %while3A_789 : i32, i32
    } do {
    ^bb0(%while3A_788: i32, %while3A_789: i32):
      %mul3A_790 = arith.constant 4 : i32
      %mul3A_791 = arith.muli %while3A_788, %mul3A_790 : i32
      %mul3A_792 = arith.constant 16 : i32
      %mul3A_793 = arith.muli %mul3A_791, %mul3A_792 : i32
      %get3A_794 = arith.constant 1 : i32
      %get3A_795 = arith.index_cast %get3A_794 : i32 to index
      %get3A_796 = arith.index_cast %mul3A_793 : i32 to index
      %get3A_797 = tpu.vector_load %arg6[%get3A_795, %get3A_796] {strides = array<i32>} : memref<16x2048xi8, #tpu.memory_space<vmem>>, vector<64xi8>,
      %bitcast3A = vector.bitcast %get3A_797 : vector<64xi8> to vector<16xi32>
      %and3A = arith.constant 1 : i32
      %and3A_798 = vector.broadcast %and3A : i32 to vector<16xi32>
      %and3A_799 = arith.andi %bitcast3A, %and3A_798 : vector<16xi32>
      %shift_right_arithmetic3A = arith.constant 8 : i32
      %shift_right_arithmetic3A_800 = vector.broadcast %shift_right_arithmetic3A : i32 to vector<16xi32>
      %shift_right_arithmetic3A_801 = arith.shrsi %bitcast3A, %shift_right_arithmetic3A_800 : vector<16xi32>
      %and3A_802 = arith.constant 1 : i32
      %and3A_803 = vector.broadcast %and3A_802 : i32 to vector<16xi32>
      %and3A_804 = arith.andi %shift_right_arithmetic3A_801, %and3A_803 : vector<16xi32>
      %shift_right_arithmetic3A_805 = arith.constant 16 : i32
      %shift_right_arithmetic3A_806 = vector.broadcast %shift_right_arithmetic3A_805 : i32 to vector<16xi32>
      %shift_right_arithmetic3A_807 = arith.shrsi %bitcast3A, %shift_right_arithmetic3A_806 : vector<16xi32>
      %and3A_808 = arith.constant 1 : i32
      %and3A_809 = vector.broadcast %and3A_808 : i32 to vector<16xi32>
      %and3A_810 = arith.andi %shift_right_arithmetic3A_807, %and3A_809 : vector<16xi32>
      %shift_right_arithmetic3A_811 = arith.constant 24 : i32
      %shift_right_arithmetic3A_812 = vector.broadcast %shift_right_arithmetic3A_811 : i32 to vector<16xi32>
      %shift_right_arithmetic3A_813 = arith.shrsi %bitcast3A, %shift_right_arithmetic3A_812 : vector<16xi32>
      %and3A_814 = arith.constant 1 : i32
      %and3A_815 = vector.broadcast %and3A_814 : i32 to vector<16xi32>
      %and3A_816 = arith.andi %shift_right_arithmetic3A_813, %and3A_815 : vector<16xi32>
      %add3A_817 = arith.addi %and3A_799, %and3A_804 : vector<16xi32>
      %add3A_818 = arith.addi %add3A_817, %and3A_810 : vector<16xi32>
      %add3A_819 = arith.addi %add3A_818, %and3A_816 : vector<16xi32>
      %broadcast_in_dim3A_820 = arith.constant true
      %broadcast_in_dim3A_821 = vector.broadcast %broadcast_in_dim3A_820 : i1 to vector<16xi1>
      %masked_cumsum3A = tpu.scan <sum>, %add3A_819 masked %broadcast_in_dim3A_821 : vector<16xi32>, vector<16xi1> -> vector<16xi32>
      %add3A_822 = vector.broadcast %while3A_789 : i32 to vector<16xi32>
      %add3A_823 = arith.addi %masked_cumsum3A, %add3A_822 : vector<16xi32>
      %sub3A = arith.subi %add3A_823, %add3A_819 : vector<16xi32>
      %mul3A_824 = arith.constant 64 : i32
      %mul3A_825 = arith.muli %while3A_788, %mul3A_824 : i32
      %add3A_826 = arith.addi %mul3A_424, %mul3A_825 : i32
      %mul3A_827 = arith.constant 4 : i32
      %mul3A_828 = vector.broadcast %mul3A_827 : i32 to vector<16xi32>
      %mul3A_829 = arith.muli %iota3A, %mul3A_828 : vector<16xi32>
      %add3A_830 = vector.broadcast %add3A_826 : i32 to vector<16xi32>
      %add3A_831 = arith.addi %add3A_830, %mul3A_829 : vector<16xi32>
      %add3A_832 = arith.addi %sub3A, %and3A_799 : vector<16xi32>
      %gt3A = arith.constant 0 : i32
      %gt3A_833 = vector.broadcast %gt3A : i32 to vector<16xi32>
      %gt3A_834 = arith.cmpi sgt, %and3A_799, %gt3A_833 : vector<16xi32>
      %le3A = arith.constant 64 : i32
      %le3A_835 = vector.broadcast %le3A : i32 to vector<16xi32>
      %le3A_836 = arith.cmpi sle, %add3A_832, %le3A_835 : vector<16xi32>
      %and3A_837 = arith.andi %gt3A_834, %le3A_836 : vector<16xi1>
      %add3A_838 = arith.constant 64 : i32
      %add3A_839 = vector.broadcast %add3A_838 : i32 to vector<16xi32>
      %add3A_840 = arith.addi %add3A_839, %add3A_832 : vector<16xi32>
      %sub3A_841 = arith.constant 1 : i32
      %sub3A_842 = vector.broadcast %sub3A_841 : i32 to vector<16xi32>
      %sub3A_843 = arith.subi %add3A_840, %sub3A_842 : vector<16xi32>
      %add3A_844 = arith.constant 0 : i32
      %add3A_845 = vector.broadcast %add3A_844 : i32 to vector<16xi32>
      %add3A_846 = arith.addi %add3A_831, %add3A_845 : vector<16xi32>
      tpu.vector_store_idx %arg7[%sub3A_843], %add3A_846 masked %and3A_837 : memref<1024xi32, #tpu.memory_space<vmem>>[vector<16xi32>], vector<16xi32>, vector<16xi1>
      %add3A_847 = arith.addi %add3A_832, %and3A_804 : vector<16xi32>
      %gt3A_848 = arith.constant 0 : i32
      %gt3A_849 = vector.broadcast %gt3A_848 : i32 to vector<16xi32>
      %gt3A_850 = arith.cmpi sgt, %and3A_804, %gt3A_849 : vector<16xi32>
      %le3A_851 = arith.constant 64 : i32
      %le3A_852 = vector.broadcast %le3A_851 : i32 to vector<16xi32>
      %le3A_853 = arith.cmpi sle, %add3A_847, %le3A_852 : vector<16xi32>
      %and3A_854 = arith.andi %gt3A_850, %le3A_853 : vector<16xi1>
      %add3A_855 = arith.constant 64 : i32
      %add3A_856 = vector.broadcast %add3A_855 : i32 to vector<16xi32>
      %add3A_857 = arith.addi %add3A_856, %add3A_847 : vector<16xi32>
      %sub3A_858 = arith.constant 1 : i32
      %sub3A_859 = vector.broadcast %sub3A_858 : i32 to vector<16xi32>
      %sub3A_860 = arith.subi %add3A_857, %sub3A_859 : vector<16xi32>
      %add3A_861 = arith.constant 1 : i32
      %add3A_862 = vector.broadcast %add3A_861 : i32 to vector<16xi32>
      %add3A_863 = arith.addi %add3A_831, %add3A_862 : vector<16xi32>
      tpu.vector_store_idx %arg7[%sub3A_860], %add3A_863 masked %and3A_854 : memref<1024xi32, #tpu.memory_space<vmem>>[vector<16xi32>], vector<16xi32>, vector<16xi1>
      %add3A_864 = arith.addi %add3A_847, %and3A_810 : vector<16xi32>
      %gt3A_865 = arith.constant 0 : i32
      %gt3A_866 = vector.broadcast %gt3A_865 : i32 to vector<16xi32>
      %gt3A_867 = arith.cmpi sgt, %and3A_810, %gt3A_866 : vector<16xi32>
      %le3A_868 = arith.constant 64 : i32
      %le3A_869 = vector.broadcast %le3A_868 : i32 to vector<16xi32>
      %le3A_870 = arith.cmpi sle, %add3A_864, %le3A_869 : vector<16xi32>
      %and3A_871 = arith.andi %gt3A_867, %le3A_870 : vector<16xi1>
      %add3A_872 = arith.constant 64 : i32
      %add3A_873 = vector.broadcast %add3A_872 : i32 to vector<16xi32>
      %add3A_874 = arith.addi %add3A_873, %add3A_864 : vector<16xi32>
      %sub3A_875 = arith.constant 1 : i32
      %sub3A_876 = vector.broadcast %sub3A_875 : i32 to vector<16xi32>
      %sub3A_877 = arith.subi %add3A_874, %sub3A_876 : vector<16xi32>
      %add3A_878 = arith.constant 2 : i32
      %add3A_879 = vector.broadcast %add3A_878 : i32 to vector<16xi32>
      %add3A_880 = arith.addi %add3A_831, %add3A_879 : vector<16xi32>
      tpu.vector_store_idx %arg7[%sub3A_877], %add3A_880 masked %and3A_871 : memref<1024xi32, #tpu.memory_space<vmem>>[vector<16xi32>], vector<16xi32>, vector<16xi1>
      %add3A_881 = arith.addi %add3A_864, %and3A_816 : vector<16xi32>
      %gt3A_882 = arith.constant 0 : i32
      %gt3A_883 = vector.broadcast %gt3A_882 : i32 to vector<16xi32>
      %gt3A_884 = arith.cmpi sgt, %and3A_816, %gt3A_883 : vector<16xi32>
      %le3A_885 = arith.constant 64 : i32
      %le3A_886 = vector.broadcast %le3A_885 : i32 to vector<16xi32>
      %le3A_887 = arith.cmpi sle, %add3A_881, %le3A_886 : vector<16xi32>
      %and3A_888 = arith.andi %gt3A_884, %le3A_887 : vector<16xi1>
      %add3A_889 = arith.constant 64 : i32
      %add3A_890 = vector.broadcast %add3A_889 : i32 to vector<16xi32>
      %add3A_891 = arith.addi %add3A_890, %add3A_881 : vector<16xi32>
      %sub3A_892 = arith.constant 1 : i32
      %sub3A_893 = vector.broadcast %sub3A_892 : i32 to vector<16xi32>
      %sub3A_894 = arith.subi %add3A_891, %sub3A_893 : vector<16xi32>
      %add3A_895 = arith.constant 3 : i32
      %add3A_896 = vector.broadcast %add3A_895 : i32 to vector<16xi32>
      %add3A_897 = arith.addi %add3A_831, %add3A_896 : vector<16xi32>
      tpu.vector_store_idx %arg7[%sub3A_894], %add3A_897 masked %and3A_888 : memref<1024xi32, #tpu.memory_space<vmem>>[vector<16xi32>], vector<16xi32>, vector<16xi1>
      %add3A_898 = arith.constant 1 : i32
      %add3A_899 = arith.addi %while3A_788, %add3A_898 : i32
      %reduce_sum3A_900 = arith.constant true
      %reduce_sum3A_901 = vector.broadcast %reduce_sum3A_900 : i1 to vector<16xi1>
      %reduce_sum3A_902 = tpu.scan <sum>, %add3A_819 masked %reduce_sum3A_901 : vector<16xi32>, vector<16xi1> -> vector<16xi32>
      %reduce_sum3A_903 = vector.extract %reduce_sum3A_902[15] : i32 from vector<16xi32>
      %add3A_904 = arith.addi %while3A_789, %reduce_sum3A_903 : i32
      scf.yield %add3A_899, %add3A_904 : i32, i32
    }
    %min3A_428 = arith.constant 64 : i32
    %min3A_429 = arith.minsi %while3A_427#1, %min3A_428 : i32
    %broadcast_in_dim3A_430 = arith.constant 1 : i32
    %broadcast_in_dim3A_431 = vector.broadcast %broadcast_in_dim3A_430 : i32 to vector<16xi32>
    %broadcast_in_dim3A_432 = vector.broadcast %min3A_429 : i32 to vector<16xi32>
    %eq3A_433 = arith.constant 0 : i32
    %eq3A_434 = vector.broadcast %eq3A_433 : i32 to vector<16xi32>
    %eq3A_435 = arith.cmpi eq, %iota3A, %eq3A_434 : vector<16xi32>
    tpu.vector_store_idx %arg9[%broadcast_in_dim3A_431], %broadcast_in_dim3A_432 masked %eq3A_435 : memref<16xi32, #tpu.memory_space<vmem>>[vector<16xi32>], vector<16xi32>, vector<16xi1>
    %get3A_436 = arith.constant 0 : index
    %get3A_437 = tpu.vector_load %arg8[%get3A_436] {strides = array<i32>} : memref<16xi32, #tpu.memory_space<vmem>>, vector<16xi32>,
    %eq3A_438 = arith.constant 2 : i32
    %eq3A_439 = vector.broadcast %eq3A_438 : i32 to vector<16xi32>
    %eq3A_440 = arith.cmpi eq, %iota3A, %eq3A_439 : vector<16xi32>
    %jit3A_441 = arith.constant 0 : i32
    %broadcast_in_dim3A_442 = vector.broadcast %jit3A_441 : i32 to vector<16xi32>
    %select_n3A_443 = arith.select %eq3A_440, %get3A_437, %broadcast_in_dim3A_442 : vector<16xi1>, vector<16xi32>
    %reduce_sum3A_444 = arith.constant true
    %reduce_sum3A_445 = vector.broadcast %reduce_sum3A_444 : i1 to vector<16xi1>
    %reduce_sum3A_446 = tpu.scan <sum>, %select_n3A_443 masked %reduce_sum3A_445 : vector<16xi32>, vector<16xi1> -> vector<16xi32>
    %reduce_sum3A_447 = vector.extract %reduce_sum3A_446[15] : i32 from vector<16xi32>
    %mul3A_448 = arith.constant 2048 : i32
    %mul3A_449 = arith.muli %reduce_sum3A_447, %mul3A_448 : i32
    %while3A_450 = arith.constant 0 : i32
    %while3A_451 = arith.constant 0 : i32
    %while3A_452:2 = scf.while (%while3A_788 = %while3A_450, %while3A_789 = %while3A_451) : (i32, i32) -> (i32, i32) {
      %lt3A = arith.constant 32 : i32
      %lt3A_790 = arith.cmpi slt, %while3A_788, %lt3A : i32
      %lt3A_791 = arith.constant 64 : i32
      %lt3A_792 = arith.cmpi slt, %while3A_789, %lt3A_791 : i32
      %and3A = arith.andi %lt3A_790, %lt3A_792 : i1
      scf.condition(%and3A) %while3A_788, %while3A_789 : i32, i32
    } do {
    ^bb0(%while3A_788: i32, %while3A_789: i32):
      %mul3A_790 = arith.constant 4 : i32
      %mul3A_791 = arith.muli %while3A_788, %mul3A_790 : i32
      %mul3A_792 = arith.constant 16 : i32
      %mul3A_793 = arith.muli %mul3A_791, %mul3A_792 : i32
      %get3A_794 = arith.constant 2 : i32
      %get3A_795 = arith.index_cast %get3A_794 : i32 to index
      %get3A_796 = arith.index_cast %mul3A_793 : i32 to index
      %get3A_797 = tpu.vector_load %arg6[%get3A_795, %get3A_796] {strides = array<i32>} : memref<16x2048xi8, #tpu.memory_space<vmem>>, vector<64xi8>,
      %bitcast3A = vector.bitcast %get3A_797 : vector<64xi8> to vector<16xi32>
      %and3A = arith.constant 1 : i32
      %and3A_798 = vector.broadcast %and3A : i32 to vector<16xi32>
      %and3A_799 = arith.andi %bitcast3A, %and3A_798 : vector<16xi32>
      %shift_right_arithmetic3A = arith.constant 8 : i32
      %shift_right_arithmetic3A_800 = vector.broadcast %shift_right_arithmetic3A : i32 to vector<16xi32>
      %shift_right_arithmetic3A_801 = arith.shrsi %bitcast3A, %shift_right_arithmetic3A_800 : vector<16xi32>
      %and3A_802 = arith.constant 1 : i32
      %and3A_803 = vector.broadcast %and3A_802 : i32 to vector<16xi32>
      %and3A_804 = arith.andi %shift_right_arithmetic3A_801, %and3A_803 : vector<16xi32>
      %shift_right_arithmetic3A_805 = arith.constant 16 : i32
      %shift_right_arithmetic3A_806 = vector.broadcast %shift_right_arithmetic3A_805 : i32 to vector<16xi32>
      %shift_right_arithmetic3A_807 = arith.shrsi %bitcast3A, %shift_right_arithmetic3A_806 : vector<16xi32>
      %and3A_808 = arith.constant 1 : i32
      %and3A_809 = vector.broadcast %and3A_808 : i32 to vector<16xi32>
      %and3A_810 = arith.andi %shift_right_arithmetic3A_807, %and3A_809 : vector<16xi32>
      %shift_right_arithmetic3A_811 = arith.constant 24 : i32
      %shift_right_arithmetic3A_812 = vector.broadcast %shift_right_arithmetic3A_811 : i32 to vector<16xi32>
      %shift_right_arithmetic3A_813 = arith.shrsi %bitcast3A, %shift_right_arithmetic3A_812 : vector<16xi32>
      %and3A_814 = arith.constant 1 : i32
      %and3A_815 = vector.broadcast %and3A_814 : i32 to vector<16xi32>
      %and3A_816 = arith.andi %shift_right_arithmetic3A_813, %and3A_815 : vector<16xi32>
      %add3A_817 = arith.addi %and3A_799, %and3A_804 : vector<16xi32>
      %add3A_818 = arith.addi %add3A_817, %and3A_810 : vector<16xi32>
      %add3A_819 = arith.addi %add3A_818, %and3A_816 : vector<16xi32>
      %broadcast_in_dim3A_820 = arith.constant true
      %broadcast_in_dim3A_821 = vector.broadcast %broadcast_in_dim3A_820 : i1 to vector<16xi1>
      %masked_cumsum3A = tpu.scan <sum>, %add3A_819 masked %broadcast_in_dim3A_821 : vector<16xi32>, vector<16xi1> -> vector<16xi32>
      %add3A_822 = vector.broadcast %while3A_789 : i32 to vector<16xi32>
      %add3A_823 = arith.addi %masked_cumsum3A, %add3A_822 : vector<16xi32>
      %sub3A = arith.subi %add3A_823, %add3A_819 : vector<16xi32>
      %mul3A_824 = arith.constant 64 : i32
      %mul3A_825 = arith.muli %while3A_788, %mul3A_824 : i32
      %add3A_826 = arith.addi %mul3A_449, %mul3A_825 : i32
      %mul3A_827 = arith.constant 4 : i32
      %mul3A_828 = vector.broadcast %mul3A_827 : i32 to vector<16xi32>
      %mul3A_829 = arith.muli %iota3A, %mul3A_828 : vector<16xi32>
      %add3A_830 = vector.broadcast %add3A_826 : i32 to vector<16xi32>
      %add3A_831 = arith.addi %add3A_830, %mul3A_829 : vector<16xi32>
      %add3A_832 = arith.addi %sub3A, %and3A_799 : vector<16xi32>
      %gt3A = arith.constant 0 : i32
      %gt3A_833 = vector.broadcast %gt3A : i32 to vector<16xi32>
      %gt3A_834 = arith.cmpi sgt, %and3A_799, %gt3A_833 : vector<16xi32>
      %le3A = arith.constant 64 : i32
      %le3A_835 = vector.broadcast %le3A : i32 to vector<16xi32>
      %le3A_836 = arith.cmpi sle, %add3A_832, %le3A_835 : vector<16xi32>
      %and3A_837 = arith.andi %gt3A_834, %le3A_836 : vector<16xi1>
      %add3A_838 = arith.constant 128 : i32
      %add3A_839 = vector.broadcast %add3A_838 : i32 to vector<16xi32>
      %add3A_840 = arith.addi %add3A_839, %add3A_832 : vector<16xi32>
      %sub3A_841 = arith.constant 1 : i32
      %sub3A_842 = vector.broadcast %sub3A_841 : i32 to vector<16xi32>
      %sub3A_843 = arith.subi %add3A_840, %sub3A_842 : vector<16xi32>
      %add3A_844 = arith.constant 0 : i32
      %add3A_845 = vector.broadcast %add3A_844 : i32 to vector<16xi32>
      %add3A_846 = arith.addi %add3A_831, %add3A_845 : vector<16xi32>
      tpu.vector_store_idx %arg7[%sub3A_843], %add3A_846 masked %and3A_837 : memref<1024xi32, #tpu.memory_space<vmem>>[vector<16xi32>], vector<16xi32>, vector<16xi1>
      %add3A_847 = arith.addi %add3A_832, %and3A_804 : vector<16xi32>
      %gt3A_848 = arith.constant 0 : i32
      %gt3A_849 = vector.broadcast %gt3A_848 : i32 to vector<16xi32>
      %gt3A_850 = arith.cmpi sgt, %and3A_804, %gt3A_849 : vector<16xi32>
      %le3A_851 = arith.constant 64 : i32
      %le3A_852 = vector.broadcast %le3A_851 : i32 to vector<16xi32>
      %le3A_853 = arith.cmpi sle, %add3A_847, %le3A_852 : vector<16xi32>
      %and3A_854 = arith.andi %gt3A_850, %le3A_853 : vector<16xi1>
      %add3A_855 = arith.constant 128 : i32
      %add3A_856 = vector.broadcast %add3A_855 : i32 to vector<16xi32>
      %add3A_857 = arith.addi %add3A_856, %add3A_847 : vector<16xi32>
      %sub3A_858 = arith.constant 1 : i32
      %sub3A_859 = vector.broadcast %sub3A_858 : i32 to vector<16xi32>
      %sub3A_860 = arith.subi %add3A_857, %sub3A_859 : vector<16xi32>
      %add3A_861 = arith.constant 1 : i32
      %add3A_862 = vector.broadcast %add3A_861 : i32 to vector<16xi32>
      %add3A_863 = arith.addi %add3A_831, %add3A_862 : vector<16xi32>
      tpu.vector_store_idx %arg7[%sub3A_860], %add3A_863 masked %and3A_854 : memref<1024xi32, #tpu.memory_space<vmem>>[vector<16xi32>], vector<16xi32>, vector<16xi1>
      %add3A_864 = arith.addi %add3A_847, %and3A_810 : vector<16xi32>
      %gt3A_865 = arith.constant 0 : i32
      %gt3A_866 = vector.broadcast %gt3A_865 : i32 to vector<16xi32>
      %gt3A_867 = arith.cmpi sgt, %and3A_810, %gt3A_866 : vector<16xi32>
      %le3A_868 = arith.constant 64 : i32
      %le3A_869 = vector.broadcast %le3A_868 : i32 to vector<16xi32>
      %le3A_870 = arith.cmpi sle, %add3A_864, %le3A_869 : vector<16xi32>
      %and3A_871 = arith.andi %gt3A_867, %le3A_870 : vector<16xi1>
      %add3A_872 = arith.constant 128 : i32
      %add3A_873 = vector.broadcast %add3A_872 : i32 to vector<16xi32>
      %add3A_874 = arith.addi %add3A_873, %add3A_864 : vector<16xi32>
      %sub3A_875 = arith.constant 1 : i32
      %sub3A_876 = vector.broadcast %sub3A_875 : i32 to vector<16xi32>
      %sub3A_877 = arith.subi %add3A_874, %sub3A_876 : vector<16xi32>
      %add3A_878 = arith.constant 2 : i32
      %add3A_879 = vector.broadcast %add3A_878 : i32 to vector<16xi32>
      %add3A_880 = arith.addi %add3A_831, %add3A_879 : vector<16xi32>
      tpu.vector_store_idx %arg7[%sub3A_877], %add3A_880 masked %and3A_871 : memref<1024xi32, #tpu.memory_space<vmem>>[vector<16xi32>], vector<16xi32>, vector<16xi1>
      %add3A_881 = arith.addi %add3A_864, %and3A_816 : vector<16xi32>
      %gt3A_882 = arith.constant 0 : i32
      %gt3A_883 = vector.broadcast %gt3A_882 : i32 to vector<16xi32>
      %gt3A_884 = arith.cmpi sgt, %and3A_816, %gt3A_883 : vector<16xi32>
      %le3A_885 = arith.constant 64 : i32
      %le3A_886 = vector.broadcast %le3A_885 : i32 to vector<16xi32>
      %le3A_887 = arith.cmpi sle, %add3A_881, %le3A_886 : vector<16xi32>
      %and3A_888 = arith.andi %gt3A_884, %le3A_887 : vector<16xi1>
      %add3A_889 = arith.constant 128 : i32
      %add3A_890 = vector.broadcast %add3A_889 : i32 to vector<16xi32>
      %add3A_891 = arith.addi %add3A_890, %add3A_881 : vector<16xi32>
      %sub3A_892 = arith.constant 1 : i32
      %sub3A_893 = vector.broadcast %sub3A_892 : i32 to vector<16xi32>
      %sub3A_894 = arith.subi %add3A_891, %sub3A_893 : vector<16xi32>
      %add3A_895 = arith.constant 3 : i32
      %add3A_896 = vector.broadcast %add3A_895 : i32 to vector<16xi32>
      %add3A_897 = arith.addi %add3A_831, %add3A_896 : vector<16xi32>
      tpu.vector_store_idx %arg7[%sub3A_894], %add3A_897 masked %and3A_888 : memref<1024xi32, #tpu.memory_space<vmem>>[vector<16xi32>], vector<16xi32>, vector<16xi1>
      %add3A_898 = arith.constant 1 : i32
      %add3A_899 = arith.addi %while3A_788, %add3A_898 : i32
      %reduce_sum3A_900 = arith.constant true
      %reduce_sum3A_901 = vector.broadcast %reduce_sum3A_900 : i1 to vector<16xi1>
      %reduce_sum3A_902 = tpu.scan <sum>, %add3A_819 masked %reduce_sum3A_901 : vector<16xi32>, vector<16xi1> -> vector<16xi32>
      %reduce_sum3A_903 = vector.extract %reduce_sum3A_902[15] : i32 from vector<16xi32>
      %add3A_904 = arith.addi %while3A_789, %reduce_sum3A_903 : i32
      scf.yield %add3A_899, %add3A_904 : i32, i32
    }
    %min3A_453 = arith.constant 64 : i32
    %min3A_454 = arith.minsi %while3A_452#1, %min3A_453 : i32
    %broadcast_in_dim3A_455 = arith.constant 2 : i32
    %broadcast_in_dim3A_456 = vector.broadcast %broadcast_in_dim3A_455 : i32 to vector<16xi32>
    %broadcast_in_dim3A_457 = vector.broadcast %min3A_454 : i32 to vector<16xi32>
    %eq3A_458 = arith.constant 0 : i32
    %eq3A_459 = vector.broadcast %eq3A_458 : i32 to vector<16xi32>
    %eq3A_460 = arith.cmpi eq, %iota3A, %eq3A_459 : vector<16xi32>
    tpu.vector_store_idx %arg9[%broadcast_in_dim3A_456], %broadcast_in_dim3A_457 masked %eq3A_460 : memref<16xi32, #tpu.memory_space<vmem>>[vector<16xi32>], vector<16xi32>, vector<16xi1>
    %get3A_461 = arith.constant 0 : index
    %get3A_462 = tpu.vector_load %arg8[%get3A_461] {strides = array<i32>} : memref<16xi32, #tpu.memory_space<vmem>>, vector<16xi32>,
    %eq3A_463 = arith.constant 3 : i32
    %eq3A_464 = vector.broadcast %eq3A_463 : i32 to vector<16xi32>
    %eq3A_465 = arith.cmpi eq, %iota3A, %eq3A_464 : vector<16xi32>
    %jit3A_466 = arith.constant 0 : i32
    %broadcast_in_dim3A_467 = vector.broadcast %jit3A_466 : i32 to vector<16xi32>
    %select_n3A_468 = arith.select %eq3A_465, %get3A_462, %broadcast_in_dim3A_467 : vector<16xi1>, vector<16xi32>
    %reduce_sum3A_469 = arith.constant true
    %reduce_sum3A_470 = vector.broadcast %reduce_sum3A_469 : i1 to vector<16xi1>
    %reduce_sum3A_471 = tpu.scan <sum>, %select_n3A_468 masked %reduce_sum3A_470 : vector<16xi32>, vector<16xi1> -> vector<16xi32>
    %reduce_sum3A_472 = vector.extract %reduce_sum3A_471[15] : i32 from vector<16xi32>
    %mul3A_473 = arith.constant 2048 : i32
    %mul3A_474 = arith.muli %reduce_sum3A_472, %mul3A_473 : i32
    %while3A_475 = arith.constant 0 : i32
    %while3A_476 = arith.constant 0 : i32
    %while3A_477:2 = scf.while (%while3A_788 = %while3A_475, %while3A_789 = %while3A_476) : (i32, i32) -> (i32, i32) {
      %lt3A = arith.constant 32 : i32
      %lt3A_790 = arith.cmpi slt, %while3A_788, %lt3A : i32
      %lt3A_791 = arith.constant 64 : i32
      %lt3A_792 = arith.cmpi slt, %while3A_789, %lt3A_791 : i32
      %and3A = arith.andi %lt3A_790, %lt3A_792 : i1
      scf.condition(%and3A) %while3A_788, %while3A_789 : i32, i32
    } do {
    ^bb0(%while3A_788: i32, %while3A_789: i32):
      %mul3A_790 = arith.constant 4 : i32
      %mul3A_791 = arith.muli %while3A_788, %mul3A_790 : i32
      %mul3A_792 = arith.constant 16 : i32
      %mul3A_793 = arith.muli %mul3A_791, %mul3A_792 : i32
      %get3A_794 = arith.constant 3 : i32
      %get3A_795 = arith.index_cast %get3A_794 : i32 to index
      %get3A_796 = arith.index_cast %mul3A_793 : i32 to index
      %get3A_797 = tpu.vector_load %arg6[%get3A_795, %get3A_796] {strides = array<i32>} : memref<16x2048xi8, #tpu.memory_space<vmem>>, vector<64xi8>,
      %bitcast3A = vector.bitcast %get3A_797 : vector<64xi8> to vector<16xi32>
      %and3A = arith.constant 1 : i32
      %and3A_798 = vector.broadcast %and3A : i32 to vector<16xi32>
      %and3A_799 = arith.andi %bitcast3A, %and3A_798 : vector<16xi32>
      %shift_right_arithmetic3A = arith.constant 8 : i32
      %shift_right_arithmetic3A_800 = vector.broadcast %shift_right_arithmetic3A : i32 to vector<16xi32>
      %shift_right_arithmetic3A_801 = arith.shrsi %bitcast3A, %shift_right_arithmetic3A_800 : vector<16xi32>
      %and3A_802 = arith.constant 1 : i32
      %and3A_803 = vector.broadcast %and3A_802 : i32 to vector<16xi32>
      %and3A_804 = arith.andi %shift_right_arithmetic3A_801, %and3A_803 : vector<16xi32>
      %shift_right_arithmetic3A_805 = arith.constant 16 : i32
      %shift_right_arithmetic3A_806 = vector.broadcast %shift_right_arithmetic3A_805 : i32 to vector<16xi32>
      %shift_right_arithmetic3A_807 = arith.shrsi %bitcast3A, %shift_right_arithmetic3A_806 : vector<16xi32>
      %and3A_808 = arith.constant 1 : i32
      %and3A_809 = vector.broadcast %and3A_808 : i32 to vector<16xi32>
      %and3A_810 = arith.andi %shift_right_arithmetic3A_807, %and3A_809 : vector<16xi32>
      %shift_right_arithmetic3A_811 = arith.constant 24 : i32
      %shift_right_arithmetic3A_812 = vector.broadcast %shift_right_arithmetic3A_811 : i32 to vector<16xi32>
      %shift_right_arithmetic3A_813 = arith.shrsi %bitcast3A, %shift_right_arithmetic3A_812 : vector<16xi32>
      %and3A_814 = arith.constant 1 : i32
      %and3A_815 = vector.broadcast %and3A_814 : i32 to vector<16xi32>
      %and3A_816 = arith.andi %shift_right_arithmetic3A_813, %and3A_815 : vector<16xi32>
      %add3A_817 = arith.addi %and3A_799, %and3A_804 : vector<16xi32>
      %add3A_818 = arith.addi %add3A_817, %and3A_810 : vector<16xi32>
      %add3A_819 = arith.addi %add3A_818, %and3A_816 : vector<16xi32>
      %broadcast_in_dim3A_820 = arith.constant true
      %broadcast_in_dim3A_821 = vector.broadcast %broadcast_in_dim3A_820 : i1 to vector<16xi1>
      %masked_cumsum3A = tpu.scan <sum>, %add3A_819 masked %broadcast_in_dim3A_821 : vector<16xi32>, vector<16xi1> -> vector<16xi32>
      %add3A_822 = vector.broadcast %while3A_789 : i32 to vector<16xi32>
      %add3A_823 = arith.addi %masked_cumsum3A, %add3A_822 : vector<16xi32>
      %sub3A = arith.subi %add3A_823, %add3A_819 : vector<16xi32>
      %mul3A_824 = arith.constant 64 : i32
      %mul3A_825 = arith.muli %while3A_788, %mul3A_824 : i32
      %add3A_826 = arith.addi %mul3A_474, %mul3A_825 : i32
      %mul3A_827 = arith.constant 4 : i32
      %mul3A_828 = vector.broadcast %mul3A_827 : i32 to vector<16xi32>
      %mul3A_829 = arith.muli %iota3A, %mul3A_828 : vector<16xi32>
      %add3A_830 = vector.broadcast %add3A_826 : i32 to vector<16xi32>
      %add3A_831 = arith.addi %add3A_830, %mul3A_829 : vector<16xi32>
      %add3A_832 = arith.addi %sub3A, %and3A_799 : vector<16xi32>
      %gt3A = arith.constant 0 : i32
      %gt3A_833 = vector.broadcast %gt3A : i32 to vector<16xi32>
      %gt3A_834 = arith.cmpi sgt, %and3A_799, %gt3A_833 : vector<16xi32>
      %le3A = arith.constant 64 : i32
      %le3A_835 = vector.broadcast %le3A : i32 to vector<16xi32>
      %le3A_836 = arith.cmpi sle, %add3A_832, %le3A_835 : vector<16xi32>
      %and3A_837 = arith.andi %gt3A_834, %le3A_836 : vector<16xi1>
      %add3A_838 = arith.constant 192 : i32
      %add3A_839 = vector.broadcast %add3A_838 : i32 to vector<16xi32>
      %add3A_840 = arith.addi %add3A_839, %add3A_832 : vector<16xi32>
      %sub3A_841 = arith.constant 1 : i32
      %sub3A_842 = vector.broadcast %sub3A_841 : i32 to vector<16xi32>
      %sub3A_843 = arith.subi %add3A_840, %sub3A_842 : vector<16xi32>
      %add3A_844 = arith.constant 0 : i32
      %add3A_845 = vector.broadcast %add3A_844 : i32 to vector<16xi32>
      %add3A_846 = arith.addi %add3A_831, %add3A_845 : vector<16xi32>
      tpu.vector_store_idx %arg7[%sub3A_843], %add3A_846 masked %and3A_837 : memref<1024xi32, #tpu.memory_space<vmem>>[vector<16xi32>], vector<16xi32>, vector<16xi1>
      %add3A_847 = arith.addi %add3A_832, %and3A_804 : vector<16xi32>
      %gt3A_848 = arith.constant 0 : i32
      %gt3A_849 = vector.broadcast %gt3A_848 : i32 to vector<16xi32>
      %gt3A_850 = arith.cmpi sgt, %and3A_804, %gt3A_849 : vector<16xi32>
      %le3A_851 = arith.constant 64 : i32
      %le3A_852 = vector.broadcast %le3A_851 : i32 to vector<16xi32>
      %le3A_853 = arith.cmpi sle, %add3A_847, %le3A_852 : vector<16xi32>
      %and3A_854 = arith.andi %gt3A_850, %le3A_853 : vector<16xi1>
      %add3A_855 = arith.constant 192 : i32
      %add3A_856 = vector.broadcast %add3A_855 : i32 to vector<16xi32>
      %add3A_857 = arith.addi %add3A_856, %add3A_847 : vector<16xi32>
      %sub3A_858 = arith.constant 1 : i32
      %sub3A_859 = vector.broadcast %sub3A_858 : i32 to vector<16xi32>
      %sub3A_860 = arith.subi %add3A_857, %sub3A_859 : vector<16xi32>
      %add3A_861 = arith.constant 1 : i32
      %add3A_862 = vector.broadcast %add3A_861 : i32 to vector<16xi32>
      %add3A_863 = arith.addi %add3A_831, %add3A_862 : vector<16xi32>
      tpu.vector_store_idx %arg7[%sub3A_860], %add3A_863 masked %and3A_854 : memref<1024xi32, #tpu.memory_space<vmem>>[vector<16xi32>], vector<16xi32>, vector<16xi1>
      %add3A_864 = arith.addi %add3A_847, %and3A_810 : vector<16xi32>
      %gt3A_865 = arith.constant 0 : i32
      %gt3A_866 = vector.broadcast %gt3A_865 : i32 to vector<16xi32>
      %gt3A_867 = arith.cmpi sgt, %and3A_810, %gt3A_866 : vector<16xi32>
      %le3A_868 = arith.constant 64 : i32
      %le3A_869 = vector.broadcast %le3A_868 : i32 to vector<16xi32>
      %le3A_870 = arith.cmpi sle, %add3A_864, %le3A_869 : vector<16xi32>
      %and3A_871 = arith.andi %gt3A_867, %le3A_870 : vector<16xi1>
      %add3A_872 = arith.constant 192 : i32
      %add3A_873 = vector.broadcast %add3A_872 : i32 to vector<16xi32>
      %add3A_874 = arith.addi %add3A_873, %add3A_864 : vector<16xi32>
      %sub3A_875 = arith.constant 1 : i32
      %sub3A_876 = vector.broadcast %sub3A_875 : i32 to vector<16xi32>
      %sub3A_877 = arith.subi %add3A_874, %sub3A_876 : vector<16xi32>
      %add3A_878 = arith.constant 2 : i32
      %add3A_879 = vector.broadcast %add3A_878 : i32 to vector<16xi32>
      %add3A_880 = arith.addi %add3A_831, %add3A_879 : vector<16xi32>
      tpu.vector_store_idx %arg7[%sub3A_877], %add3A_880 masked %and3A_871 : memref<1024xi32, #tpu.memory_space<vmem>>[vector<16xi32>], vector<16xi32>, vector<16xi1>
      %add3A_881 = arith.addi %add3A_864, %and3A_816 : vector<16xi32>
      %gt3A_882 = arith.constant 0 : i32
      %gt3A_883 = vector.broadcast %gt3A_882 : i32 to vector<16xi32>
      %gt3A_884 = arith.cmpi sgt, %and3A_816, %gt3A_883 : vector<16xi32>
      %le3A_885 = arith.constant 64 : i32
      %le3A_886 = vector.broadcast %le3A_885 : i32 to vector<16xi32>
      %le3A_887 = arith.cmpi sle, %add3A_881, %le3A_886 : vector<16xi32>
      %and3A_888 = arith.andi %gt3A_884, %le3A_887 : vector<16xi1>
      %add3A_889 = arith.constant 192 : i32
      %add3A_890 = vector.broadcast %add3A_889 : i32 to vector<16xi32>
      %add3A_891 = arith.addi %add3A_890, %add3A_881 : vector<16xi32>
      %sub3A_892 = arith.constant 1 : i32
      %sub3A_893 = vector.broadcast %sub3A_892 : i32 to vector<16xi32>
      %sub3A_894 = arith.subi %add3A_891, %sub3A_893 : vector<16xi32>
      %add3A_895 = arith.constant 3 : i32
      %add3A_896 = vector.broadcast %add3A_895 : i32 to vector<16xi32>
      %add3A_897 = arith.addi %add3A_831, %add3A_896 : vector<16xi32>
      tpu.vector_store_idx %arg7[%sub3A_894], %add3A_897 masked %and3A_888 : memref<1024xi32, #tpu.memory_space<vmem>>[vector<16xi32>], vector<16xi32>, vector<16xi1>
      %add3A_898 = arith.constant 1 : i32
      %add3A_899 = arith.addi %while3A_788, %add3A_898 : i32
      %reduce_sum3A_900 = arith.constant true
      %reduce_sum3A_901 = vector.broadcast %reduce_sum3A_900 : i1 to vector<16xi1>
      %reduce_sum3A_902 = tpu.scan <sum>, %add3A_819 masked %reduce_sum3A_901 : vector<16xi32>, vector<16xi1> -> vector<16xi32>
      %reduce_sum3A_903 = vector.extract %reduce_sum3A_902[15] : i32 from vector<16xi32>
      %add3A_904 = arith.addi %while3A_789, %reduce_sum3A_903 : i32
      scf.yield %add3A_899, %add3A_904 : i32, i32
    }
    %min3A_478 = arith.constant 64 : i32
    %min3A_479 = arith.minsi %while3A_477#1, %min3A_478 : i32
    %broadcast_in_dim3A_480 = arith.constant 3 : i32
    %broadcast_in_dim3A_481 = vector.broadcast %broadcast_in_dim3A_480 : i32 to vector<16xi32>
    %broadcast_in_dim3A_482 = vector.broadcast %min3A_479 : i32 to vector<16xi32>
    %eq3A_483 = arith.constant 0 : i32
    %eq3A_484 = vector.broadcast %eq3A_483 : i32 to vector<16xi32>
    %eq3A_485 = arith.cmpi eq, %iota3A, %eq3A_484 : vector<16xi32>
    tpu.vector_store_idx %arg9[%broadcast_in_dim3A_481], %broadcast_in_dim3A_482 masked %eq3A_485 : memref<16xi32, #tpu.memory_space<vmem>>[vector<16xi32>], vector<16xi32>, vector<16xi1>
    %get3A_486 = arith.constant 0 : index
    %get3A_487 = tpu.vector_load %arg8[%get3A_486] {strides = array<i32>} : memref<16xi32, #tpu.memory_space<vmem>>, vector<16xi32>,
    %eq3A_488 = arith.constant 4 : i32
    %eq3A_489 = vector.broadcast %eq3A_488 : i32 to vector<16xi32>
    %eq3A_490 = arith.cmpi eq, %iota3A, %eq3A_489 : vector<16xi32>
    %jit3A_491 = arith.constant 0 : i32
    %broadcast_in_dim3A_492 = vector.broadcast %jit3A_491 : i32 to vector<16xi32>
    %select_n3A_493 = arith.select %eq3A_490, %get3A_487, %broadcast_in_dim3A_492 : vector<16xi1>, vector<16xi32>
    %reduce_sum3A_494 = arith.constant true
    %reduce_sum3A_495 = vector.broadcast %reduce_sum3A_494 : i1 to vector<16xi1>
    %reduce_sum3A_496 = tpu.scan <sum>, %select_n3A_493 masked %reduce_sum3A_495 : vector<16xi32>, vector<16xi1> -> vector<16xi32>
    %reduce_sum3A_497 = vector.extract %reduce_sum3A_496[15] : i32 from vector<16xi32>
    %mul3A_498 = arith.constant 2048 : i32
    %mul3A_499 = arith.muli %reduce_sum3A_497, %mul3A_498 : i32
    %while3A_500 = arith.constant 0 : i32
    %while3A_501 = arith.constant 0 : i32
    %while3A_502:2 = scf.while (%while3A_788 = %while3A_500, %while3A_789 = %while3A_501) : (i32, i32) -> (i32, i32) {
      %lt3A = arith.constant 32 : i32
      %lt3A_790 = arith.cmpi slt, %while3A_788, %lt3A : i32
      %lt3A_791 = arith.constant 64 : i32
      %lt3A_792 = arith.cmpi slt, %while3A_789, %lt3A_791 : i32
      %and3A = arith.andi %lt3A_790, %lt3A_792 : i1
      scf.condition(%and3A) %while3A_788, %while3A_789 : i32, i32
    } do {
    ^bb0(%while3A_788: i32, %while3A_789: i32):
      %mul3A_790 = arith.constant 4 : i32
      %mul3A_791 = arith.muli %while3A_788, %mul3A_790 : i32
      %mul3A_792 = arith.constant 16 : i32
      %mul3A_793 = arith.muli %mul3A_791, %mul3A_792 : i32
      %get3A_794 = arith.constant 4 : i32
      %get3A_795 = arith.index_cast %get3A_794 : i32 to index
      %get3A_796 = arith.index_cast %mul3A_793 : i32 to index
      %get3A_797 = tpu.vector_load %arg6[%get3A_795, %get3A_796] {strides = array<i32>} : memref<16x2048xi8, #tpu.memory_space<vmem>>, vector<64xi8>,
      %bitcast3A = vector.bitcast %get3A_797 : vector<64xi8> to vector<16xi32>
      %and3A = arith.constant 1 : i32
      %and3A_798 = vector.broadcast %and3A : i32 to vector<16xi32>
      %and3A_799 = arith.andi %bitcast3A, %and3A_798 : vector<16xi32>
      %shift_right_arithmetic3A = arith.constant 8 : i32
      %shift_right_arithmetic3A_800 = vector.broadcast %shift_right_arithmetic3A : i32 to vector<16xi32>
      %shift_right_arithmetic3A_801 = arith.shrsi %bitcast3A, %shift_right_arithmetic3A_800 : vector<16xi32>
      %and3A_802 = arith.constant 1 : i32
      %and3A_803 = vector.broadcast %and3A_802 : i32 to vector<16xi32>
      %and3A_804 = arith.andi %shift_right_arithmetic3A_801, %and3A_803 : vector<16xi32>
      %shift_right_arithmetic3A_805 = arith.constant 16 : i32
      %shift_right_arithmetic3A_806 = vector.broadcast %shift_right_arithmetic3A_805 : i32 to vector<16xi32>
      %shift_right_arithmetic3A_807 = arith.shrsi %bitcast3A, %shift_right_arithmetic3A_806 : vector<16xi32>
      %and3A_808 = arith.constant 1 : i32
      %and3A_809 = vector.broadcast %and3A_808 : i32 to vector<16xi32>
      %and3A_810 = arith.andi %shift_right_arithmetic3A_807, %and3A_809 : vector<16xi32>
      %shift_right_arithmetic3A_811 = arith.constant 24 : i32
      %shift_right_arithmetic3A_812 = vector.broadcast %shift_right_arithmetic3A_811 : i32 to vector<16xi32>
      %shift_right_arithmetic3A_813 = arith.shrsi %bitcast3A, %shift_right_arithmetic3A_812 : vector<16xi32>
      %and3A_814 = arith.constant 1 : i32
      %and3A_815 = vector.broadcast %and3A_814 : i32 to vector<16xi32>
      %and3A_816 = arith.andi %shift_right_arithmetic3A_813, %and3A_815 : vector<16xi32>
      %add3A_817 = arith.addi %and3A_799, %and3A_804 : vector<16xi32>
      %add3A_818 = arith.addi %add3A_817, %and3A_810 : vector<16xi32>
      %add3A_819 = arith.addi %add3A_818, %and3A_816 : vector<16xi32>
      %broadcast_in_dim3A_820 = arith.constant true
      %broadcast_in_dim3A_821 = vector.broadcast %broadcast_in_dim3A_820 : i1 to vector<16xi1>
      %masked_cumsum3A = tpu.scan <sum>, %add3A_819 masked %broadcast_in_dim3A_821 : vector<16xi32>, vector<16xi1> -> vector<16xi32>
      %add3A_822 = vector.broadcast %while3A_789 : i32 to vector<16xi32>
      %add3A_823 = arith.addi %masked_cumsum3A, %add3A_822 : vector<16xi32>
      %sub3A = arith.subi %add3A_823, %add3A_819 : vector<16xi32>
      %mul3A_824 = arith.constant 64 : i32
      %mul3A_825 = arith.muli %while3A_788, %mul3A_824 : i32
      %add3A_826 = arith.addi %mul3A_499, %mul3A_825 : i32
      %mul3A_827 = arith.constant 4 : i32
      %mul3A_828 = vector.broadcast %mul3A_827 : i32 to vector<16xi32>
      %mul3A_829 = arith.muli %iota3A, %mul3A_828 : vector<16xi32>
      %add3A_830 = vector.broadcast %add3A_826 : i32 to vector<16xi32>
      %add3A_831 = arith.addi %add3A_830, %mul3A_829 : vector<16xi32>
      %add3A_832 = arith.addi %sub3A, %and3A_799 : vector<16xi32>
      %gt3A = arith.constant 0 : i32
      %gt3A_833 = vector.broadcast %gt3A : i32 to vector<16xi32>
      %gt3A_834 = arith.cmpi sgt, %and3A_799, %gt3A_833 : vector<16xi32>
      %le3A = arith.constant 64 : i32
      %le3A_835 = vector.broadcast %le3A : i32 to vector<16xi32>
      %le3A_836 = arith.cmpi sle, %add3A_832, %le3A_835 : vector<16xi32>
      %and3A_837 = arith.andi %gt3A_834, %le3A_836 : vector<16xi1>
      %add3A_838 = arith.constant 256 : i32
      %add3A_839 = vector.broadcast %add3A_838 : i32 to vector<16xi32>
      %add3A_840 = arith.addi %add3A_839, %add3A_832 : vector<16xi32>
      %sub3A_841 = arith.constant 1 : i32
      %sub3A_842 = vector.broadcast %sub3A_841 : i32 to vector<16xi32>
      %sub3A_843 = arith.subi %add3A_840, %sub3A_842 : vector<16xi32>
      %add3A_844 = arith.constant 0 : i32
      %add3A_845 = vector.broadcast %add3A_844 : i32 to vector<16xi32>
      %add3A_846 = arith.addi %add3A_831, %add3A_845 : vector<16xi32>
      tpu.vector_store_idx %arg7[%sub3A_843], %add3A_846 masked %and3A_837 : memref<1024xi32, #tpu.memory_space<vmem>>[vector<16xi32>], vector<16xi32>, vector<16xi1>
      %add3A_847 = arith.addi %add3A_832, %and3A_804 : vector<16xi32>
      %gt3A_848 = arith.constant 0 : i32
      %gt3A_849 = vector.broadcast %gt3A_848 : i32 to vector<16xi32>
      %gt3A_850 = arith.cmpi sgt, %and3A_804, %gt3A_849 : vector<16xi32>
      %le3A_851 = arith.constant 64 : i32
      %le3A_852 = vector.broadcast %le3A_851 : i32 to vector<16xi32>
      %le3A_853 = arith.cmpi sle, %add3A_847, %le3A_852 : vector<16xi32>
      %and3A_854 = arith.andi %gt3A_850, %le3A_853 : vector<16xi1>
      %add3A_855 = arith.constant 256 : i32
      %add3A_856 = vector.broadcast %add3A_855 : i32 to vector<16xi32>
      %add3A_857 = arith.addi %add3A_856, %add3A_847 : vector<16xi32>
      %sub3A_858 = arith.constant 1 : i32
      %sub3A_859 = vector.broadcast %sub3A_858 : i32 to vector<16xi32>
      %sub3A_860 = arith.subi %add3A_857, %sub3A_859 : vector<16xi32>
      %add3A_861 = arith.constant 1 : i32
      %add3A_862 = vector.broadcast %add3A_861 : i32 to vector<16xi32>
      %add3A_863 = arith.addi %add3A_831, %add3A_862 : vector<16xi32>
      tpu.vector_store_idx %arg7[%sub3A_860], %add3A_863 masked %and3A_854 : memref<1024xi32, #tpu.memory_space<vmem>>[vector<16xi32>], vector<16xi32>, vector<16xi1>
      %add3A_864 = arith.addi %add3A_847, %and3A_810 : vector<16xi32>
      %gt3A_865 = arith.constant 0 : i32
      %gt3A_866 = vector.broadcast %gt3A_865 : i32 to vector<16xi32>
      %gt3A_867 = arith.cmpi sgt, %and3A_810, %gt3A_866 : vector<16xi32>
      %le3A_868 = arith.constant 64 : i32
      %le3A_869 = vector.broadcast %le3A_868 : i32 to vector<16xi32>
      %le3A_870 = arith.cmpi sle, %add3A_864, %le3A_869 : vector<16xi32>
      %and3A_871 = arith.andi %gt3A_867, %le3A_870 : vector<16xi1>
      %add3A_872 = arith.constant 256 : i32
      %add3A_873 = vector.broadcast %add3A_872 : i32 to vector<16xi32>
      %add3A_874 = arith.addi %add3A_873, %add3A_864 : vector<16xi32>
      %sub3A_875 = arith.constant 1 : i32
      %sub3A_876 = vector.broadcast %sub3A_875 : i32 to vector<16xi32>
      %sub3A_877 = arith.subi %add3A_874, %sub3A_876 : vector<16xi32>
      %add3A_878 = arith.constant 2 : i32
      %add3A_879 = vector.broadcast %add3A_878 : i32 to vector<16xi32>
      %add3A_880 = arith.addi %add3A_831, %add3A_879 : vector<16xi32>
      tpu.vector_store_idx %arg7[%sub3A_877], %add3A_880 masked %and3A_871 : memref<1024xi32, #tpu.memory_space<vmem>>[vector<16xi32>], vector<16xi32>, vector<16xi1>
      %add3A_881 = arith.addi %add3A_864, %and3A_816 : vector<16xi32>
      %gt3A_882 = arith.constant 0 : i32
      %gt3A_883 = vector.broadcast %gt3A_882 : i32 to vector<16xi32>
      %gt3A_884 = arith.cmpi sgt, %and3A_816, %gt3A_883 : vector<16xi32>
      %le3A_885 = arith.constant 64 : i32
      %le3A_886 = vector.broadcast %le3A_885 : i32 to vector<16xi32>
      %le3A_887 = arith.cmpi sle, %add3A_881, %le3A_886 : vector<16xi32>
      %and3A_888 = arith.andi %gt3A_884, %le3A_887 : vector<16xi1>
      %add3A_889 = arith.constant 256 : i32
      %add3A_890 = vector.broadcast %add3A_889 : i32 to vector<16xi32>
      %add3A_891 = arith.addi %add3A_890, %add3A_881 : vector<16xi32>
      %sub3A_892 = arith.constant 1 : i32
      %sub3A_893 = vector.broadcast %sub3A_892 : i32 to vector<16xi32>
      %sub3A_894 = arith.subi %add3A_891, %sub3A_893 : vector<16xi32>
      %add3A_895 = arith.constant 3 : i32
      %add3A_896 = vector.broadcast %add3A_895 : i32 to vector<16xi32>
      %add3A_897 = arith.addi %add3A_831, %add3A_896 : vector<16xi32>
      tpu.vector_store_idx %arg7[%sub3A_894], %add3A_897 masked %and3A_888 : memref<1024xi32, #tpu.memory_space<vmem>>[vector<16xi32>], vector<16xi32>, vector<16xi1>
      %add3A_898 = arith.constant 1 : i32
      %add3A_899 = arith.addi %while3A_788, %add3A_898 : i32
      %reduce_sum3A_900 = arith.constant true
      %reduce_sum3A_901 = vector.broadcast %reduce_sum3A_900 : i1 to vector<16xi1>
      %reduce_sum3A_902 = tpu.scan <sum>, %add3A_819 masked %reduce_sum3A_901 : vector<16xi32>, vector<16xi1> -> vector<16xi32>
      %reduce_sum3A_903 = vector.extract %reduce_sum3A_902[15] : i32 from vector<16xi32>
      %add3A_904 = arith.addi %while3A_789, %reduce_sum3A_903 : i32
      scf.yield %add3A_899, %add3A_904 : i32, i32
    }
    %min3A_503 = arith.constant 64 : i32
    %min3A_504 = arith.minsi %while3A_502#1, %min3A_503 : i32
    %broadcast_in_dim3A_505 = arith.constant 4 : i32
    %broadcast_in_dim3A_506 = vector.broadcast %broadcast_in_dim3A_505 : i32 to vector<16xi32>
    %broadcast_in_dim3A_507 = vector.broadcast %min3A_504 : i32 to vector<16xi32>
    %eq3A_508 = arith.constant 0 : i32
    %eq3A_509 = vector.broadcast %eq3A_508 : i32 to vector<16xi32>
    %eq3A_510 = arith.cmpi eq, %iota3A, %eq3A_509 : vector<16xi32>
    tpu.vector_store_idx %arg9[%broadcast_in_dim3A_506], %broadcast_in_dim3A_507 masked %eq3A_510 : memref<16xi32, #tpu.memory_space<vmem>>[vector<16xi32>], vector<16xi32>, vector<16xi1>
    %get3A_511 = arith.constant 0 : index
    %get3A_512 = tpu.vector_load %arg8[%get3A_511] {strides = array<i32>} : memref<16xi32, #tpu.memory_space<vmem>>, vector<16xi32>,
    %eq3A_513 = arith.constant 5 : i32
    %eq3A_514 = vector.broadcast %eq3A_513 : i32 to vector<16xi32>
    %eq3A_515 = arith.cmpi eq, %iota3A, %eq3A_514 : vector<16xi32>
    %jit3A_516 = arith.constant 0 : i32
    %broadcast_in_dim3A_517 = vector.broadcast %jit3A_516 : i32 to vector<16xi32>
    %select_n3A_518 = arith.select %eq3A_515, %get3A_512, %broadcast_in_dim3A_517 : vector<16xi1>, vector<16xi32>
    %reduce_sum3A_519 = arith.constant true
    %reduce_sum3A_520 = vector.broadcast %reduce_sum3A_519 : i1 to vector<16xi1>
    %reduce_sum3A_521 = tpu.scan <sum>, %select_n3A_518 masked %reduce_sum3A_520 : vector<16xi32>, vector<16xi1> -> vector<16xi32>
    %reduce_sum3A_522 = vector.extract %reduce_sum3A_521[15] : i32 from vector<16xi32>
    %mul3A_523 = arith.constant 2048 : i32
    %mul3A_524 = arith.muli %reduce_sum3A_522, %mul3A_523 : i32
    %while3A_525 = arith.constant 0 : i32
    %while3A_526 = arith.constant 0 : i32
    %while3A_527:2 = scf.while (%while3A_788 = %while3A_525, %while3A_789 = %while3A_526) : (i32, i32) -> (i32, i32) {
      %lt3A = arith.constant 32 : i32
      %lt3A_790 = arith.cmpi slt, %while3A_788, %lt3A : i32
      %lt3A_791 = arith.constant 64 : i32
      %lt3A_792 = arith.cmpi slt, %while3A_789, %lt3A_791 : i32
      %and3A = arith.andi %lt3A_790, %lt3A_792 : i1
      scf.condition(%and3A) %while3A_788, %while3A_789 : i32, i32
    } do {
    ^bb0(%while3A_788: i32, %while3A_789: i32):
      %mul3A_790 = arith.constant 4 : i32
      %mul3A_791 = arith.muli %while3A_788, %mul3A_790 : i32
      %mul3A_792 = arith.constant 16 : i32
      %mul3A_793 = arith.muli %mul3A_791, %mul3A_792 : i32
      %get3A_794 = arith.constant 5 : i32
      %get3A_795 = arith.index_cast %get3A_794 : i32 to index
      %get3A_796 = arith.index_cast %mul3A_793 : i32 to index
      %get3A_797 = tpu.vector_load %arg6[%get3A_795, %get3A_796] {strides = array<i32>} : memref<16x2048xi8, #tpu.memory_space<vmem>>, vector<64xi8>,
      %bitcast3A = vector.bitcast %get3A_797 : vector<64xi8> to vector<16xi32>
      %and3A = arith.constant 1 : i32
      %and3A_798 = vector.broadcast %and3A : i32 to vector<16xi32>
      %and3A_799 = arith.andi %bitcast3A, %and3A_798 : vector<16xi32>
      %shift_right_arithmetic3A = arith.constant 8 : i32
      %shift_right_arithmetic3A_800 = vector.broadcast %shift_right_arithmetic3A : i32 to vector<16xi32>
      %shift_right_arithmetic3A_801 = arith.shrsi %bitcast3A, %shift_right_arithmetic3A_800 : vector<16xi32>
      %and3A_802 = arith.constant 1 : i32
      %and3A_803 = vector.broadcast %and3A_802 : i32 to vector<16xi32>
      %and3A_804 = arith.andi %shift_right_arithmetic3A_801, %and3A_803 : vector<16xi32>
      %shift_right_arithmetic3A_805 = arith.constant 16 : i32
      %shift_right_arithmetic3A_806 = vector.broadcast %shift_right_arithmetic3A_805 : i32 to vector<16xi32>
      %shift_right_arithmetic3A_807 = arith.shrsi %bitcast3A, %shift_right_arithmetic3A_806 : vector<16xi32>
      %and3A_808 = arith.constant 1 : i32
      %and3A_809 = vector.broadcast %and3A_808 : i32 to vector<16xi32>
      %and3A_810 = arith.andi %shift_right_arithmetic3A_807, %and3A_809 : vector<16xi32>
      %shift_right_arithmetic3A_811 = arith.constant 24 : i32
      %shift_right_arithmetic3A_812 = vector.broadcast %shift_right_arithmetic3A_811 : i32 to vector<16xi32>
      %shift_right_arithmetic3A_813 = arith.shrsi %bitcast3A, %shift_right_arithmetic3A_812 : vector<16xi32>
      %and3A_814 = arith.constant 1 : i32
      %and3A_815 = vector.broadcast %and3A_814 : i32 to vector<16xi32>
      %and3A_816 = arith.andi %shift_right_arithmetic3A_813, %and3A_815 : vector<16xi32>
      %add3A_817 = arith.addi %and3A_799, %and3A_804 : vector<16xi32>
      %add3A_818 = arith.addi %add3A_817, %and3A_810 : vector<16xi32>
      %add3A_819 = arith.addi %add3A_818, %and3A_816 : vector<16xi32>
      %broadcast_in_dim3A_820 = arith.constant true
      %broadcast_in_dim3A_821 = vector.broadcast %broadcast_in_dim3A_820 : i1 to vector<16xi1>
      %masked_cumsum3A = tpu.scan <sum>, %add3A_819 masked %broadcast_in_dim3A_821 : vector<16xi32>, vector<16xi1> -> vector<16xi32>
      %add3A_822 = vector.broadcast %while3A_789 : i32 to vector<16xi32>
      %add3A_823 = arith.addi %masked_cumsum3A, %add3A_822 : vector<16xi32>
      %sub3A = arith.subi %add3A_823, %add3A_819 : vector<16xi32>
      %mul3A_824 = arith.constant 64 : i32
      %mul3A_825 = arith.muli %while3A_788, %mul3A_824 : i32
      %add3A_826 = arith.addi %mul3A_524, %mul3A_825 : i32
      %mul3A_827 = arith.constant 4 : i32
      %mul3A_828 = vector.broadcast %mul3A_827 : i32 to vector<16xi32>
      %mul3A_829 = arith.muli %iota3A, %mul3A_828 : vector<16xi32>
      %add3A_830 = vector.broadcast %add3A_826 : i32 to vector<16xi32>
      %add3A_831 = arith.addi %add3A_830, %mul3A_829 : vector<16xi32>
      %add3A_832 = arith.addi %sub3A, %and3A_799 : vector<16xi32>
      %gt3A = arith.constant 0 : i32
      %gt3A_833 = vector.broadcast %gt3A : i32 to vector<16xi32>
      %gt3A_834 = arith.cmpi sgt, %and3A_799, %gt3A_833 : vector<16xi32>
      %le3A = arith.constant 64 : i32
      %le3A_835 = vector.broadcast %le3A : i32 to vector<16xi32>
      %le3A_836 = arith.cmpi sle, %add3A_832, %le3A_835 : vector<16xi32>
      %and3A_837 = arith.andi %gt3A_834, %le3A_836 : vector<16xi1>
      %add3A_838 = arith.constant 320 : i32
      %add3A_839 = vector.broadcast %add3A_838 : i32 to vector<16xi32>
      %add3A_840 = arith.addi %add3A_839, %add3A_832 : vector<16xi32>
      %sub3A_841 = arith.constant 1 : i32
      %sub3A_842 = vector.broadcast %sub3A_841 : i32 to vector<16xi32>
      %sub3A_843 = arith.subi %add3A_840, %sub3A_842 : vector<16xi32>
      %add3A_844 = arith.constant 0 : i32
      %add3A_845 = vector.broadcast %add3A_844 : i32 to vector<16xi32>
      %add3A_846 = arith.addi %add3A_831, %add3A_845 : vector<16xi32>
      tpu.vector_store_idx %arg7[%sub3A_843], %add3A_846 masked %and3A_837 : memref<1024xi32, #tpu.memory_space<vmem>>[vector<16xi32>], vector<16xi32>, vector<16xi1>
      %add3A_847 = arith.addi %add3A_832, %and3A_804 : vector<16xi32>
      %gt3A_848 = arith.constant 0 : i32
      %gt3A_849 = vector.broadcast %gt3A_848 : i32 to vector<16xi32>
      %gt3A_850 = arith.cmpi sgt, %and3A_804, %gt3A_849 : vector<16xi32>
      %le3A_851 = arith.constant 64 : i32
      %le3A_852 = vector.broadcast %le3A_851 : i32 to vector<16xi32>
      %le3A_853 = arith.cmpi sle, %add3A_847, %le3A_852 : vector<16xi32>
      %and3A_854 = arith.andi %gt3A_850, %le3A_853 : vector<16xi1>
      %add3A_855 = arith.constant 320 : i32
      %add3A_856 = vector.broadcast %add3A_855 : i32 to vector<16xi32>
      %add3A_857 = arith.addi %add3A_856, %add3A_847 : vector<16xi32>
      %sub3A_858 = arith.constant 1 : i32
      %sub3A_859 = vector.broadcast %sub3A_858 : i32 to vector<16xi32>
      %sub3A_860 = arith.subi %add3A_857, %sub3A_859 : vector<16xi32>
      %add3A_861 = arith.constant 1 : i32
      %add3A_862 = vector.broadcast %add3A_861 : i32 to vector<16xi32>
      %add3A_863 = arith.addi %add3A_831, %add3A_862 : vector<16xi32>
      tpu.vector_store_idx %arg7[%sub3A_860], %add3A_863 masked %and3A_854 : memref<1024xi32, #tpu.memory_space<vmem>>[vector<16xi32>], vector<16xi32>, vector<16xi1>
      %add3A_864 = arith.addi %add3A_847, %and3A_810 : vector<16xi32>
      %gt3A_865 = arith.constant 0 : i32
      %gt3A_866 = vector.broadcast %gt3A_865 : i32 to vector<16xi32>
      %gt3A_867 = arith.cmpi sgt, %and3A_810, %gt3A_866 : vector<16xi32>
      %le3A_868 = arith.constant 64 : i32
      %le3A_869 = vector.broadcast %le3A_868 : i32 to vector<16xi32>
      %le3A_870 = arith.cmpi sle, %add3A_864, %le3A_869 : vector<16xi32>
      %and3A_871 = arith.andi %gt3A_867, %le3A_870 : vector<16xi1>
      %add3A_872 = arith.constant 320 : i32
      %add3A_873 = vector.broadcast %add3A_872 : i32 to vector<16xi32>
      %add3A_874 = arith.addi %add3A_873, %add3A_864 : vector<16xi32>
      %sub3A_875 = arith.constant 1 : i32
      %sub3A_876 = vector.broadcast %sub3A_875 : i32 to vector<16xi32>
      %sub3A_877 = arith.subi %add3A_874, %sub3A_876 : vector<16xi32>
      %add3A_878 = arith.constant 2 : i32
      %add3A_879 = vector.broadcast %add3A_878 : i32 to vector<16xi32>
      %add3A_880 = arith.addi %add3A_831, %add3A_879 : vector<16xi32>
      tpu.vector_store_idx %arg7[%sub3A_877], %add3A_880 masked %and3A_871 : memref<1024xi32, #tpu.memory_space<vmem>>[vector<16xi32>], vector<16xi32>, vector<16xi1>
      %add3A_881 = arith.addi %add3A_864, %and3A_816 : vector<16xi32>
      %gt3A_882 = arith.constant 0 : i32
      %gt3A_883 = vector.broadcast %gt3A_882 : i32 to vector<16xi32>
      %gt3A_884 = arith.cmpi sgt, %and3A_816, %gt3A_883 : vector<16xi32>
      %le3A_885 = arith.constant 64 : i32
      %le3A_886 = vector.broadcast %le3A_885 : i32 to vector<16xi32>
      %le3A_887 = arith.cmpi sle, %add3A_881, %le3A_886 : vector<16xi32>
      %and3A_888 = arith.andi %gt3A_884, %le3A_887 : vector<16xi1>
      %add3A_889 = arith.constant 320 : i32
      %add3A_890 = vector.broadcast %add3A_889 : i32 to vector<16xi32>
      %add3A_891 = arith.addi %add3A_890, %add3A_881 : vector<16xi32>
      %sub3A_892 = arith.constant 1 : i32
      %sub3A_893 = vector.broadcast %sub3A_892 : i32 to vector<16xi32>
      %sub3A_894 = arith.subi %add3A_891, %sub3A_893 : vector<16xi32>
      %add3A_895 = arith.constant 3 : i32
      %add3A_896 = vector.broadcast %add3A_895 : i32 to vector<16xi32>
      %add3A_897 = arith.addi %add3A_831, %add3A_896 : vector<16xi32>
      tpu.vector_store_idx %arg7[%sub3A_894], %add3A_897 masked %and3A_888 : memref<1024xi32, #tpu.memory_space<vmem>>[vector<16xi32>], vector<16xi32>, vector<16xi1>
      %add3A_898 = arith.constant 1 : i32
      %add3A_899 = arith.addi %while3A_788, %add3A_898 : i32
      %reduce_sum3A_900 = arith.constant true
      %reduce_sum3A_901 = vector.broadcast %reduce_sum3A_900 : i1 to vector<16xi1>
      %reduce_sum3A_902 = tpu.scan <sum>, %add3A_819 masked %reduce_sum3A_901 : vector<16xi32>, vector<16xi1> -> vector<16xi32>
      %reduce_sum3A_903 = vector.extract %reduce_sum3A_902[15] : i32 from vector<16xi32>
      %add3A_904 = arith.addi %while3A_789, %reduce_sum3A_903 : i32
      scf.yield %add3A_899, %add3A_904 : i32, i32
    }
    %min3A_528 = arith.constant 64 : i32
    %min3A_529 = arith.minsi %while3A_527#1, %min3A_528 : i32
    %broadcast_in_dim3A_530 = arith.constant 5 : i32
    %broadcast_in_dim3A_531 = vector.broadcast %broadcast_in_dim3A_530 : i32 to vector<16xi32>
    %broadcast_in_dim3A_532 = vector.broadcast %min3A_529 : i32 to vector<16xi32>
    %eq3A_533 = arith.constant 0 : i32
    %eq3A_534 = vector.broadcast %eq3A_533 : i32 to vector<16xi32>
    %eq3A_535 = arith.cmpi eq, %iota3A, %eq3A_534 : vector<16xi32>
    tpu.vector_store_idx %arg9[%broadcast_in_dim3A_531], %broadcast_in_dim3A_532 masked %eq3A_535 : memref<16xi32, #tpu.memory_space<vmem>>[vector<16xi32>], vector<16xi32>, vector<16xi1>
    %get3A_536 = arith.constant 0 : index
    %get3A_537 = tpu.vector_load %arg8[%get3A_536] {strides = array<i32>} : memref<16xi32, #tpu.memory_space<vmem>>, vector<16xi32>,
    %eq3A_538 = arith.constant 6 : i32
    %eq3A_539 = vector.broadcast %eq3A_538 : i32 to vector<16xi32>
    %eq3A_540 = arith.cmpi eq, %iota3A, %eq3A_539 : vector<16xi32>
    %jit3A_541 = arith.constant 0 : i32
    %broadcast_in_dim3A_542 = vector.broadcast %jit3A_541 : i32 to vector<16xi32>
    %select_n3A_543 = arith.select %eq3A_540, %get3A_537, %broadcast_in_dim3A_542 : vector<16xi1>, vector<16xi32>
    %reduce_sum3A_544 = arith.constant true
    %reduce_sum3A_545 = vector.broadcast %reduce_sum3A_544 : i1 to vector<16xi1>
    %reduce_sum3A_546 = tpu.scan <sum>, %select_n3A_543 masked %reduce_sum3A_545 : vector<16xi32>, vector<16xi1> -> vector<16xi32>
    %reduce_sum3A_547 = vector.extract %reduce_sum3A_546[15] : i32 from vector<16xi32>
    %mul3A_548 = arith.constant 2048 : i32
    %mul3A_549 = arith.muli %reduce_sum3A_547, %mul3A_548 : i32
    %while3A_550 = arith.constant 0 : i32
    %while3A_551 = arith.constant 0 : i32
    %while3A_552:2 = scf.while (%while3A_788 = %while3A_550, %while3A_789 = %while3A_551) : (i32, i32) -> (i32, i32) {
      %lt3A = arith.constant 32 : i32
      %lt3A_790 = arith.cmpi slt, %while3A_788, %lt3A : i32
      %lt3A_791 = arith.constant 64 : i32
      %lt3A_792 = arith.cmpi slt, %while3A_789, %lt3A_791 : i32
      %and3A = arith.andi %lt3A_790, %lt3A_792 : i1
      scf.condition(%and3A) %while3A_788, %while3A_789 : i32, i32
    } do {
    ^bb0(%while3A_788: i32, %while3A_789: i32):
      %mul3A_790 = arith.constant 4 : i32
      %mul3A_791 = arith.muli %while3A_788, %mul3A_790 : i32
      %mul3A_792 = arith.constant 16 : i32
      %mul3A_793 = arith.muli %mul3A_791, %mul3A_792 : i32
      %get3A_794 = arith.constant 6 : i32
      %get3A_795 = arith.index_cast %get3A_794 : i32 to index
      %get3A_796 = arith.index_cast %mul3A_793 : i32 to index
      %get3A_797 = tpu.vector_load %arg6[%get3A_795, %get3A_796] {strides = array<i32>} : memref<16x2048xi8, #tpu.memory_space<vmem>>, vector<64xi8>,
      %bitcast3A = vector.bitcast %get3A_797 : vector<64xi8> to vector<16xi32>
      %and3A = arith.constant 1 : i32
      %and3A_798 = vector.broadcast %and3A : i32 to vector<16xi32>
      %and3A_799 = arith.andi %bitcast3A, %and3A_798 : vector<16xi32>
      %shift_right_arithmetic3A = arith.constant 8 : i32
      %shift_right_arithmetic3A_800 = vector.broadcast %shift_right_arithmetic3A : i32 to vector<16xi32>
      %shift_right_arithmetic3A_801 = arith.shrsi %bitcast3A, %shift_right_arithmetic3A_800 : vector<16xi32>
      %and3A_802 = arith.constant 1 : i32
      %and3A_803 = vector.broadcast %and3A_802 : i32 to vector<16xi32>
      %and3A_804 = arith.andi %shift_right_arithmetic3A_801, %and3A_803 : vector<16xi32>
      %shift_right_arithmetic3A_805 = arith.constant 16 : i32
      %shift_right_arithmetic3A_806 = vector.broadcast %shift_right_arithmetic3A_805 : i32 to vector<16xi32>
      %shift_right_arithmetic3A_807 = arith.shrsi %bitcast3A, %shift_right_arithmetic3A_806 : vector<16xi32>
      %and3A_808 = arith.constant 1 : i32
      %and3A_809 = vector.broadcast %and3A_808 : i32 to vector<16xi32>
      %and3A_810 = arith.andi %shift_right_arithmetic3A_807, %and3A_809 : vector<16xi32>
      %shift_right_arithmetic3A_811 = arith.constant 24 : i32
      %shift_right_arithmetic3A_812 = vector.broadcast %shift_right_arithmetic3A_811 : i32 to vector<16xi32>
      %shift_right_arithmetic3A_813 = arith.shrsi %bitcast3A, %shift_right_arithmetic3A_812 : vector<16xi32>
      %and3A_814 = arith.constant 1 : i32
      %and3A_815 = vector.broadcast %and3A_814 : i32 to vector<16xi32>
      %and3A_816 = arith.andi %shift_right_arithmetic3A_813, %and3A_815 : vector<16xi32>
      %add3A_817 = arith.addi %and3A_799, %and3A_804 : vector<16xi32>
      %add3A_818 = arith.addi %add3A_817, %and3A_810 : vector<16xi32>
      %add3A_819 = arith.addi %add3A_818, %and3A_816 : vector<16xi32>
      %broadcast_in_dim3A_820 = arith.constant true
      %broadcast_in_dim3A_821 = vector.broadcast %broadcast_in_dim3A_820 : i1 to vector<16xi1>
      %masked_cumsum3A = tpu.scan <sum>, %add3A_819 masked %broadcast_in_dim3A_821 : vector<16xi32>, vector<16xi1> -> vector<16xi32>
      %add3A_822 = vector.broadcast %while3A_789 : i32 to vector<16xi32>
      %add3A_823 = arith.addi %masked_cumsum3A, %add3A_822 : vector<16xi32>
      %sub3A = arith.subi %add3A_823, %add3A_819 : vector<16xi32>
      %mul3A_824 = arith.constant 64 : i32
      %mul3A_825 = arith.muli %while3A_788, %mul3A_824 : i32
      %add3A_826 = arith.addi %mul3A_549, %mul3A_825 : i32
      %mul3A_827 = arith.constant 4 : i32
      %mul3A_828 = vector.broadcast %mul3A_827 : i32 to vector<16xi32>
      %mul3A_829 = arith.muli %iota3A, %mul3A_828 : vector<16xi32>
      %add3A_830 = vector.broadcast %add3A_826 : i32 to vector<16xi32>
      %add3A_831 = arith.addi %add3A_830, %mul3A_829 : vector<16xi32>
      %add3A_832 = arith.addi %sub3A, %and3A_799 : vector<16xi32>
      %gt3A = arith.constant 0 : i32
      %gt3A_833 = vector.broadcast %gt3A : i32 to vector<16xi32>
      %gt3A_834 = arith.cmpi sgt, %and3A_799, %gt3A_833 : vector<16xi32>
      %le3A = arith.constant 64 : i32
      %le3A_835 = vector.broadcast %le3A : i32 to vector<16xi32>
      %le3A_836 = arith.cmpi sle, %add3A_832, %le3A_835 : vector<16xi32>
      %and3A_837 = arith.andi %gt3A_834, %le3A_836 : vector<16xi1>
      %add3A_838 = arith.constant 384 : i32
      %add3A_839 = vector.broadcast %add3A_838 : i32 to vector<16xi32>
      %add3A_840 = arith.addi %add3A_839, %add3A_832 : vector<16xi32>
      %sub3A_841 = arith.constant 1 : i32
      %sub3A_842 = vector.broadcast %sub3A_841 : i32 to vector<16xi32>
      %sub3A_843 = arith.subi %add3A_840, %sub3A_842 : vector<16xi32>
      %add3A_844 = arith.constant 0 : i32
      %add3A_845 = vector.broadcast %add3A_844 : i32 to vector<16xi32>
      %add3A_846 = arith.addi %add3A_831, %add3A_845 : vector<16xi32>
      tpu.vector_store_idx %arg7[%sub3A_843], %add3A_846 masked %and3A_837 : memref<1024xi32, #tpu.memory_space<vmem>>[vector<16xi32>], vector<16xi32>, vector<16xi1>
      %add3A_847 = arith.addi %add3A_832, %and3A_804 : vector<16xi32>
      %gt3A_848 = arith.constant 0 : i32
      %gt3A_849 = vector.broadcast %gt3A_848 : i32 to vector<16xi32>
      %gt3A_850 = arith.cmpi sgt, %and3A_804, %gt3A_849 : vector<16xi32>
      %le3A_851 = arith.constant 64 : i32
      %le3A_852 = vector.broadcast %le3A_851 : i32 to vector<16xi32>
      %le3A_853 = arith.cmpi sle, %add3A_847, %le3A_852 : vector<16xi32>
      %and3A_854 = arith.andi %gt3A_850, %le3A_853 : vector<16xi1>
      %add3A_855 = arith.constant 384 : i32
      %add3A_856 = vector.broadcast %add3A_855 : i32 to vector<16xi32>
      %add3A_857 = arith.addi %add3A_856, %add3A_847 : vector<16xi32>
      %sub3A_858 = arith.constant 1 : i32
      %sub3A_859 = vector.broadcast %sub3A_858 : i32 to vector<16xi32>
      %sub3A_860 = arith.subi %add3A_857, %sub3A_859 : vector<16xi32>
      %add3A_861 = arith.constant 1 : i32
      %add3A_862 = vector.broadcast %add3A_861 : i32 to vector<16xi32>
      %add3A_863 = arith.addi %add3A_831, %add3A_862 : vector<16xi32>
      tpu.vector_store_idx %arg7[%sub3A_860], %add3A_863 masked %and3A_854 : memref<1024xi32, #tpu.memory_space<vmem>>[vector<16xi32>], vector<16xi32>, vector<16xi1>
      %add3A_864 = arith.addi %add3A_847, %and3A_810 : vector<16xi32>
      %gt3A_865 = arith.constant 0 : i32
      %gt3A_866 = vector.broadcast %gt3A_865 : i32 to vector<16xi32>
      %gt3A_867 = arith.cmpi sgt, %and3A_810, %gt3A_866 : vector<16xi32>
      %le3A_868 = arith.constant 64 : i32
      %le3A_869 = vector.broadcast %le3A_868 : i32 to vector<16xi32>
      %le3A_870 = arith.cmpi sle, %add3A_864, %le3A_869 : vector<16xi32>
      %and3A_871 = arith.andi %gt3A_867, %le3A_870 : vector<16xi1>
      %add3A_872 = arith.constant 384 : i32
      %add3A_873 = vector.broadcast %add3A_872 : i32 to vector<16xi32>
      %add3A_874 = arith.addi %add3A_873, %add3A_864 : vector<16xi32>
      %sub3A_875 = arith.constant 1 : i32
      %sub3A_876 = vector.broadcast %sub3A_875 : i32 to vector<16xi32>
      %sub3A_877 = arith.subi %add3A_874, %sub3A_876 : vector<16xi32>
      %add3A_878 = arith.constant 2 : i32
      %add3A_879 = vector.broadcast %add3A_878 : i32 to vector<16xi32>
      %add3A_880 = arith.addi %add3A_831, %add3A_879 : vector<16xi32>
      tpu.vector_store_idx %arg7[%sub3A_877], %add3A_880 masked %and3A_871 : memref<1024xi32, #tpu.memory_space<vmem>>[vector<16xi32>], vector<16xi32>, vector<16xi1>
      %add3A_881 = arith.addi %add3A_864, %and3A_816 : vector<16xi32>
      %gt3A_882 = arith.constant 0 : i32
      %gt3A_883 = vector.broadcast %gt3A_882 : i32 to vector<16xi32>
      %gt3A_884 = arith.cmpi sgt, %and3A_816, %gt3A_883 : vector<16xi32>
      %le3A_885 = arith.constant 64 : i32
      %le3A_886 = vector.broadcast %le3A_885 : i32 to vector<16xi32>
      %le3A_887 = arith.cmpi sle, %add3A_881, %le3A_886 : vector<16xi32>
      %and3A_888 = arith.andi %gt3A_884, %le3A_887 : vector<16xi1>
      %add3A_889 = arith.constant 384 : i32
      %add3A_890 = vector.broadcast %add3A_889 : i32 to vector<16xi32>
      %add3A_891 = arith.addi %add3A_890, %add3A_881 : vector<16xi32>
      %sub3A_892 = arith.constant 1 : i32
      %sub3A_893 = vector.broadcast %sub3A_892 : i32 to vector<16xi32>
      %sub3A_894 = arith.subi %add3A_891, %sub3A_893 : vector<16xi32>
      %add3A_895 = arith.constant 3 : i32
      %add3A_896 = vector.broadcast %add3A_895 : i32 to vector<16xi32>
      %add3A_897 = arith.addi %add3A_831, %add3A_896 : vector<16xi32>
      tpu.vector_store_idx %arg7[%sub3A_894], %add3A_897 masked %and3A_888 : memref<1024xi32, #tpu.memory_space<vmem>>[vector<16xi32>], vector<16xi32>, vector<16xi1>
      %add3A_898 = arith.constant 1 : i32
      %add3A_899 = arith.addi %while3A_788, %add3A_898 : i32
      %reduce_sum3A_900 = arith.constant true
      %reduce_sum3A_901 = vector.broadcast %reduce_sum3A_900 : i1 to vector<16xi1>
      %reduce_sum3A_902 = tpu.scan <sum>, %add3A_819 masked %reduce_sum3A_901 : vector<16xi32>, vector<16xi1> -> vector<16xi32>
      %reduce_sum3A_903 = vector.extract %reduce_sum3A_902[15] : i32 from vector<16xi32>
      %add3A_904 = arith.addi %while3A_789, %reduce_sum3A_903 : i32
      scf.yield %add3A_899, %add3A_904 : i32, i32
    }
    %min3A_553 = arith.constant 64 : i32
    %min3A_554 = arith.minsi %while3A_552#1, %min3A_553 : i32
    %broadcast_in_dim3A_555 = arith.constant 6 : i32
    %broadcast_in_dim3A_556 = vector.broadcast %broadcast_in_dim3A_555 : i32 to vector<16xi32>
    %broadcast_in_dim3A_557 = vector.broadcast %min3A_554 : i32 to vector<16xi32>
    %eq3A_558 = arith.constant 0 : i32
    %eq3A_559 = vector.broadcast %eq3A_558 : i32 to vector<16xi32>
    %eq3A_560 = arith.cmpi eq, %iota3A, %eq3A_559 : vector<16xi32>
    tpu.vector_store_idx %arg9[%broadcast_in_dim3A_556], %broadcast_in_dim3A_557 masked %eq3A_560 : memref<16xi32, #tpu.memory_space<vmem>>[vector<16xi32>], vector<16xi32>, vector<16xi1>
    %get3A_561 = arith.constant 0 : index
    %get3A_562 = tpu.vector_load %arg8[%get3A_561] {strides = array<i32>} : memref<16xi32, #tpu.memory_space<vmem>>, vector<16xi32>,
    %eq3A_563 = arith.constant 7 : i32
    %eq3A_564 = vector.broadcast %eq3A_563 : i32 to vector<16xi32>
    %eq3A_565 = arith.cmpi eq, %iota3A, %eq3A_564 : vector<16xi32>
    %jit3A_566 = arith.constant 0 : i32
    %broadcast_in_dim3A_567 = vector.broadcast %jit3A_566 : i32 to vector<16xi32>
    %select_n3A_568 = arith.select %eq3A_565, %get3A_562, %broadcast_in_dim3A_567 : vector<16xi1>, vector<16xi32>
    %reduce_sum3A_569 = arith.constant true
    %reduce_sum3A_570 = vector.broadcast %reduce_sum3A_569 : i1 to vector<16xi1>
    %reduce_sum3A_571 = tpu.scan <sum>, %select_n3A_568 masked %reduce_sum3A_570 : vector<16xi32>, vector<16xi1> -> vector<16xi32>
    %reduce_sum3A_572 = vector.extract %reduce_sum3A_571[15] : i32 from vector<16xi32>
    %mul3A_573 = arith.constant 2048 : i32
    %mul3A_574 = arith.muli %reduce_sum3A_572, %mul3A_573 : i32
    %while3A_575 = arith.constant 0 : i32
    %while3A_576 = arith.constant 0 : i32
    %while3A_577:2 = scf.while (%while3A_788 = %while3A_575, %while3A_789 = %while3A_576) : (i32, i32) -> (i32, i32) {
      %lt3A = arith.constant 32 : i32
      %lt3A_790 = arith.cmpi slt, %while3A_788, %lt3A : i32
      %lt3A_791 = arith.constant 64 : i32
      %lt3A_792 = arith.cmpi slt, %while3A_789, %lt3A_791 : i32
      %and3A = arith.andi %lt3A_790, %lt3A_792 : i1
      scf.condition(%and3A) %while3A_788, %while3A_789 : i32, i32
    } do {
    ^bb0(%while3A_788: i32, %while3A_789: i32):
      %mul3A_790 = arith.constant 4 : i32
      %mul3A_791 = arith.muli %while3A_788, %mul3A_790 : i32
      %mul3A_792 = arith.constant 16 : i32
      %mul3A_793 = arith.muli %mul3A_791, %mul3A_792 : i32
      %get3A_794 = arith.constant 7 : i32
      %get3A_795 = arith.index_cast %get3A_794 : i32 to index
      %get3A_796 = arith.index_cast %mul3A_793 : i32 to index
      %get3A_797 = tpu.vector_load %arg6[%get3A_795, %get3A_796] {strides = array<i32>} : memref<16x2048xi8, #tpu.memory_space<vmem>>, vector<64xi8>,
      %bitcast3A = vector.bitcast %get3A_797 : vector<64xi8> to vector<16xi32>
      %and3A = arith.constant 1 : i32
      %and3A_798 = vector.broadcast %and3A : i32 to vector<16xi32>
      %and3A_799 = arith.andi %bitcast3A, %and3A_798 : vector<16xi32>
      %shift_right_arithmetic3A = arith.constant 8 : i32
      %shift_right_arithmetic3A_800 = vector.broadcast %shift_right_arithmetic3A : i32 to vector<16xi32>
      %shift_right_arithmetic3A_801 = arith.shrsi %bitcast3A, %shift_right_arithmetic3A_800 : vector<16xi32>
      %and3A_802 = arith.constant 1 : i32
      %and3A_803 = vector.broadcast %and3A_802 : i32 to vector<16xi32>
      %and3A_804 = arith.andi %shift_right_arithmetic3A_801, %and3A_803 : vector<16xi32>
      %shift_right_arithmetic3A_805 = arith.constant 16 : i32
      %shift_right_arithmetic3A_806 = vector.broadcast %shift_right_arithmetic3A_805 : i32 to vector<16xi32>
      %shift_right_arithmetic3A_807 = arith.shrsi %bitcast3A, %shift_right_arithmetic3A_806 : vector<16xi32>
      %and3A_808 = arith.constant 1 : i32
      %and3A_809 = vector.broadcast %and3A_808 : i32 to vector<16xi32>
      %and3A_810 = arith.andi %shift_right_arithmetic3A_807, %and3A_809 : vector<16xi32>
      %shift_right_arithmetic3A_811 = arith.constant 24 : i32
      %shift_right_arithmetic3A_812 = vector.broadcast %shift_right_arithmetic3A_811 : i32 to vector<16xi32>
      %shift_right_arithmetic3A_813 = arith.shrsi %bitcast3A, %shift_right_arithmetic3A_812 : vector<16xi32>
      %and3A_814 = arith.constant 1 : i32
      %and3A_815 = vector.broadcast %and3A_814 : i32 to vector<16xi32>
      %and3A_816 = arith.andi %shift_right_arithmetic3A_813, %and3A_815 : vector<16xi32>
      %add3A_817 = arith.addi %and3A_799, %and3A_804 : vector<16xi32>
      %add3A_818 = arith.addi %add3A_817, %and3A_810 : vector<16xi32>
      %add3A_819 = arith.addi %add3A_818, %and3A_816 : vector<16xi32>
      %broadcast_in_dim3A_820 = arith.constant true
      %broadcast_in_dim3A_821 = vector.broadcast %broadcast_in_dim3A_820 : i1 to vector<16xi1>
      %masked_cumsum3A = tpu.scan <sum>, %add3A_819 masked %broadcast_in_dim3A_821 : vector<16xi32>, vector<16xi1> -> vector<16xi32>
      %add3A_822 = vector.broadcast %while3A_789 : i32 to vector<16xi32>
      %add3A_823 = arith.addi %masked_cumsum3A, %add3A_822 : vector<16xi32>
      %sub3A = arith.subi %add3A_823, %add3A_819 : vector<16xi32>
      %mul3A_824 = arith.constant 64 : i32
      %mul3A_825 = arith.muli %while3A_788, %mul3A_824 : i32
      %add3A_826 = arith.addi %mul3A_574, %mul3A_825 : i32
      %mul3A_827 = arith.constant 4 : i32
      %mul3A_828 = vector.broadcast %mul3A_827 : i32 to vector<16xi32>
      %mul3A_829 = arith.muli %iota3A, %mul3A_828 : vector<16xi32>
      %add3A_830 = vector.broadcast %add3A_826 : i32 to vector<16xi32>
      %add3A_831 = arith.addi %add3A_830, %mul3A_829 : vector<16xi32>
      %add3A_832 = arith.addi %sub3A, %and3A_799 : vector<16xi32>
      %gt3A = arith.constant 0 : i32
      %gt3A_833 = vector.broadcast %gt3A : i32 to vector<16xi32>
      %gt3A_834 = arith.cmpi sgt, %and3A_799, %gt3A_833 : vector<16xi32>
      %le3A = arith.constant 64 : i32
      %le3A_835 = vector.broadcast %le3A : i32 to vector<16xi32>
      %le3A_836 = arith.cmpi sle, %add3A_832, %le3A_835 : vector<16xi32>
      %and3A_837 = arith.andi %gt3A_834, %le3A_836 : vector<16xi1>
      %add3A_838 = arith.constant 448 : i32
      %add3A_839 = vector.broadcast %add3A_838 : i32 to vector<16xi32>
      %add3A_840 = arith.addi %add3A_839, %add3A_832 : vector<16xi32>
      %sub3A_841 = arith.constant 1 : i32
      %sub3A_842 = vector.broadcast %sub3A_841 : i32 to vector<16xi32>
      %sub3A_843 = arith.subi %add3A_840, %sub3A_842 : vector<16xi32>
      %add3A_844 = arith.constant 0 : i32
      %add3A_845 = vector.broadcast %add3A_844 : i32 to vector<16xi32>
      %add3A_846 = arith.addi %add3A_831, %add3A_845 : vector<16xi32>
      tpu.vector_store_idx %arg7[%sub3A_843], %add3A_846 masked %and3A_837 : memref<1024xi32, #tpu.memory_space<vmem>>[vector<16xi32>], vector<16xi32>, vector<16xi1>
      %add3A_847 = arith.addi %add3A_832, %and3A_804 : vector<16xi32>
      %gt3A_848 = arith.constant 0 : i32
      %gt3A_849 = vector.broadcast %gt3A_848 : i32 to vector<16xi32>
      %gt3A_850 = arith.cmpi sgt, %and3A_804, %gt3A_849 : vector<16xi32>
      %le3A_851 = arith.constant 64 : i32
      %le3A_852 = vector.broadcast %le3A_851 : i32 to vector<16xi32>
      %le3A_853 = arith.cmpi sle, %add3A_847, %le3A_852 : vector<16xi32>
      %and3A_854 = arith.andi %gt3A_850, %le3A_853 : vector<16xi1>
      %add3A_855 = arith.constant 448 : i32
      %add3A_856 = vector.broadcast %add3A_855 : i32 to vector<16xi32>
      %add3A_857 = arith.addi %add3A_856, %add3A_847 : vector<16xi32>
      %sub3A_858 = arith.constant 1 : i32
      %sub3A_859 = vector.broadcast %sub3A_858 : i32 to vector<16xi32>
      %sub3A_860 = arith.subi %add3A_857, %sub3A_859 : vector<16xi32>
      %add3A_861 = arith.constant 1 : i32
      %add3A_862 = vector.broadcast %add3A_861 : i32 to vector<16xi32>
      %add3A_863 = arith.addi %add3A_831, %add3A_862 : vector<16xi32>
      tpu.vector_store_idx %arg7[%sub3A_860], %add3A_863 masked %and3A_854 : memref<1024xi32, #tpu.memory_space<vmem>>[vector<16xi32>], vector<16xi32>, vector<16xi1>
      %add3A_864 = arith.addi %add3A_847, %and3A_810 : vector<16xi32>
      %gt3A_865 = arith.constant 0 : i32
      %gt3A_866 = vector.broadcast %gt3A_865 : i32 to vector<16xi32>
      %gt3A_867 = arith.cmpi sgt, %and3A_810, %gt3A_866 : vector<16xi32>
      %le3A_868 = arith.constant 64 : i32
      %le3A_869 = vector.broadcast %le3A_868 : i32 to vector<16xi32>
      %le3A_870 = arith.cmpi sle, %add3A_864, %le3A_869 : vector<16xi32>
      %and3A_871 = arith.andi %gt3A_867, %le3A_870 : vector<16xi1>
      %add3A_872 = arith.constant 448 : i32
      %add3A_873 = vector.broadcast %add3A_872 : i32 to vector<16xi32>
      %add3A_874 = arith.addi %add3A_873, %add3A_864 : vector<16xi32>
      %sub3A_875 = arith.constant 1 : i32
      %sub3A_876 = vector.broadcast %sub3A_875 : i32 to vector<16xi32>
      %sub3A_877 = arith.subi %add3A_874, %sub3A_876 : vector<16xi32>
      %add3A_878 = arith.constant 2 : i32
      %add3A_879 = vector.broadcast %add3A_878 : i32 to vector<16xi32>
      %add3A_880 = arith.addi %add3A_831, %add3A_879 : vector<16xi32>
      tpu.vector_store_idx %arg7[%sub3A_877], %add3A_880 masked %and3A_871 : memref<1024xi32, #tpu.memory_space<vmem>>[vector<16xi32>], vector<16xi32>, vector<16xi1>
      %add3A_881 = arith.addi %add3A_864, %and3A_816 : vector<16xi32>
      %gt3A_882 = arith.constant 0 : i32
      %gt3A_883 = vector.broadcast %gt3A_882 : i32 to vector<16xi32>
      %gt3A_884 = arith.cmpi sgt, %and3A_816, %gt3A_883 : vector<16xi32>
      %le3A_885 = arith.constant 64 : i32
      %le3A_886 = vector.broadcast %le3A_885 : i32 to vector<16xi32>
      %le3A_887 = arith.cmpi sle, %add3A_881, %le3A_886 : vector<16xi32>
      %and3A_888 = arith.andi %gt3A_884, %le3A_887 : vector<16xi1>
      %add3A_889 = arith.constant 448 : i32
      %add3A_890 = vector.broadcast %add3A_889 : i32 to vector<16xi32>
      %add3A_891 = arith.addi %add3A_890, %add3A_881 : vector<16xi32>
      %sub3A_892 = arith.constant 1 : i32
      %sub3A_893 = vector.broadcast %sub3A_892 : i32 to vector<16xi32>
      %sub3A_894 = arith.subi %add3A_891, %sub3A_893 : vector<16xi32>
      %add3A_895 = arith.constant 3 : i32
      %add3A_896 = vector.broadcast %add3A_895 : i32 to vector<16xi32>
      %add3A_897 = arith.addi %add3A_831, %add3A_896 : vector<16xi32>
      tpu.vector_store_idx %arg7[%sub3A_894], %add3A_897 masked %and3A_888 : memref<1024xi32, #tpu.memory_space<vmem>>[vector<16xi32>], vector<16xi32>, vector<16xi1>
      %add3A_898 = arith.constant 1 : i32
      %add3A_899 = arith.addi %while3A_788, %add3A_898 : i32
      %reduce_sum3A_900 = arith.constant true
      %reduce_sum3A_901 = vector.broadcast %reduce_sum3A_900 : i1 to vector<16xi1>
      %reduce_sum3A_902 = tpu.scan <sum>, %add3A_819 masked %reduce_sum3A_901 : vector<16xi32>, vector<16xi1> -> vector<16xi32>
      %reduce_sum3A_903 = vector.extract %reduce_sum3A_902[15] : i32 from vector<16xi32>
      %add3A_904 = arith.addi %while3A_789, %reduce_sum3A_903 : i32
      scf.yield %add3A_899, %add3A_904 : i32, i32
    }
    %min3A_578 = arith.constant 64 : i32
    %min3A_579 = arith.minsi %while3A_577#1, %min3A_578 : i32
    %broadcast_in_dim3A_580 = arith.constant 7 : i32
    %broadcast_in_dim3A_581 = vector.broadcast %broadcast_in_dim3A_580 : i32 to vector<16xi32>
    %broadcast_in_dim3A_582 = vector.broadcast %min3A_579 : i32 to vector<16xi32>
    %eq3A_583 = arith.constant 0 : i32
    %eq3A_584 = vector.broadcast %eq3A_583 : i32 to vector<16xi32>
    %eq3A_585 = arith.cmpi eq, %iota3A, %eq3A_584 : vector<16xi32>
    tpu.vector_store_idx %arg9[%broadcast_in_dim3A_581], %broadcast_in_dim3A_582 masked %eq3A_585 : memref<16xi32, #tpu.memory_space<vmem>>[vector<16xi32>], vector<16xi32>, vector<16xi1>
    %get3A_586 = arith.constant 0 : index
    %get3A_587 = tpu.vector_load %arg8[%get3A_586] {strides = array<i32>} : memref<16xi32, #tpu.memory_space<vmem>>, vector<16xi32>,
    %eq3A_588 = arith.constant 8 : i32
    %eq3A_589 = vector.broadcast %eq3A_588 : i32 to vector<16xi32>
    %eq3A_590 = arith.cmpi eq, %iota3A, %eq3A_589 : vector<16xi32>
    %jit3A_591 = arith.constant 0 : i32
    %broadcast_in_dim3A_592 = vector.broadcast %jit3A_591 : i32 to vector<16xi32>
    %select_n3A_593 = arith.select %eq3A_590, %get3A_587, %broadcast_in_dim3A_592 : vector<16xi1>, vector<16xi32>
    %reduce_sum3A_594 = arith.constant true
    %reduce_sum3A_595 = vector.broadcast %reduce_sum3A_594 : i1 to vector<16xi1>
    %reduce_sum3A_596 = tpu.scan <sum>, %select_n3A_593 masked %reduce_sum3A_595 : vector<16xi32>, vector<16xi1> -> vector<16xi32>
    %reduce_sum3A_597 = vector.extract %reduce_sum3A_596[15] : i32 from vector<16xi32>
    %mul3A_598 = arith.constant 2048 : i32
    %mul3A_599 = arith.muli %reduce_sum3A_597, %mul3A_598 : i32
    %while3A_600 = arith.constant 0 : i32
    %while3A_601 = arith.constant 0 : i32
    %while3A_602:2 = scf.while (%while3A_788 = %while3A_600, %while3A_789 = %while3A_601) : (i32, i32) -> (i32, i32) {
      %lt3A = arith.constant 32 : i32
      %lt3A_790 = arith.cmpi slt, %while3A_788, %lt3A : i32
      %lt3A_791 = arith.constant 64 : i32
      %lt3A_792 = arith.cmpi slt, %while3A_789, %lt3A_791 : i32
      %and3A = arith.andi %lt3A_790, %lt3A_792 : i1
      scf.condition(%and3A) %while3A_788, %while3A_789 : i32, i32
    } do {
    ^bb0(%while3A_788: i32, %while3A_789: i32):
      %mul3A_790 = arith.constant 4 : i32
      %mul3A_791 = arith.muli %while3A_788, %mul3A_790 : i32
      %mul3A_792 = arith.constant 16 : i32
      %mul3A_793 = arith.muli %mul3A_791, %mul3A_792 : i32
      %get3A_794 = arith.constant 8 : i32
      %get3A_795 = arith.index_cast %get3A_794 : i32 to index
      %get3A_796 = arith.index_cast %mul3A_793 : i32 to index
      %get3A_797 = tpu.vector_load %arg6[%get3A_795, %get3A_796] {strides = array<i32>} : memref<16x2048xi8, #tpu.memory_space<vmem>>, vector<64xi8>,
      %bitcast3A = vector.bitcast %get3A_797 : vector<64xi8> to vector<16xi32>
      %and3A = arith.constant 1 : i32
      %and3A_798 = vector.broadcast %and3A : i32 to vector<16xi32>
      %and3A_799 = arith.andi %bitcast3A, %and3A_798 : vector<16xi32>
      %shift_right_arithmetic3A = arith.constant 8 : i32
      %shift_right_arithmetic3A_800 = vector.broadcast %shift_right_arithmetic3A : i32 to vector<16xi32>
      %shift_right_arithmetic3A_801 = arith.shrsi %bitcast3A, %shift_right_arithmetic3A_800 : vector<16xi32>
      %and3A_802 = arith.constant 1 : i32
      %and3A_803 = vector.broadcast %and3A_802 : i32 to vector<16xi32>
      %and3A_804 = arith.andi %shift_right_arithmetic3A_801, %and3A_803 : vector<16xi32>
      %shift_right_arithmetic3A_805 = arith.constant 16 : i32
      %shift_right_arithmetic3A_806 = vector.broadcast %shift_right_arithmetic3A_805 : i32 to vector<16xi32>
      %shift_right_arithmetic3A_807 = arith.shrsi %bitcast3A, %shift_right_arithmetic3A_806 : vector<16xi32>
      %and3A_808 = arith.constant 1 : i32
      %and3A_809 = vector.broadcast %and3A_808 : i32 to vector<16xi32>
      %and3A_810 = arith.andi %shift_right_arithmetic3A_807, %and3A_809 : vector<16xi32>
      %shift_right_arithmetic3A_811 = arith.constant 24 : i32
      %shift_right_arithmetic3A_812 = vector.broadcast %shift_right_arithmetic3A_811 : i32 to vector<16xi32>
      %shift_right_arithmetic3A_813 = arith.shrsi %bitcast3A, %shift_right_arithmetic3A_812 : vector<16xi32>
      %and3A_814 = arith.constant 1 : i32
      %and3A_815 = vector.broadcast %and3A_814 : i32 to vector<16xi32>
      %and3A_816 = arith.andi %shift_right_arithmetic3A_813, %and3A_815 : vector<16xi32>
      %add3A_817 = arith.addi %and3A_799, %and3A_804 : vector<16xi32>
      %add3A_818 = arith.addi %add3A_817, %and3A_810 : vector<16xi32>
      %add3A_819 = arith.addi %add3A_818, %and3A_816 : vector<16xi32>
      %broadcast_in_dim3A_820 = arith.constant true
      %broadcast_in_dim3A_821 = vector.broadcast %broadcast_in_dim3A_820 : i1 to vector<16xi1>
      %masked_cumsum3A = tpu.scan <sum>, %add3A_819 masked %broadcast_in_dim3A_821 : vector<16xi32>, vector<16xi1> -> vector<16xi32>
      %add3A_822 = vector.broadcast %while3A_789 : i32 to vector<16xi32>
      %add3A_823 = arith.addi %masked_cumsum3A, %add3A_822 : vector<16xi32>
      %sub3A = arith.subi %add3A_823, %add3A_819 : vector<16xi32>
      %mul3A_824 = arith.constant 64 : i32
      %mul3A_825 = arith.muli %while3A_788, %mul3A_824 : i32
      %add3A_826 = arith.addi %mul3A_599, %mul3A_825 : i32
      %mul3A_827 = arith.constant 4 : i32
      %mul3A_828 = vector.broadcast %mul3A_827 : i32 to vector<16xi32>
      %mul3A_829 = arith.muli %iota3A, %mul3A_828 : vector<16xi32>
      %add3A_830 = vector.broadcast %add3A_826 : i32 to vector<16xi32>
      %add3A_831 = arith.addi %add3A_830, %mul3A_829 : vector<16xi32>
      %add3A_832 = arith.addi %sub3A, %and3A_799 : vector<16xi32>
      %gt3A = arith.constant 0 : i32
      %gt3A_833 = vector.broadcast %gt3A : i32 to vector<16xi32>
      %gt3A_834 = arith.cmpi sgt, %and3A_799, %gt3A_833 : vector<16xi32>
      %le3A = arith.constant 64 : i32
      %le3A_835 = vector.broadcast %le3A : i32 to vector<16xi32>
      %le3A_836 = arith.cmpi sle, %add3A_832, %le3A_835 : vector<16xi32>
      %and3A_837 = arith.andi %gt3A_834, %le3A_836 : vector<16xi1>
      %add3A_838 = arith.constant 512 : i32
      %add3A_839 = vector.broadcast %add3A_838 : i32 to vector<16xi32>
      %add3A_840 = arith.addi %add3A_839, %add3A_832 : vector<16xi32>
      %sub3A_841 = arith.constant 1 : i32
      %sub3A_842 = vector.broadcast %sub3A_841 : i32 to vector<16xi32>
      %sub3A_843 = arith.subi %add3A_840, %sub3A_842 : vector<16xi32>
      %add3A_844 = arith.constant 0 : i32
      %add3A_845 = vector.broadcast %add3A_844 : i32 to vector<16xi32>
      %add3A_846 = arith.addi %add3A_831, %add3A_845 : vector<16xi32>
      tpu.vector_store_idx %arg7[%sub3A_843], %add3A_846 masked %and3A_837 : memref<1024xi32, #tpu.memory_space<vmem>>[vector<16xi32>], vector<16xi32>, vector<16xi1>
      %add3A_847 = arith.addi %add3A_832, %and3A_804 : vector<16xi32>
      %gt3A_848 = arith.constant 0 : i32
      %gt3A_849 = vector.broadcast %gt3A_848 : i32 to vector<16xi32>
      %gt3A_850 = arith.cmpi sgt, %and3A_804, %gt3A_849 : vector<16xi32>
      %le3A_851 = arith.constant 64 : i32
      %le3A_852 = vector.broadcast %le3A_851 : i32 to vector<16xi32>
      %le3A_853 = arith.cmpi sle, %add3A_847, %le3A_852 : vector<16xi32>
      %and3A_854 = arith.andi %gt3A_850, %le3A_853 : vector<16xi1>
      %add3A_855 = arith.constant 512 : i32
      %add3A_856 = vector.broadcast %add3A_855 : i32 to vector<16xi32>
      %add3A_857 = arith.addi %add3A_856, %add3A_847 : vector<16xi32>
      %sub3A_858 = arith.constant 1 : i32
      %sub3A_859 = vector.broadcast %sub3A_858 : i32 to vector<16xi32>
      %sub3A_860 = arith.subi %add3A_857, %sub3A_859 : vector<16xi32>
      %add3A_861 = arith.constant 1 : i32
      %add3A_862 = vector.broadcast %add3A_861 : i32 to vector<16xi32>
      %add3A_863 = arith.addi %add3A_831, %add3A_862 : vector<16xi32>
      tpu.vector_store_idx %arg7[%sub3A_860], %add3A_863 masked %and3A_854 : memref<1024xi32, #tpu.memory_space<vmem>>[vector<16xi32>], vector<16xi32>, vector<16xi1>
      %add3A_864 = arith.addi %add3A_847, %and3A_810 : vector<16xi32>
      %gt3A_865 = arith.constant 0 : i32
      %gt3A_866 = vector.broadcast %gt3A_865 : i32 to vector<16xi32>
      %gt3A_867 = arith.cmpi sgt, %and3A_810, %gt3A_866 : vector<16xi32>
      %le3A_868 = arith.constant 64 : i32
      %le3A_869 = vector.broadcast %le3A_868 : i32 to vector<16xi32>
      %le3A_870 = arith.cmpi sle, %add3A_864, %le3A_869 : vector<16xi32>
      %and3A_871 = arith.andi %gt3A_867, %le3A_870 : vector<16xi1>
      %add3A_872 = arith.constant 512 : i32
      %add3A_873 = vector.broadcast %add3A_872 : i32 to vector<16xi32>
      %add3A_874 = arith.addi %add3A_873, %add3A_864 : vector<16xi32>
      %sub3A_875 = arith.constant 1 : i32
      %sub3A_876 = vector.broadcast %sub3A_875 : i32 to vector<16xi32>
      %sub3A_877 = arith.subi %add3A_874, %sub3A_876 : vector<16xi32>
      %add3A_878 = arith.constant 2 : i32
      %add3A_879 = vector.broadcast %add3A_878 : i32 to vector<16xi32>
      %add3A_880 = arith.addi %add3A_831, %add3A_879 : vector<16xi32>
      tpu.vector_store_idx %arg7[%sub3A_877], %add3A_880 masked %and3A_871 : memref<1024xi32, #tpu.memory_space<vmem>>[vector<16xi32>], vector<16xi32>, vector<16xi1>
      %add3A_881 = arith.addi %add3A_864, %and3A_816 : vector<16xi32>
      %gt3A_882 = arith.constant 0 : i32
      %gt3A_883 = vector.broadcast %gt3A_882 : i32 to vector<16xi32>
      %gt3A_884 = arith.cmpi sgt, %and3A_816, %gt3A_883 : vector<16xi32>
      %le3A_885 = arith.constant 64 : i32
      %le3A_886 = vector.broadcast %le3A_885 : i32 to vector<16xi32>
      %le3A_887 = arith.cmpi sle, %add3A_881, %le3A_886 : vector<16xi32>
      %and3A_888 = arith.andi %gt3A_884, %le3A_887 : vector<16xi1>
      %add3A_889 = arith.constant 512 : i32
      %add3A_890 = vector.broadcast %add3A_889 : i32 to vector<16xi32>
      %add3A_891 = arith.addi %add3A_890, %add3A_881 : vector<16xi32>
      %sub3A_892 = arith.constant 1 : i32
      %sub3A_893 = vector.broadcast %sub3A_892 : i32 to vector<16xi32>
      %sub3A_894 = arith.subi %add3A_891, %sub3A_893 : vector<16xi32>
      %add3A_895 = arith.constant 3 : i32
      %add3A_896 = vector.broadcast %add3A_895 : i32 to vector<16xi32>
      %add3A_897 = arith.addi %add3A_831, %add3A_896 : vector<16xi32>
      tpu.vector_store_idx %arg7[%sub3A_894], %add3A_897 masked %and3A_888 : memref<1024xi32, #tpu.memory_space<vmem>>[vector<16xi32>], vector<16xi32>, vector<16xi1>
      %add3A_898 = arith.constant 1 : i32
      %add3A_899 = arith.addi %while3A_788, %add3A_898 : i32
      %reduce_sum3A_900 = arith.constant true
      %reduce_sum3A_901 = vector.broadcast %reduce_sum3A_900 : i1 to vector<16xi1>
      %reduce_sum3A_902 = tpu.scan <sum>, %add3A_819 masked %reduce_sum3A_901 : vector<16xi32>, vector<16xi1> -> vector<16xi32>
      %reduce_sum3A_903 = vector.extract %reduce_sum3A_902[15] : i32 from vector<16xi32>
      %add3A_904 = arith.addi %while3A_789, %reduce_sum3A_903 : i32
      scf.yield %add3A_899, %add3A_904 : i32, i32
    }
    %min3A_603 = arith.constant 64 : i32
    %min3A_604 = arith.minsi %while3A_602#1, %min3A_603 : i32
    %broadcast_in_dim3A_605 = arith.constant 8 : i32
    %broadcast_in_dim3A_606 = vector.broadcast %broadcast_in_dim3A_605 : i32 to vector<16xi32>
    %broadcast_in_dim3A_607 = vector.broadcast %min3A_604 : i32 to vector<16xi32>
    %eq3A_608 = arith.constant 0 : i32
    %eq3A_609 = vector.broadcast %eq3A_608 : i32 to vector<16xi32>
    %eq3A_610 = arith.cmpi eq, %iota3A, %eq3A_609 : vector<16xi32>
    tpu.vector_store_idx %arg9[%broadcast_in_dim3A_606], %broadcast_in_dim3A_607 masked %eq3A_610 : memref<16xi32, #tpu.memory_space<vmem>>[vector<16xi32>], vector<16xi32>, vector<16xi1>
    %get3A_611 = arith.constant 0 : index
    %get3A_612 = tpu.vector_load %arg8[%get3A_611] {strides = array<i32>} : memref<16xi32, #tpu.memory_space<vmem>>, vector<16xi32>,
    %eq3A_613 = arith.constant 9 : i32
    %eq3A_614 = vector.broadcast %eq3A_613 : i32 to vector<16xi32>
    %eq3A_615 = arith.cmpi eq, %iota3A, %eq3A_614 : vector<16xi32>
    %jit3A_616 = arith.constant 0 : i32
    %broadcast_in_dim3A_617 = vector.broadcast %jit3A_616 : i32 to vector<16xi32>
    %select_n3A_618 = arith.select %eq3A_615, %get3A_612, %broadcast_in_dim3A_617 : vector<16xi1>, vector<16xi32>
    %reduce_sum3A_619 = arith.constant true
    %reduce_sum3A_620 = vector.broadcast %reduce_sum3A_619 : i1 to vector<16xi1>
    %reduce_sum3A_621 = tpu.scan <sum>, %select_n3A_618 masked %reduce_sum3A_620 : vector<16xi32>, vector<16xi1> -> vector<16xi32>
    %reduce_sum3A_622 = vector.extract %reduce_sum3A_621[15] : i32 from vector<16xi32>
    %mul3A_623 = arith.constant 2048 : i32
    %mul3A_624 = arith.muli %reduce_sum3A_622, %mul3A_623 : i32
    %while3A_625 = arith.constant 0 : i32
    %while3A_626 = arith.constant 0 : i32
    %while3A_627:2 = scf.while (%while3A_788 = %while3A_625, %while3A_789 = %while3A_626) : (i32, i32) -> (i32, i32) {
      %lt3A = arith.constant 32 : i32
      %lt3A_790 = arith.cmpi slt, %while3A_788, %lt3A : i32
      %lt3A_791 = arith.constant 64 : i32
      %lt3A_792 = arith.cmpi slt, %while3A_789, %lt3A_791 : i32
      %and3A = arith.andi %lt3A_790, %lt3A_792 : i1
      scf.condition(%and3A) %while3A_788, %while3A_789 : i32, i32
    } do {
    ^bb0(%while3A_788: i32, %while3A_789: i32):
      %mul3A_790 = arith.constant 4 : i32
      %mul3A_791 = arith.muli %while3A_788, %mul3A_790 : i32
      %mul3A_792 = arith.constant 16 : i32
      %mul3A_793 = arith.muli %mul3A_791, %mul3A_792 : i32
      %get3A_794 = arith.constant 9 : i32
      %get3A_795 = arith.index_cast %get3A_794 : i32 to index
      %get3A_796 = arith.index_cast %mul3A_793 : i32 to index
      %get3A_797 = tpu.vector_load %arg6[%get3A_795, %get3A_796] {strides = array<i32>} : memref<16x2048xi8, #tpu.memory_space<vmem>>, vector<64xi8>,
      %bitcast3A = vector.bitcast %get3A_797 : vector<64xi8> to vector<16xi32>
      %and3A = arith.constant 1 : i32
      %and3A_798 = vector.broadcast %and3A : i32 to vector<16xi32>
      %and3A_799 = arith.andi %bitcast3A, %and3A_798 : vector<16xi32>
      %shift_right_arithmetic3A = arith.constant 8 : i32
      %shift_right_arithmetic3A_800 = vector.broadcast %shift_right_arithmetic3A : i32 to vector<16xi32>
      %shift_right_arithmetic3A_801 = arith.shrsi %bitcast3A, %shift_right_arithmetic3A_800 : vector<16xi32>
      %and3A_802 = arith.constant 1 : i32
      %and3A_803 = vector.broadcast %and3A_802 : i32 to vector<16xi32>
      %and3A_804 = arith.andi %shift_right_arithmetic3A_801, %and3A_803 : vector<16xi32>
      %shift_right_arithmetic3A_805 = arith.constant 16 : i32
      %shift_right_arithmetic3A_806 = vector.broadcast %shift_right_arithmetic3A_805 : i32 to vector<16xi32>
      %shift_right_arithmetic3A_807 = arith.shrsi %bitcast3A, %shift_right_arithmetic3A_806 : vector<16xi32>
      %and3A_808 = arith.constant 1 : i32
      %and3A_809 = vector.broadcast %and3A_808 : i32 to vector<16xi32>
      %and3A_810 = arith.andi %shift_right_arithmetic3A_807, %and3A_809 : vector<16xi32>
      %shift_right_arithmetic3A_811 = arith.constant 24 : i32
      %shift_right_arithmetic3A_812 = vector.broadcast %shift_right_arithmetic3A_811 : i32 to vector<16xi32>
      %shift_right_arithmetic3A_813 = arith.shrsi %bitcast3A, %shift_right_arithmetic3A_812 : vector<16xi32>
      %and3A_814 = arith.constant 1 : i32
      %and3A_815 = vector.broadcast %and3A_814 : i32 to vector<16xi32>
      %and3A_816 = arith.andi %shift_right_arithmetic3A_813, %and3A_815 : vector<16xi32>
      %add3A_817 = arith.addi %and3A_799, %and3A_804 : vector<16xi32>
      %add3A_818 = arith.addi %add3A_817, %and3A_810 : vector<16xi32>
      %add3A_819 = arith.addi %add3A_818, %and3A_816 : vector<16xi32>
      %broadcast_in_dim3A_820 = arith.constant true
      %broadcast_in_dim3A_821 = vector.broadcast %broadcast_in_dim3A_820 : i1 to vector<16xi1>
      %masked_cumsum3A = tpu.scan <sum>, %add3A_819 masked %broadcast_in_dim3A_821 : vector<16xi32>, vector<16xi1> -> vector<16xi32>
      %add3A_822 = vector.broadcast %while3A_789 : i32 to vector<16xi32>
      %add3A_823 = arith.addi %masked_cumsum3A, %add3A_822 : vector<16xi32>
      %sub3A = arith.subi %add3A_823, %add3A_819 : vector<16xi32>
      %mul3A_824 = arith.constant 64 : i32
      %mul3A_825 = arith.muli %while3A_788, %mul3A_824 : i32
      %add3A_826 = arith.addi %mul3A_624, %mul3A_825 : i32
      %mul3A_827 = arith.constant 4 : i32
      %mul3A_828 = vector.broadcast %mul3A_827 : i32 to vector<16xi32>
      %mul3A_829 = arith.muli %iota3A, %mul3A_828 : vector<16xi32>
      %add3A_830 = vector.broadcast %add3A_826 : i32 to vector<16xi32>
      %add3A_831 = arith.addi %add3A_830, %mul3A_829 : vector<16xi32>
      %add3A_832 = arith.addi %sub3A, %and3A_799 : vector<16xi32>
      %gt3A = arith.constant 0 : i32
      %gt3A_833 = vector.broadcast %gt3A : i32 to vector<16xi32>
      %gt3A_834 = arith.cmpi sgt, %and3A_799, %gt3A_833 : vector<16xi32>
      %le3A = arith.constant 64 : i32
      %le3A_835 = vector.broadcast %le3A : i32 to vector<16xi32>
      %le3A_836 = arith.cmpi sle, %add3A_832, %le3A_835 : vector<16xi32>
      %and3A_837 = arith.andi %gt3A_834, %le3A_836 : vector<16xi1>
      %add3A_838 = arith.constant 576 : i32
      %add3A_839 = vector.broadcast %add3A_838 : i32 to vector<16xi32>
      %add3A_840 = arith.addi %add3A_839, %add3A_832 : vector<16xi32>
      %sub3A_841 = arith.constant 1 : i32
      %sub3A_842 = vector.broadcast %sub3A_841 : i32 to vector<16xi32>
      %sub3A_843 = arith.subi %add3A_840, %sub3A_842 : vector<16xi32>
      %add3A_844 = arith.constant 0 : i32
      %add3A_845 = vector.broadcast %add3A_844 : i32 to vector<16xi32>
      %add3A_846 = arith.addi %add3A_831, %add3A_845 : vector<16xi32>
      tpu.vector_store_idx %arg7[%sub3A_843], %add3A_846 masked %and3A_837 : memref<1024xi32, #tpu.memory_space<vmem>>[vector<16xi32>], vector<16xi32>, vector<16xi1>
      %add3A_847 = arith.addi %add3A_832, %and3A_804 : vector<16xi32>
      %gt3A_848 = arith.constant 0 : i32
      %gt3A_849 = vector.broadcast %gt3A_848 : i32 to vector<16xi32>
      %gt3A_850 = arith.cmpi sgt, %and3A_804, %gt3A_849 : vector<16xi32>
      %le3A_851 = arith.constant 64 : i32
      %le3A_852 = vector.broadcast %le3A_851 : i32 to vector<16xi32>
      %le3A_853 = arith.cmpi sle, %add3A_847, %le3A_852 : vector<16xi32>
      %and3A_854 = arith.andi %gt3A_850, %le3A_853 : vector<16xi1>
      %add3A_855 = arith.constant 576 : i32
      %add3A_856 = vector.broadcast %add3A_855 : i32 to vector<16xi32>
      %add3A_857 = arith.addi %add3A_856, %add3A_847 : vector<16xi32>
      %sub3A_858 = arith.constant 1 : i32
      %sub3A_859 = vector.broadcast %sub3A_858 : i32 to vector<16xi32>
      %sub3A_860 = arith.subi %add3A_857, %sub3A_859 : vector<16xi32>
      %add3A_861 = arith.constant 1 : i32
      %add3A_862 = vector.broadcast %add3A_861 : i32 to vector<16xi32>
      %add3A_863 = arith.addi %add3A_831, %add3A_862 : vector<16xi32>
      tpu.vector_store_idx %arg7[%sub3A_860], %add3A_863 masked %and3A_854 : memref<1024xi32, #tpu.memory_space<vmem>>[vector<16xi32>], vector<16xi32>, vector<16xi1>
      %add3A_864 = arith.addi %add3A_847, %and3A_810 : vector<16xi32>
      %gt3A_865 = arith.constant 0 : i32
      %gt3A_866 = vector.broadcast %gt3A_865 : i32 to vector<16xi32>
      %gt3A_867 = arith.cmpi sgt, %and3A_810, %gt3A_866 : vector<16xi32>
      %le3A_868 = arith.constant 64 : i32
      %le3A_869 = vector.broadcast %le3A_868 : i32 to vector<16xi32>
      %le3A_870 = arith.cmpi sle, %add3A_864, %le3A_869 : vector<16xi32>
      %and3A_871 = arith.andi %gt3A_867, %le3A_870 : vector<16xi1>
      %add3A_872 = arith.constant 576 : i32
      %add3A_873 = vector.broadcast %add3A_872 : i32 to vector<16xi32>
      %add3A_874 = arith.addi %add3A_873, %add3A_864 : vector<16xi32>
      %sub3A_875 = arith.constant 1 : i32
      %sub3A_876 = vector.broadcast %sub3A_875 : i32 to vector<16xi32>
      %sub3A_877 = arith.subi %add3A_874, %sub3A_876 : vector<16xi32>
      %add3A_878 = arith.constant 2 : i32
      %add3A_879 = vector.broadcast %add3A_878 : i32 to vector<16xi32>
      %add3A_880 = arith.addi %add3A_831, %add3A_879 : vector<16xi32>
      tpu.vector_store_idx %arg7[%sub3A_877], %add3A_880 masked %and3A_871 : memref<1024xi32, #tpu.memory_space<vmem>>[vector<16xi32>], vector<16xi32>, vector<16xi1>
      %add3A_881 = arith.addi %add3A_864, %and3A_816 : vector<16xi32>
      %gt3A_882 = arith.constant 0 : i32
      %gt3A_883 = vector.broadcast %gt3A_882 : i32 to vector<16xi32>
      %gt3A_884 = arith.cmpi sgt, %and3A_816, %gt3A_883 : vector<16xi32>
      %le3A_885 = arith.constant 64 : i32
      %le3A_886 = vector.broadcast %le3A_885 : i32 to vector<16xi32>
      %le3A_887 = arith.cmpi sle, %add3A_881, %le3A_886 : vector<16xi32>
      %and3A_888 = arith.andi %gt3A_884, %le3A_887 : vector<16xi1>
      %add3A_889 = arith.constant 576 : i32
      %add3A_890 = vector.broadcast %add3A_889 : i32 to vector<16xi32>
      %add3A_891 = arith.addi %add3A_890, %add3A_881 : vector<16xi32>
      %sub3A_892 = arith.constant 1 : i32
      %sub3A_893 = vector.broadcast %sub3A_892 : i32 to vector<16xi32>
      %sub3A_894 = arith.subi %add3A_891, %sub3A_893 : vector<16xi32>
      %add3A_895 = arith.constant 3 : i32
      %add3A_896 = vector.broadcast %add3A_895 : i32 to vector<16xi32>
      %add3A_897 = arith.addi %add3A_831, %add3A_896 : vector<16xi32>
      tpu.vector_store_idx %arg7[%sub3A_894], %add3A_897 masked %and3A_888 : memref<1024xi32, #tpu.memory_space<vmem>>[vector<16xi32>], vector<16xi32>, vector<16xi1>
      %add3A_898 = arith.constant 1 : i32
      %add3A_899 = arith.addi %while3A_788, %add3A_898 : i32
      %reduce_sum3A_900 = arith.constant true
      %reduce_sum3A_901 = vector.broadcast %reduce_sum3A_900 : i1 to vector<16xi1>
      %reduce_sum3A_902 = tpu.scan <sum>, %add3A_819 masked %reduce_sum3A_901 : vector<16xi32>, vector<16xi1> -> vector<16xi32>
      %reduce_sum3A_903 = vector.extract %reduce_sum3A_902[15] : i32 from vector<16xi32>
      %add3A_904 = arith.addi %while3A_789, %reduce_sum3A_903 : i32
      scf.yield %add3A_899, %add3A_904 : i32, i32
    }
    %min3A_628 = arith.constant 64 : i32
    %min3A_629 = arith.minsi %while3A_627#1, %min3A_628 : i32
    %broadcast_in_dim3A_630 = arith.constant 9 : i32
    %broadcast_in_dim3A_631 = vector.broadcast %broadcast_in_dim3A_630 : i32 to vector<16xi32>
    %broadcast_in_dim3A_632 = vector.broadcast %min3A_629 : i32 to vector<16xi32>
    %eq3A_633 = arith.constant 0 : i32
    %eq3A_634 = vector.broadcast %eq3A_633 : i32 to vector<16xi32>
    %eq3A_635 = arith.cmpi eq, %iota3A, %eq3A_634 : vector<16xi32>
    tpu.vector_store_idx %arg9[%broadcast_in_dim3A_631], %broadcast_in_dim3A_632 masked %eq3A_635 : memref<16xi32, #tpu.memory_space<vmem>>[vector<16xi32>], vector<16xi32>, vector<16xi1>
    %get3A_636 = arith.constant 0 : index
    %get3A_637 = tpu.vector_load %arg8[%get3A_636] {strides = array<i32>} : memref<16xi32, #tpu.memory_space<vmem>>, vector<16xi32>,
    %eq3A_638 = arith.constant 10 : i32
    %eq3A_639 = vector.broadcast %eq3A_638 : i32 to vector<16xi32>
    %eq3A_640 = arith.cmpi eq, %iota3A, %eq3A_639 : vector<16xi32>
    %jit3A_641 = arith.constant 0 : i32
    %broadcast_in_dim3A_642 = vector.broadcast %jit3A_641 : i32 to vector<16xi32>
    %select_n3A_643 = arith.select %eq3A_640, %get3A_637, %broadcast_in_dim3A_642 : vector<16xi1>, vector<16xi32>
    %reduce_sum3A_644 = arith.constant true
    %reduce_sum3A_645 = vector.broadcast %reduce_sum3A_644 : i1 to vector<16xi1>
    %reduce_sum3A_646 = tpu.scan <sum>, %select_n3A_643 masked %reduce_sum3A_645 : vector<16xi32>, vector<16xi1> -> vector<16xi32>
    %reduce_sum3A_647 = vector.extract %reduce_sum3A_646[15] : i32 from vector<16xi32>
    %mul3A_648 = arith.constant 2048 : i32
    %mul3A_649 = arith.muli %reduce_sum3A_647, %mul3A_648 : i32
    %while3A_650 = arith.constant 0 : i32
    %while3A_651 = arith.constant 0 : i32
    %while3A_652:2 = scf.while (%while3A_788 = %while3A_650, %while3A_789 = %while3A_651) : (i32, i32) -> (i32, i32) {
      %lt3A = arith.constant 32 : i32
      %lt3A_790 = arith.cmpi slt, %while3A_788, %lt3A : i32
      %lt3A_791 = arith.constant 64 : i32
      %lt3A_792 = arith.cmpi slt, %while3A_789, %lt3A_791 : i32
      %and3A = arith.andi %lt3A_790, %lt3A_792 : i1
      scf.condition(%and3A) %while3A_788, %while3A_789 : i32, i32
    } do {
    ^bb0(%while3A_788: i32, %while3A_789: i32):
      %mul3A_790 = arith.constant 4 : i32
      %mul3A_791 = arith.muli %while3A_788, %mul3A_790 : i32
      %mul3A_792 = arith.constant 16 : i32
      %mul3A_793 = arith.muli %mul3A_791, %mul3A_792 : i32
      %get3A_794 = arith.constant 10 : i32
      %get3A_795 = arith.index_cast %get3A_794 : i32 to index
      %get3A_796 = arith.index_cast %mul3A_793 : i32 to index
      %get3A_797 = tpu.vector_load %arg6[%get3A_795, %get3A_796] {strides = array<i32>} : memref<16x2048xi8, #tpu.memory_space<vmem>>, vector<64xi8>,
      %bitcast3A = vector.bitcast %get3A_797 : vector<64xi8> to vector<16xi32>
      %and3A = arith.constant 1 : i32
      %and3A_798 = vector.broadcast %and3A : i32 to vector<16xi32>
      %and3A_799 = arith.andi %bitcast3A, %and3A_798 : vector<16xi32>
      %shift_right_arithmetic3A = arith.constant 8 : i32
      %shift_right_arithmetic3A_800 = vector.broadcast %shift_right_arithmetic3A : i32 to vector<16xi32>
      %shift_right_arithmetic3A_801 = arith.shrsi %bitcast3A, %shift_right_arithmetic3A_800 : vector<16xi32>
      %and3A_802 = arith.constant 1 : i32
      %and3A_803 = vector.broadcast %and3A_802 : i32 to vector<16xi32>
      %and3A_804 = arith.andi %shift_right_arithmetic3A_801, %and3A_803 : vector<16xi32>
      %shift_right_arithmetic3A_805 = arith.constant 16 : i32
      %shift_right_arithmetic3A_806 = vector.broadcast %shift_right_arithmetic3A_805 : i32 to vector<16xi32>
      %shift_right_arithmetic3A_807 = arith.shrsi %bitcast3A, %shift_right_arithmetic3A_806 : vector<16xi32>
      %and3A_808 = arith.constant 1 : i32
      %and3A_809 = vector.broadcast %and3A_808 : i32 to vector<16xi32>
      %and3A_810 = arith.andi %shift_right_arithmetic3A_807, %and3A_809 : vector<16xi32>
      %shift_right_arithmetic3A_811 = arith.constant 24 : i32
      %shift_right_arithmetic3A_812 = vector.broadcast %shift_right_arithmetic3A_811 : i32 to vector<16xi32>
      %shift_right_arithmetic3A_813 = arith.shrsi %bitcast3A, %shift_right_arithmetic3A_812 : vector<16xi32>
      %and3A_814 = arith.constant 1 : i32
      %and3A_815 = vector.broadcast %and3A_814 : i32 to vector<16xi32>
      %and3A_816 = arith.andi %shift_right_arithmetic3A_813, %and3A_815 : vector<16xi32>
      %add3A_817 = arith.addi %and3A_799, %and3A_804 : vector<16xi32>
      %add3A_818 = arith.addi %add3A_817, %and3A_810 : vector<16xi32>
      %add3A_819 = arith.addi %add3A_818, %and3A_816 : vector<16xi32>
      %broadcast_in_dim3A_820 = arith.constant true
      %broadcast_in_dim3A_821 = vector.broadcast %broadcast_in_dim3A_820 : i1 to vector<16xi1>
      %masked_cumsum3A = tpu.scan <sum>, %add3A_819 masked %broadcast_in_dim3A_821 : vector<16xi32>, vector<16xi1> -> vector<16xi32>
      %add3A_822 = vector.broadcast %while3A_789 : i32 to vector<16xi32>
      %add3A_823 = arith.addi %masked_cumsum3A, %add3A_822 : vector<16xi32>
      %sub3A = arith.subi %add3A_823, %add3A_819 : vector<16xi32>
      %mul3A_824 = arith.constant 64 : i32
      %mul3A_825 = arith.muli %while3A_788, %mul3A_824 : i32
      %add3A_826 = arith.addi %mul3A_649, %mul3A_825 : i32
      %mul3A_827 = arith.constant 4 : i32
      %mul3A_828 = vector.broadcast %mul3A_827 : i32 to vector<16xi32>
      %mul3A_829 = arith.muli %iota3A, %mul3A_828 : vector<16xi32>
      %add3A_830 = vector.broadcast %add3A_826 : i32 to vector<16xi32>
      %add3A_831 = arith.addi %add3A_830, %mul3A_829 : vector<16xi32>
      %add3A_832 = arith.addi %sub3A, %and3A_799 : vector<16xi32>
      %gt3A = arith.constant 0 : i32
      %gt3A_833 = vector.broadcast %gt3A : i32 to vector<16xi32>
      %gt3A_834 = arith.cmpi sgt, %and3A_799, %gt3A_833 : vector<16xi32>
      %le3A = arith.constant 64 : i32
      %le3A_835 = vector.broadcast %le3A : i32 to vector<16xi32>
      %le3A_836 = arith.cmpi sle, %add3A_832, %le3A_835 : vector<16xi32>
      %and3A_837 = arith.andi %gt3A_834, %le3A_836 : vector<16xi1>
      %add3A_838 = arith.constant 640 : i32
      %add3A_839 = vector.broadcast %add3A_838 : i32 to vector<16xi32>
      %add3A_840 = arith.addi %add3A_839, %add3A_832 : vector<16xi32>
      %sub3A_841 = arith.constant 1 : i32
      %sub3A_842 = vector.broadcast %sub3A_841 : i32 to vector<16xi32>
      %sub3A_843 = arith.subi %add3A_840, %sub3A_842 : vector<16xi32>
      %add3A_844 = arith.constant 0 : i32
      %add3A_845 = vector.broadcast %add3A_844 : i32 to vector<16xi32>
      %add3A_846 = arith.addi %add3A_831, %add3A_845 : vector<16xi32>
      tpu.vector_store_idx %arg7[%sub3A_843], %add3A_846 masked %and3A_837 : memref<1024xi32, #tpu.memory_space<vmem>>[vector<16xi32>], vector<16xi32>, vector<16xi1>
      %add3A_847 = arith.addi %add3A_832, %and3A_804 : vector<16xi32>
      %gt3A_848 = arith.constant 0 : i32
      %gt3A_849 = vector.broadcast %gt3A_848 : i32 to vector<16xi32>
      %gt3A_850 = arith.cmpi sgt, %and3A_804, %gt3A_849 : vector<16xi32>
      %le3A_851 = arith.constant 64 : i32
      %le3A_852 = vector.broadcast %le3A_851 : i32 to vector<16xi32>
      %le3A_853 = arith.cmpi sle, %add3A_847, %le3A_852 : vector<16xi32>
      %and3A_854 = arith.andi %gt3A_850, %le3A_853 : vector<16xi1>
      %add3A_855 = arith.constant 640 : i32
      %add3A_856 = vector.broadcast %add3A_855 : i32 to vector<16xi32>
      %add3A_857 = arith.addi %add3A_856, %add3A_847 : vector<16xi32>
      %sub3A_858 = arith.constant 1 : i32
      %sub3A_859 = vector.broadcast %sub3A_858 : i32 to vector<16xi32>
      %sub3A_860 = arith.subi %add3A_857, %sub3A_859 : vector<16xi32>
      %add3A_861 = arith.constant 1 : i32
      %add3A_862 = vector.broadcast %add3A_861 : i32 to vector<16xi32>
      %add3A_863 = arith.addi %add3A_831, %add3A_862 : vector<16xi32>
      tpu.vector_store_idx %arg7[%sub3A_860], %add3A_863 masked %and3A_854 : memref<1024xi32, #tpu.memory_space<vmem>>[vector<16xi32>], vector<16xi32>, vector<16xi1>
      %add3A_864 = arith.addi %add3A_847, %and3A_810 : vector<16xi32>
      %gt3A_865 = arith.constant 0 : i32
      %gt3A_866 = vector.broadcast %gt3A_865 : i32 to vector<16xi32>
      %gt3A_867 = arith.cmpi sgt, %and3A_810, %gt3A_866 : vector<16xi32>
      %le3A_868 = arith.constant 64 : i32
      %le3A_869 = vector.broadcast %le3A_868 : i32 to vector<16xi32>
      %le3A_870 = arith.cmpi sle, %add3A_864, %le3A_869 : vector<16xi32>
      %and3A_871 = arith.andi %gt3A_867, %le3A_870 : vector<16xi1>
      %add3A_872 = arith.constant 640 : i32
      %add3A_873 = vector.broadcast %add3A_872 : i32 to vector<16xi32>
      %add3A_874 = arith.addi %add3A_873, %add3A_864 : vector<16xi32>
      %sub3A_875 = arith.constant 1 : i32
      %sub3A_876 = vector.broadcast %sub3A_875 : i32 to vector<16xi32>
      %sub3A_877 = arith.subi %add3A_874, %sub3A_876 : vector<16xi32>
      %add3A_878 = arith.constant 2 : i32
      %add3A_879 = vector.broadcast %add3A_878 : i32 to vector<16xi32>
      %add3A_880 = arith.addi %add3A_831, %add3A_879 : vector<16xi32>
      tpu.vector_store_idx %arg7[%sub3A_877], %add3A_880 masked %and3A_871 : memref<1024xi32, #tpu.memory_space<vmem>>[vector<16xi32>], vector<16xi32>, vector<16xi1>
      %add3A_881 = arith.addi %add3A_864, %and3A_816 : vector<16xi32>
      %gt3A_882 = arith.constant 0 : i32
      %gt3A_883 = vector.broadcast %gt3A_882 : i32 to vector<16xi32>
      %gt3A_884 = arith.cmpi sgt, %and3A_816, %gt3A_883 : vector<16xi32>
      %le3A_885 = arith.constant 64 : i32
      %le3A_886 = vector.broadcast %le3A_885 : i32 to vector<16xi32>
      %le3A_887 = arith.cmpi sle, %add3A_881, %le3A_886 : vector<16xi32>
      %and3A_888 = arith.andi %gt3A_884, %le3A_887 : vector<16xi1>
      %add3A_889 = arith.constant 640 : i32
      %add3A_890 = vector.broadcast %add3A_889 : i32 to vector<16xi32>
      %add3A_891 = arith.addi %add3A_890, %add3A_881 : vector<16xi32>
      %sub3A_892 = arith.constant 1 : i32
      %sub3A_893 = vector.broadcast %sub3A_892 : i32 to vector<16xi32>
      %sub3A_894 = arith.subi %add3A_891, %sub3A_893 : vector<16xi32>
      %add3A_895 = arith.constant 3 : i32
      %add3A_896 = vector.broadcast %add3A_895 : i32 to vector<16xi32>
      %add3A_897 = arith.addi %add3A_831, %add3A_896 : vector<16xi32>
      tpu.vector_store_idx %arg7[%sub3A_894], %add3A_897 masked %and3A_888 : memref<1024xi32, #tpu.memory_space<vmem>>[vector<16xi32>], vector<16xi32>, vector<16xi1>
      %add3A_898 = arith.constant 1 : i32
      %add3A_899 = arith.addi %while3A_788, %add3A_898 : i32
      %reduce_sum3A_900 = arith.constant true
      %reduce_sum3A_901 = vector.broadcast %reduce_sum3A_900 : i1 to vector<16xi1>
      %reduce_sum3A_902 = tpu.scan <sum>, %add3A_819 masked %reduce_sum3A_901 : vector<16xi32>, vector<16xi1> -> vector<16xi32>
      %reduce_sum3A_903 = vector.extract %reduce_sum3A_902[15] : i32 from vector<16xi32>
      %add3A_904 = arith.addi %while3A_789, %reduce_sum3A_903 : i32
      scf.yield %add3A_899, %add3A_904 : i32, i32
    }
    %min3A_653 = arith.constant 64 : i32
    %min3A_654 = arith.minsi %while3A_652#1, %min3A_653 : i32
    %broadcast_in_dim3A_655 = arith.constant 10 : i32
    %broadcast_in_dim3A_656 = vector.broadcast %broadcast_in_dim3A_655 : i32 to vector<16xi32>
    %broadcast_in_dim3A_657 = vector.broadcast %min3A_654 : i32 to vector<16xi32>
    %eq3A_658 = arith.constant 0 : i32
    %eq3A_659 = vector.broadcast %eq3A_658 : i32 to vector<16xi32>
    %eq3A_660 = arith.cmpi eq, %iota3A, %eq3A_659 : vector<16xi32>
    tpu.vector_store_idx %arg9[%broadcast_in_dim3A_656], %broadcast_in_dim3A_657 masked %eq3A_660 : memref<16xi32, #tpu.memory_space<vmem>>[vector<16xi32>], vector<16xi32>, vector<16xi1>
    %get3A_661 = arith.constant 0 : index
    %get3A_662 = tpu.vector_load %arg8[%get3A_661] {strides = array<i32>} : memref<16xi32, #tpu.memory_space<vmem>>, vector<16xi32>,
    %eq3A_663 = arith.constant 11 : i32
    %eq3A_664 = vector.broadcast %eq3A_663 : i32 to vector<16xi32>
    %eq3A_665 = arith.cmpi eq, %iota3A, %eq3A_664 : vector<16xi32>
    %jit3A_666 = arith.constant 0 : i32
    %broadcast_in_dim3A_667 = vector.broadcast %jit3A_666 : i32 to vector<16xi32>
    %select_n3A_668 = arith.select %eq3A_665, %get3A_662, %broadcast_in_dim3A_667 : vector<16xi1>, vector<16xi32>
    %reduce_sum3A_669 = arith.constant true
    %reduce_sum3A_670 = vector.broadcast %reduce_sum3A_669 : i1 to vector<16xi1>
    %reduce_sum3A_671 = tpu.scan <sum>, %select_n3A_668 masked %reduce_sum3A_670 : vector<16xi32>, vector<16xi1> -> vector<16xi32>
    %reduce_sum3A_672 = vector.extract %reduce_sum3A_671[15] : i32 from vector<16xi32>
    %mul3A_673 = arith.constant 2048 : i32
    %mul3A_674 = arith.muli %reduce_sum3A_672, %mul3A_673 : i32
    %while3A_675 = arith.constant 0 : i32
    %while3A_676 = arith.constant 0 : i32
    %while3A_677:2 = scf.while (%while3A_788 = %while3A_675, %while3A_789 = %while3A_676) : (i32, i32) -> (i32, i32) {
      %lt3A = arith.constant 32 : i32
      %lt3A_790 = arith.cmpi slt, %while3A_788, %lt3A : i32
      %lt3A_791 = arith.constant 64 : i32
      %lt3A_792 = arith.cmpi slt, %while3A_789, %lt3A_791 : i32
      %and3A = arith.andi %lt3A_790, %lt3A_792 : i1
      scf.condition(%and3A) %while3A_788, %while3A_789 : i32, i32
    } do {
    ^bb0(%while3A_788: i32, %while3A_789: i32):
      %mul3A_790 = arith.constant 4 : i32
      %mul3A_791 = arith.muli %while3A_788, %mul3A_790 : i32
      %mul3A_792 = arith.constant 16 : i32
      %mul3A_793 = arith.muli %mul3A_791, %mul3A_792 : i32
      %get3A_794 = arith.constant 11 : i32
      %get3A_795 = arith.index_cast %get3A_794 : i32 to index
      %get3A_796 = arith.index_cast %mul3A_793 : i32 to index
      %get3A_797 = tpu.vector_load %arg6[%get3A_795, %get3A_796] {strides = array<i32>} : memref<16x2048xi8, #tpu.memory_space<vmem>>, vector<64xi8>,
      %bitcast3A = vector.bitcast %get3A_797 : vector<64xi8> to vector<16xi32>
      %and3A = arith.constant 1 : i32
      %and3A_798 = vector.broadcast %and3A : i32 to vector<16xi32>
      %and3A_799 = arith.andi %bitcast3A, %and3A_798 : vector<16xi32>
      %shift_right_arithmetic3A = arith.constant 8 : i32
      %shift_right_arithmetic3A_800 = vector.broadcast %shift_right_arithmetic3A : i32 to vector<16xi32>
      %shift_right_arithmetic3A_801 = arith.shrsi %bitcast3A, %shift_right_arithmetic3A_800 : vector<16xi32>
      %and3A_802 = arith.constant 1 : i32
      %and3A_803 = vector.broadcast %and3A_802 : i32 to vector<16xi32>
      %and3A_804 = arith.andi %shift_right_arithmetic3A_801, %and3A_803 : vector<16xi32>
      %shift_right_arithmetic3A_805 = arith.constant 16 : i32
      %shift_right_arithmetic3A_806 = vector.broadcast %shift_right_arithmetic3A_805 : i32 to vector<16xi32>
      %shift_right_arithmetic3A_807 = arith.shrsi %bitcast3A, %shift_right_arithmetic3A_806 : vector<16xi32>
      %and3A_808 = arith.constant 1 : i32
      %and3A_809 = vector.broadcast %and3A_808 : i32 to vector<16xi32>
      %and3A_810 = arith.andi %shift_right_arithmetic3A_807, %and3A_809 : vector<16xi32>
      %shift_right_arithmetic3A_811 = arith.constant 24 : i32
      %shift_right_arithmetic3A_812 = vector.broadcast %shift_right_arithmetic3A_811 : i32 to vector<16xi32>
      %shift_right_arithmetic3A_813 = arith.shrsi %bitcast3A, %shift_right_arithmetic3A_812 : vector<16xi32>
      %and3A_814 = arith.constant 1 : i32
      %and3A_815 = vector.broadcast %and3A_814 : i32 to vector<16xi32>
      %and3A_816 = arith.andi %shift_right_arithmetic3A_813, %and3A_815 : vector<16xi32>
      %add3A_817 = arith.addi %and3A_799, %and3A_804 : vector<16xi32>
      %add3A_818 = arith.addi %add3A_817, %and3A_810 : vector<16xi32>
      %add3A_819 = arith.addi %add3A_818, %and3A_816 : vector<16xi32>
      %broadcast_in_dim3A_820 = arith.constant true
      %broadcast_in_dim3A_821 = vector.broadcast %broadcast_in_dim3A_820 : i1 to vector<16xi1>
      %masked_cumsum3A = tpu.scan <sum>, %add3A_819 masked %broadcast_in_dim3A_821 : vector<16xi32>, vector<16xi1> -> vector<16xi32>
      %add3A_822 = vector.broadcast %while3A_789 : i32 to vector<16xi32>
      %add3A_823 = arith.addi %masked_cumsum3A, %add3A_822 : vector<16xi32>
      %sub3A = arith.subi %add3A_823, %add3A_819 : vector<16xi32>
      %mul3A_824 = arith.constant 64 : i32
      %mul3A_825 = arith.muli %while3A_788, %mul3A_824 : i32
      %add3A_826 = arith.addi %mul3A_674, %mul3A_825 : i32
      %mul3A_827 = arith.constant 4 : i32
      %mul3A_828 = vector.broadcast %mul3A_827 : i32 to vector<16xi32>
      %mul3A_829 = arith.muli %iota3A, %mul3A_828 : vector<16xi32>
      %add3A_830 = vector.broadcast %add3A_826 : i32 to vector<16xi32>
      %add3A_831 = arith.addi %add3A_830, %mul3A_829 : vector<16xi32>
      %add3A_832 = arith.addi %sub3A, %and3A_799 : vector<16xi32>
      %gt3A = arith.constant 0 : i32
      %gt3A_833 = vector.broadcast %gt3A : i32 to vector<16xi32>
      %gt3A_834 = arith.cmpi sgt, %and3A_799, %gt3A_833 : vector<16xi32>
      %le3A = arith.constant 64 : i32
      %le3A_835 = vector.broadcast %le3A : i32 to vector<16xi32>
      %le3A_836 = arith.cmpi sle, %add3A_832, %le3A_835 : vector<16xi32>
      %and3A_837 = arith.andi %gt3A_834, %le3A_836 : vector<16xi1>
      %add3A_838 = arith.constant 704 : i32
      %add3A_839 = vector.broadcast %add3A_838 : i32 to vector<16xi32>
      %add3A_840 = arith.addi %add3A_839, %add3A_832 : vector<16xi32>
      %sub3A_841 = arith.constant 1 : i32
      %sub3A_842 = vector.broadcast %sub3A_841 : i32 to vector<16xi32>
      %sub3A_843 = arith.subi %add3A_840, %sub3A_842 : vector<16xi32>
      %add3A_844 = arith.constant 0 : i32
      %add3A_845 = vector.broadcast %add3A_844 : i32 to vector<16xi32>
      %add3A_846 = arith.addi %add3A_831, %add3A_845 : vector<16xi32>
      tpu.vector_store_idx %arg7[%sub3A_843], %add3A_846 masked %and3A_837 : memref<1024xi32, #tpu.memory_space<vmem>>[vector<16xi32>], vector<16xi32>, vector<16xi1>
      %add3A_847 = arith.addi %add3A_832, %and3A_804 : vector<16xi32>
      %gt3A_848 = arith.constant 0 : i32
      %gt3A_849 = vector.broadcast %gt3A_848 : i32 to vector<16xi32>
      %gt3A_850 = arith.cmpi sgt, %and3A_804, %gt3A_849 : vector<16xi32>
      %le3A_851 = arith.constant 64 : i32
      %le3A_852 = vector.broadcast %le3A_851 : i32 to vector<16xi32>
      %le3A_853 = arith.cmpi sle, %add3A_847, %le3A_852 : vector<16xi32>
      %and3A_854 = arith.andi %gt3A_850, %le3A_853 : vector<16xi1>
      %add3A_855 = arith.constant 704 : i32
      %add3A_856 = vector.broadcast %add3A_855 : i32 to vector<16xi32>
      %add3A_857 = arith.addi %add3A_856, %add3A_847 : vector<16xi32>
      %sub3A_858 = arith.constant 1 : i32
      %sub3A_859 = vector.broadcast %sub3A_858 : i32 to vector<16xi32>
      %sub3A_860 = arith.subi %add3A_857, %sub3A_859 : vector<16xi32>
      %add3A_861 = arith.constant 1 : i32
      %add3A_862 = vector.broadcast %add3A_861 : i32 to vector<16xi32>
      %add3A_863 = arith.addi %add3A_831, %add3A_862 : vector<16xi32>
      tpu.vector_store_idx %arg7[%sub3A_860], %add3A_863 masked %and3A_854 : memref<1024xi32, #tpu.memory_space<vmem>>[vector<16xi32>], vector<16xi32>, vector<16xi1>
      %add3A_864 = arith.addi %add3A_847, %and3A_810 : vector<16xi32>
      %gt3A_865 = arith.constant 0 : i32
      %gt3A_866 = vector.broadcast %gt3A_865 : i32 to vector<16xi32>
      %gt3A_867 = arith.cmpi sgt, %and3A_810, %gt3A_866 : vector<16xi32>
      %le3A_868 = arith.constant 64 : i32
      %le3A_869 = vector.broadcast %le3A_868 : i32 to vector<16xi32>
      %le3A_870 = arith.cmpi sle, %add3A_864, %le3A_869 : vector<16xi32>
      %and3A_871 = arith.andi %gt3A_867, %le3A_870 : vector<16xi1>
      %add3A_872 = arith.constant 704 : i32
      %add3A_873 = vector.broadcast %add3A_872 : i32 to vector<16xi32>
      %add3A_874 = arith.addi %add3A_873, %add3A_864 : vector<16xi32>
      %sub3A_875 = arith.constant 1 : i32
      %sub3A_876 = vector.broadcast %sub3A_875 : i32 to vector<16xi32>
      %sub3A_877 = arith.subi %add3A_874, %sub3A_876 : vector<16xi32>
      %add3A_878 = arith.constant 2 : i32
      %add3A_879 = vector.broadcast %add3A_878 : i32 to vector<16xi32>
      %add3A_880 = arith.addi %add3A_831, %add3A_879 : vector<16xi32>
      tpu.vector_store_idx %arg7[%sub3A_877], %add3A_880 masked %and3A_871 : memref<1024xi32, #tpu.memory_space<vmem>>[vector<16xi32>], vector<16xi32>, vector<16xi1>
      %add3A_881 = arith.addi %add3A_864, %and3A_816 : vector<16xi32>
      %gt3A_882 = arith.constant 0 : i32
      %gt3A_883 = vector.broadcast %gt3A_882 : i32 to vector<16xi32>
      %gt3A_884 = arith.cmpi sgt, %and3A_816, %gt3A_883 : vector<16xi32>
      %le3A_885 = arith.constant 64 : i32
      %le3A_886 = vector.broadcast %le3A_885 : i32 to vector<16xi32>
      %le3A_887 = arith.cmpi sle, %add3A_881, %le3A_886 : vector<16xi32>
      %and3A_888 = arith.andi %gt3A_884, %le3A_887 : vector<16xi1>
      %add3A_889 = arith.constant 704 : i32
      %add3A_890 = vector.broadcast %add3A_889 : i32 to vector<16xi32>
      %add3A_891 = arith.addi %add3A_890, %add3A_881 : vector<16xi32>
      %sub3A_892 = arith.constant 1 : i32
      %sub3A_893 = vector.broadcast %sub3A_892 : i32 to vector<16xi32>
      %sub3A_894 = arith.subi %add3A_891, %sub3A_893 : vector<16xi32>
      %add3A_895 = arith.constant 3 : i32
      %add3A_896 = vector.broadcast %add3A_895 : i32 to vector<16xi32>
      %add3A_897 = arith.addi %add3A_831, %add3A_896 : vector<16xi32>
      tpu.vector_store_idx %arg7[%sub3A_894], %add3A_897 masked %and3A_888 : memref<1024xi32, #tpu.memory_space<vmem>>[vector<16xi32>], vector<16xi32>, vector<16xi1>
      %add3A_898 = arith.constant 1 : i32
      %add3A_899 = arith.addi %while3A_788, %add3A_898 : i32
      %reduce_sum3A_900 = arith.constant true
      %reduce_sum3A_901 = vector.broadcast %reduce_sum3A_900 : i1 to vector<16xi1>
      %reduce_sum3A_902 = tpu.scan <sum>, %add3A_819 masked %reduce_sum3A_901 : vector<16xi32>, vector<16xi1> -> vector<16xi32>
      %reduce_sum3A_903 = vector.extract %reduce_sum3A_902[15] : i32 from vector<16xi32>
      %add3A_904 = arith.addi %while3A_789, %reduce_sum3A_903 : i32
      scf.yield %add3A_899, %add3A_904 : i32, i32
    }
    %min3A_678 = arith.constant 64 : i32
    %min3A_679 = arith.minsi %while3A_677#1, %min3A_678 : i32
    %broadcast_in_dim3A_680 = arith.constant 11 : i32
    %broadcast_in_dim3A_681 = vector.broadcast %broadcast_in_dim3A_680 : i32 to vector<16xi32>
    %broadcast_in_dim3A_682 = vector.broadcast %min3A_679 : i32 to vector<16xi32>
    %eq3A_683 = arith.constant 0 : i32
    %eq3A_684 = vector.broadcast %eq3A_683 : i32 to vector<16xi32>
    %eq3A_685 = arith.cmpi eq, %iota3A, %eq3A_684 : vector<16xi32>
    tpu.vector_store_idx %arg9[%broadcast_in_dim3A_681], %broadcast_in_dim3A_682 masked %eq3A_685 : memref<16xi32, #tpu.memory_space<vmem>>[vector<16xi32>], vector<16xi32>, vector<16xi1>
    %get3A_686 = arith.constant 0 : index
    %get3A_687 = tpu.vector_load %arg8[%get3A_686] {strides = array<i32>} : memref<16xi32, #tpu.memory_space<vmem>>, vector<16xi32>,
    %eq3A_688 = arith.constant 12 : i32
    %eq3A_689 = vector.broadcast %eq3A_688 : i32 to vector<16xi32>
    %eq3A_690 = arith.cmpi eq, %iota3A, %eq3A_689 : vector<16xi32>
    %jit3A_691 = arith.constant 0 : i32
    %broadcast_in_dim3A_692 = vector.broadcast %jit3A_691 : i32 to vector<16xi32>
    %select_n3A_693 = arith.select %eq3A_690, %get3A_687, %broadcast_in_dim3A_692 : vector<16xi1>, vector<16xi32>
    %reduce_sum3A_694 = arith.constant true
    %reduce_sum3A_695 = vector.broadcast %reduce_sum3A_694 : i1 to vector<16xi1>
    %reduce_sum3A_696 = tpu.scan <sum>, %select_n3A_693 masked %reduce_sum3A_695 : vector<16xi32>, vector<16xi1> -> vector<16xi32>
    %reduce_sum3A_697 = vector.extract %reduce_sum3A_696[15] : i32 from vector<16xi32>
    %mul3A_698 = arith.constant 2048 : i32
    %mul3A_699 = arith.muli %reduce_sum3A_697, %mul3A_698 : i32
    %while3A_700 = arith.constant 0 : i32
    %while3A_701 = arith.constant 0 : i32
    %while3A_702:2 = scf.while (%while3A_788 = %while3A_700, %while3A_789 = %while3A_701) : (i32, i32) -> (i32, i32) {
      %lt3A = arith.constant 32 : i32
      %lt3A_790 = arith.cmpi slt, %while3A_788, %lt3A : i32
      %lt3A_791 = arith.constant 64 : i32
      %lt3A_792 = arith.cmpi slt, %while3A_789, %lt3A_791 : i32
      %and3A = arith.andi %lt3A_790, %lt3A_792 : i1
      scf.condition(%and3A) %while3A_788, %while3A_789 : i32, i32
    } do {
    ^bb0(%while3A_788: i32, %while3A_789: i32):
      %mul3A_790 = arith.constant 4 : i32
      %mul3A_791 = arith.muli %while3A_788, %mul3A_790 : i32
      %mul3A_792 = arith.constant 16 : i32
      %mul3A_793 = arith.muli %mul3A_791, %mul3A_792 : i32
      %get3A_794 = arith.constant 12 : i32
      %get3A_795 = arith.index_cast %get3A_794 : i32 to index
      %get3A_796 = arith.index_cast %mul3A_793 : i32 to index
      %get3A_797 = tpu.vector_load %arg6[%get3A_795, %get3A_796] {strides = array<i32>} : memref<16x2048xi8, #tpu.memory_space<vmem>>, vector<64xi8>,
      %bitcast3A = vector.bitcast %get3A_797 : vector<64xi8> to vector<16xi32>
      %and3A = arith.constant 1 : i32
      %and3A_798 = vector.broadcast %and3A : i32 to vector<16xi32>
      %and3A_799 = arith.andi %bitcast3A, %and3A_798 : vector<16xi32>
      %shift_right_arithmetic3A = arith.constant 8 : i32
      %shift_right_arithmetic3A_800 = vector.broadcast %shift_right_arithmetic3A : i32 to vector<16xi32>
      %shift_right_arithmetic3A_801 = arith.shrsi %bitcast3A, %shift_right_arithmetic3A_800 : vector<16xi32>
      %and3A_802 = arith.constant 1 : i32
      %and3A_803 = vector.broadcast %and3A_802 : i32 to vector<16xi32>
      %and3A_804 = arith.andi %shift_right_arithmetic3A_801, %and3A_803 : vector<16xi32>
      %shift_right_arithmetic3A_805 = arith.constant 16 : i32
      %shift_right_arithmetic3A_806 = vector.broadcast %shift_right_arithmetic3A_805 : i32 to vector<16xi32>
      %shift_right_arithmetic3A_807 = arith.shrsi %bitcast3A, %shift_right_arithmetic3A_806 : vector<16xi32>
      %and3A_808 = arith.constant 1 : i32
      %and3A_809 = vector.broadcast %and3A_808 : i32 to vector<16xi32>
      %and3A_810 = arith.andi %shift_right_arithmetic3A_807, %and3A_809 : vector<16xi32>
      %shift_right_arithmetic3A_811 = arith.constant 24 : i32
      %shift_right_arithmetic3A_812 = vector.broadcast %shift_right_arithmetic3A_811 : i32 to vector<16xi32>
      %shift_right_arithmetic3A_813 = arith.shrsi %bitcast3A, %shift_right_arithmetic3A_812 : vector<16xi32>
      %and3A_814 = arith.constant 1 : i32
      %and3A_815 = vector.broadcast %and3A_814 : i32 to vector<16xi32>
      %and3A_816 = arith.andi %shift_right_arithmetic3A_813, %and3A_815 : vector<16xi32>
      %add3A_817 = arith.addi %and3A_799, %and3A_804 : vector<16xi32>
      %add3A_818 = arith.addi %add3A_817, %and3A_810 : vector<16xi32>
      %add3A_819 = arith.addi %add3A_818, %and3A_816 : vector<16xi32>
      %broadcast_in_dim3A_820 = arith.constant true
      %broadcast_in_dim3A_821 = vector.broadcast %broadcast_in_dim3A_820 : i1 to vector<16xi1>
      %masked_cumsum3A = tpu.scan <sum>, %add3A_819 masked %broadcast_in_dim3A_821 : vector<16xi32>, vector<16xi1> -> vector<16xi32>
      %add3A_822 = vector.broadcast %while3A_789 : i32 to vector<16xi32>
      %add3A_823 = arith.addi %masked_cumsum3A, %add3A_822 : vector<16xi32>
      %sub3A = arith.subi %add3A_823, %add3A_819 : vector<16xi32>
      %mul3A_824 = arith.constant 64 : i32
      %mul3A_825 = arith.muli %while3A_788, %mul3A_824 : i32
      %add3A_826 = arith.addi %mul3A_699, %mul3A_825 : i32
      %mul3A_827 = arith.constant 4 : i32
      %mul3A_828 = vector.broadcast %mul3A_827 : i32 to vector<16xi32>
      %mul3A_829 = arith.muli %iota3A, %mul3A_828 : vector<16xi32>
      %add3A_830 = vector.broadcast %add3A_826 : i32 to vector<16xi32>
      %add3A_831 = arith.addi %add3A_830, %mul3A_829 : vector<16xi32>
      %add3A_832 = arith.addi %sub3A, %and3A_799 : vector<16xi32>
      %gt3A = arith.constant 0 : i32
      %gt3A_833 = vector.broadcast %gt3A : i32 to vector<16xi32>
      %gt3A_834 = arith.cmpi sgt, %and3A_799, %gt3A_833 : vector<16xi32>
      %le3A = arith.constant 64 : i32
      %le3A_835 = vector.broadcast %le3A : i32 to vector<16xi32>
      %le3A_836 = arith.cmpi sle, %add3A_832, %le3A_835 : vector<16xi32>
      %and3A_837 = arith.andi %gt3A_834, %le3A_836 : vector<16xi1>
      %add3A_838 = arith.constant 768 : i32
      %add3A_839 = vector.broadcast %add3A_838 : i32 to vector<16xi32>
      %add3A_840 = arith.addi %add3A_839, %add3A_832 : vector<16xi32>
      %sub3A_841 = arith.constant 1 : i32
      %sub3A_842 = vector.broadcast %sub3A_841 : i32 to vector<16xi32>
      %sub3A_843 = arith.subi %add3A_840, %sub3A_842 : vector<16xi32>
      %add3A_844 = arith.constant 0 : i32
      %add3A_845 = vector.broadcast %add3A_844 : i32 to vector<16xi32>
      %add3A_846 = arith.addi %add3A_831, %add3A_845 : vector<16xi32>
      tpu.vector_store_idx %arg7[%sub3A_843], %add3A_846 masked %and3A_837 : memref<1024xi32, #tpu.memory_space<vmem>>[vector<16xi32>], vector<16xi32>, vector<16xi1>
      %add3A_847 = arith.addi %add3A_832, %and3A_804 : vector<16xi32>
      %gt3A_848 = arith.constant 0 : i32
      %gt3A_849 = vector.broadcast %gt3A_848 : i32 to vector<16xi32>
      %gt3A_850 = arith.cmpi sgt, %and3A_804, %gt3A_849 : vector<16xi32>
      %le3A_851 = arith.constant 64 : i32
      %le3A_852 = vector.broadcast %le3A_851 : i32 to vector<16xi32>
      %le3A_853 = arith.cmpi sle, %add3A_847, %le3A_852 : vector<16xi32>
      %and3A_854 = arith.andi %gt3A_850, %le3A_853 : vector<16xi1>
      %add3A_855 = arith.constant 768 : i32
      %add3A_856 = vector.broadcast %add3A_855 : i32 to vector<16xi32>
      %add3A_857 = arith.addi %add3A_856, %add3A_847 : vector<16xi32>
      %sub3A_858 = arith.constant 1 : i32
      %sub3A_859 = vector.broadcast %sub3A_858 : i32 to vector<16xi32>
      %sub3A_860 = arith.subi %add3A_857, %sub3A_859 : vector<16xi32>
      %add3A_861 = arith.constant 1 : i32
      %add3A_862 = vector.broadcast %add3A_861 : i32 to vector<16xi32>
      %add3A_863 = arith.addi %add3A_831, %add3A_862 : vector<16xi32>
      tpu.vector_store_idx %arg7[%sub3A_860], %add3A_863 masked %and3A_854 : memref<1024xi32, #tpu.memory_space<vmem>>[vector<16xi32>], vector<16xi32>, vector<16xi1>
      %add3A_864 = arith.addi %add3A_847, %and3A_810 : vector<16xi32>
      %gt3A_865 = arith.constant 0 : i32
      %gt3A_866 = vector.broadcast %gt3A_865 : i32 to vector<16xi32>
      %gt3A_867 = arith.cmpi sgt, %and3A_810, %gt3A_866 : vector<16xi32>
      %le3A_868 = arith.constant 64 : i32
      %le3A_869 = vector.broadcast %le3A_868 : i32 to vector<16xi32>
      %le3A_870 = arith.cmpi sle, %add3A_864, %le3A_869 : vector<16xi32>
      %and3A_871 = arith.andi %gt3A_867, %le3A_870 : vector<16xi1>
      %add3A_872 = arith.constant 768 : i32
      %add3A_873 = vector.broadcast %add3A_872 : i32 to vector<16xi32>
      %add3A_874 = arith.addi %add3A_873, %add3A_864 : vector<16xi32>
      %sub3A_875 = arith.constant 1 : i32
      %sub3A_876 = vector.broadcast %sub3A_875 : i32 to vector<16xi32>
      %sub3A_877 = arith.subi %add3A_874, %sub3A_876 : vector<16xi32>
      %add3A_878 = arith.constant 2 : i32
      %add3A_879 = vector.broadcast %add3A_878 : i32 to vector<16xi32>
      %add3A_880 = arith.addi %add3A_831, %add3A_879 : vector<16xi32>
      tpu.vector_store_idx %arg7[%sub3A_877], %add3A_880 masked %and3A_871 : memref<1024xi32, #tpu.memory_space<vmem>>[vector<16xi32>], vector<16xi32>, vector<16xi1>
      %add3A_881 = arith.addi %add3A_864, %and3A_816 : vector<16xi32>
      %gt3A_882 = arith.constant 0 : i32
      %gt3A_883 = vector.broadcast %gt3A_882 : i32 to vector<16xi32>
      %gt3A_884 = arith.cmpi sgt, %and3A_816, %gt3A_883 : vector<16xi32>
      %le3A_885 = arith.constant 64 : i32
      %le3A_886 = vector.broadcast %le3A_885 : i32 to vector<16xi32>
      %le3A_887 = arith.cmpi sle, %add3A_881, %le3A_886 : vector<16xi32>
      %and3A_888 = arith.andi %gt3A_884, %le3A_887 : vector<16xi1>
      %add3A_889 = arith.constant 768 : i32
      %add3A_890 = vector.broadcast %add3A_889 : i32 to vector<16xi32>
      %add3A_891 = arith.addi %add3A_890, %add3A_881 : vector<16xi32>
      %sub3A_892 = arith.constant 1 : i32
      %sub3A_893 = vector.broadcast %sub3A_892 : i32 to vector<16xi32>
      %sub3A_894 = arith.subi %add3A_891, %sub3A_893 : vector<16xi32>
      %add3A_895 = arith.constant 3 : i32
      %add3A_896 = vector.broadcast %add3A_895 : i32 to vector<16xi32>
      %add3A_897 = arith.addi %add3A_831, %add3A_896 : vector<16xi32>
      tpu.vector_store_idx %arg7[%sub3A_894], %add3A_897 masked %and3A_888 : memref<1024xi32, #tpu.memory_space<vmem>>[vector<16xi32>], vector<16xi32>, vector<16xi1>
      %add3A_898 = arith.constant 1 : i32
      %add3A_899 = arith.addi %while3A_788, %add3A_898 : i32
      %reduce_sum3A_900 = arith.constant true
      %reduce_sum3A_901 = vector.broadcast %reduce_sum3A_900 : i1 to vector<16xi1>
      %reduce_sum3A_902 = tpu.scan <sum>, %add3A_819 masked %reduce_sum3A_901 : vector<16xi32>, vector<16xi1> -> vector<16xi32>
      %reduce_sum3A_903 = vector.extract %reduce_sum3A_902[15] : i32 from vector<16xi32>
      %add3A_904 = arith.addi %while3A_789, %reduce_sum3A_903 : i32
      scf.yield %add3A_899, %add3A_904 : i32, i32
    }
    %min3A_703 = arith.constant 64 : i32
    %min3A_704 = arith.minsi %while3A_702#1, %min3A_703 : i32
    %broadcast_in_dim3A_705 = arith.constant 12 : i32
    %broadcast_in_dim3A_706 = vector.broadcast %broadcast_in_dim3A_705 : i32 to vector<16xi32>
    %broadcast_in_dim3A_707 = vector.broadcast %min3A_704 : i32 to vector<16xi32>
    %eq3A_708 = arith.constant 0 : i32
    %eq3A_709 = vector.broadcast %eq3A_708 : i32 to vector<16xi32>
    %eq3A_710 = arith.cmpi eq, %iota3A, %eq3A_709 : vector<16xi32>
    tpu.vector_store_idx %arg9[%broadcast_in_dim3A_706], %broadcast_in_dim3A_707 masked %eq3A_710 : memref<16xi32, #tpu.memory_space<vmem>>[vector<16xi32>], vector<16xi32>, vector<16xi1>
    %get3A_711 = arith.constant 0 : index
    %get3A_712 = tpu.vector_load %arg8[%get3A_711] {strides = array<i32>} : memref<16xi32, #tpu.memory_space<vmem>>, vector<16xi32>,
    %eq3A_713 = arith.constant 13 : i32
    %eq3A_714 = vector.broadcast %eq3A_713 : i32 to vector<16xi32>
    %eq3A_715 = arith.cmpi eq, %iota3A, %eq3A_714 : vector<16xi32>
    %jit3A_716 = arith.constant 0 : i32
    %broadcast_in_dim3A_717 = vector.broadcast %jit3A_716 : i32 to vector<16xi32>
    %select_n3A_718 = arith.select %eq3A_715, %get3A_712, %broadcast_in_dim3A_717 : vector<16xi1>, vector<16xi32>
    %reduce_sum3A_719 = arith.constant true
    %reduce_sum3A_720 = vector.broadcast %reduce_sum3A_719 : i1 to vector<16xi1>
    %reduce_sum3A_721 = tpu.scan <sum>, %select_n3A_718 masked %reduce_sum3A_720 : vector<16xi32>, vector<16xi1> -> vector<16xi32>
    %reduce_sum3A_722 = vector.extract %reduce_sum3A_721[15] : i32 from vector<16xi32>
    %mul3A_723 = arith.constant 2048 : i32
    %mul3A_724 = arith.muli %reduce_sum3A_722, %mul3A_723 : i32
    %while3A_725 = arith.constant 0 : i32
    %while3A_726 = arith.constant 0 : i32
    %while3A_727:2 = scf.while (%while3A_788 = %while3A_725, %while3A_789 = %while3A_726) : (i32, i32) -> (i32, i32) {
      %lt3A = arith.constant 32 : i32
      %lt3A_790 = arith.cmpi slt, %while3A_788, %lt3A : i32
      %lt3A_791 = arith.constant 64 : i32
      %lt3A_792 = arith.cmpi slt, %while3A_789, %lt3A_791 : i32
      %and3A = arith.andi %lt3A_790, %lt3A_792 : i1
      scf.condition(%and3A) %while3A_788, %while3A_789 : i32, i32
    } do {
    ^bb0(%while3A_788: i32, %while3A_789: i32):
      %mul3A_790 = arith.constant 4 : i32
      %mul3A_791 = arith.muli %while3A_788, %mul3A_790 : i32
      %mul3A_792 = arith.constant 16 : i32
      %mul3A_793 = arith.muli %mul3A_791, %mul3A_792 : i32
      %get3A_794 = arith.constant 13 : i32
      %get3A_795 = arith.index_cast %get3A_794 : i32 to index
      %get3A_796 = arith.index_cast %mul3A_793 : i32 to index
      %get3A_797 = tpu.vector_load %arg6[%get3A_795, %get3A_796] {strides = array<i32>} : memref<16x2048xi8, #tpu.memory_space<vmem>>, vector<64xi8>,
      %bitcast3A = vector.bitcast %get3A_797 : vector<64xi8> to vector<16xi32>
      %and3A = arith.constant 1 : i32
      %and3A_798 = vector.broadcast %and3A : i32 to vector<16xi32>
      %and3A_799 = arith.andi %bitcast3A, %and3A_798 : vector<16xi32>
      %shift_right_arithmetic3A = arith.constant 8 : i32
      %shift_right_arithmetic3A_800 = vector.broadcast %shift_right_arithmetic3A : i32 to vector<16xi32>
      %shift_right_arithmetic3A_801 = arith.shrsi %bitcast3A, %shift_right_arithmetic3A_800 : vector<16xi32>
      %and3A_802 = arith.constant 1 : i32
      %and3A_803 = vector.broadcast %and3A_802 : i32 to vector<16xi32>
      %and3A_804 = arith.andi %shift_right_arithmetic3A_801, %and3A_803 : vector<16xi32>
      %shift_right_arithmetic3A_805 = arith.constant 16 : i32
      %shift_right_arithmetic3A_806 = vector.broadcast %shift_right_arithmetic3A_805 : i32 to vector<16xi32>
      %shift_right_arithmetic3A_807 = arith.shrsi %bitcast3A, %shift_right_arithmetic3A_806 : vector<16xi32>
      %and3A_808 = arith.constant 1 : i32
      %and3A_809 = vector.broadcast %and3A_808 : i32 to vector<16xi32>
      %and3A_810 = arith.andi %shift_right_arithmetic3A_807, %and3A_809 : vector<16xi32>
      %shift_right_arithmetic3A_811 = arith.constant 24 : i32
      %shift_right_arithmetic3A_812 = vector.broadcast %shift_right_arithmetic3A_811 : i32 to vector<16xi32>
      %shift_right_arithmetic3A_813 = arith.shrsi %bitcast3A, %shift_right_arithmetic3A_812 : vector<16xi32>
      %and3A_814 = arith.constant 1 : i32
      %and3A_815 = vector.broadcast %and3A_814 : i32 to vector<16xi32>
      %and3A_816 = arith.andi %shift_right_arithmetic3A_813, %and3A_815 : vector<16xi32>
      %add3A_817 = arith.addi %and3A_799, %and3A_804 : vector<16xi32>
      %add3A_818 = arith.addi %add3A_817, %and3A_810 : vector<16xi32>
      %add3A_819 = arith.addi %add3A_818, %and3A_816 : vector<16xi32>
      %broadcast_in_dim3A_820 = arith.constant true
      %broadcast_in_dim3A_821 = vector.broadcast %broadcast_in_dim3A_820 : i1 to vector<16xi1>
      %masked_cumsum3A = tpu.scan <sum>, %add3A_819 masked %broadcast_in_dim3A_821 : vector<16xi32>, vector<16xi1> -> vector<16xi32>
      %add3A_822 = vector.broadcast %while3A_789 : i32 to vector<16xi32>
      %add3A_823 = arith.addi %masked_cumsum3A, %add3A_822 : vector<16xi32>
      %sub3A = arith.subi %add3A_823, %add3A_819 : vector<16xi32>
      %mul3A_824 = arith.constant 64 : i32
      %mul3A_825 = arith.muli %while3A_788, %mul3A_824 : i32
      %add3A_826 = arith.addi %mul3A_724, %mul3A_825 : i32
      %mul3A_827 = arith.constant 4 : i32
      %mul3A_828 = vector.broadcast %mul3A_827 : i32 to vector<16xi32>
      %mul3A_829 = arith.muli %iota3A, %mul3A_828 : vector<16xi32>
      %add3A_830 = vector.broadcast %add3A_826 : i32 to vector<16xi32>
      %add3A_831 = arith.addi %add3A_830, %mul3A_829 : vector<16xi32>
      %add3A_832 = arith.addi %sub3A, %and3A_799 : vector<16xi32>
      %gt3A = arith.constant 0 : i32
      %gt3A_833 = vector.broadcast %gt3A : i32 to vector<16xi32>
      %gt3A_834 = arith.cmpi sgt, %and3A_799, %gt3A_833 : vector<16xi32>
      %le3A = arith.constant 64 : i32
      %le3A_835 = vector.broadcast %le3A : i32 to vector<16xi32>
      %le3A_836 = arith.cmpi sle, %add3A_832, %le3A_835 : vector<16xi32>
      %and3A_837 = arith.andi %gt3A_834, %le3A_836 : vector<16xi1>
      %add3A_838 = arith.constant 832 : i32
      %add3A_839 = vector.broadcast %add3A_838 : i32 to vector<16xi32>
      %add3A_840 = arith.addi %add3A_839, %add3A_832 : vector<16xi32>
      %sub3A_841 = arith.constant 1 : i32
      %sub3A_842 = vector.broadcast %sub3A_841 : i32 to vector<16xi32>
      %sub3A_843 = arith.subi %add3A_840, %sub3A_842 : vector<16xi32>
      %add3A_844 = arith.constant 0 : i32
      %add3A_845 = vector.broadcast %add3A_844 : i32 to vector<16xi32>
      %add3A_846 = arith.addi %add3A_831, %add3A_845 : vector<16xi32>
      tpu.vector_store_idx %arg7[%sub3A_843], %add3A_846 masked %and3A_837 : memref<1024xi32, #tpu.memory_space<vmem>>[vector<16xi32>], vector<16xi32>, vector<16xi1>
      %add3A_847 = arith.addi %add3A_832, %and3A_804 : vector<16xi32>
      %gt3A_848 = arith.constant 0 : i32
      %gt3A_849 = vector.broadcast %gt3A_848 : i32 to vector<16xi32>
      %gt3A_850 = arith.cmpi sgt, %and3A_804, %gt3A_849 : vector<16xi32>
      %le3A_851 = arith.constant 64 : i32
      %le3A_852 = vector.broadcast %le3A_851 : i32 to vector<16xi32>
      %le3A_853 = arith.cmpi sle, %add3A_847, %le3A_852 : vector<16xi32>
      %and3A_854 = arith.andi %gt3A_850, %le3A_853 : vector<16xi1>
      %add3A_855 = arith.constant 832 : i32
      %add3A_856 = vector.broadcast %add3A_855 : i32 to vector<16xi32>
      %add3A_857 = arith.addi %add3A_856, %add3A_847 : vector<16xi32>
      %sub3A_858 = arith.constant 1 : i32
      %sub3A_859 = vector.broadcast %sub3A_858 : i32 to vector<16xi32>
      %sub3A_860 = arith.subi %add3A_857, %sub3A_859 : vector<16xi32>
      %add3A_861 = arith.constant 1 : i32
      %add3A_862 = vector.broadcast %add3A_861 : i32 to vector<16xi32>
      %add3A_863 = arith.addi %add3A_831, %add3A_862 : vector<16xi32>
      tpu.vector_store_idx %arg7[%sub3A_860], %add3A_863 masked %and3A_854 : memref<1024xi32, #tpu.memory_space<vmem>>[vector<16xi32>], vector<16xi32>, vector<16xi1>
      %add3A_864 = arith.addi %add3A_847, %and3A_810 : vector<16xi32>
      %gt3A_865 = arith.constant 0 : i32
      %gt3A_866 = vector.broadcast %gt3A_865 : i32 to vector<16xi32>
      %gt3A_867 = arith.cmpi sgt, %and3A_810, %gt3A_866 : vector<16xi32>
      %le3A_868 = arith.constant 64 : i32
      %le3A_869 = vector.broadcast %le3A_868 : i32 to vector<16xi32>
      %le3A_870 = arith.cmpi sle, %add3A_864, %le3A_869 : vector<16xi32>
      %and3A_871 = arith.andi %gt3A_867, %le3A_870 : vector<16xi1>
      %add3A_872 = arith.constant 832 : i32
      %add3A_873 = vector.broadcast %add3A_872 : i32 to vector<16xi32>
      %add3A_874 = arith.addi %add3A_873, %add3A_864 : vector<16xi32>
      %sub3A_875 = arith.constant 1 : i32
      %sub3A_876 = vector.broadcast %sub3A_875 : i32 to vector<16xi32>
      %sub3A_877 = arith.subi %add3A_874, %sub3A_876 : vector<16xi32>
      %add3A_878 = arith.constant 2 : i32
      %add3A_879 = vector.broadcast %add3A_878 : i32 to vector<16xi32>
      %add3A_880 = arith.addi %add3A_831, %add3A_879 : vector<16xi32>
      tpu.vector_store_idx %arg7[%sub3A_877], %add3A_880 masked %and3A_871 : memref<1024xi32, #tpu.memory_space<vmem>>[vector<16xi32>], vector<16xi32>, vector<16xi1>
      %add3A_881 = arith.addi %add3A_864, %and3A_816 : vector<16xi32>
      %gt3A_882 = arith.constant 0 : i32
      %gt3A_883 = vector.broadcast %gt3A_882 : i32 to vector<16xi32>
      %gt3A_884 = arith.cmpi sgt, %and3A_816, %gt3A_883 : vector<16xi32>
      %le3A_885 = arith.constant 64 : i32
      %le3A_886 = vector.broadcast %le3A_885 : i32 to vector<16xi32>
      %le3A_887 = arith.cmpi sle, %add3A_881, %le3A_886 : vector<16xi32>
      %and3A_888 = arith.andi %gt3A_884, %le3A_887 : vector<16xi1>
      %add3A_889 = arith.constant 832 : i32
      %add3A_890 = vector.broadcast %add3A_889 : i32 to vector<16xi32>
      %add3A_891 = arith.addi %add3A_890, %add3A_881 : vector<16xi32>
      %sub3A_892 = arith.constant 1 : i32
      %sub3A_893 = vector.broadcast %sub3A_892 : i32 to vector<16xi32>
      %sub3A_894 = arith.subi %add3A_891, %sub3A_893 : vector<16xi32>
      %add3A_895 = arith.constant 3 : i32
      %add3A_896 = vector.broadcast %add3A_895 : i32 to vector<16xi32>
      %add3A_897 = arith.addi %add3A_831, %add3A_896 : vector<16xi32>
      tpu.vector_store_idx %arg7[%sub3A_894], %add3A_897 masked %and3A_888 : memref<1024xi32, #tpu.memory_space<vmem>>[vector<16xi32>], vector<16xi32>, vector<16xi1>
      %add3A_898 = arith.constant 1 : i32
      %add3A_899 = arith.addi %while3A_788, %add3A_898 : i32
      %reduce_sum3A_900 = arith.constant true
      %reduce_sum3A_901 = vector.broadcast %reduce_sum3A_900 : i1 to vector<16xi1>
      %reduce_sum3A_902 = tpu.scan <sum>, %add3A_819 masked %reduce_sum3A_901 : vector<16xi32>, vector<16xi1> -> vector<16xi32>
      %reduce_sum3A_903 = vector.extract %reduce_sum3A_902[15] : i32 from vector<16xi32>
      %add3A_904 = arith.addi %while3A_789, %reduce_sum3A_903 : i32
      scf.yield %add3A_899, %add3A_904 : i32, i32
    }
    %min3A_728 = arith.constant 64 : i32
    %min3A_729 = arith.minsi %while3A_727#1, %min3A_728 : i32
    %broadcast_in_dim3A_730 = arith.constant 13 : i32
    %broadcast_in_dim3A_731 = vector.broadcast %broadcast_in_dim3A_730 : i32 to vector<16xi32>
    %broadcast_in_dim3A_732 = vector.broadcast %min3A_729 : i32 to vector<16xi32>
    %eq3A_733 = arith.constant 0 : i32
    %eq3A_734 = vector.broadcast %eq3A_733 : i32 to vector<16xi32>
    %eq3A_735 = arith.cmpi eq, %iota3A, %eq3A_734 : vector<16xi32>
    tpu.vector_store_idx %arg9[%broadcast_in_dim3A_731], %broadcast_in_dim3A_732 masked %eq3A_735 : memref<16xi32, #tpu.memory_space<vmem>>[vector<16xi32>], vector<16xi32>, vector<16xi1>
    %get3A_736 = arith.constant 0 : index
    %get3A_737 = tpu.vector_load %arg8[%get3A_736] {strides = array<i32>} : memref<16xi32, #tpu.memory_space<vmem>>, vector<16xi32>,
    %eq3A_738 = arith.constant 14 : i32
    %eq3A_739 = vector.broadcast %eq3A_738 : i32 to vector<16xi32>
    %eq3A_740 = arith.cmpi eq, %iota3A, %eq3A_739 : vector<16xi32>
    %jit3A_741 = arith.constant 0 : i32
    %broadcast_in_dim3A_742 = vector.broadcast %jit3A_741 : i32 to vector<16xi32>
    %select_n3A_743 = arith.select %eq3A_740, %get3A_737, %broadcast_in_dim3A_742 : vector<16xi1>, vector<16xi32>
    %reduce_sum3A_744 = arith.constant true
    %reduce_sum3A_745 = vector.broadcast %reduce_sum3A_744 : i1 to vector<16xi1>
    %reduce_sum3A_746 = tpu.scan <sum>, %select_n3A_743 masked %reduce_sum3A_745 : vector<16xi32>, vector<16xi1> -> vector<16xi32>
    %reduce_sum3A_747 = vector.extract %reduce_sum3A_746[15] : i32 from vector<16xi32>
    %mul3A_748 = arith.constant 2048 : i32
    %mul3A_749 = arith.muli %reduce_sum3A_747, %mul3A_748 : i32
    %while3A_750 = arith.constant 0 : i32
    %while3A_751 = arith.constant 0 : i32
    %while3A_752:2 = scf.while (%while3A_788 = %while3A_750, %while3A_789 = %while3A_751) : (i32, i32) -> (i32, i32) {
      %lt3A = arith.constant 32 : i32
      %lt3A_790 = arith.cmpi slt, %while3A_788, %lt3A : i32
      %lt3A_791 = arith.constant 64 : i32
      %lt3A_792 = arith.cmpi slt, %while3A_789, %lt3A_791 : i32
      %and3A = arith.andi %lt3A_790, %lt3A_792 : i1
      scf.condition(%and3A) %while3A_788, %while3A_789 : i32, i32
    } do {
    ^bb0(%while3A_788: i32, %while3A_789: i32):
      %mul3A_790 = arith.constant 4 : i32
      %mul3A_791 = arith.muli %while3A_788, %mul3A_790 : i32
      %mul3A_792 = arith.constant 16 : i32
      %mul3A_793 = arith.muli %mul3A_791, %mul3A_792 : i32
      %get3A_794 = arith.constant 14 : i32
      %get3A_795 = arith.index_cast %get3A_794 : i32 to index
      %get3A_796 = arith.index_cast %mul3A_793 : i32 to index
      %get3A_797 = tpu.vector_load %arg6[%get3A_795, %get3A_796] {strides = array<i32>} : memref<16x2048xi8, #tpu.memory_space<vmem>>, vector<64xi8>,
      %bitcast3A = vector.bitcast %get3A_797 : vector<64xi8> to vector<16xi32>
      %and3A = arith.constant 1 : i32
      %and3A_798 = vector.broadcast %and3A : i32 to vector<16xi32>
      %and3A_799 = arith.andi %bitcast3A, %and3A_798 : vector<16xi32>
      %shift_right_arithmetic3A = arith.constant 8 : i32
      %shift_right_arithmetic3A_800 = vector.broadcast %shift_right_arithmetic3A : i32 to vector<16xi32>
      %shift_right_arithmetic3A_801 = arith.shrsi %bitcast3A, %shift_right_arithmetic3A_800 : vector<16xi32>
      %and3A_802 = arith.constant 1 : i32
      %and3A_803 = vector.broadcast %and3A_802 : i32 to vector<16xi32>
      %and3A_804 = arith.andi %shift_right_arithmetic3A_801, %and3A_803 : vector<16xi32>
      %shift_right_arithmetic3A_805 = arith.constant 16 : i32
      %shift_right_arithmetic3A_806 = vector.broadcast %shift_right_arithmetic3A_805 : i32 to vector<16xi32>
      %shift_right_arithmetic3A_807 = arith.shrsi %bitcast3A, %shift_right_arithmetic3A_806 : vector<16xi32>
      %and3A_808 = arith.constant 1 : i32
      %and3A_809 = vector.broadcast %and3A_808 : i32 to vector<16xi32>
      %and3A_810 = arith.andi %shift_right_arithmetic3A_807, %and3A_809 : vector<16xi32>
      %shift_right_arithmetic3A_811 = arith.constant 24 : i32
      %shift_right_arithmetic3A_812 = vector.broadcast %shift_right_arithmetic3A_811 : i32 to vector<16xi32>
      %shift_right_arithmetic3A_813 = arith.shrsi %bitcast3A, %shift_right_arithmetic3A_812 : vector<16xi32>
      %and3A_814 = arith.constant 1 : i32
      %and3A_815 = vector.broadcast %and3A_814 : i32 to vector<16xi32>
      %and3A_816 = arith.andi %shift_right_arithmetic3A_813, %and3A_815 : vector<16xi32>
      %add3A_817 = arith.addi %and3A_799, %and3A_804 : vector<16xi32>
      %add3A_818 = arith.addi %add3A_817, %and3A_810 : vector<16xi32>
      %add3A_819 = arith.addi %add3A_818, %and3A_816 : vector<16xi32>
      %broadcast_in_dim3A_820 = arith.constant true
      %broadcast_in_dim3A_821 = vector.broadcast %broadcast_in_dim3A_820 : i1 to vector<16xi1>
      %masked_cumsum3A = tpu.scan <sum>, %add3A_819 masked %broadcast_in_dim3A_821 : vector<16xi32>, vector<16xi1> -> vector<16xi32>
      %add3A_822 = vector.broadcast %while3A_789 : i32 to vector<16xi32>
      %add3A_823 = arith.addi %masked_cumsum3A, %add3A_822 : vector<16xi32>
      %sub3A = arith.subi %add3A_823, %add3A_819 : vector<16xi32>
      %mul3A_824 = arith.constant 64 : i32
      %mul3A_825 = arith.muli %while3A_788, %mul3A_824 : i32
      %add3A_826 = arith.addi %mul3A_749, %mul3A_825 : i32
      %mul3A_827 = arith.constant 4 : i32
      %mul3A_828 = vector.broadcast %mul3A_827 : i32 to vector<16xi32>
      %mul3A_829 = arith.muli %iota3A, %mul3A_828 : vector<16xi32>
      %add3A_830 = vector.broadcast %add3A_826 : i32 to vector<16xi32>
      %add3A_831 = arith.addi %add3A_830, %mul3A_829 : vector<16xi32>
      %add3A_832 = arith.addi %sub3A, %and3A_799 : vector<16xi32>
      %gt3A = arith.constant 0 : i32
      %gt3A_833 = vector.broadcast %gt3A : i32 to vector<16xi32>
      %gt3A_834 = arith.cmpi sgt, %and3A_799, %gt3A_833 : vector<16xi32>
      %le3A = arith.constant 64 : i32
      %le3A_835 = vector.broadcast %le3A : i32 to vector<16xi32>
      %le3A_836 = arith.cmpi sle, %add3A_832, %le3A_835 : vector<16xi32>
      %and3A_837 = arith.andi %gt3A_834, %le3A_836 : vector<16xi1>
      %add3A_838 = arith.constant 896 : i32
      %add3A_839 = vector.broadcast %add3A_838 : i32 to vector<16xi32>
      %add3A_840 = arith.addi %add3A_839, %add3A_832 : vector<16xi32>
      %sub3A_841 = arith.constant 1 : i32
      %sub3A_842 = vector.broadcast %sub3A_841 : i32 to vector<16xi32>
      %sub3A_843 = arith.subi %add3A_840, %sub3A_842 : vector<16xi32>
      %add3A_844 = arith.constant 0 : i32
      %add3A_845 = vector.broadcast %add3A_844 : i32 to vector<16xi32>
      %add3A_846 = arith.addi %add3A_831, %add3A_845 : vector<16xi32>
      tpu.vector_store_idx %arg7[%sub3A_843], %add3A_846 masked %and3A_837 : memref<1024xi32, #tpu.memory_space<vmem>>[vector<16xi32>], vector<16xi32>, vector<16xi1>
      %add3A_847 = arith.addi %add3A_832, %and3A_804 : vector<16xi32>
      %gt3A_848 = arith.constant 0 : i32
      %gt3A_849 = vector.broadcast %gt3A_848 : i32 to vector<16xi32>
      %gt3A_850 = arith.cmpi sgt, %and3A_804, %gt3A_849 : vector<16xi32>
      %le3A_851 = arith.constant 64 : i32
      %le3A_852 = vector.broadcast %le3A_851 : i32 to vector<16xi32>
      %le3A_853 = arith.cmpi sle, %add3A_847, %le3A_852 : vector<16xi32>
      %and3A_854 = arith.andi %gt3A_850, %le3A_853 : vector<16xi1>
      %add3A_855 = arith.constant 896 : i32
      %add3A_856 = vector.broadcast %add3A_855 : i32 to vector<16xi32>
      %add3A_857 = arith.addi %add3A_856, %add3A_847 : vector<16xi32>
      %sub3A_858 = arith.constant 1 : i32
      %sub3A_859 = vector.broadcast %sub3A_858 : i32 to vector<16xi32>
      %sub3A_860 = arith.subi %add3A_857, %sub3A_859 : vector<16xi32>
      %add3A_861 = arith.constant 1 : i32
      %add3A_862 = vector.broadcast %add3A_861 : i32 to vector<16xi32>
      %add3A_863 = arith.addi %add3A_831, %add3A_862 : vector<16xi32>
      tpu.vector_store_idx %arg7[%sub3A_860], %add3A_863 masked %and3A_854 : memref<1024xi32, #tpu.memory_space<vmem>>[vector<16xi32>], vector<16xi32>, vector<16xi1>
      %add3A_864 = arith.addi %add3A_847, %and3A_810 : vector<16xi32>
      %gt3A_865 = arith.constant 0 : i32
      %gt3A_866 = vector.broadcast %gt3A_865 : i32 to vector<16xi32>
      %gt3A_867 = arith.cmpi sgt, %and3A_810, %gt3A_866 : vector<16xi32>
      %le3A_868 = arith.constant 64 : i32
      %le3A_869 = vector.broadcast %le3A_868 : i32 to vector<16xi32>
      %le3A_870 = arith.cmpi sle, %add3A_864, %le3A_869 : vector<16xi32>
      %and3A_871 = arith.andi %gt3A_867, %le3A_870 : vector<16xi1>
      %add3A_872 = arith.constant 896 : i32
      %add3A_873 = vector.broadcast %add3A_872 : i32 to vector<16xi32>
      %add3A_874 = arith.addi %add3A_873, %add3A_864 : vector<16xi32>
      %sub3A_875 = arith.constant 1 : i32
      %sub3A_876 = vector.broadcast %sub3A_875 : i32 to vector<16xi32>
      %sub3A_877 = arith.subi %add3A_874, %sub3A_876 : vector<16xi32>
      %add3A_878 = arith.constant 2 : i32
      %add3A_879 = vector.broadcast %add3A_878 : i32 to vector<16xi32>
      %add3A_880 = arith.addi %add3A_831, %add3A_879 : vector<16xi32>
      tpu.vector_store_idx %arg7[%sub3A_877], %add3A_880 masked %and3A_871 : memref<1024xi32, #tpu.memory_space<vmem>>[vector<16xi32>], vector<16xi32>, vector<16xi1>
      %add3A_881 = arith.addi %add3A_864, %and3A_816 : vector<16xi32>
      %gt3A_882 = arith.constant 0 : i32
      %gt3A_883 = vector.broadcast %gt3A_882 : i32 to vector<16xi32>
      %gt3A_884 = arith.cmpi sgt, %and3A_816, %gt3A_883 : vector<16xi32>
      %le3A_885 = arith.constant 64 : i32
      %le3A_886 = vector.broadcast %le3A_885 : i32 to vector<16xi32>
      %le3A_887 = arith.cmpi sle, %add3A_881, %le3A_886 : vector<16xi32>
      %and3A_888 = arith.andi %gt3A_884, %le3A_887 : vector<16xi1>
      %add3A_889 = arith.constant 896 : i32
      %add3A_890 = vector.broadcast %add3A_889 : i32 to vector<16xi32>
      %add3A_891 = arith.addi %add3A_890, %add3A_881 : vector<16xi32>
      %sub3A_892 = arith.constant 1 : i32
      %sub3A_893 = vector.broadcast %sub3A_892 : i32 to vector<16xi32>
      %sub3A_894 = arith.subi %add3A_891, %sub3A_893 : vector<16xi32>
      %add3A_895 = arith.constant 3 : i32
      %add3A_896 = vector.broadcast %add3A_895 : i32 to vector<16xi32>
      %add3A_897 = arith.addi %add3A_831, %add3A_896 : vector<16xi32>
      tpu.vector_store_idx %arg7[%sub3A_894], %add3A_897 masked %and3A_888 : memref<1024xi32, #tpu.memory_space<vmem>>[vector<16xi32>], vector<16xi32>, vector<16xi1>
      %add3A_898 = arith.constant 1 : i32
      %add3A_899 = arith.addi %while3A_788, %add3A_898 : i32
      %reduce_sum3A_900 = arith.constant true
      %reduce_sum3A_901 = vector.broadcast %reduce_sum3A_900 : i1 to vector<16xi1>
      %reduce_sum3A_902 = tpu.scan <sum>, %add3A_819 masked %reduce_sum3A_901 : vector<16xi32>, vector<16xi1> -> vector<16xi32>
      %reduce_sum3A_903 = vector.extract %reduce_sum3A_902[15] : i32 from vector<16xi32>
      %add3A_904 = arith.addi %while3A_789, %reduce_sum3A_903 : i32
      scf.yield %add3A_899, %add3A_904 : i32, i32
    }
    %min3A_753 = arith.constant 64 : i32
    %min3A_754 = arith.minsi %while3A_752#1, %min3A_753 : i32
    %broadcast_in_dim3A_755 = arith.constant 14 : i32
    %broadcast_in_dim3A_756 = vector.broadcast %broadcast_in_dim3A_755 : i32 to vector<16xi32>
    %broadcast_in_dim3A_757 = vector.broadcast %min3A_754 : i32 to vector<16xi32>
    %eq3A_758 = arith.constant 0 : i32
    %eq3A_759 = vector.broadcast %eq3A_758 : i32 to vector<16xi32>
    %eq3A_760 = arith.cmpi eq, %iota3A, %eq3A_759 : vector<16xi32>
    tpu.vector_store_idx %arg9[%broadcast_in_dim3A_756], %broadcast_in_dim3A_757 masked %eq3A_760 : memref<16xi32, #tpu.memory_space<vmem>>[vector<16xi32>], vector<16xi32>, vector<16xi1>
    %get3A_761 = arith.constant 0 : index
    %get3A_762 = tpu.vector_load %arg8[%get3A_761] {strides = array<i32>} : memref<16xi32, #tpu.memory_space<vmem>>, vector<16xi32>,
    %eq3A_763 = arith.constant 15 : i32
    %eq3A_764 = vector.broadcast %eq3A_763 : i32 to vector<16xi32>
    %eq3A_765 = arith.cmpi eq, %iota3A, %eq3A_764 : vector<16xi32>
    %jit3A_766 = arith.constant 0 : i32
    %broadcast_in_dim3A_767 = vector.broadcast %jit3A_766 : i32 to vector<16xi32>
    %select_n3A_768 = arith.select %eq3A_765, %get3A_762, %broadcast_in_dim3A_767 : vector<16xi1>, vector<16xi32>
    %reduce_sum3A_769 = arith.constant true
    %reduce_sum3A_770 = vector.broadcast %reduce_sum3A_769 : i1 to vector<16xi1>
    %reduce_sum3A_771 = tpu.scan <sum>, %select_n3A_768 masked %reduce_sum3A_770 : vector<16xi32>, vector<16xi1> -> vector<16xi32>
    %reduce_sum3A_772 = vector.extract %reduce_sum3A_771[15] : i32 from vector<16xi32>
    %mul3A_773 = arith.constant 2048 : i32
    %mul3A_774 = arith.muli %reduce_sum3A_772, %mul3A_773 : i32
    %while3A_775 = arith.constant 0 : i32
    %while3A_776 = arith.constant 0 : i32
    %while3A_777:2 = scf.while (%while3A_788 = %while3A_775, %while3A_789 = %while3A_776) : (i32, i32) -> (i32, i32) {
      %lt3A = arith.constant 32 : i32
      %lt3A_790 = arith.cmpi slt, %while3A_788, %lt3A : i32
      %lt3A_791 = arith.constant 64 : i32
      %lt3A_792 = arith.cmpi slt, %while3A_789, %lt3A_791 : i32
      %and3A = arith.andi %lt3A_790, %lt3A_792 : i1
      scf.condition(%and3A) %while3A_788, %while3A_789 : i32, i32
    } do {
    ^bb0(%while3A_788: i32, %while3A_789: i32):
      %mul3A_790 = arith.constant 4 : i32
      %mul3A_791 = arith.muli %while3A_788, %mul3A_790 : i32
      %mul3A_792 = arith.constant 16 : i32
      %mul3A_793 = arith.muli %mul3A_791, %mul3A_792 : i32
      %get3A_794 = arith.constant 15 : i32
      %get3A_795 = arith.index_cast %get3A_794 : i32 to index
      %get3A_796 = arith.index_cast %mul3A_793 : i32 to index
      %get3A_797 = tpu.vector_load %arg6[%get3A_795, %get3A_796] {strides = array<i32>} : memref<16x2048xi8, #tpu.memory_space<vmem>>, vector<64xi8>,
      %bitcast3A = vector.bitcast %get3A_797 : vector<64xi8> to vector<16xi32>
      %and3A = arith.constant 1 : i32
      %and3A_798 = vector.broadcast %and3A : i32 to vector<16xi32>
      %and3A_799 = arith.andi %bitcast3A, %and3A_798 : vector<16xi32>
      %shift_right_arithmetic3A = arith.constant 8 : i32
      %shift_right_arithmetic3A_800 = vector.broadcast %shift_right_arithmetic3A : i32 to vector<16xi32>
      %shift_right_arithmetic3A_801 = arith.shrsi %bitcast3A, %shift_right_arithmetic3A_800 : vector<16xi32>
      %and3A_802 = arith.constant 1 : i32
      %and3A_803 = vector.broadcast %and3A_802 : i32 to vector<16xi32>
      %and3A_804 = arith.andi %shift_right_arithmetic3A_801, %and3A_803 : vector<16xi32>
      %shift_right_arithmetic3A_805 = arith.constant 16 : i32
      %shift_right_arithmetic3A_806 = vector.broadcast %shift_right_arithmetic3A_805 : i32 to vector<16xi32>
      %shift_right_arithmetic3A_807 = arith.shrsi %bitcast3A, %shift_right_arithmetic3A_806 : vector<16xi32>
      %and3A_808 = arith.constant 1 : i32
      %and3A_809 = vector.broadcast %and3A_808 : i32 to vector<16xi32>
      %and3A_810 = arith.andi %shift_right_arithmetic3A_807, %and3A_809 : vector<16xi32>
      %shift_right_arithmetic3A_811 = arith.constant 24 : i32
      %shift_right_arithmetic3A_812 = vector.broadcast %shift_right_arithmetic3A_811 : i32 to vector<16xi32>
      %shift_right_arithmetic3A_813 = arith.shrsi %bitcast3A, %shift_right_arithmetic3A_812 : vector<16xi32>
      %and3A_814 = arith.constant 1 : i32
      %and3A_815 = vector.broadcast %and3A_814 : i32 to vector<16xi32>
      %and3A_816 = arith.andi %shift_right_arithmetic3A_813, %and3A_815 : vector<16xi32>
      %add3A_817 = arith.addi %and3A_799, %and3A_804 : vector<16xi32>
      %add3A_818 = arith.addi %add3A_817, %and3A_810 : vector<16xi32>
      %add3A_819 = arith.addi %add3A_818, %and3A_816 : vector<16xi32>
      %broadcast_in_dim3A_820 = arith.constant true
      %broadcast_in_dim3A_821 = vector.broadcast %broadcast_in_dim3A_820 : i1 to vector<16xi1>
      %masked_cumsum3A = tpu.scan <sum>, %add3A_819 masked %broadcast_in_dim3A_821 : vector<16xi32>, vector<16xi1> -> vector<16xi32>
      %add3A_822 = vector.broadcast %while3A_789 : i32 to vector<16xi32>
      %add3A_823 = arith.addi %masked_cumsum3A, %add3A_822 : vector<16xi32>
      %sub3A = arith.subi %add3A_823, %add3A_819 : vector<16xi32>
      %mul3A_824 = arith.constant 64 : i32
      %mul3A_825 = arith.muli %while3A_788, %mul3A_824 : i32
      %add3A_826 = arith.addi %mul3A_774, %mul3A_825 : i32
      %mul3A_827 = arith.constant 4 : i32
      %mul3A_828 = vector.broadcast %mul3A_827 : i32 to vector<16xi32>
      %mul3A_829 = arith.muli %iota3A, %mul3A_828 : vector<16xi32>
      %add3A_830 = vector.broadcast %add3A_826 : i32 to vector<16xi32>
      %add3A_831 = arith.addi %add3A_830, %mul3A_829 : vector<16xi32>
      %add3A_832 = arith.addi %sub3A, %and3A_799 : vector<16xi32>
      %gt3A = arith.constant 0 : i32
      %gt3A_833 = vector.broadcast %gt3A : i32 to vector<16xi32>
      %gt3A_834 = arith.cmpi sgt, %and3A_799, %gt3A_833 : vector<16xi32>
      %le3A = arith.constant 64 : i32
      %le3A_835 = vector.broadcast %le3A : i32 to vector<16xi32>
      %le3A_836 = arith.cmpi sle, %add3A_832, %le3A_835 : vector<16xi32>
      %and3A_837 = arith.andi %gt3A_834, %le3A_836 : vector<16xi1>
      %add3A_838 = arith.constant 960 : i32
      %add3A_839 = vector.broadcast %add3A_838 : i32 to vector<16xi32>
      %add3A_840 = arith.addi %add3A_839, %add3A_832 : vector<16xi32>
      %sub3A_841 = arith.constant 1 : i32
      %sub3A_842 = vector.broadcast %sub3A_841 : i32 to vector<16xi32>
      %sub3A_843 = arith.subi %add3A_840, %sub3A_842 : vector<16xi32>
      %add3A_844 = arith.constant 0 : i32
      %add3A_845 = vector.broadcast %add3A_844 : i32 to vector<16xi32>
      %add3A_846 = arith.addi %add3A_831, %add3A_845 : vector<16xi32>
      tpu.vector_store_idx %arg7[%sub3A_843], %add3A_846 masked %and3A_837 : memref<1024xi32, #tpu.memory_space<vmem>>[vector<16xi32>], vector<16xi32>, vector<16xi1>
      %add3A_847 = arith.addi %add3A_832, %and3A_804 : vector<16xi32>
      %gt3A_848 = arith.constant 0 : i32
      %gt3A_849 = vector.broadcast %gt3A_848 : i32 to vector<16xi32>
      %gt3A_850 = arith.cmpi sgt, %and3A_804, %gt3A_849 : vector<16xi32>
      %le3A_851 = arith.constant 64 : i32
      %le3A_852 = vector.broadcast %le3A_851 : i32 to vector<16xi32>
      %le3A_853 = arith.cmpi sle, %add3A_847, %le3A_852 : vector<16xi32>
      %and3A_854 = arith.andi %gt3A_850, %le3A_853 : vector<16xi1>
      %add3A_855 = arith.constant 960 : i32
      %add3A_856 = vector.broadcast %add3A_855 : i32 to vector<16xi32>
      %add3A_857 = arith.addi %add3A_856, %add3A_847 : vector<16xi32>
      %sub3A_858 = arith.constant 1 : i32
      %sub3A_859 = vector.broadcast %sub3A_858 : i32 to vector<16xi32>
      %sub3A_860 = arith.subi %add3A_857, %sub3A_859 : vector<16xi32>
      %add3A_861 = arith.constant 1 : i32
      %add3A_862 = vector.broadcast %add3A_861 : i32 to vector<16xi32>
      %add3A_863 = arith.addi %add3A_831, %add3A_862 : vector<16xi32>
      tpu.vector_store_idx %arg7[%sub3A_860], %add3A_863 masked %and3A_854 : memref<1024xi32, #tpu.memory_space<vmem>>[vector<16xi32>], vector<16xi32>, vector<16xi1>
      %add3A_864 = arith.addi %add3A_847, %and3A_810 : vector<16xi32>
      %gt3A_865 = arith.constant 0 : i32
      %gt3A_866 = vector.broadcast %gt3A_865 : i32 to vector<16xi32>
      %gt3A_867 = arith.cmpi sgt, %and3A_810, %gt3A_866 : vector<16xi32>
      %le3A_868 = arith.constant 64 : i32
      %le3A_869 = vector.broadcast %le3A_868 : i32 to vector<16xi32>
      %le3A_870 = arith.cmpi sle, %add3A_864, %le3A_869 : vector<16xi32>
      %and3A_871 = arith.andi %gt3A_867, %le3A_870 : vector<16xi1>
      %add3A_872 = arith.constant 960 : i32
      %add3A_873 = vector.broadcast %add3A_872 : i32 to vector<16xi32>
      %add3A_874 = arith.addi %add3A_873, %add3A_864 : vector<16xi32>
      %sub3A_875 = arith.constant 1 : i32
      %sub3A_876 = vector.broadcast %sub3A_875 : i32 to vector<16xi32>
      %sub3A_877 = arith.subi %add3A_874, %sub3A_876 : vector<16xi32>
      %add3A_878 = arith.constant 2 : i32
      %add3A_879 = vector.broadcast %add3A_878 : i32 to vector<16xi32>
      %add3A_880 = arith.addi %add3A_831, %add3A_879 : vector<16xi32>
      tpu.vector_store_idx %arg7[%sub3A_877], %add3A_880 masked %and3A_871 : memref<1024xi32, #tpu.memory_space<vmem>>[vector<16xi32>], vector<16xi32>, vector<16xi1>
      %add3A_881 = arith.addi %add3A_864, %and3A_816 : vector<16xi32>
      %gt3A_882 = arith.constant 0 : i32
      %gt3A_883 = vector.broadcast %gt3A_882 : i32 to vector<16xi32>
      %gt3A_884 = arith.cmpi sgt, %and3A_816, %gt3A_883 : vector<16xi32>
      %le3A_885 = arith.constant 64 : i32
      %le3A_886 = vector.broadcast %le3A_885 : i32 to vector<16xi32>
      %le3A_887 = arith.cmpi sle, %add3A_881, %le3A_886 : vector<16xi32>
      %and3A_888 = arith.andi %gt3A_884, %le3A_887 : vector<16xi1>
      %add3A_889 = arith.constant 960 : i32
      %add3A_890 = vector.broadcast %add3A_889 : i32 to vector<16xi32>
      %add3A_891 = arith.addi %add3A_890, %add3A_881 : vector<16xi32>
      %sub3A_892 = arith.constant 1 : i32
      %sub3A_893 = vector.broadcast %sub3A_892 : i32 to vector<16xi32>
      %sub3A_894 = arith.subi %add3A_891, %sub3A_893 : vector<16xi32>
      %add3A_895 = arith.constant 3 : i32
      %add3A_896 = vector.broadcast %add3A_895 : i32 to vector<16xi32>
      %add3A_897 = arith.addi %add3A_831, %add3A_896 : vector<16xi32>
      tpu.vector_store_idx %arg7[%sub3A_894], %add3A_897 masked %and3A_888 : memref<1024xi32, #tpu.memory_space<vmem>>[vector<16xi32>], vector<16xi32>, vector<16xi1>
      %add3A_898 = arith.constant 1 : i32
      %add3A_899 = arith.addi %while3A_788, %add3A_898 : i32
      %reduce_sum3A_900 = arith.constant true
      %reduce_sum3A_901 = vector.broadcast %reduce_sum3A_900 : i1 to vector<16xi1>
      %reduce_sum3A_902 = tpu.scan <sum>, %add3A_819 masked %reduce_sum3A_901 : vector<16xi32>, vector<16xi1> -> vector<16xi32>
      %reduce_sum3A_903 = vector.extract %reduce_sum3A_902[15] : i32 from vector<16xi32>
      %add3A_904 = arith.addi %while3A_789, %reduce_sum3A_903 : i32
      scf.yield %add3A_899, %add3A_904 : i32, i32
    }
    %min3A_778 = arith.constant 64 : i32
    %min3A_779 = arith.minsi %while3A_777#1, %min3A_778 : i32
    %broadcast_in_dim3A_780 = arith.constant 15 : i32
    %broadcast_in_dim3A_781 = vector.broadcast %broadcast_in_dim3A_780 : i32 to vector<16xi32>
    %broadcast_in_dim3A_782 = vector.broadcast %min3A_779 : i32 to vector<16xi32>
    %eq3A_783 = arith.constant 0 : i32
    %eq3A_784 = vector.broadcast %eq3A_783 : i32 to vector<16xi32>
    %eq3A_785 = arith.cmpi eq, %iota3A, %eq3A_784 : vector<16xi32>
    tpu.vector_store_idx %arg9[%broadcast_in_dim3A_781], %broadcast_in_dim3A_782 masked %eq3A_785 : memref<16xi32, #tpu.memory_space<vmem>>[vector<16xi32>], vector<16xi32>, vector<16xi1>
    "tpu.region"() ({
      %run_scoped3A = tpu.sem_alloc : memref<!tpu.dma_semaphore, #tpu.memory_space<semaphore_mem>>
      %dma_start3A_788 = tpu.memref_slice %arg5[%mul3A_2] : memref<512xi32, #tpu.memory_space<hbm>> -> memref<16xi32, #tpu.memory_space<hbm>>
      %dma_start3A_789 = tpu.memref_slice %arg5[%mul3A_2] : memref<512xi32, #tpu.memory_space<hbm>> -> memref<16xi32, #tpu.memory_space<hbm>>
      tpu.enqueue_dma source(%arg9 : memref<16xi32, #tpu.memory_space<vmem>>) target(%dma_start3A_789 : memref<16xi32, #tpu.memory_space<hbm>>) target_semaphore(%run_scoped3A : memref<!tpu.dma_semaphore, #tpu.memory_space<semaphore_mem>>)
      %dma_wait3A_790 = tpu.memref_slice %arg5[%mul3A_2] : memref<512xi32, #tpu.memory_space<hbm>> -> memref<16xi32, #tpu.memory_space<hbm>>
      %dma_wait3A_791 = tpu.memref_slice %arg5[%mul3A_2] : memref<512xi32, #tpu.memory_space<hbm>> -> memref<16xi32, #tpu.memory_space<hbm>>
      tpu.wait_dma2 semaphore(%run_scoped3A : memref<!tpu.dma_semaphore, #tpu.memory_space<semaphore_mem>>) src(%arg9 : memref<16xi32, #tpu.memory_space<vmem>>) dst(%dma_wait3A_791 : memref<16xi32, #tpu.memory_space<hbm>>)
      tpu.yield
    }) : () -> ()
    %mul3A_786 = arith.constant 1024 : i32
    %mul3A_787 = arith.muli %add3A, %mul3A_786 : i32
    "tpu.region"() ({
      %run_scoped3A = tpu.sem_alloc : memref<!tpu.dma_semaphore, #tpu.memory_space<semaphore_mem>>
      %dma_start3A_788 = tpu.memref_slice %arg4[%mul3A_787] : memref<32768xi32, #tpu.memory_space<hbm>> -> memref<1024xi32, #tpu.memory_space<hbm>>
      %dma_start3A_789 = tpu.memref_slice %arg4[%mul3A_787] : memref<32768xi32, #tpu.memory_space<hbm>> -> memref<1024xi32, #tpu.memory_space<hbm>>
      tpu.enqueue_dma source(%arg7 : memref<1024xi32, #tpu.memory_space<vmem>>) target(%dma_start3A_789 : memref<1024xi32, #tpu.memory_space<hbm>>) target_semaphore(%run_scoped3A : memref<!tpu.dma_semaphore, #tpu.memory_space<semaphore_mem>>)
      %dma_wait3A_790 = tpu.memref_slice %arg4[%mul3A_787] : memref<32768xi32, #tpu.memory_space<hbm>> -> memref<1024xi32, #tpu.memory_space<hbm>>
      %dma_wait3A_791 = tpu.memref_slice %arg4[%mul3A_787] : memref<32768xi32, #tpu.memory_space<hbm>> -> memref<1024xi32, #tpu.memory_space<hbm>>
      tpu.wait_dma2 semaphore(%run_scoped3A : memref<!tpu.dma_semaphore, #tpu.memory_space<semaphore_mem>>) src(%arg7 : memref<1024xi32, #tpu.memory_space<vmem>>) dst(%dma_wait3A_791 : memref<1024xi32, #tpu.memory_space<hbm>>)
      tpu.yield
    }) : () -> ()
    return
  }
}

#map = affine_map<(d0, d1) -> (0)>
#map1 = affine_map<(d0, d1) -> (0, 0)>
module attributes {stable_mosaic.version = 14 : i64} {
  func.func @gather_kernel(%arg0: i32, %arg1: i32, %arg2: memref<32768xi32, #tpu.memory_space<hbm>>, %arg3: memref<32768x64xf32, #tpu.memory_space<hbm>>, %arg4: memref<32768x64xf32, #tpu.memory_space<hbm>>, %arg5: memref<1024xi32, #tpu.memory_space<vmem>>, %arg6: memref<1024x64xf32, #tpu.memory_space<vmem>>, %arg7: memref<!tpu.dma_semaphore, #tpu.memory_space<semaphore_mem>>, %arg8: memref<!tpu.dma_semaphore, #tpu.memory_space<semaphore_mem>>) attributes {dimension_semantics = [#tpu.dimension_semantics<core_parallel>, #tpu.dimension_semantics<subcore_parallel>], iteration_bounds = array<i64: 2, 16>, scalar_prefetch = 0 : i64, scratch_operands = 4 : i64, tpu.core_type = #tpu.core_type<sc_vector_subcore>, window_params = [{transform_indices = #map}, {transform_indices = #map1}, {transform_indices = #map1}]} {
    %mul3A = arith.constant 2 : i32
    %mul3A_0 = arith.muli %arg1, %mul3A : i32
    %add3A = arith.addi %mul3A_0, %arg0 : i32
    %mul3A_1 = arith.constant 1024 : i32
    %mul3A_2 = arith.muli %add3A, %mul3A_1 : i32
    "tpu.region"() ({
      %run_scoped3A = tpu.sem_alloc : memref<!tpu.dma_semaphore, #tpu.memory_space<semaphore_mem>>
      %dma_start3A_305 = tpu.memref_slice %arg2[%mul3A_2] : memref<32768xi32, #tpu.memory_space<hbm>> -> memref<1024xi32, #tpu.memory_space<hbm>>
      %dma_start3A_306 = tpu.memref_slice %arg2[%mul3A_2] : memref<32768xi32, #tpu.memory_space<hbm>> -> memref<1024xi32, #tpu.memory_space<hbm>>
      tpu.enqueue_dma source(%dma_start3A_306 : memref<1024xi32, #tpu.memory_space<hbm>>) target(%arg5 : memref<1024xi32, #tpu.memory_space<vmem>>) target_semaphore(%run_scoped3A : memref<!tpu.dma_semaphore, #tpu.memory_space<semaphore_mem>>)
      %dma_wait3A_307 = tpu.memref_slice %arg2[%mul3A_2] : memref<32768xi32, #tpu.memory_space<hbm>> -> memref<1024xi32, #tpu.memory_space<hbm>>
      %dma_wait3A_308 = tpu.memref_slice %arg2[%mul3A_2] : memref<32768xi32, #tpu.memory_space<hbm>> -> memref<1024xi32, #tpu.memory_space<hbm>>
      tpu.wait_dma2 semaphore(%run_scoped3A : memref<!tpu.dma_semaphore, #tpu.memory_space<semaphore_mem>>) src(%dma_wait3A_308 : memref<1024xi32, #tpu.memory_space<hbm>>) dst(%arg5 : memref<1024xi32, #tpu.memory_space<vmem>>)
      tpu.yield
    }) : () -> ()
    %dma_start3A = arith.constant 0 : i32
    %dma_start3A_3 = arith.constant 0 : i32
    %dma_start3A_4 = tpu.memref_slice %arg6[%dma_start3A, %dma_start3A_3] : memref<1024x64xf32, #tpu.memory_space<vmem>> -> memref<128x64xf32, #tpu.memory_space<vmem>>
    %dma_start3A_5 = arith.constant 0 : i32
    %dma_start3A_6 = tpu.memref_slice %arg5[%dma_start3A_5] : memref<1024xi32, #tpu.memory_space<vmem>> -> memref<128xi32, #tpu.memory_space<vmem>>
    %dma_start3A_7 = arith.constant 0 : i32
    %dma_start3A_8 = arith.constant 0 : i32
    %dma_start3A_9 = tpu.memref_slice %arg3[%dma_start3A_7, %dma_start3A_8] : memref<32768x64xf32, #tpu.memory_space<hbm>> -> memref<32768x64xf32, #tpu.memory_space<hbm>>
    tpu.enqueue_indirect_dma source(%dma_start3A_9 : memref<32768x64xf32, #tpu.memory_space<hbm>>) target(%dma_start3A_4 : memref<128x64xf32, #tpu.memory_space<vmem>>) offsets(%dma_start3A_6 : memref<128xi32, #tpu.memory_space<vmem>>) semaphore(%arg7 : memref<!tpu.dma_semaphore, #tpu.memory_space<semaphore_mem>>)
    %dma_start3A_10 = arith.constant 128 : i32
    %dma_start3A_11 = arith.constant 0 : i32
    %dma_start3A_12 = tpu.memref_slice %arg6[%dma_start3A_10, %dma_start3A_11] : memref<1024x64xf32, #tpu.memory_space<vmem>> -> memref<128x64xf32, #tpu.memory_space<vmem>>
    %dma_start3A_13 = arith.constant 128 : i32
    %dma_start3A_14 = tpu.memref_slice %arg5[%dma_start3A_13] : memref<1024xi32, #tpu.memory_space<vmem>> -> memref<128xi32, #tpu.memory_space<vmem>>
    %dma_start3A_15 = arith.constant 0 : i32
    %dma_start3A_16 = arith.constant 0 : i32
    %dma_start3A_17 = tpu.memref_slice %arg3[%dma_start3A_15, %dma_start3A_16] : memref<32768x64xf32, #tpu.memory_space<hbm>> -> memref<32768x64xf32, #tpu.memory_space<hbm>>
    tpu.enqueue_indirect_dma source(%dma_start3A_17 : memref<32768x64xf32, #tpu.memory_space<hbm>>) target(%dma_start3A_12 : memref<128x64xf32, #tpu.memory_space<vmem>>) offsets(%dma_start3A_14 : memref<128xi32, #tpu.memory_space<vmem>>) semaphore(%arg7 : memref<!tpu.dma_semaphore, #tpu.memory_space<semaphore_mem>>)
    %dma_start3A_18 = arith.constant 256 : i32
    %dma_start3A_19 = arith.constant 0 : i32
    %dma_start3A_20 = tpu.memref_slice %arg6[%dma_start3A_18, %dma_start3A_19] : memref<1024x64xf32, #tpu.memory_space<vmem>> -> memref<128x64xf32, #tpu.memory_space<vmem>>
    %dma_start3A_21 = arith.constant 256 : i32
    %dma_start3A_22 = tpu.memref_slice %arg5[%dma_start3A_21] : memref<1024xi32, #tpu.memory_space<vmem>> -> memref<128xi32, #tpu.memory_space<vmem>>
    %dma_start3A_23 = arith.constant 0 : i32
    %dma_start3A_24 = arith.constant 0 : i32
    %dma_start3A_25 = tpu.memref_slice %arg3[%dma_start3A_23, %dma_start3A_24] : memref<32768x64xf32, #tpu.memory_space<hbm>> -> memref<32768x64xf32, #tpu.memory_space<hbm>>
    tpu.enqueue_indirect_dma source(%dma_start3A_25 : memref<32768x64xf32, #tpu.memory_space<hbm>>) target(%dma_start3A_20 : memref<128x64xf32, #tpu.memory_space<vmem>>) offsets(%dma_start3A_22 : memref<128xi32, #tpu.memory_space<vmem>>) semaphore(%arg7 : memref<!tpu.dma_semaphore, #tpu.memory_space<semaphore_mem>>)
    %dma_start3A_26 = arith.constant 384 : i32
    %dma_start3A_27 = arith.constant 0 : i32
    %dma_start3A_28 = tpu.memref_slice %arg6[%dma_start3A_26, %dma_start3A_27] : memref<1024x64xf32, #tpu.memory_space<vmem>> -> memref<128x64xf32, #tpu.memory_space<vmem>>
    %dma_start3A_29 = arith.constant 384 : i32
    %dma_start3A_30 = tpu.memref_slice %arg5[%dma_start3A_29] : memref<1024xi32, #tpu.memory_space<vmem>> -> memref<128xi32, #tpu.memory_space<vmem>>
    %dma_start3A_31 = arith.constant 0 : i32
    %dma_start3A_32 = arith.constant 0 : i32
    %dma_start3A_33 = tpu.memref_slice %arg3[%dma_start3A_31, %dma_start3A_32] : memref<32768x64xf32, #tpu.memory_space<hbm>> -> memref<32768x64xf32, #tpu.memory_space<hbm>>
    tpu.enqueue_indirect_dma source(%dma_start3A_33 : memref<32768x64xf32, #tpu.memory_space<hbm>>) target(%dma_start3A_28 : memref<128x64xf32, #tpu.memory_space<vmem>>) offsets(%dma_start3A_30 : memref<128xi32, #tpu.memory_space<vmem>>) semaphore(%arg7 : memref<!tpu.dma_semaphore, #tpu.memory_space<semaphore_mem>>)
    %dma_start3A_34 = arith.constant 512 : i32
    %dma_start3A_35 = arith.constant 0 : i32
    %dma_start3A_36 = tpu.memref_slice %arg6[%dma_start3A_34, %dma_start3A_35] : memref<1024x64xf32, #tpu.memory_space<vmem>> -> memref<128x64xf32, #tpu.memory_space<vmem>>
    %dma_start3A_37 = arith.constant 512 : i32
    %dma_start3A_38 = tpu.memref_slice %arg5[%dma_start3A_37] : memref<1024xi32, #tpu.memory_space<vmem>> -> memref<128xi32, #tpu.memory_space<vmem>>
    %dma_start3A_39 = arith.constant 0 : i32
    %dma_start3A_40 = arith.constant 0 : i32
    %dma_start3A_41 = tpu.memref_slice %arg3[%dma_start3A_39, %dma_start3A_40] : memref<32768x64xf32, #tpu.memory_space<hbm>> -> memref<32768x64xf32, #tpu.memory_space<hbm>>
    tpu.enqueue_indirect_dma source(%dma_start3A_41 : memref<32768x64xf32, #tpu.memory_space<hbm>>) target(%dma_start3A_36 : memref<128x64xf32, #tpu.memory_space<vmem>>) offsets(%dma_start3A_38 : memref<128xi32, #tpu.memory_space<vmem>>) semaphore(%arg7 : memref<!tpu.dma_semaphore, #tpu.memory_space<semaphore_mem>>)
    %dma_start3A_42 = arith.constant 640 : i32
    %dma_start3A_43 = arith.constant 0 : i32
    %dma_start3A_44 = tpu.memref_slice %arg6[%dma_start3A_42, %dma_start3A_43] : memref<1024x64xf32, #tpu.memory_space<vmem>> -> memref<128x64xf32, #tpu.memory_space<vmem>>
    %dma_start3A_45 = arith.constant 640 : i32
    %dma_start3A_46 = tpu.memref_slice %arg5[%dma_start3A_45] : memref<1024xi32, #tpu.memory_space<vmem>> -> memref<128xi32, #tpu.memory_space<vmem>>
    %dma_start3A_47 = arith.constant 0 : i32
    %dma_start3A_48 = arith.constant 0 : i32
    %dma_start3A_49 = tpu.memref_slice %arg3[%dma_start3A_47, %dma_start3A_48] : memref<32768x64xf32, #tpu.memory_space<hbm>> -> memref<32768x64xf32, #tpu.memory_space<hbm>>
    tpu.enqueue_indirect_dma source(%dma_start3A_49 : memref<32768x64xf32, #tpu.memory_space<hbm>>) target(%dma_start3A_44 : memref<128x64xf32, #tpu.memory_space<vmem>>) offsets(%dma_start3A_46 : memref<128xi32, #tpu.memory_space<vmem>>) semaphore(%arg7 : memref<!tpu.dma_semaphore, #tpu.memory_space<semaphore_mem>>)
    %dma_start3A_50 = arith.constant 768 : i32
    %dma_start3A_51 = arith.constant 0 : i32
    %dma_start3A_52 = tpu.memref_slice %arg6[%dma_start3A_50, %dma_start3A_51] : memref<1024x64xf32, #tpu.memory_space<vmem>> -> memref<128x64xf32, #tpu.memory_space<vmem>>
    %dma_start3A_53 = arith.constant 768 : i32
    %dma_start3A_54 = tpu.memref_slice %arg5[%dma_start3A_53] : memref<1024xi32, #tpu.memory_space<vmem>> -> memref<128xi32, #tpu.memory_space<vmem>>
    %dma_start3A_55 = arith.constant 0 : i32
    %dma_start3A_56 = arith.constant 0 : i32
    %dma_start3A_57 = tpu.memref_slice %arg3[%dma_start3A_55, %dma_start3A_56] : memref<32768x64xf32, #tpu.memory_space<hbm>> -> memref<32768x64xf32, #tpu.memory_space<hbm>>
    tpu.enqueue_indirect_dma source(%dma_start3A_57 : memref<32768x64xf32, #tpu.memory_space<hbm>>) target(%dma_start3A_52 : memref<128x64xf32, #tpu.memory_space<vmem>>) offsets(%dma_start3A_54 : memref<128xi32, #tpu.memory_space<vmem>>) semaphore(%arg7 : memref<!tpu.dma_semaphore, #tpu.memory_space<semaphore_mem>>)
    %dma_start3A_58 = arith.constant 896 : i32
    %dma_start3A_59 = arith.constant 0 : i32
    %dma_start3A_60 = tpu.memref_slice %arg6[%dma_start3A_58, %dma_start3A_59] : memref<1024x64xf32, #tpu.memory_space<vmem>> -> memref<128x64xf32, #tpu.memory_space<vmem>>
    %dma_start3A_61 = arith.constant 896 : i32
    %dma_start3A_62 = tpu.memref_slice %arg5[%dma_start3A_61] : memref<1024xi32, #tpu.memory_space<vmem>> -> memref<128xi32, #tpu.memory_space<vmem>>
    %dma_start3A_63 = arith.constant 0 : i32
    %dma_start3A_64 = arith.constant 0 : i32
    %dma_start3A_65 = tpu.memref_slice %arg3[%dma_start3A_63, %dma_start3A_64] : memref<32768x64xf32, #tpu.memory_space<hbm>> -> memref<32768x64xf32, #tpu.memory_space<hbm>>
    tpu.enqueue_indirect_dma source(%dma_start3A_65 : memref<32768x64xf32, #tpu.memory_space<hbm>>) target(%dma_start3A_60 : memref<128x64xf32, #tpu.memory_space<vmem>>) offsets(%dma_start3A_62 : memref<128xi32, #tpu.memory_space<vmem>>) semaphore(%arg7 : memref<!tpu.dma_semaphore, #tpu.memory_space<semaphore_mem>>)
    %dma_wait3A = arith.constant 0 : i32
    %dma_wait3A_66 = arith.constant 0 : i32
    %dma_wait3A_67 = tpu.memref_slice %arg6[%dma_wait3A, %dma_wait3A_66] : memref<1024x64xf32, #tpu.memory_space<vmem>> -> memref<128x64xf32, #tpu.memory_space<vmem>>
    %dma_wait3A_68 = arith.constant 0 : i32
    %dma_wait3A_69 = tpu.memref_slice %arg5[%dma_wait3A_68] : memref<1024xi32, #tpu.memory_space<vmem>> -> memref<128xi32, #tpu.memory_space<vmem>>
    %dma_wait3A_70 = arith.constant 0 : i32
    %dma_wait3A_71 = arith.constant 0 : i32
    %dma_wait3A_72 = tpu.memref_slice %arg3[%dma_wait3A_70, %dma_wait3A_71] : memref<32768x64xf32, #tpu.memory_space<hbm>> -> memref<32768x64xf32, #tpu.memory_space<hbm>>
    tpu.wait_indirect_dma semaphore(%arg7 : memref<!tpu.dma_semaphore, #tpu.memory_space<semaphore_mem>>) src(%dma_wait3A_72 : memref<32768x64xf32, #tpu.memory_space<hbm>>) dst(%dma_wait3A_67 : memref<128x64xf32, #tpu.memory_space<vmem>>)
    %add3A_73 = arith.constant 0 : i32
    %add3A_74 = arith.addi %mul3A_2, %add3A_73 : i32
    %dma_start3A_75 = arith.constant 0 : i32
    %dma_start3A_76 = arith.constant 0 : i32
    %dma_start3A_77 = tpu.memref_slice %arg6[%dma_start3A_75, %dma_start3A_76] : memref<1024x64xf32, #tpu.memory_space<vmem>> -> memref<128x64xf32, #tpu.memory_space<vmem>>
    %dma_start3A_78 = arith.constant 0 : i32
    %dma_start3A_79 = tpu.memref_slice %arg4[%add3A_74, %dma_start3A_78] : memref<32768x64xf32, #tpu.memory_space<hbm>> -> memref<128x64xf32, #tpu.memory_space<hbm>>
    %dma_start3A_80 = arith.constant 0 : i32
    %dma_start3A_81 = tpu.memref_slice %arg4[%add3A_74, %dma_start3A_80] : memref<32768x64xf32, #tpu.memory_space<hbm>> -> memref<128x64xf32, #tpu.memory_space<hbm>>
    %dma_start3A_82 = arith.constant 0 : i32
    %dma_start3A_83 = arith.constant 0 : i32
    %dma_start3A_84 = tpu.memref_slice %arg6[%dma_start3A_82, %dma_start3A_83] : memref<1024x64xf32, #tpu.memory_space<vmem>> -> memref<128x64xf32, #tpu.memory_space<vmem>>
    tpu.enqueue_dma source(%dma_start3A_84 : memref<128x64xf32, #tpu.memory_space<vmem>>) target(%dma_start3A_81 : memref<128x64xf32, #tpu.memory_space<hbm>>) target_semaphore(%arg8 : memref<!tpu.dma_semaphore, #tpu.memory_space<semaphore_mem>>)
    %dma_wait3A_85 = arith.constant 128 : i32
    %dma_wait3A_86 = arith.constant 0 : i32
    %dma_wait3A_87 = tpu.memref_slice %arg6[%dma_wait3A_85, %dma_wait3A_86] : memref<1024x64xf32, #tpu.memory_space<vmem>> -> memref<128x64xf32, #tpu.memory_space<vmem>>
    %dma_wait3A_88 = arith.constant 128 : i32
    %dma_wait3A_89 = tpu.memref_slice %arg5[%dma_wait3A_88] : memref<1024xi32, #tpu.memory_space<vmem>> -> memref<128xi32, #tpu.memory_space<vmem>>
    %dma_wait3A_90 = arith.constant 0 : i32
    %dma_wait3A_91 = arith.constant 0 : i32
    %dma_wait3A_92 = tpu.memref_slice %arg3[%dma_wait3A_90, %dma_wait3A_91] : memref<32768x64xf32, #tpu.memory_space<hbm>> -> memref<32768x64xf32, #tpu.memory_space<hbm>>
    tpu.wait_indirect_dma semaphore(%arg7 : memref<!tpu.dma_semaphore, #tpu.memory_space<semaphore_mem>>) src(%dma_wait3A_92 : memref<32768x64xf32, #tpu.memory_space<hbm>>) dst(%dma_wait3A_87 : memref<128x64xf32, #tpu.memory_space<vmem>>)
    %add3A_93 = arith.constant 128 : i32
    %add3A_94 = arith.addi %mul3A_2, %add3A_93 : i32
    %dma_start3A_95 = arith.constant 128 : i32
    %dma_start3A_96 = arith.constant 0 : i32
    %dma_start3A_97 = tpu.memref_slice %arg6[%dma_start3A_95, %dma_start3A_96] : memref<1024x64xf32, #tpu.memory_space<vmem>> -> memref<128x64xf32, #tpu.memory_space<vmem>>
    %dma_start3A_98 = arith.constant 0 : i32
    %dma_start3A_99 = tpu.memref_slice %arg4[%add3A_94, %dma_start3A_98] : memref<32768x64xf32, #tpu.memory_space<hbm>> -> memref<128x64xf32, #tpu.memory_space<hbm>>
    %dma_start3A_100 = arith.constant 0 : i32
    %dma_start3A_101 = tpu.memref_slice %arg4[%add3A_94, %dma_start3A_100] : memref<32768x64xf32, #tpu.memory_space<hbm>> -> memref<128x64xf32, #tpu.memory_space<hbm>>
    %dma_start3A_102 = arith.constant 128 : i32
    %dma_start3A_103 = arith.constant 0 : i32
    %dma_start3A_104 = tpu.memref_slice %arg6[%dma_start3A_102, %dma_start3A_103] : memref<1024x64xf32, #tpu.memory_space<vmem>> -> memref<128x64xf32, #tpu.memory_space<vmem>>
    tpu.enqueue_dma source(%dma_start3A_104 : memref<128x64xf32, #tpu.memory_space<vmem>>) target(%dma_start3A_101 : memref<128x64xf32, #tpu.memory_space<hbm>>) target_semaphore(%arg8 : memref<!tpu.dma_semaphore, #tpu.memory_space<semaphore_mem>>)
    %dma_wait3A_105 = arith.constant 256 : i32
    %dma_wait3A_106 = arith.constant 0 : i32
    %dma_wait3A_107 = tpu.memref_slice %arg6[%dma_wait3A_105, %dma_wait3A_106] : memref<1024x64xf32, #tpu.memory_space<vmem>> -> memref<128x64xf32, #tpu.memory_space<vmem>>
    %dma_wait3A_108 = arith.constant 256 : i32
    %dma_wait3A_109 = tpu.memref_slice %arg5[%dma_wait3A_108] : memref<1024xi32, #tpu.memory_space<vmem>> -> memref<128xi32, #tpu.memory_space<vmem>>
    %dma_wait3A_110 = arith.constant 0 : i32
    %dma_wait3A_111 = arith.constant 0 : i32
    %dma_wait3A_112 = tpu.memref_slice %arg3[%dma_wait3A_110, %dma_wait3A_111] : memref<32768x64xf32, #tpu.memory_space<hbm>> -> memref<32768x64xf32, #tpu.memory_space<hbm>>
    tpu.wait_indirect_dma semaphore(%arg7 : memref<!tpu.dma_semaphore, #tpu.memory_space<semaphore_mem>>) src(%dma_wait3A_112 : memref<32768x64xf32, #tpu.memory_space<hbm>>) dst(%dma_wait3A_107 : memref<128x64xf32, #tpu.memory_space<vmem>>)
    %add3A_113 = arith.constant 256 : i32
    %add3A_114 = arith.addi %mul3A_2, %add3A_113 : i32
    %dma_start3A_115 = arith.constant 256 : i32
    %dma_start3A_116 = arith.constant 0 : i32
    %dma_start3A_117 = tpu.memref_slice %arg6[%dma_start3A_115, %dma_start3A_116] : memref<1024x64xf32, #tpu.memory_space<vmem>> -> memref<128x64xf32, #tpu.memory_space<vmem>>
    %dma_start3A_118 = arith.constant 0 : i32
    %dma_start3A_119 = tpu.memref_slice %arg4[%add3A_114, %dma_start3A_118] : memref<32768x64xf32, #tpu.memory_space<hbm>> -> memref<128x64xf32, #tpu.memory_space<hbm>>
    %dma_start3A_120 = arith.constant 0 : i32
    %dma_start3A_121 = tpu.memref_slice %arg4[%add3A_114, %dma_start3A_120] : memref<32768x64xf32, #tpu.memory_space<hbm>> -> memref<128x64xf32, #tpu.memory_space<hbm>>
    %dma_start3A_122 = arith.constant 256 : i32
    %dma_start3A_123 = arith.constant 0 : i32
    %dma_start3A_124 = tpu.memref_slice %arg6[%dma_start3A_122, %dma_start3A_123] : memref<1024x64xf32, #tpu.memory_space<vmem>> -> memref<128x64xf32, #tpu.memory_space<vmem>>
    tpu.enqueue_dma source(%dma_start3A_124 : memref<128x64xf32, #tpu.memory_space<vmem>>) target(%dma_start3A_121 : memref<128x64xf32, #tpu.memory_space<hbm>>) target_semaphore(%arg8 : memref<!tpu.dma_semaphore, #tpu.memory_space<semaphore_mem>>)
    %dma_wait3A_125 = arith.constant 384 : i32
    %dma_wait3A_126 = arith.constant 0 : i32
    %dma_wait3A_127 = tpu.memref_slice %arg6[%dma_wait3A_125, %dma_wait3A_126] : memref<1024x64xf32, #tpu.memory_space<vmem>> -> memref<128x64xf32, #tpu.memory_space<vmem>>
    %dma_wait3A_128 = arith.constant 384 : i32
    %dma_wait3A_129 = tpu.memref_slice %arg5[%dma_wait3A_128] : memref<1024xi32, #tpu.memory_space<vmem>> -> memref<128xi32, #tpu.memory_space<vmem>>
    %dma_wait3A_130 = arith.constant 0 : i32
    %dma_wait3A_131 = arith.constant 0 : i32
    %dma_wait3A_132 = tpu.memref_slice %arg3[%dma_wait3A_130, %dma_wait3A_131] : memref<32768x64xf32, #tpu.memory_space<hbm>> -> memref<32768x64xf32, #tpu.memory_space<hbm>>
    tpu.wait_indirect_dma semaphore(%arg7 : memref<!tpu.dma_semaphore, #tpu.memory_space<semaphore_mem>>) src(%dma_wait3A_132 : memref<32768x64xf32, #tpu.memory_space<hbm>>) dst(%dma_wait3A_127 : memref<128x64xf32, #tpu.memory_space<vmem>>)
    %add3A_133 = arith.constant 384 : i32
    %add3A_134 = arith.addi %mul3A_2, %add3A_133 : i32
    %dma_start3A_135 = arith.constant 384 : i32
    %dma_start3A_136 = arith.constant 0 : i32
    %dma_start3A_137 = tpu.memref_slice %arg6[%dma_start3A_135, %dma_start3A_136] : memref<1024x64xf32, #tpu.memory_space<vmem>> -> memref<128x64xf32, #tpu.memory_space<vmem>>
    %dma_start3A_138 = arith.constant 0 : i32
    %dma_start3A_139 = tpu.memref_slice %arg4[%add3A_134, %dma_start3A_138] : memref<32768x64xf32, #tpu.memory_space<hbm>> -> memref<128x64xf32, #tpu.memory_space<hbm>>
    %dma_start3A_140 = arith.constant 0 : i32
    %dma_start3A_141 = tpu.memref_slice %arg4[%add3A_134, %dma_start3A_140] : memref<32768x64xf32, #tpu.memory_space<hbm>> -> memref<128x64xf32, #tpu.memory_space<hbm>>
    %dma_start3A_142 = arith.constant 384 : i32
    %dma_start3A_143 = arith.constant 0 : i32
    %dma_start3A_144 = tpu.memref_slice %arg6[%dma_start3A_142, %dma_start3A_143] : memref<1024x64xf32, #tpu.memory_space<vmem>> -> memref<128x64xf32, #tpu.memory_space<vmem>>
    tpu.enqueue_dma source(%dma_start3A_144 : memref<128x64xf32, #tpu.memory_space<vmem>>) target(%dma_start3A_141 : memref<128x64xf32, #tpu.memory_space<hbm>>) target_semaphore(%arg8 : memref<!tpu.dma_semaphore, #tpu.memory_space<semaphore_mem>>)
    %dma_wait3A_145 = arith.constant 512 : i32
    %dma_wait3A_146 = arith.constant 0 : i32
    %dma_wait3A_147 = tpu.memref_slice %arg6[%dma_wait3A_145, %dma_wait3A_146] : memref<1024x64xf32, #tpu.memory_space<vmem>> -> memref<128x64xf32, #tpu.memory_space<vmem>>
    %dma_wait3A_148 = arith.constant 512 : i32
    %dma_wait3A_149 = tpu.memref_slice %arg5[%dma_wait3A_148] : memref<1024xi32, #tpu.memory_space<vmem>> -> memref<128xi32, #tpu.memory_space<vmem>>
    %dma_wait3A_150 = arith.constant 0 : i32
    %dma_wait3A_151 = arith.constant 0 : i32
    %dma_wait3A_152 = tpu.memref_slice %arg3[%dma_wait3A_150, %dma_wait3A_151] : memref<32768x64xf32, #tpu.memory_space<hbm>> -> memref<32768x64xf32, #tpu.memory_space<hbm>>
    tpu.wait_indirect_dma semaphore(%arg7 : memref<!tpu.dma_semaphore, #tpu.memory_space<semaphore_mem>>) src(%dma_wait3A_152 : memref<32768x64xf32, #tpu.memory_space<hbm>>) dst(%dma_wait3A_147 : memref<128x64xf32, #tpu.memory_space<vmem>>)
    %add3A_153 = arith.constant 512 : i32
    %add3A_154 = arith.addi %mul3A_2, %add3A_153 : i32
    %dma_start3A_155 = arith.constant 512 : i32
    %dma_start3A_156 = arith.constant 0 : i32
    %dma_start3A_157 = tpu.memref_slice %arg6[%dma_start3A_155, %dma_start3A_156] : memref<1024x64xf32, #tpu.memory_space<vmem>> -> memref<128x64xf32, #tpu.memory_space<vmem>>
    %dma_start3A_158 = arith.constant 0 : i32
    %dma_start3A_159 = tpu.memref_slice %arg4[%add3A_154, %dma_start3A_158] : memref<32768x64xf32, #tpu.memory_space<hbm>> -> memref<128x64xf32, #tpu.memory_space<hbm>>
    %dma_start3A_160 = arith.constant 0 : i32
    %dma_start3A_161 = tpu.memref_slice %arg4[%add3A_154, %dma_start3A_160] : memref<32768x64xf32, #tpu.memory_space<hbm>> -> memref<128x64xf32, #tpu.memory_space<hbm>>
    %dma_start3A_162 = arith.constant 512 : i32
    %dma_start3A_163 = arith.constant 0 : i32
    %dma_start3A_164 = tpu.memref_slice %arg6[%dma_start3A_162, %dma_start3A_163] : memref<1024x64xf32, #tpu.memory_space<vmem>> -> memref<128x64xf32, #tpu.memory_space<vmem>>
    tpu.enqueue_dma source(%dma_start3A_164 : memref<128x64xf32, #tpu.memory_space<vmem>>) target(%dma_start3A_161 : memref<128x64xf32, #tpu.memory_space<hbm>>) target_semaphore(%arg8 : memref<!tpu.dma_semaphore, #tpu.memory_space<semaphore_mem>>)
    %dma_wait3A_165 = arith.constant 640 : i32
    %dma_wait3A_166 = arith.constant 0 : i32
    %dma_wait3A_167 = tpu.memref_slice %arg6[%dma_wait3A_165, %dma_wait3A_166] : memref<1024x64xf32, #tpu.memory_space<vmem>> -> memref<128x64xf32, #tpu.memory_space<vmem>>
    %dma_wait3A_168 = arith.constant 640 : i32
    %dma_wait3A_169 = tpu.memref_slice %arg5[%dma_wait3A_168] : memref<1024xi32, #tpu.memory_space<vmem>> -> memref<128xi32, #tpu.memory_space<vmem>>
    %dma_wait3A_170 = arith.constant 0 : i32
    %dma_wait3A_171 = arith.constant 0 : i32
    %dma_wait3A_172 = tpu.memref_slice %arg3[%dma_wait3A_170, %dma_wait3A_171] : memref<32768x64xf32, #tpu.memory_space<hbm>> -> memref<32768x64xf32, #tpu.memory_space<hbm>>
    tpu.wait_indirect_dma semaphore(%arg7 : memref<!tpu.dma_semaphore, #tpu.memory_space<semaphore_mem>>) src(%dma_wait3A_172 : memref<32768x64xf32, #tpu.memory_space<hbm>>) dst(%dma_wait3A_167 : memref<128x64xf32, #tpu.memory_space<vmem>>)
    %add3A_173 = arith.constant 640 : i32
    %add3A_174 = arith.addi %mul3A_2, %add3A_173 : i32
    %dma_start3A_175 = arith.constant 640 : i32
    %dma_start3A_176 = arith.constant 0 : i32
    %dma_start3A_177 = tpu.memref_slice %arg6[%dma_start3A_175, %dma_start3A_176] : memref<1024x64xf32, #tpu.memory_space<vmem>> -> memref<128x64xf32, #tpu.memory_space<vmem>>
    %dma_start3A_178 = arith.constant 0 : i32
    %dma_start3A_179 = tpu.memref_slice %arg4[%add3A_174, %dma_start3A_178] : memref<32768x64xf32, #tpu.memory_space<hbm>> -> memref<128x64xf32, #tpu.memory_space<hbm>>
    %dma_start3A_180 = arith.constant 0 : i32
    %dma_start3A_181 = tpu.memref_slice %arg4[%add3A_174, %dma_start3A_180] : memref<32768x64xf32, #tpu.memory_space<hbm>> -> memref<128x64xf32, #tpu.memory_space<hbm>>
    %dma_start3A_182 = arith.constant 640 : i32
    %dma_start3A_183 = arith.constant 0 : i32
    %dma_start3A_184 = tpu.memref_slice %arg6[%dma_start3A_182, %dma_start3A_183] : memref<1024x64xf32, #tpu.memory_space<vmem>> -> memref<128x64xf32, #tpu.memory_space<vmem>>
    tpu.enqueue_dma source(%dma_start3A_184 : memref<128x64xf32, #tpu.memory_space<vmem>>) target(%dma_start3A_181 : memref<128x64xf32, #tpu.memory_space<hbm>>) target_semaphore(%arg8 : memref<!tpu.dma_semaphore, #tpu.memory_space<semaphore_mem>>)
    %dma_wait3A_185 = arith.constant 768 : i32
    %dma_wait3A_186 = arith.constant 0 : i32
    %dma_wait3A_187 = tpu.memref_slice %arg6[%dma_wait3A_185, %dma_wait3A_186] : memref<1024x64xf32, #tpu.memory_space<vmem>> -> memref<128x64xf32, #tpu.memory_space<vmem>>
    %dma_wait3A_188 = arith.constant 768 : i32
    %dma_wait3A_189 = tpu.memref_slice %arg5[%dma_wait3A_188] : memref<1024xi32, #tpu.memory_space<vmem>> -> memref<128xi32, #tpu.memory_space<vmem>>
    %dma_wait3A_190 = arith.constant 0 : i32
    %dma_wait3A_191 = arith.constant 0 : i32
    %dma_wait3A_192 = tpu.memref_slice %arg3[%dma_wait3A_190, %dma_wait3A_191] : memref<32768x64xf32, #tpu.memory_space<hbm>> -> memref<32768x64xf32, #tpu.memory_space<hbm>>
    tpu.wait_indirect_dma semaphore(%arg7 : memref<!tpu.dma_semaphore, #tpu.memory_space<semaphore_mem>>) src(%dma_wait3A_192 : memref<32768x64xf32, #tpu.memory_space<hbm>>) dst(%dma_wait3A_187 : memref<128x64xf32, #tpu.memory_space<vmem>>)
    %add3A_193 = arith.constant 768 : i32
    %add3A_194 = arith.addi %mul3A_2, %add3A_193 : i32
    %dma_start3A_195 = arith.constant 768 : i32
    %dma_start3A_196 = arith.constant 0 : i32
    %dma_start3A_197 = tpu.memref_slice %arg6[%dma_start3A_195, %dma_start3A_196] : memref<1024x64xf32, #tpu.memory_space<vmem>> -> memref<128x64xf32, #tpu.memory_space<vmem>>
    %dma_start3A_198 = arith.constant 0 : i32
    %dma_start3A_199 = tpu.memref_slice %arg4[%add3A_194, %dma_start3A_198] : memref<32768x64xf32, #tpu.memory_space<hbm>> -> memref<128x64xf32, #tpu.memory_space<hbm>>
    %dma_start3A_200 = arith.constant 0 : i32
    %dma_start3A_201 = tpu.memref_slice %arg4[%add3A_194, %dma_start3A_200] : memref<32768x64xf32, #tpu.memory_space<hbm>> -> memref<128x64xf32, #tpu.memory_space<hbm>>
    %dma_start3A_202 = arith.constant 768 : i32
    %dma_start3A_203 = arith.constant 0 : i32
    %dma_start3A_204 = tpu.memref_slice %arg6[%dma_start3A_202, %dma_start3A_203] : memref<1024x64xf32, #tpu.memory_space<vmem>> -> memref<128x64xf32, #tpu.memory_space<vmem>>
    tpu.enqueue_dma source(%dma_start3A_204 : memref<128x64xf32, #tpu.memory_space<vmem>>) target(%dma_start3A_201 : memref<128x64xf32, #tpu.memory_space<hbm>>) target_semaphore(%arg8 : memref<!tpu.dma_semaphore, #tpu.memory_space<semaphore_mem>>)
    %dma_wait3A_205 = arith.constant 896 : i32
    %dma_wait3A_206 = arith.constant 0 : i32
    %dma_wait3A_207 = tpu.memref_slice %arg6[%dma_wait3A_205, %dma_wait3A_206] : memref<1024x64xf32, #tpu.memory_space<vmem>> -> memref<128x64xf32, #tpu.memory_space<vmem>>
    %dma_wait3A_208 = arith.constant 896 : i32
    %dma_wait3A_209 = tpu.memref_slice %arg5[%dma_wait3A_208] : memref<1024xi32, #tpu.memory_space<vmem>> -> memref<128xi32, #tpu.memory_space<vmem>>
    %dma_wait3A_210 = arith.constant 0 : i32
    %dma_wait3A_211 = arith.constant 0 : i32
    %dma_wait3A_212 = tpu.memref_slice %arg3[%dma_wait3A_210, %dma_wait3A_211] : memref<32768x64xf32, #tpu.memory_space<hbm>> -> memref<32768x64xf32, #tpu.memory_space<hbm>>
    tpu.wait_indirect_dma semaphore(%arg7 : memref<!tpu.dma_semaphore, #tpu.memory_space<semaphore_mem>>) src(%dma_wait3A_212 : memref<32768x64xf32, #tpu.memory_space<hbm>>) dst(%dma_wait3A_207 : memref<128x64xf32, #tpu.memory_space<vmem>>)
    %add3A_213 = arith.constant 896 : i32
    %add3A_214 = arith.addi %mul3A_2, %add3A_213 : i32
    %dma_start3A_215 = arith.constant 896 : i32
    %dma_start3A_216 = arith.constant 0 : i32
    %dma_start3A_217 = tpu.memref_slice %arg6[%dma_start3A_215, %dma_start3A_216] : memref<1024x64xf32, #tpu.memory_space<vmem>> -> memref<128x64xf32, #tpu.memory_space<vmem>>
    %dma_start3A_218 = arith.constant 0 : i32
    %dma_start3A_219 = tpu.memref_slice %arg4[%add3A_214, %dma_start3A_218] : memref<32768x64xf32, #tpu.memory_space<hbm>> -> memref<128x64xf32, #tpu.memory_space<hbm>>
    %dma_start3A_220 = arith.constant 0 : i32
    %dma_start3A_221 = tpu.memref_slice %arg4[%add3A_214, %dma_start3A_220] : memref<32768x64xf32, #tpu.memory_space<hbm>> -> memref<128x64xf32, #tpu.memory_space<hbm>>
    %dma_start3A_222 = arith.constant 896 : i32
    %dma_start3A_223 = arith.constant 0 : i32
    %dma_start3A_224 = tpu.memref_slice %arg6[%dma_start3A_222, %dma_start3A_223] : memref<1024x64xf32, #tpu.memory_space<vmem>> -> memref<128x64xf32, #tpu.memory_space<vmem>>
    tpu.enqueue_dma source(%dma_start3A_224 : memref<128x64xf32, #tpu.memory_space<vmem>>) target(%dma_start3A_221 : memref<128x64xf32, #tpu.memory_space<hbm>>) target_semaphore(%arg8 : memref<!tpu.dma_semaphore, #tpu.memory_space<semaphore_mem>>)
    %dma_wait3A_225 = arith.constant 0 : i32
    %dma_wait3A_226 = arith.constant 0 : i32
    %dma_wait3A_227 = tpu.memref_slice %arg6[%dma_wait3A_225, %dma_wait3A_226] : memref<1024x64xf32, #tpu.memory_space<vmem>> -> memref<128x64xf32, #tpu.memory_space<vmem>>
    %dma_wait3A_228 = arith.constant 0 : i32
    %dma_wait3A_229 = tpu.memref_slice %arg4[%add3A_74, %dma_wait3A_228] : memref<32768x64xf32, #tpu.memory_space<hbm>> -> memref<128x64xf32, #tpu.memory_space<hbm>>
    %dma_wait3A_230 = arith.constant 0 : i32
    %dma_wait3A_231 = tpu.memref_slice %arg4[%add3A_74, %dma_wait3A_230] : memref<32768x64xf32, #tpu.memory_space<hbm>> -> memref<128x64xf32, #tpu.memory_space<hbm>>
    %dma_wait3A_232 = arith.constant 0 : i32
    %dma_wait3A_233 = arith.constant 0 : i32
    %dma_wait3A_234 = tpu.memref_slice %arg6[%dma_wait3A_232, %dma_wait3A_233] : memref<1024x64xf32, #tpu.memory_space<vmem>> -> memref<128x64xf32, #tpu.memory_space<vmem>>
    tpu.wait_dma2 semaphore(%arg8 : memref<!tpu.dma_semaphore, #tpu.memory_space<semaphore_mem>>) src(%dma_wait3A_234 : memref<128x64xf32, #tpu.memory_space<vmem>>) dst(%dma_wait3A_231 : memref<128x64xf32, #tpu.memory_space<hbm>>)
    %dma_wait3A_235 = arith.constant 128 : i32
    %dma_wait3A_236 = arith.constant 0 : i32
    %dma_wait3A_237 = tpu.memref_slice %arg6[%dma_wait3A_235, %dma_wait3A_236] : memref<1024x64xf32, #tpu.memory_space<vmem>> -> memref<128x64xf32, #tpu.memory_space<vmem>>
    %dma_wait3A_238 = arith.constant 0 : i32
    %dma_wait3A_239 = tpu.memref_slice %arg4[%add3A_94, %dma_wait3A_238] : memref<32768x64xf32, #tpu.memory_space<hbm>> -> memref<128x64xf32, #tpu.memory_space<hbm>>
    %dma_wait3A_240 = arith.constant 0 : i32
    %dma_wait3A_241 = tpu.memref_slice %arg4[%add3A_94, %dma_wait3A_240] : memref<32768x64xf32, #tpu.memory_space<hbm>> -> memref<128x64xf32, #tpu.memory_space<hbm>>
    %dma_wait3A_242 = arith.constant 128 : i32
    %dma_wait3A_243 = arith.constant 0 : i32
    %dma_wait3A_244 = tpu.memref_slice %arg6[%dma_wait3A_242, %dma_wait3A_243] : memref<1024x64xf32, #tpu.memory_space<vmem>> -> memref<128x64xf32, #tpu.memory_space<vmem>>
    tpu.wait_dma2 semaphore(%arg8 : memref<!tpu.dma_semaphore, #tpu.memory_space<semaphore_mem>>) src(%dma_wait3A_244 : memref<128x64xf32, #tpu.memory_space<vmem>>) dst(%dma_wait3A_241 : memref<128x64xf32, #tpu.memory_space<hbm>>)
    %dma_wait3A_245 = arith.constant 256 : i32
    %dma_wait3A_246 = arith.constant 0 : i32
    %dma_wait3A_247 = tpu.memref_slice %arg6[%dma_wait3A_245, %dma_wait3A_246] : memref<1024x64xf32, #tpu.memory_space<vmem>> -> memref<128x64xf32, #tpu.memory_space<vmem>>
    %dma_wait3A_248 = arith.constant 0 : i32
    %dma_wait3A_249 = tpu.memref_slice %arg4[%add3A_114, %dma_wait3A_248] : memref<32768x64xf32, #tpu.memory_space<hbm>> -> memref<128x64xf32, #tpu.memory_space<hbm>>
    %dma_wait3A_250 = arith.constant 0 : i32
    %dma_wait3A_251 = tpu.memref_slice %arg4[%add3A_114, %dma_wait3A_250] : memref<32768x64xf32, #tpu.memory_space<hbm>> -> memref<128x64xf32, #tpu.memory_space<hbm>>
    %dma_wait3A_252 = arith.constant 256 : i32
    %dma_wait3A_253 = arith.constant 0 : i32
    %dma_wait3A_254 = tpu.memref_slice %arg6[%dma_wait3A_252, %dma_wait3A_253] : memref<1024x64xf32, #tpu.memory_space<vmem>> -> memref<128x64xf32, #tpu.memory_space<vmem>>
    tpu.wait_dma2 semaphore(%arg8 : memref<!tpu.dma_semaphore, #tpu.memory_space<semaphore_mem>>) src(%dma_wait3A_254 : memref<128x64xf32, #tpu.memory_space<vmem>>) dst(%dma_wait3A_251 : memref<128x64xf32, #tpu.memory_space<hbm>>)
    %dma_wait3A_255 = arith.constant 384 : i32
    %dma_wait3A_256 = arith.constant 0 : i32
    %dma_wait3A_257 = tpu.memref_slice %arg6[%dma_wait3A_255, %dma_wait3A_256] : memref<1024x64xf32, #tpu.memory_space<vmem>> -> memref<128x64xf32, #tpu.memory_space<vmem>>
    %dma_wait3A_258 = arith.constant 0 : i32
    %dma_wait3A_259 = tpu.memref_slice %arg4[%add3A_134, %dma_wait3A_258] : memref<32768x64xf32, #tpu.memory_space<hbm>> -> memref<128x64xf32, #tpu.memory_space<hbm>>
    %dma_wait3A_260 = arith.constant 0 : i32
    %dma_wait3A_261 = tpu.memref_slice %arg4[%add3A_134, %dma_wait3A_260] : memref<32768x64xf32, #tpu.memory_space<hbm>> -> memref<128x64xf32, #tpu.memory_space<hbm>>
    %dma_wait3A_262 = arith.constant 384 : i32
    %dma_wait3A_263 = arith.constant 0 : i32
    %dma_wait3A_264 = tpu.memref_slice %arg6[%dma_wait3A_262, %dma_wait3A_263] : memref<1024x64xf32, #tpu.memory_space<vmem>> -> memref<128x64xf32, #tpu.memory_space<vmem>>
    tpu.wait_dma2 semaphore(%arg8 : memref<!tpu.dma_semaphore, #tpu.memory_space<semaphore_mem>>) src(%dma_wait3A_264 : memref<128x64xf32, #tpu.memory_space<vmem>>) dst(%dma_wait3A_261 : memref<128x64xf32, #tpu.memory_space<hbm>>)
    %dma_wait3A_265 = arith.constant 512 : i32
    %dma_wait3A_266 = arith.constant 0 : i32
    %dma_wait3A_267 = tpu.memref_slice %arg6[%dma_wait3A_265, %dma_wait3A_266] : memref<1024x64xf32, #tpu.memory_space<vmem>> -> memref<128x64xf32, #tpu.memory_space<vmem>>
    %dma_wait3A_268 = arith.constant 0 : i32
    %dma_wait3A_269 = tpu.memref_slice %arg4[%add3A_154, %dma_wait3A_268] : memref<32768x64xf32, #tpu.memory_space<hbm>> -> memref<128x64xf32, #tpu.memory_space<hbm>>
    %dma_wait3A_270 = arith.constant 0 : i32
    %dma_wait3A_271 = tpu.memref_slice %arg4[%add3A_154, %dma_wait3A_270] : memref<32768x64xf32, #tpu.memory_space<hbm>> -> memref<128x64xf32, #tpu.memory_space<hbm>>
    %dma_wait3A_272 = arith.constant 512 : i32
    %dma_wait3A_273 = arith.constant 0 : i32
    %dma_wait3A_274 = tpu.memref_slice %arg6[%dma_wait3A_272, %dma_wait3A_273] : memref<1024x64xf32, #tpu.memory_space<vmem>> -> memref<128x64xf32, #tpu.memory_space<vmem>>
    tpu.wait_dma2 semaphore(%arg8 : memref<!tpu.dma_semaphore, #tpu.memory_space<semaphore_mem>>) src(%dma_wait3A_274 : memref<128x64xf32, #tpu.memory_space<vmem>>) dst(%dma_wait3A_271 : memref<128x64xf32, #tpu.memory_space<hbm>>)
    %dma_wait3A_275 = arith.constant 640 : i32
    %dma_wait3A_276 = arith.constant 0 : i32
    %dma_wait3A_277 = tpu.memref_slice %arg6[%dma_wait3A_275, %dma_wait3A_276] : memref<1024x64xf32, #tpu.memory_space<vmem>> -> memref<128x64xf32, #tpu.memory_space<vmem>>
    %dma_wait3A_278 = arith.constant 0 : i32
    %dma_wait3A_279 = tpu.memref_slice %arg4[%add3A_174, %dma_wait3A_278] : memref<32768x64xf32, #tpu.memory_space<hbm>> -> memref<128x64xf32, #tpu.memory_space<hbm>>
    %dma_wait3A_280 = arith.constant 0 : i32
    %dma_wait3A_281 = tpu.memref_slice %arg4[%add3A_174, %dma_wait3A_280] : memref<32768x64xf32, #tpu.memory_space<hbm>> -> memref<128x64xf32, #tpu.memory_space<hbm>>
    %dma_wait3A_282 = arith.constant 640 : i32
    %dma_wait3A_283 = arith.constant 0 : i32
    %dma_wait3A_284 = tpu.memref_slice %arg6[%dma_wait3A_282, %dma_wait3A_283] : memref<1024x64xf32, #tpu.memory_space<vmem>> -> memref<128x64xf32, #tpu.memory_space<vmem>>
    tpu.wait_dma2 semaphore(%arg8 : memref<!tpu.dma_semaphore, #tpu.memory_space<semaphore_mem>>) src(%dma_wait3A_284 : memref<128x64xf32, #tpu.memory_space<vmem>>) dst(%dma_wait3A_281 : memref<128x64xf32, #tpu.memory_space<hbm>>)
    %dma_wait3A_285 = arith.constant 768 : i32
    %dma_wait3A_286 = arith.constant 0 : i32
    %dma_wait3A_287 = tpu.memref_slice %arg6[%dma_wait3A_285, %dma_wait3A_286] : memref<1024x64xf32, #tpu.memory_space<vmem>> -> memref<128x64xf32, #tpu.memory_space<vmem>>
    %dma_wait3A_288 = arith.constant 0 : i32
    %dma_wait3A_289 = tpu.memref_slice %arg4[%add3A_194, %dma_wait3A_288] : memref<32768x64xf32, #tpu.memory_space<hbm>> -> memref<128x64xf32, #tpu.memory_space<hbm>>
    %dma_wait3A_290 = arith.constant 0 : i32
    %dma_wait3A_291 = tpu.memref_slice %arg4[%add3A_194, %dma_wait3A_290] : memref<32768x64xf32, #tpu.memory_space<hbm>> -> memref<128x64xf32, #tpu.memory_space<hbm>>
    %dma_wait3A_292 = arith.constant 768 : i32
    %dma_wait3A_293 = arith.constant 0 : i32
    %dma_wait3A_294 = tpu.memref_slice %arg6[%dma_wait3A_292, %dma_wait3A_293] : memref<1024x64xf32, #tpu.memory_space<vmem>> -> memref<128x64xf32, #tpu.memory_space<vmem>>
    tpu.wait_dma2 semaphore(%arg8 : memref<!tpu.dma_semaphore, #tpu.memory_space<semaphore_mem>>) src(%dma_wait3A_294 : memref<128x64xf32, #tpu.memory_space<vmem>>) dst(%dma_wait3A_291 : memref<128x64xf32, #tpu.memory_space<hbm>>)
    %dma_wait3A_295 = arith.constant 896 : i32
    %dma_wait3A_296 = arith.constant 0 : i32
    %dma_wait3A_297 = tpu.memref_slice %arg6[%dma_wait3A_295, %dma_wait3A_296] : memref<1024x64xf32, #tpu.memory_space<vmem>> -> memref<128x64xf32, #tpu.memory_space<vmem>>
    %dma_wait3A_298 = arith.constant 0 : i32
    %dma_wait3A_299 = tpu.memref_slice %arg4[%add3A_214, %dma_wait3A_298] : memref<32768x64xf32, #tpu.memory_space<hbm>> -> memref<128x64xf32, #tpu.memory_space<hbm>>
    %dma_wait3A_300 = arith.constant 0 : i32
    %dma_wait3A_301 = tpu.memref_slice %arg4[%add3A_214, %dma_wait3A_300] : memref<32768x64xf32, #tpu.memory_space<hbm>> -> memref<128x64xf32, #tpu.memory_space<hbm>>
    %dma_wait3A_302 = arith.constant 896 : i32
    %dma_wait3A_303 = arith.constant 0 : i32
    %dma_wait3A_304 = tpu.memref_slice %arg6[%dma_wait3A_302, %dma_wait3A_303] : memref<1024x64xf32, #tpu.memory_space<vmem>> -> memref<128x64xf32, #tpu.memory_space<vmem>>
    tpu.wait_dma2 semaphore(%arg8 : memref<!tpu.dma_semaphore, #tpu.memory_space<semaphore_mem>>) src(%dma_wait3A_304 : memref<128x64xf32, #tpu.memory_space<vmem>>) dst(%dma_wait3A_301 : memref<128x64xf32, #tpu.memory_space<hbm>>)
    return
  }
}

module attributes {stable_mosaic.version = 14 : i64} {
  func.func @_mlp_body(%arg0: memref<512x64xf32, #tpu.memory_space<vmem>>, %arg1: memref<512x4096xf32, #tpu.memory_space<vmem>>, %arg2: memref<512x1xi32, #tpu.memory_space<vmem>>, %arg3: memref<512x1xi32, #tpu.memory_space<vmem>>, %arg4: memref<4161x128xf32, #tpu.memory_space<vmem>>, %arg5: memref<1x128xf32, #tpu.memory_space<vmem>>, %arg6: memref<128x1xf32, #tpu.memory_space<vmem>>, %arg7: memref<1x1xf32, #tpu.memory_space<vmem>>, %arg8: memref<512x1xf32, #tpu.memory_space<vmem>>) attributes {dimension_semantics = [], scalar_prefetch = 0 : i64, scratch_operands = 0 : i64, tpu.core_type = #tpu.core_type<tc>} {
    %iota3A = tpu.iota {dimensions = array<i32: 1>} : vector<512x4096xi32>
    %shift_right_arithmetic3A = arith.constant 6 : i32
    %shift_right_arithmetic3A_0 = vector.broadcast %shift_right_arithmetic3A : i32 to vector<512x4096xi32>
    %shift_right_arithmetic3A_1 = arith.shrsi %iota3A, %shift_right_arithmetic3A_0 : vector<512x4096xi32>
    %get3A = arith.constant 0 : index
    %get3A_2 = arith.constant 0 : index
    %get3A_3 = vector.load %arg2[%get3A, %get3A_2] : memref<512x1xi32, #tpu.memory_space<vmem>>, vector<512x1xi32>
    %lt3A = vector.broadcast %get3A_3 : vector<512x1xi32> to vector<512x4096xi32>
    %lt3A_4 = arith.cmpi slt, %shift_right_arithmetic3A_1, %lt3A : vector<512x4096xi32>
    %convert_element_type3A = arith.extui %lt3A_4 : vector<512x4096xi1> to vector<512x4096xi32>
    %convert_element_type3A_5 = arith.sitofp %convert_element_type3A : vector<512x4096xi32> to vector<512x4096xf32>
    %get3A_6 = arith.constant 0 : index
    %get3A_7 = arith.constant 0 : index
    %get3A_8 = vector.load %arg1[%get3A_6, %get3A_7] : memref<512x4096xf32, #tpu.memory_space<vmem>>, vector<512x4096xf32>
    %mul3A = arith.mulf %get3A_8, %convert_element_type3A_5 : vector<512x4096xf32>
    %get3A_9 = arith.constant 0 : index
    %get3A_10 = arith.constant 0 : index
    %get3A_11 = vector.load %arg3[%get3A_9, %get3A_10] : memref<512x1xi32, #tpu.memory_space<vmem>>, vector<512x1xi32>
    %convert_element_type3A_12 = arith.sitofp %get3A_11 : vector<512x1xi32> to vector<512x1xf32>
    %log1p3A = math.log1p %convert_element_type3A_12 : vector<512x1xf32>
    %get3A_13 = arith.constant 0 : index
    %get3A_14 = arith.constant 0 : index
    %get3A_15 = vector.load %arg0[%get3A_13, %get3A_14] : memref<512x64xf32, #tpu.memory_space<vmem>>, vector<512x64xf32>
    %get3A_16 = arith.constant 0 : index
    %get3A_17 = arith.constant 0 : index
    %get3A_18 = vector.load %arg4[%get3A_16, %get3A_17] : memref<4161x128xf32, #tpu.memory_space<vmem>>, vector<64x128xf32>
    %dot_general3A = arith.constant dense<0.000000e+00> : vector<512x128xf32>
    %dot_general3A_19 = tpu.matmul %get3A_15, %get3A_18, %dot_general3A {dimension_numbers = #tpu.dot_dimension_numbers<[1], [0], [0], [1], [0, 0, 1, 1], [], []>, transpose_lhs_hint = false} : vector<512x64xf32>, vector<64x128xf32>, vector<512x128xf32> -> vector<512x128xf32>
    %get3A_20 = arith.constant 64 : index
    %get3A_21 = arith.constant 0 : index
    %get3A_22 = vector.load %arg4[%get3A_20, %get3A_21] : memref<4161x128xf32, #tpu.memory_space<vmem>>, vector<4096x128xf32>
    %dot_general3A_23 = arith.constant dense<0.000000e+00> : vector<512x128xf32>
    %dot_general3A_24 = tpu.matmul %mul3A, %get3A_22, %dot_general3A_23 {dimension_numbers = #tpu.dot_dimension_numbers<[1], [0], [0], [1], [0, 0, 1, 1], [], []>, transpose_lhs_hint = false} : vector<512x4096xf32>, vector<4096x128xf32>, vector<512x128xf32> -> vector<512x128xf32>
    %add3A = arith.addf %dot_general3A_19, %dot_general3A_24 : vector<512x128xf32>
    %get3A_25 = arith.constant 4160 : index
    %get3A_26 = arith.constant 0 : index
    %get3A_27 = vector.load %arg4[%get3A_25, %get3A_26] : memref<4161x128xf32, #tpu.memory_space<vmem>>, vector<1x128xf32>
    %mul3A_28 = vector.broadcast %log1p3A : vector<512x1xf32> to vector<512x128xf32>
    %mul3A_29 = vector.broadcast %get3A_27 : vector<1x128xf32> to vector<512x128xf32>
    %mul3A_30 = arith.mulf %mul3A_28, %mul3A_29 : vector<512x128xf32>
    %add3A_31 = arith.addf %add3A, %mul3A_30 : vector<512x128xf32>
    %get3A_32 = arith.constant 0 : index
    %get3A_33 = arith.constant 0 : index
    %get3A_34 = vector.load %arg5[%get3A_32, %get3A_33] : memref<1x128xf32, #tpu.memory_space<vmem>>, vector<1x128xf32>
    %add3A_35 = vector.broadcast %get3A_34 : vector<1x128xf32> to vector<512x128xf32>
    %add3A_36 = arith.addf %add3A_31, %add3A_35 : vector<512x128xf32>
    %mul3A_37 = arith.constant 5.000000e-01 : f32
    %mul3A_38 = vector.broadcast %mul3A_37 : f32 to vector<512x128xf32>
    %mul3A_39 = arith.mulf %mul3A_38, %add3A_36 : vector<512x128xf32>
    %mul3A_40 = arith.constant 0.707106769 : f32
    %mul3A_41 = vector.broadcast %mul3A_40 : f32 to vector<512x128xf32>
    %mul3A_42 = arith.mulf %add3A_36, %mul3A_41 : vector<512x128xf32>
    %erf3A = math.erf %mul3A_42 : vector<512x128xf32>
    %add3A_43 = arith.constant 1.000000e+00 : f32
    %add3A_44 = vector.broadcast %add3A_43 : f32 to vector<512x128xf32>
    %add3A_45 = arith.addf %add3A_44, %erf3A : vector<512x128xf32>
    %mul3A_46 = arith.mulf %mul3A_39, %add3A_45 : vector<512x128xf32>
    %get3A_47 = arith.constant 0 : index
    %get3A_48 = arith.constant 0 : index
    %get3A_49 = vector.load %arg6[%get3A_47, %get3A_48] : memref<128x1xf32, #tpu.memory_space<vmem>>, vector<128x1xf32>
    %dot_general3A_50 = arith.constant dense<0.000000e+00> : vector<512x1xf32>
    %dot_general3A_51 = tpu.matmul %mul3A_46, %get3A_49, %dot_general3A_50 {dimension_numbers = #tpu.dot_dimension_numbers<[1], [0], [0], [1], [0, 0, 1, 1], [], []>, transpose_lhs_hint = false} : vector<512x128xf32>, vector<128x1xf32>, vector<512x1xf32> -> vector<512x1xf32>
    %get3A_52 = arith.constant 0 : index
    %get3A_53 = arith.constant 0 : index
    %get3A_54 = vector.load %arg7[%get3A_52, %get3A_53] : memref<1x1xf32, #tpu.memory_space<vmem>>, vector<1x1xf32>
    %add3A_55 = vector.broadcast %get3A_54 : vector<1x1xf32> to vector<512x1xf32>
    %add3A_56 = arith.addf %dot_general3A_51, %add3A_55 : vector<512x1xf32>
    %swap3A = arith.constant 0 : index
    %swap3A_57 = arith.constant 0 : index
    %swap3A_58 = vector.load %arg8[%swap3A, %swap3A_57] : memref<512x1xf32, #tpu.memory_space<vmem>>, vector<512x1xf32>
    tpu.vector_store %arg8[%swap3A, %swap3A_57], %add3A_56 {strides = array<i32>} : memref<512x1xf32, #tpu.memory_space<vmem>>, vector<512x1xf32>,
    return
  }
}

</mosaic_0001>

<sc_bundles>
// kernel: kernel.5.cloned.1.call-start
scs
__scs_entry_jumppad:
0x0: {  	(pc) =	sbr.rel $0x88, $3  }
0x1: {  	(tag) =	ssettag $0x0;
	lr =	simm.s32 $0x1  }
0x2: {  	[smem:$0x3F98] =	sst lr;
	_ =	strace $0xD0000000  }
0x3: {  	_ = 	snop  }
0x4: {  	_ = 	snop  }
0x5: {  	_ = 	snop  }
0x6: {  	_ = 	snop  }
0x7: {  	_ = 	snop  }
__scs_overlays_trampoline_lowered:
0x8: {  	[smem:$0x3FA7] =	sst s0  }
0x9: {  	[smem:$0x3FA8] =	sst s1  }
0xa: {  	[smem:$0x3FA9] =	sst s2  }
0xb: {  	[smem:$0x3FAA] =	sst s3  }
0xc: {  	[smem:$0x3FAB] =	sst s4  }
0xd: {  	[smem:$0x3FAC] =	sst s5  }
0xe: {  	[smem:$0x3FAD] =	sst s6  }
0xf: {  	[smem:$0x3FAE] =	sst s7  }
0x10: {  	[smem:$0x3FAF] =	sst s8  }
0x11: {  	[smem:$0x3FB0] =	sst s9;
	s0 =	simm.s32 @!p0 $0x0  }
0x12: {  	s1 =	sld [smem:$0x3F96];
	s0 =	simm.s32 @p0 $0x1  }
0x13: {  	[smem:$0x3FB1] =	sst s0;
	s0 =	simm.s32 @!p1 $0x0  }
0x14: {  	s2 =	sld [smem:$0x3F95];
	s0 =	simm.s32 @p1 $0x1  }
0x15: {  	[smem:$0x3FB2] =	sst s0;
	s0 =	simm.s32 @!p2 $0x0  }
0x16: {  	s3 =	sld [smem:$0x3FDB];
	s0 =	simm.s32 @p2 $0x1  }
0x17: {  	s4 =	simm.s32 $0x1BF5;
	[smem:$0x3FB4] =	sst s0  }
0x18: {  	s0 =	sld [smem:$0x3F97];
	_ =	swait.ge [sflag:s4], $0x0  }
0x19: {  	s7 =	sld [smem:$0x3F98]  }
0x1a: {  	s8 =	sadd.s32 $0xFFFFE003, lr  }
0x1b: {  	s9 =	sadd.s32 $0xFFFFFEF7, lr;
	s5 =	simm.s32 $0xFFFFFFFF;
	p2 =	slt.u32 s8, $0xFFFFF086  }
0x1c: {  	p1 =	slt.u32 s9, $0xF7A;
	s5 =	simm.s32 @!p2 $0x0  }
0x1d: {  	s5 =	simm.s32 @p1 $0x1;
	p0 =	seq.s32 s7, s2  }
0x1e: {  	s7 =	smul.u32 @!p0 $0xF7A, s2;
	p2 =	seq.s32 @!p0 s5, $0x0  }
0x1f: {  	s9 =	smul.u32 $0xF7A, s1;
	s8 =	simm.s32 @!p0 $0x1BF5;
	p2 =	por !p2, p0  }
0x20: {  	[sflag:s8] =	ssyncset.s32 @!p0 $0xFFFFF086;
	s6 =	sadd.s32 @!p0 s3, s7;
	s7 =	simm.s32 @!p0 $0x108  }
0x21: {  	s3 =	sadd.s32 s3, s9;
	s6 =	sadd.s32 @!p0 $0x88, s6;
	s7 =	simm.s32 @p2 $0x1082  }
0x22: {  	[simem:s7], [sflag:s8] =	dma.local @!p0 [hbm:s6], $0xF7A  }
0x23: {  	s9 =	sor.u32 $0xD0000000, s2;
	s6 =	simm.s32 $0x108;
	_ =	swait.ge @!p0 [sflag:s8], $0x0  }
0x24: {  	s3 =	sadd.s32 $0x88, s3;
	s6 =	simm.s32 @!p1 $0x1082;
	[sflag:s4] =	ssyncset.s32 $0xFFFFF086  }
0x25: {  	[simem:s6], [sflag:s4] =	dma.local [hbm:s3], $0xF7A  }
0x26: {  	[smem:$0x3F98] =	sst s1;
	(tag) =	ssettag s2;
	_ =	strace s9  }
0x27: {  	s1 =	sld [smem:$0x3FA8]  }
0x28: {  	s2 =	sld [smem:$0x3FA9]  }
0x29: {  	s4 =	sld [smem:$0x3FAB]  }
0x2a: {  	p0 =	seq.s32 s5, $0x0;
	s5 =	sld [smem:$0x3FAC]  }
0x2b: {  	s6 =	sld [smem:$0x3FAD]  }
0x2c: {  	s7 =	sld [smem:$0x3FAE]  }
0x2d: {  	s3 =	simm.s32 $0x108;
	s8 =	sld [smem:$0x3FAF]  }
0x2e: {  	s3 =	simm.s32 @!p0 $0x1082;
	s9 =	sld [smem:$0x3FB0]  }
0x2f: {  	lr =	sadd.s32 s0, s3;
	s0 =	sld [smem:$0x3FA7]  }
0x30: {  	s3 =	sld [smem:$0x3FAA]  }
0x31: {  	[smem:$0x3FB3] =	sst s10  }
0x32: {  	s10 =	sld [smem:$0x3FB1];
	_ =	sdelay $0x3  }
0x33: {  	p0 =	seq.s32 s10, $0x1;
	s10 =	sld [smem:$0x3FB3];
	_ =	sdelay $0x3  }
0x34: {  	[smem:$0x3FB3] =	sst s10  }
0x35: {  	s10 =	sld [smem:$0x3FB2];
	_ =	sdelay $0x3  }
0x36: {  	p1 =	seq.s32 s10, $0x1;
	s10 =	sld [smem:$0x3FB3];
	_ =	sdelay $0x3  }
0x37: {  	[smem:$0x3FB3] =	sst s10  }
0x38: {  	s10 =	sld [smem:$0x3FB4]  }
0x39: {  	_ = 	snop;
	(pc) =	sbr.ind lr, $3  }
0x3a: {  	_ = 	snop  }
0x3b: {  	_ = 	snop  }
0x3c: {  	p2 =	seq.s32 s10, $0x1;
	s10 =	sld [smem:$0x3FB3]  }
0x3d: {  	_ =	shalt  }
0x3e: {  	_ =	shalt  }
0x3f: {  	_ =	shalt  }
0x40: {  	_ =	shalt  }
0x41: {  	_ =	shalt  }
0x42: {  	_ =	shalt  }
0x43: {  	_ =	shalt  }
0x44: {  	_ =	shalt  }
0x45: {  	_ =	shalt  }
0x46: {  	_ =	shalt  }
0x47: {  	_ =	shalt  }
0x48: {  	_ =	shalt  }
0x49: {  	_ =	shalt  }
0x4a: {  	_ =	shalt  }
0x4b: {  	_ =	shalt  }
0x4c: {  	_ =	shalt  }
0x4d: {  	_ =	shalt  }
0x4e: {  	_ =	shalt  }
0x4f: {  	_ =	shalt  }
0x50: {  	_ =	shalt  }
0x51: {  	_ =	shalt  }
0x52: {  	_ =	shalt  }
0x53: {  	_ =	shalt  }
0x54: {  	_ =	shalt  }
0x55: {  	_ =	shalt  }
0x56: {  	_ =	shalt  }
0x57: {  	_ =	shalt  }
0x58: {  	_ =	shalt  }
0x59: {  	_ =	shalt  }
0x5a: {  	_ =	shalt  }
0x5b: {  	_ =	shalt  }
0x5c: {  	_ =	shalt  }
0x5d: {  	_ =	shalt  }
0x5e: {  	_ =	shalt  }
0x5f: {  	_ =	shalt  }
0x60: {  	_ =	shalt  }
0x61: {  	_ =	shalt  }
0x62: {  	_ =	shalt  }
0x63: {  	_ =	shalt  }
0x64: {  	_ =	shalt  }
0x65: {  	_ =	shalt  }
0x66: {  	_ =	shalt  }
0x67: {  	_ =	shalt  }
0x68: {  	_ =	shalt  }
0x69: {  	_ =	shalt  }
0x6a: {  	_ =	shalt  }
0x6b: {  	_ =	shalt  }
0x6c: {  	_ =	shalt  }
0x6d: {  	_ =	shalt  }
0x6e: {  	_ =	shalt  }
0x6f: {  	_ =	shalt  }
0x70: {  	_ =	shalt  }
0x71: {  	_ =	shalt  }
0x72: {  	_ =	shalt  }
0x73: {  	_ =	shalt  }
0x74: {  	_ =	shalt  }
0x75: {  	_ =	shalt  }
0x76: {  	_ =	shalt  }
0x77: {  	_ =	shalt  }
0x78: {  	_ =	shalt  }
0x79: {  	_ =	shalt  }
0x7a: {  	_ =	shalt  }
0x7b: {  	_ =	shalt  }
0x7c: {  	_ =	shalt  }
0x7d: {  	_ =	shalt  }
0x7e: {  	_ =	shalt  }
0x7f: {  	_ =	shalt  }
0x80: {  	_ =	shalt  }
0x81: {  	_ =	shalt  }
0x82: {  	_ =	shalt  }
0x83: {  	_ =	shalt  }
0x84: {  	_ =	shalt  }
0x85: {  	_ =	shalt  }
0x86: {  	_ =	shalt  }
0x87: {  	_ =	shalt  }
.Lfunc_end0:
.L_simem_size_0:
called_computation_lowered:
.L_overlay_start_0:
0x88: {  	s2 =	sld [smem:$0x3FD9]  }
0x89: {  	s3 =	sld [smem:$0x3FFE];
	_ =	sdelay $0x1  }
0x8a: {  	s1 =	srdreg.scid  }
0x8b: {  	s0 =	sand.u32 $0x1, s1  }
0x8c: {  	s17 =	sshll.u32 s0, $0xA;
	s2 =	sadd.s32 s3, s2  }
0x8d: {  	s2 =	sadd.s32 s2, s17  }
0x8e: {  	[smem:$0x3FBF] =	sst s2  }
0x8f: {  	_ = 	snop  }
0x90: {  	s2 =	sld [smem:$0x3FC7]  }
0x91: {  	s18 =	sld [smem:$0x3FD0];
	(tm) =	ssettm $0x1  }
0x92: {  	s4 =	sld [smem:$0x3FFB];
	_ =	sdelay $0x3  }
0x93: {  	_ =	strace s4  }
0x94: {  	s4 =	sld [smem:$0x3FFC];
	_ =	sdelay $0x3  }
0x95: {  	_ =	strace s4  }
0x96: {  	s4 =	sld [smem:$0x3FFD];
	_ =	sdelay $0x3  }
0x97: {  	_ =	strace s4  }
0x98: {  	_ =	strace $0x8FFFFFFF  }
0x99: {  	s19 =	sld [smem:$0x3FDB];
	_ =	sdelay $0x1  }
0x9a: {  	s5 =	simm.s32 $_scs_section_size  }
0x9b: {  	s6 =	simm.s32 $_size__tile_overlayer_lowered;
	s7 =	simm.s32 $_tile_overlayer_lowered  }
0x9c: {  	s22 =	simm.s32 $0x1BFF;
	s21 =	sshll.u32 s7, $0x1;
	s4 =	sadd.s32 s5, s19  }
0x9d: {  	s8 =	simm.s32 $0x0;
	s20 =	sshll.u32 s6, $0x1;
	s6 =	sadd.s32 s21, s4  }
0x9e: {  	[timem:s8], [sflag:s22] =	dma.local [hbm:s6], s20  }
0x9f: {  	_ =	swait.ge [sflag:s22], s20  }
0xa0: {  	s5 =	ssub.s32 $0x0, s20;
	[sflag:s22] =	ssyncset.done $0x0  }
0xa1: {  	[sflag:s22] =	ssyncadd.s32 s5;
	_ =	sdelay $0x1  }
0xa2: {  	s23 =	simm.s32 $0x1B8B  }
0xa3: {  	_ =	swait.ge [sflag:s23], $0x1  }
0xa4: {  	[sflag:s23] =	ssyncset.done $0x0  }
0xa5: {  	s25 =	simm.s32 $0x1B8E;
	s24 =	sld [smem:$0x3FFE];
	[sflag:s23] =	ssyncadd.s32 $0xFFFFFFFF  }
0xa6: {  	s26 =	simm.s32 $execute0_lowered;
	[smem:$0x3FD2] =	sst s25  }
0xa7: {  	s6 =	sshll.u32 s26, $0x1;
	_ =	strace $0x80000046;
	[dreg:$0x1] =	wrdreg $0xFFFFFFFF  }
0xa8: {  	s28 =	simm.s32 $_size_execute0_lowered;
	s4 =	sadd.s32 s4, s6;
	[dreg:$0x0] =	wrdreg $0x0  }
0xa9: {  	s6 =	sshll.u32 s28, $0x1;
	[dreg:$0x2] =	wrdreg s4  }
0xaa: {  	[dreg:$0x3] =	wrdreg s6  }
0xab: {  	[dreg:$0x4] =	wrdreg $0xC0  }
0xac: {  	_ =	task [dreg:s8], $0x5FFFF  }
0xad: {  	[dreg:$0x1] =	wrdreg $0xFFFFFFFF  }
0xae: {  	[dreg:$0x0] =	wrdreg $0x60  }
0xaf: {  	[dreg:$0x2] =	wrdreg s24  }
0xb0: {  	[dreg:$0x3] =	wrdreg s2  }
0xb1: {  	[dreg:$0x4] =	wrdreg s18  }
0xb2: {  	[dreg:$0x5] =	wrdreg $0x9  }
0xb3: {  	_ =	task.clear_ibuf [dreg:s8], $0x6FFFF;
	_ =	strace $0x90000046  }
0xb4: {  	s29 =	simm.s32 $0x9;
	_ =	strace $0x80000048  }
0xb5: {  	_ =	swait.ge [sflag:s29], $0x1  }
0xb6: {  	[sflag:s29] =	ssyncadd.s32 $0xFFFFFFFF  }
0xb7: {  	_ =	strace $0x90000048  }
0xb8: {  	_ =	sfence  }
0xb9: {  	s30 =	sld [smem:$0x0];
	_ =	sdelay $0x2  }
0xba: {  	s31 =	sshll.u32 s1, $0xD;
	s1 =	sshrl.u32 s1, $0x2  }
0xbb: {  	s3 =	sand.u32 $0x4000, s31;
	s1 =	sadd.s32 s1, s30  }
0xbc: {  	s0 =	sor.u32 s3, s0;
	s1 =	sshll.u32 s1, $0x11  }
0xbd: {  	s0 =	sor.u32 s1, s0  }
0xbe: {  	s0 =	sadd.s32 $0x8F2B, s0  }
0xbf: {  	[sflag:s0] =	ssyncadd.remote.s32 $0x1  }
0xc0: {  	_ =	sfence.sel $0xFFFF  }
0xc1: {  	[dreg:$0x0] =	wrdreg $0xFFFFFFFF;
	(pc) =	sbr.abs _section_cstart, $3  }
0xc2: {  	[dreg:$0x1] =	wrdreg $0xFFFFFFFF  }
0xc3: {  	_ =	task.clear_ibuf [dreg:s8], $0x2FFFF;
	_ =	strace $0x9FFFFFFF  }
0xc4: {  	(tm) =	ssettm $0x7FFFFFFF  }
0xc5: {  	_ =	shalt  }
tec
execute0_lowered:
.L_overlay_start_1:
0x0: {  	(tag) =	ssettag $0x1  }
0x1: {  	s1 =	srdreg.scid;
	s0 =	stileid.u32  }
0x2: {  	s4 =	sand.u32 $0x1, s1;
	s16 =	sshll.u32 s0, $0x1  }
0x3: {  	s3 =	sor.u32 s4, s16  }
0x4: {  	s1 =	rddreg [dreg:$0x3];
	s5 =	sshll.u32 s3, $0xA  }
0x5: {  	s4 =	ssub.s32 $0x2, s4;
	s17 =	sor.u32 $0x10, s5;
	s18 =	sor.u32 $0x20, s5  }
0x6: {  	s2 =	sor.u32 $0x30, s5;
	s6 =	sor.u32 $0x40, s5;
	s19 =	sor.u32 $0x50, s5  }
0x7: {  	s20 =	sor.u32 $0x60, s5;
	s21 =	sor.u32 $0x70, s5;
	s22 =	sor.u32 $0x80, s5  }
0x8: {  	v0 =	vlaneseq.u32;
	s23 =	sor.u32 $0x90, s5;
	s24 =	sor.u32 $0xA0, s5;
	s25 =	sor.u32 $0xB0, s5  }
0x9: {  	vm0 =	vmmov $0x1;
	vm5 =	vcmask $0x1318;
	vm6 =	vcmask $0x171C;
	s26 =	sor.u32 $0xC0, s5;
	s28 =	sor.u32 $0xD0, s5;
	s29 =	sor.u32 $0xE0, s5  }
0xa: {  	vm7 =	vcmask $0x1B20;
	vm8 =	vcmask $0x1F24;
	vm9 =	vcmask $0x2328;
	s30 =	sor.u32 $0xF0, s5;
	s31 =	sor.u32 $0x100, s5;
	s7 =	sor.u32 $0x110, s5  }
0xb: {  	vm10 =	vcmask $0x272C;
	vm11 =	vcmask $0x2B30;
	v1 =	vor.u32 s5, v0;
	s8 =	sor.u32 $0x120, s5;
	s9 =	sor.u32 $0x130, s5;
	s10 =	sor.u32 $0x140, s5  }
0xc: {  	vm12 =	vcmask $0x2F34;
	vm13 =	vcmask $0x3338;
	s11 =	sor.u32 $0x150, s5;
	s12 =	sor.u32 $0x160, s5;
	s13 =	sor.u32 $0x170, s5;
	[tilespmem:$0x1FF40] =	vst v1;
	v1 =	vor.u32 s17, v0  }
0xd: {  	s14 =	sor.u32 $0x180, s5;
	s15 =	sor.u32 $0x190, s5;
	s16 =	sor.u32 $0x1A0, s5;
	v13 =	vor.u32 s26, v0;
	v14 =	vor.u32 s28, v0;
	v15 =	vor.u32 s29, v0  }
0xe: {  	v16 =	vor.u32 s30, v0;
	v17 =	vor.u32 s31, v0;
	v18 =	vor.u32 s7, v0;
	s17 =	sor.u32 $0x1B0, s5;
	s26 =	sor.u32 $0x240, s5;
	s28 =	sor.u32 $0x250, s5  }
0xf: {  	v19 =	vor.u32 s8, v0;
	v20 =	vor.u32 s9, v0;
	v21 =	vor.u32 s10, v0;
	s29 =	sor.u32 $0x260, s5;
	s30 =	sor.u32 $0x270, s5;
	s31 =	sor.u32 $0x280, s5  }
0x10: {  	v22 =	vor.u32 s11, v0;
	v23 =	vor.u32 s12, v0;
	v24 =	vor.u32 s13, v0;
	s7 =	sor.u32 $0x2A0, s5;
	s8 =	sor.u32 $0x2B0, s5;
	s9 =	sor.u32 $0x2C0, s5  }
0x11: {  	v25 =	vor.u32 s14, v0;
	v26 =	vor.u32 s15, v0;
	v27 =	vor.u32 s16, v0;
	s10 =	sor.u32 $0x2D0, s5;
	s11 =	sor.u32 $0x2E0, s5;
	s12 =	sor.u32 $0x2F0, s5  }
0x12: {  	s13 =	sor.u32 $0x300, s5;
	s14 =	sor.u32 $0x310, s5;
	s15 =	sor.u32 $0x320, s5;
	[tilespmem:$0x1FF50] =	vst v1;
	v1 =	vor.u32 s18, v0;
	v28 =	vor.u32 s17, v0;
	v37 =	vor.u32 s26, v0  }
0x13: {  	s16 =	sor.u32 $0x330, s5;
	s18 =	sor.u32 $0x1C0, s5;
	v38 =	vor.u32 s28, v0;
	v39 =	vor.u32 s29, v0;
	v43 =	vor.u32 s7, v0;
	s7 =	rddreg [dreg:$0x0]  }
0x14: {  	v40 =	vor.u32 s30, v0;
	v41 =	vor.u32 s31, v0;
	s17 =	sor.u32 $0x340, s5;
	s26 =	sor.u32 $0x3D0, s5;
	s29 =	rddreg [dreg:$0x1];
	[tilespmem:$0x1FF60] =	vst v1;
	v1 =	vor.u32 s2, v0  }
0x15: {  	v44 =	vor.u32 s8, v0;
	v45 =	vor.u32 s9, v0;
	s28 =	sor.u32 $0x3E0, s5;
	s8 =	rddreg [dreg:$0x2];
	s9 =	sor.u32 $0x3F0, s5;
	[tilespmem:$0x1FF70] =	vst v1;
	v1 =	vor.u32 s6, v0  }
0x16: {  	v46 =	vor.u32 s10, v0;
	v47 =	vor.u32 s11, v0;
	s10 =	sshll.u32 s3, $0x7;
	s30 =	sshrl.u32 s4, $0x1;
	s31 =	sshll.u32 s3, $0x1;
	[tilespmem:$0x1FF80] =	vst v1;
	v1 =	vor.u32 s19, v0  }
0x17: {  	v48 =	vor.u32 s12, v0;
	v49 =	vor.u32 s13, v0;
	s11 =	simm.s32 $0x2000;
	s12 =	simm.s32 $0x2410;
	s13 =	simm.s32 $0x0;
	[tilespmem:$0x1FF90] =	vst v1;
	v1 =	vor.u32 s20, v0  }
0x18: {  	vm14 =	vcmask $0x373C;
	v29 =	vor.u32 s18, v0;
	s18 =	sor.u32 $0x350, s5;
	s2 =	simm.s32 $0x0;
	s6 =	sor.u32 $0x290, s5;
	[tilespmem:$0x1FFA0] =	vst v1;
	v1 =	vor.u32 s21, v0  }
0x19: {  	v50 =	vor.u32 s14, v0;
	v51 =	vor.u32 s15, v0;
	[smem:$0x7FF] =	sst s2;
	s19 =	sor.u32 $0x1D0, s5;
	s20 =	sor.u32 $0x1E0, s5;
	[tilespmem:$0x1FFB0] =	vst v1;
	v1 =	vor.u32 s22, v0  }
0x1a: {  	v30 =	vor.u32 s19, v0;
	s19 =	sor.u32 $0x360, s5;
	s21 =	sor.u32 $0x1F0, s5;
	v31 =	vor.u32 s20, v0;
	s20 =	sor.u32 $0x370, s5;
	[tilespmem:$0x1FFC0] =	vst v1;
	v1 =	vor.u32 s23, v0  }
0x1b: {  	v52 =	vor.u32 s16, v0;
	v32 =	vor.u32 s21, v0;
	s22 =	sor.u32 $0x200, s5;
	s21 =	sor.u32 $0x380, s5;
	s23 =	sor.u32 $0x210, s5;
	[tilespmem:$0x1FFD0] =	vst v1;
	v1 =	vor.u32 s24, v0  }
0x1c: {  	v53 =	vor.u32 s17, v0;
	v33 =	vor.u32 s22, v0;
	s22 =	sor.u32 $0x390, s5;
	s24 =	sor.u32 $0x220, s5;
	[tilespmem:$0x1FFE0] =	vst v1;
	v1 =	vor.u32 s25, v0;
	s25 =	sor.u32 $0x230, s5  }
0x1d: {  	v34 =	vor.u32 s23, v0;
	s23 =	sor.u32 $0x3A0, s5;
	v35 =	vor.u32 s24, v0;
	s24 =	sor.u32 $0x3B0, s5;
	v36 =	vor.u32 s25, v0;
	s25 =	sor.u32 $0x3C0, s5  }
0x1e: {  	v62 =	vor.u32 s26, v0;
	v63 =	vor.u32 s28, v0;
	[tilespmem:$0x1FFF0] =	vst v1;
	s5 =	sadd.s32 s5, s7;
	v1 =	vor.u32 s9, v0;
	s7 =	sadd.s32 s10, s7;
	s9 =	ssub.s32 s4, s30  }
0x1f: {  	v54 =	vor.u32 s18, v0;
	v42 =	vor.u32 s6, v0;
	v55 =	vor.u32 s19, v0;
	s4 =	sadd.s32 s29, s31;
	s10 =	simm.s32 $0x1;
	_ =	strace $0x80000047  }
0x20: {  	v56 =	vor.u32 s20, v0;
	v57 =	vor.u32 s21, v0;
	v58 =	vor.u32 s22, v0;
	s3 =	sadd.s32 $0x1C00, s5;
	s5 =	sadd.s32 s8, s31;
	s6 =	sadd.s32 $0x9C00, s7  }
0x21: {  	v59 =	vor.u32 s23, v0;
	v60 =	vor.u32 s24, v0;
	v61 =	vor.u32 s25, v0;
	s7 =	smax.u32 s9, $0x1;
	s8 =	simm.s32 $0x2400;
	s9 =	simm.s32 $0x2  }
.LBB2_1:
0x22: {  	[tilespmem:s2], [sflag:$0x1] =	stream.linear.gather [hbm4b:s3+s2], $0x2000, $0x38;
	[tilespmem:$0x2420] =	vst v63  }
0x23: {  	_ = 	snop  }
0x24: {  	[tilespmem:s8], [sflag:$0x2] =	stream.linear.gather [hbm4b:s4+s2], $0x10, $0x38;
	[tilespmem:$0x2420] =	vst v63  }
0x25: {  	_ =	swait.ge [sflag:s9], $0x10  }
0x26: {  	[sflag:s9] =	ssyncset.done $0x0  }
0x27: {  	[sflag:s9] =	ssyncadd.s32 $0xFFFFFFF0  }
0x28: {  	[tilespmem:$0x20C0] =	vst v13  }
0x29: {  	[tilespmem:$0x20D0] =	vst v14  }
0x2a: {  	[tilespmem:$0x20E0] =	vst v15  }
0x2b: {  	v2 =	vld [tilespmem:$0x1FF40];
	[tilespmem:$0x20F0] =	vst v16  }
0x2c: {  	[tilespmem:$0x2100] =	vst v17  }
0x2d: {  	[tilespmem:$0x2110] =	vst v18  }
0x2e: {  	[tilespmem:$0x2120] =	vst v19  }
0x2f: {  	[tilespmem:$0x2130] =	vst v20  }
0x30: {  	[tilespmem:$0x2000] =	vst v2;
	v2 =	vld [tilespmem:$0x1FF50]  }
0x31: {  	[tilespmem:$0x2140] =	vst v21  }
0x32: {  	[tilespmem:$0x2150] =	vst v22  }
0x33: {  	[tilespmem:$0x2160] =	vst v23  }
0x34: {  	[tilespmem:$0x2170] =	vst v24  }
0x35: {  	[tilespmem:$0x2010] =	vst v2;
	v2 =	vld [tilespmem:$0x1FF60]  }
0x36: {  	[tilespmem:$0x2180] =	vst v25  }
0x37: {  	[tilespmem:$0x2190] =	vst v26  }
0x38: {  	[tilespmem:$0x21A0] =	vst v27  }
0x39: {  	[tilespmem:$0x21B0] =	vst v28  }
0x3a: {  	[tilespmem:$0x2020] =	vst v2;
	v2 =	vld [tilespmem:$0x1FF70]  }
0x3b: {  	[tilespmem:$0x21C0] =	vst v29  }
0x3c: {  	[tilespmem:$0x21D0] =	vst v30  }
0x3d: {  	[tilespmem:$0x21E0] =	vst v31  }
0x3e: {  	[tilespmem:$0x21F0] =	vst v32  }
0x3f: {  	[tilespmem:$0x2030] =	vst v2;
	v2 =	vld [tilespmem:$0x1FF80]  }
0x40: {  	[tilespmem:$0x2200] =	vst v33  }
0x41: {  	[tilespmem:$0x2210] =	vst v34  }
0x42: {  	[tilespmem:$0x2220] =	vst v35  }
0x43: {  	[tilespmem:$0x2230] =	vst v36  }
0x44: {  	[tilespmem:$0x2040] =	vst v2;
	v2 =	vld [tilespmem:$0x1FF90]  }
0x45: {  	[tilespmem:$0x2240] =	vst v37  }
0x46: {  	[tilespmem:$0x2250] =	vst v38  }
0x47: {  	[tilespmem:$0x2260] =	vst v39  }
0x48: {  	[tilespmem:$0x2270] =	vst v40  }
0x49: {  	[tilespmem:$0x2050] =	vst v2;
	v2 =	vld [tilespmem:$0x1FFA0]  }
0x4a: {  	[tilespmem:$0x2280] =	vst v41  }
0x4b: {  	[tilespmem:$0x2290] =	vst v42  }
0x4c: {  	[tilespmem:$0x22A0] =	vst v43  }
0x4d: {  	[tilespmem:$0x22B0] =	vst v44  }
0x4e: {  	[tilespmem:$0x2060] =	vst v2;
	v2 =	vld [tilespmem:$0x1FFB0]  }
0x4f: {  	[tilespmem:$0x22C0] =	vst v45  }
0x50: {  	[tilespmem:$0x22D0] =	vst v46  }
0x51: {  	[tilespmem:$0x22E0] =	vst v47  }
0x52: {  	[tilespmem:$0x22F0] =	vst v48  }
0x53: {  	[tilespmem:$0x2070] =	vst v2;
	v2 =	vld [tilespmem:$0x1FFC0]  }
0x54: {  	[tilespmem:$0x2300] =	vst v49  }
0x55: {  	[tilespmem:$0x2310] =	vst v50  }
0x56: {  	[tilespmem:$0x2320] =	vst v51  }
0x57: {  	[tilespmem:$0x2330] =	vst v52  }
0x58: {  	[tilespmem:$0x2080] =	vst v2;
	v2 =	vld [tilespmem:$0x1FFD0]  }
0x59: {  	[tilespmem:$0x2340] =	vst v53  }
0x5a: {  	[tilespmem:$0x2350] =	vst v54  }
0x5b: {  	[tilespmem:$0x2360] =	vst v55  }
0x5c: {  	[tilespmem:$0x2370] =	vst v56  }
0x5d: {  	[tilespmem:$0x2090] =	vst v2;
	v2 =	vld [tilespmem:$0x1FFE0]  }
0x5e: {  	[tilespmem:$0x2380] =	vst v57  }
0x5f: {  	[tilespmem:$0x2390] =	vst v58  }
0x60: {  	[tilespmem:$0x23A0] =	vst v59  }
0x61: {  	[tilespmem:$0x23B0] =	vst v60  }
0x62: {  	[tilespmem:$0x20A0] =	vst v2;
	v2 =	vld [tilespmem:$0x1FFF0]  }
0x63: {  	[tilespmem:$0x23C0] =	vst v61  }
0x64: {  	[tilespmem:$0x23D0] =	vst v62  }
0x65: {  	[tilespmem:$0x23E0] =	vst v63  }
0x66: {  	[tilespmem:$0x23F0] =	vst v1  }
0x67: {  	[tilespmem:$0x20B0] =	vst v2  }
0x68: {  	_ =	swait.ge [sflag:s10], $0x2000  }
0x69: {  	[sflag:s10] =	ssyncset.done $0x0  }
0x6a: {  	[sflag:s10] =	ssyncadd.s32 $0xFFFFE000  }
0x6b: {  	v2 =	vld [tilespmem:$0x2400];
	_ =	sdelay $0x4  }
0x6c: {  	v2 =	vnsel vm0, $0x0, v2  }
0x6d: {  	(xrf0) =	vadd.scan.msk.s32 $0xffff, v2;
	_ =	sdelay $0x5  }
0x6e: {  	v2, _, _ =	vpop (xrf0)  }
0x6f: {  	(v2sf) =	vpush v2, $0xF;
	_ =	sdelay $0xe  }
0x70: {  	s16 =	simm.s32 $0x0;
	s14 =	spop (v2sf)  }
0x71: {  	s17 =	simm.s32 $0x0;
	s15 =	sshll.u32 s14, $0xB;
	s14 =	simm.s32 $0x0  }
.LBB2_2:
0x72: {  	v2 =	vld [tilespmem:s16+$0x0];
	_ =	sdelay $0x4  }
0x73: {  	v3 =	vshrl.u32 v2, $0x8  }
0x74: {  	v4 =	vand.u32 $0x1, v2;
	v5 =	vshrl.u32 v2, $0x10;
	v3 =	vand.u32 $0x1, v3  }
0x75: {  	v2 =	vshrl.u32 v2, $0x18;
	v5 =	vand.u32 $0x1, v5;
	v6 =	vadd.s32 v4, v3  }
0x76: {  	v2 =	vand.u32 $0x1, v2;
	v6 =	vadd.s32 v5, v6  }
0x77: {  	v6 =	vadd.s32 v2, v6  }
0x78: {  	(xrf0) =	vadd.scan.msk.s32 $0xffff, v6;
	_ =	sdelay $0x5  }
0x79: {  	v7, _, _ =	vpop (xrf0)  }
0x7a: {  	(v2sf) =	vpush v7, $0xF;
	_ =	sdelay $0x8  }
0x7b: {  	v8 =	vadd.s32 s14, v4  }
0x7c: {  	v6 =	vsub.s32 v8, v6  }
0x7d: {  	vm15 =	veq.s32 v4, $0x1;
	v6 =	vadd.s32 v7, v6  }
0x7e: {  	vm1 =	vlt.s32 v6, $0x41;
	v4 =	vadd.s32 v3, v6;
	v6 =	vadd.s32 $0xFFFFFFFF, v6  }
0x7f: {  	vm1 =	vmand vm1, vm15;
	vm15 =	veq.s32 v3, $0x1;
	vm2 =	vlt.s32 v4, $0x41  }
0x80: {  	v7 =	vadd.s32 $0xFFFFFFFF, v4;
	v3 =	vadd.s32 v5, v4;
	vm2 =	vmand vm2, vm15  }
0x81: {  	vm15 =	veq.s32 v5, $0x1;
	vm3 =	vlt.s32 v3, $0x41;
	v4 =	vadd.s32 v2, v3;
	s18 =	spop (v2sf)  }
0x82: {  	p0 =	sgt.u32 s17, $0x1E;
	vm3 =	vmand vm3, vm15;
	vm15 =	veq.s32 v2, $0x1;
	vm4 =	vlt.s32 v4, $0x41;
	s14 =	sadd.s32 s14, s18  }
0x83: {  	v8 =	vadd.s32 $0xFFFFFFFF, v3;
	v2 =	vmul.u32 $0x4, v0;
	vm4 =	vmand vm4, vm15;
	p1 =	slt.s32 @!p0 s14, $0x40  }
0x84: {  	v9 =	vadd.s32 $0xFFFFFFFF, v4;
	p0 =	por p0, !p1  }
.Ltmp0:
0x85: {  	v4 =	vor.u32 s15, v2;
	v3 =	vor.u32 $0x1, v2;
	(pc) =	sbr.rel @!p0 .LBB2_2-.Ltmp0, $4  }
0x86: {  	v5 =	vor.u32 s15, v3;
	[tilespmem:v6+s11+$0x0] =	vst.idx.msk vm1, v4;
	v4 =	vor.u32 $0x2, v2  }
0x87: {  	[tilespmem:v7+s11+$0x0] =	vst.idx.msk vm2, v5;
	v6 =	vor.u32 s15, v4;
	v5 =	vor.u32 $0x3, v2  }
0x88: {  	[tilespmem:v8+s11+$0x0] =	vst.idx.msk vm3, v6;
	v6 =	vor.u32 s15, v5  }
0x89: {  	s17 =	sadd.s32 $0x1, s17;
	s16 =	sadd.s32 $0x10, s16;
	s15 =	sadd.s32 $0x40, s15;
	[tilespmem:v9+s11+$0x0] =	vst.idx.msk vm4, v6  }
0x8a: {  	v7 =	vimm.s32 $0x0;
	_ =	sdelay $0x1  }
0x8b: {  	p0 =	slt.s32 s14, $0x40  }
0x8c: {  	s14 =	simm.s32 @!p0 $0x40  }
0x8d: {  	v6 =	vmov s14  }
0x8e: {  	[tilespmem:v7+s12+$0x0] =	vst.idx.msk $0x1, v6  }
0x8f: {  	v6 =	vld [tilespmem:$0x2400];
	_ =	sdelay $0x3  }
0x90: {  	vm1 =	vcmask $0x308  }
0x91: {  	v6 =	vsel vm1, $0x0, v6  }
0x92: {  	(xrf0) =	vadd.scan.msk.s32 $0xffff, v6;
	_ =	sdelay $0x5  }
0x93: {  	v6, _, _ =	vpop (xrf0)  }
0x94: {  	(v2sf) =	vpush v6, $0xF;
	_ =	sdelay $0xe  }
0x95: {  	s16 =	simm.s32 $0x200;
	s31 =	spop (v2sf)  }
0x96: {  	s17 =	simm.s32 $0x0;
	s14 =	simm.s32 $0x0;
	s15 =	sshll.u32 s31, $0xB  }
.LBB2_4:
0x97: {  	v6 =	vld [tilespmem:s16+$0x0];
	_ =	sdelay $0x4  }
0x98: {  	v7 =	vshrl.u32 v6, $0x8  }
0x99: {  	v8 =	vand.u32 $0x1, v6;
	v9 =	vshrl.u32 v6, $0x10;
	v7 =	vand.u32 $0x1, v7  }
0x9a: {  	v6 =	vshrl.u32 v6, $0x18;
	v9 =	vand.u32 $0x1, v9;
	v10 =	vadd.s32 v8, v7  }
0x9b: {  	v6 =	vand.u32 $0x1, v6;
	v10 =	vadd.s32 v9, v10  }
0x9c: {  	v10 =	vadd.s32 v6, v10  }
0x9d: {  	(xrf0) =	vadd.scan.msk.s32 $0xffff, v10;
	_ =	sdelay $0x5  }
0x9e: {  	v11, _, _ =	vpop (xrf0)  }
0x9f: {  	(v2sf) =	vpush v11, $0xF;
	_ =	sdelay $0x8  }
0xa0: {  	v12 =	vadd.s32 s14, v8  }
0xa1: {  	v10 =	vsub.s32 v12, v10  }
0xa2: {  	vm1 =	veq.s32 v8, $0x1;
	v10 =	vadd.s32 v11, v10  }
0xa3: {  	vm2 =	vlt.s32 v10, $0x41;
	v8 =	vadd.s32 v7, v10;
	v10 =	vadd.s32 $0x3F, v10  }
0xa4: {  	vm1 =	vmand vm2, vm1;
	vm2 =	veq.s32 v7, $0x1;
	vm3 =	vlt.s32 v8, $0x41  }
0xa5: {  	v7 =	vadd.s32 $0x3F, v8;
	v8 =	vadd.s32 v9, v8;
	vm2 =	vmand vm3, vm2  }
0xa6: {  	vm3 =	veq.s32 v9, $0x1;
	vm4 =	vlt.s32 v8, $0x41;
	v9 =	vadd.s32 v6, v8;
	s18 =	spop (v2sf)  }
0xa7: {  	p0 =	sgt.u32 s17, $0x1E;
	vm3 =	vmand vm4, vm3;
	vm4 =	veq.s32 v6, $0x1;
	vm15 =	vlt.s32 v9, $0x41;
	s14 =	sadd.s32 s14, s18  }
0xa8: {  	v6 =	vadd.s32 $0x3F, v8;
	vm4 =	vmand vm15, vm4;
	p1 =	slt.s32 @!p0 s14, $0x40  }
0xa9: {  	v8 =	vadd.s32 $0x3F, v9;
	p0 =	por p0, !p1  }
.Ltmp1:
0xaa: {  	v9 =	vor.u32 s15, v2;
	(pc) =	sbr.rel @!p0 .LBB2_4-.Ltmp1, $4  }
0xab: {  	[tilespmem:v10+s11+$0x0] =	vst.idx.msk vm1, v9;
	v9 =	vor.u32 s15, v3  }
0xac: {  	[tilespmem:v7+s11+$0x0] =	vst.idx.msk vm2, v9;
	v7 =	vor.u32 s15, v4  }
0xad: {  	[tilespmem:v6+s11+$0x0] =	vst.idx.msk vm3, v7;
	v6 =	vor.u32 s15, v5  }
0xae: {  	s17 =	sadd.s32 $0x1, s17;
	s16 =	sadd.s32 $0x10, s16;
	s15 =	sadd.s32 $0x40, s15;
	[tilespmem:v8+s11+$0x0] =	vst.idx.msk vm4, v6  }
0xaf: {  	v7 =	vimm.s32 $0x1;
	_ =	sdelay $0x1  }
0xb0: {  	p0 =	slt.s32 s14, $0x40  }
0xb1: {  	s14 =	simm.s32 @!p0 $0x40  }
0xb2: {  	v6 =	vmov s14  }
0xb3: {  	[tilespmem:v7+s12+$0x0] =	vst.idx.msk $0x1, v6  }
0xb4: {  	v6 =	vld [tilespmem:$0x2400];
	_ =	sdelay $0x3  }
0xb5: {  	vm1 =	vcmask $0x70C  }
0xb6: {  	v6 =	vsel vm1, $0x0, v6  }
0xb7: {  	(xrf0) =	vadd.scan.msk.s32 $0xffff, v6;
	_ =	sdelay $0x5  }
0xb8: {  	v6, _, _ =	vpop (xrf0)  }
0xb9: {  	(v2sf) =	vpush v6, $0xF;
	_ =	sdelay $0xe  }
0xba: {  	s16 =	simm.s32 $0x400;
	s31 =	spop (v2sf)  }
0xbb: {  	s17 =	simm.s32 $0x0;
	s14 =	simm.s32 $0x0;
	s15 =	sshll.u32 s31, $0xB  }
.LBB2_6:
0xbc: {  	v6 =	vld [tilespmem:s16+$0x0];
	_ =	sdelay $0x4  }
0xbd: {  	v7 =	vshrl.u32 v6, $0x8  }
0xbe: {  	v8 =	vand.u32 $0x1, v6;
	v9 =	vshrl.u32 v6, $0x10;
	v7 =	vand.u32 $0x1, v7  }
0xbf: {  	v6 =	vshrl.u32 v6, $0x18;
	v9 =	vand.u32 $0x1, v9;
	v10 =	vadd.s32 v8, v7  }
0xc0: {  	v6 =	vand.u32 $0x1, v6;
	v10 =	vadd.s32 v9, v10  }
0xc1: {  	v10 =	vadd.s32 v6, v10  }
0xc2: {  	(xrf0) =	vadd.scan.msk.s32 $0xffff, v10;
	_ =	sdelay $0x5  }
0xc3: {  	v11, _, _ =	vpop (xrf0)  }
0xc4: {  	(v2sf) =	vpush v11, $0xF;
	_ =	sdelay $0x8  }
0xc5: {  	v12 =	vadd.s32 s14, v8  }
0xc6: {  	v10 =	vsub.s32 v12, v10  }
0xc7: {  	vm1 =	veq.s32 v8, $0x1;
	v10 =	vadd.s32 v11, v10  }
0xc8: {  	vm2 =	vlt.s32 v10, $0x41;
	v8 =	vadd.s32 v7, v10;
	v10 =	vadd.s32 $0x7F, v10  }
0xc9: {  	vm1 =	vmand vm2, vm1;
	vm2 =	veq.s32 v7, $0x1;
	vm3 =	vlt.s32 v8, $0x41  }
0xca: {  	v7 =	vadd.s32 $0x7F, v8;
	v8 =	vadd.s32 v9, v8;
	vm2 =	vmand vm3, vm2  }
0xcb: {  	vm3 =	veq.s32 v9, $0x1;
	vm4 =	vlt.s32 v8, $0x41;
	v9 =	vadd.s32 v6, v8;
	s18 =	spop (v2sf)  }
0xcc: {  	p0 =	sgt.u32 s17, $0x1E;
	vm3 =	vmand vm4, vm3;
	vm4 =	veq.s32 v6, $0x1;
	vm15 =	vlt.s32 v9, $0x41;
	s14 =	sadd.s32 s14, s18  }
0xcd: {  	v6 =	vadd.s32 $0x7F, v8;
	vm4 =	vmand vm15, vm4;
	p1 =	slt.s32 @!p0 s14, $0x40  }
0xce: {  	v8 =	vadd.s32 $0x7F, v9;
	p0 =	por p0, !p1  }
.Ltmp2:
0xcf: {  	v9 =	vor.u32 s15, v2;
	(pc) =	sbr.rel @!p0 .LBB2_6-.Ltmp2, $4  }
0xd0: {  	[tilespmem:v10+s11+$0x0] =	vst.idx.msk vm1, v9;
	v9 =	vor.u32 s15, v3  }
0xd1: {  	[tilespmem:v7+s11+$0x0] =	vst.idx.msk vm2, v9;
	v7 =	vor.u32 s15, v4  }
0xd2: {  	[tilespmem:v6+s11+$0x0] =	vst.idx.msk vm3, v7;
	v6 =	vor.u32 s15, v5  }
0xd3: {  	s17 =	sadd.s32 $0x1, s17;
	s16 =	sadd.s32 $0x10, s16;
	s15 =	sadd.s32 $0x40, s15;
	[tilespmem:v8+s11+$0x0] =	vst.idx.msk vm4, v6  }
0xd4: {  	v7 =	vimm.s32 $0x2;
	_ =	sdelay $0x1  }
0xd5: {  	p0 =	slt.s32 s14, $0x40  }
0xd6: {  	s14 =	simm.s32 @!p0 $0x40  }
0xd7: {  	v6 =	vmov s14  }
0xd8: {  	[tilespmem:v7+s12+$0x0] =	vst.idx.msk $0x1, v6  }
0xd9: {  	v6 =	vld [tilespmem:$0x2400];
	_ =	sdelay $0x3  }
0xda: {  	vm1 =	vcmask $0xB10  }
0xdb: {  	v6 =	vsel vm1, $0x0, v6  }
0xdc: {  	(xrf0) =	vadd.scan.msk.s32 $0xffff, v6;
	_ =	sdelay $0x5  }
0xdd: {  	v6, _, _ =	vpop (xrf0)  }
0xde: {  	(v2sf) =	vpush v6, $0xF;
	_ =	sdelay $0xe  }
0xdf: {  	s16 =	simm.s32 $0x600;
	s31 =	spop (v2sf)  }
0xe0: {  	s17 =	simm.s32 $0x0;
	s14 =	simm.s32 $0x0;
	s15 =	sshll.u32 s31, $0xB  }
.LBB2_8:
0xe1: {  	v6 =	vld [tilespmem:s16+$0x0];
	_ =	sdelay $0x4  }
0xe2: {  	v7 =	vshrl.u32 v6, $0x8  }
0xe3: {  	v8 =	vand.u32 $0x1, v6;
	v9 =	vshrl.u32 v6, $0x10;
	v7 =	vand.u32 $0x1, v7  }
0xe4: {  	v6 =	vshrl.u32 v6, $0x18;
	v9 =	vand.u32 $0x1, v9;
	v10 =	vadd.s32 v8, v7  }
0xe5: {  	v6 =	vand.u32 $0x1, v6;
	v10 =	vadd.s32 v9, v10  }
0xe6: {  	v10 =	vadd.s32 v6, v10  }
0xe7: {  	(xrf0) =	vadd.scan.msk.s32 $0xffff, v10;
	_ =	sdelay $0x5  }
0xe8: {  	v11, _, _ =	vpop (xrf0)  }
0xe9: {  	(v2sf) =	vpush v11, $0xF;
	_ =	sdelay $0x8  }
0xea: {  	v12 =	vadd.s32 s14, v8  }
0xeb: {  	v10 =	vsub.s32 v12, v10  }
0xec: {  	vm1 =	veq.s32 v8, $0x1;
	v10 =	vadd.s32 v11, v10  }
0xed: {  	vm2 =	vlt.s32 v10, $0x41;
	v8 =	vadd.s32 v7, v10;
	v10 =	vadd.s32 $0xBF, v10  }
0xee: {  	vm1 =	vmand vm2, vm1;
	vm2 =	veq.s32 v7, $0x1;
	vm3 =	vlt.s32 v8, $0x41  }
0xef: {  	v7 =	vadd.s32 $0xBF, v8;
	v8 =	vadd.s32 v9, v8;
	vm2 =	vmand vm3, vm2  }
0xf0: {  	vm3 =	veq.s32 v9, $0x1;
	vm4 =	vlt.s32 v8, $0x41;
	v9 =	vadd.s32 v6, v8;
	s18 =	spop (v2sf)  }
0xf1: {  	p0 =	sgt.u32 s17, $0x1E;
	vm3 =	vmand vm4, vm3;
	vm4 =	veq.s32 v6, $0x1;
	vm15 =	vlt.s32 v9, $0x41;
	s14 =	sadd.s32 s14, s18  }
0xf2: {  	v6 =	vadd.s32 $0xBF, v8;
	vm4 =	vmand vm15, vm4;
	p1 =	slt.s32 @!p0 s14, $0x40  }
0xf3: {  	v8 =	vadd.s32 $0xBF, v9;
	p0 =	por p0, !p1  }
.Ltmp3:
0xf4: {  	v9 =	vor.u32 s15, v2;
	(pc) =	sbr.rel @!p0 .LBB2_8-.Ltmp3, $4  }
0xf5: {  	[tilespmem:v10+s11+$0x0] =	vst.idx.msk vm1, v9;
	v9 =	vor.u32 s15, v3  }
0xf6: {  	[tilespmem:v7+s11+$0x0] =	vst.idx.msk vm2, v9;
	v7 =	vor.u32 s15, v4  }
0xf7: {  	[tilespmem:v6+s11+$0x0] =	vst.idx.msk vm3, v7;
	v6 =	vor.u32 s15, v5  }
0xf8: {  	s17 =	sadd.s32 $0x1, s17;
	s16 =	sadd.s32 $0x10, s16;
	s15 =	sadd.s32 $0x40, s15;
	[tilespmem:v8+s11+$0x0] =	vst.idx.msk vm4, v6  }
0xf9: {  	v7 =	vimm.s32 $0x3;
	_ =	sdelay $0x1  }
0xfa: {  	p0 =	slt.s32 s14, $0x40  }
0xfb: {  	s14 =	simm.s32 @!p0 $0x40  }
0xfc: {  	v6 =	vmov s14  }
0xfd: {  	[tilespmem:v7+s12+$0x0] =	vst.idx.msk $0x1, v6  }
0xfe: {  	v6 =	vld [tilespmem:$0x2400];
	_ =	sdelay $0x3  }
0xff: {  	vm1 =	vcmask $0xF14  }
0x100: {  	v6 =	vsel vm1, $0x0, v6  }
0x101: {  	(xrf0) =	vadd.scan.msk.s32 $0xffff, v6;
	_ =	sdelay $0x5  }
0x102: {  	v6, _, _ =	vpop (xrf0)  }
0x103: {  	(v2sf) =	vpush v6, $0xF;
	_ =	sdelay $0xe  }
0x104: {  	s16 =	simm.s32 $0x800;
	s31 =	spop (v2sf)  }
0x105: {  	s17 =	simm.s32 $0x0;
	s14 =	simm.s32 $0x0;
	s15 =	sshll.u32 s31, $0xB  }
.LBB2_10:
0x106: {  	v6 =	vld [tilespmem:s16+$0x0];
	_ =	sdelay $0x4  }
0x107: {  	v7 =	vshrl.u32 v6, $0x8  }
0x108: {  	v8 =	vand.u32 $0x1, v6;
	v9 =	vshrl.u32 v6, $0x10;
	v7 =	vand.u32 $0x1, v7  }
0x109: {  	v6 =	vshrl.u32 v6, $0x18;
	v9 =	vand.u32 $0x1, v9;
	v10 =	vadd.s32 v8, v7  }
0x10a: {  	v6 =	vand.u32 $0x1, v6;
	v10 =	vadd.s32 v9, v10  }
0x10b: {  	v10 =	vadd.s32 v6, v10  }
0x10c: {  	(xrf0) =	vadd.scan.msk.s32 $0xffff, v10;
	_ =	sdelay $0x5  }
0x10d: {  	v11, _, _ =	vpop (xrf0)  }
0x10e: {  	(v2sf) =	vpush v11, $0xF;
	_ =	sdelay $0x8  }
0x10f: {  	v12 =	vadd.s32 s14, v8  }
0x110: {  	v10 =	vsub.s32 v12, v10  }
0x111: {  	vm1 =	veq.s32 v8, $0x1;
	v10 =	vadd.s32 v11, v10  }
0x112: {  	vm2 =	vlt.s32 v10, $0x41;
	v8 =	vadd.s32 v7, v10;
	v10 =	vadd.s32 $0xFF, v10  }
0x113: {  	vm1 =	vmand vm2, vm1;
	vm2 =	veq.s32 v7, $0x1;
	vm3 =	vlt.s32 v8, $0x41  }
0x114: {  	v7 =	vadd.s32 $0xFF, v8;
	v8 =	vadd.s32 v9, v8;
	vm2 =	vmand vm3, vm2  }
0x115: {  	vm3 =	veq.s32 v9, $0x1;
	vm4 =	vlt.s32 v8, $0x41;
	v9 =	vadd.s32 v6, v8;
	s18 =	spop (v2sf)  }
0x116: {  	p0 =	sgt.u32 s17, $0x1E;
	vm3 =	vmand vm4, vm3;
	vm4 =	veq.s32 v6, $0x1;
	vm15 =	vlt.s32 v9, $0x41;
	s14 =	sadd.s32 s14, s18  }
0x117: {  	v6 =	vadd.s32 $0xFF, v8;
	vm4 =	vmand vm15, vm4;
	p1 =	slt.s32 @!p0 s14, $0x40  }
0x118: {  	v8 =	vadd.s32 $0xFF, v9;
	p0 =	por p0, !p1  }
.Ltmp4:
0x119: {  	v9 =	vor.u32 s15, v2;
	(pc) =	sbr.rel @!p0 .LBB2_10-.Ltmp4, $4  }
0x11a: {  	[tilespmem:v10+s11+$0x0] =	vst.idx.msk vm1, v9;
	v9 =	vor.u32 s15, v3  }
0x11b: {  	[tilespmem:v7+s11+$0x0] =	vst.idx.msk vm2, v9;
	v7 =	vor.u32 s15, v4  }
0x11c: {  	[tilespmem:v6+s11+$0x0] =	vst.idx.msk vm3, v7;
	v6 =	vor.u32 s15, v5  }
0x11d: {  	s17 =	sadd.s32 $0x1, s17;
	s16 =	sadd.s32 $0x10, s16;
	s15 =	sadd.s32 $0x40, s15;
	[tilespmem:v8+s11+$0x0] =	vst.idx.msk vm4, v6  }
0x11e: {  	v7 =	vimm.s32 $0x4;
	_ =	sdelay $0x1  }
0x11f: {  	p0 =	slt.s32 s14, $0x40  }
0x120: {  	s14 =	simm.s32 @!p0 $0x40  }
0x121: {  	v6 =	vmov s14  }
0x122: {  	[tilespmem:v7+s12+$0x0] =	vst.idx.msk $0x1, v6  }
0x123: {  	v6 =	vld [tilespmem:$0x2400];
	_ =	sdelay $0x4  }
0x124: {  	v6 =	vsel vm5, $0x0, v6  }
0x125: {  	(xrf0) =	vadd.scan.msk.s32 $0xffff, v6;
	_ =	sdelay $0x5  }
0x126: {  	v6, _, _ =	vpop (xrf0)  }
0x127: {  	(v2sf) =	vpush v6, $0xF;
	_ =	sdelay $0xe  }
0x128: {  	s16 =	simm.s32 $0xA00;
	s31 =	spop (v2sf)  }
0x129: {  	s17 =	simm.s32 $0x0;
	s14 =	simm.s32 $0x0;
	s15 =	sshll.u32 s31, $0xB  }
.LBB2_12:
0x12a: {  	v6 =	vld [tilespmem:s16+$0x0];
	_ =	sdelay $0x4  }
0x12b: {  	v7 =	vshrl.u32 v6, $0x8  }
0x12c: {  	v8 =	vand.u32 $0x1, v6;
	v9 =	vshrl.u32 v6, $0x10;
	v7 =	vand.u32 $0x1, v7  }
0x12d: {  	v6 =	vshrl.u32 v6, $0x18;
	v9 =	vand.u32 $0x1, v9;
	v10 =	vadd.s32 v8, v7  }
0x12e: {  	v6 =	vand.u32 $0x1, v6;
	v10 =	vadd.s32 v9, v10  }
0x12f: {  	v10 =	vadd.s32 v6, v10  }
0x130: {  	(xrf0) =	vadd.scan.msk.s32 $0xffff, v10;
	_ =	sdelay $0x5  }
0x131: {  	v11, _, _ =	vpop (xrf0)  }
0x132: {  	(v2sf) =	vpush v11, $0xF;
	_ =	sdelay $0x8  }
0x133: {  	v12 =	vadd.s32 s14, v8  }
0x134: {  	v10 =	vsub.s32 v12, v10  }
0x135: {  	vm1 =	veq.s32 v8, $0x1;
	v10 =	vadd.s32 v11, v10  }
0x136: {  	vm2 =	vlt.s32 v10, $0x41;
	v8 =	vadd.s32 v7, v10;
	v10 =	vadd.s32 $0x13F, v10  }
0x137: {  	vm1 =	vmand vm2, vm1;
	vm2 =	veq.s32 v7, $0x1;
	vm3 =	vlt.s32 v8, $0x41  }
0x138: {  	v7 =	vadd.s32 $0x13F, v8;
	v8 =	vadd.s32 v9, v8;
	vm2 =	vmand vm3, vm2  }
0x139: {  	vm3 =	veq.s32 v9, $0x1;
	vm4 =	vlt.s32 v8, $0x41;
	v9 =	vadd.s32 v6, v8;
	s18 =	spop (v2sf)  }
0x13a: {  	p0 =	sgt.u32 s17, $0x1E;
	vm3 =	vmand vm4, vm3;
	vm4 =	veq.s32 v6, $0x1;
	vm15 =	vlt.s32 v9, $0x41;
	s14 =	sadd.s32 s14, s18  }
0x13b: {  	v6 =	vadd.s32 $0x13F, v8;
	vm4 =	vmand vm15, vm4;
	p1 =	slt.s32 @!p0 s14, $0x40  }
0x13c: {  	v8 =	vadd.s32 $0x13F, v9;
	p0 =	por p0, !p1  }
.Ltmp5:
0x13d: {  	v9 =	vor.u32 s15, v2;
	(pc) =	sbr.rel @!p0 .LBB2_12-.Ltmp5, $4  }
0x13e: {  	[tilespmem:v10+s11+$0x0] =	vst.idx.msk vm1, v9;
	v9 =	vor.u32 s15, v3  }
0x13f: {  	[tilespmem:v7+s11+$0x0] =	vst.idx.msk vm2, v9;
	v7 =	vor.u32 s15, v4  }
0x140: {  	[tilespmem:v6+s11+$0x0] =	vst.idx.msk vm3, v7;
	v6 =	vor.u32 s15, v5  }
0x141: {  	s17 =	sadd.s32 $0x1, s17;
	s16 =	sadd.s32 $0x10, s16;
	s15 =	sadd.s32 $0x40, s15;
	[tilespmem:v8+s11+$0x0] =	vst.idx.msk vm4, v6  }
0x142: {  	v7 =	vimm.s32 $0x5;
	_ =	sdelay $0x1  }
0x143: {  	p0 =	slt.s32 s14, $0x40  }
0x144: {  	s14 =	simm.s32 @!p0 $0x40  }
0x145: {  	v6 =	vmov s14  }
0x146: {  	[tilespmem:v7+s12+$0x0] =	vst.idx.msk $0x1, v6  }
0x147: {  	v6 =	vld [tilespmem:$0x2400];
	_ =	sdelay $0x4  }
0x148: {  	v6 =	vsel vm6, $0x0, v6  }
0x149: {  	(xrf0) =	vadd.scan.msk.s32 $0xffff, v6;
	_ =	sdelay $0x5  }
0x14a: {  	v6, _, _ =	vpop (xrf0)  }
0x14b: {  	(v2sf) =	vpush v6, $0xF;
	_ =	sdelay $0xe  }
0x14c: {  	s16 =	simm.s32 $0xC00;
	s31 =	spop (v2sf)  }
0x14d: {  	s17 =	simm.s32 $0x0;
	s14 =	simm.s32 $0x0;
	s15 =	sshll.u32 s31, $0xB  }
.LBB2_14:
0x14e: {  	v6 =	vld [tilespmem:s16+$0x0];
	_ =	sdelay $0x4  }
0x14f: {  	v7 =	vshrl.u32 v6, $0x8  }
0x150: {  	v8 =	vand.u32 $0x1, v6;
	v9 =	vshrl.u32 v6, $0x10;
	v7 =	vand.u32 $0x1, v7  }
0x151: {  	v6 =	vshrl.u32 v6, $0x18;
	v9 =	vand.u32 $0x1, v9;
	v10 =	vadd.s32 v8, v7  }
0x152: {  	v6 =	vand.u32 $0x1, v6;
	v10 =	vadd.s32 v9, v10  }
0x153: {  	v10 =	vadd.s32 v6, v10  }
0x154: {  	(xrf0) =	vadd.scan.msk.s32 $0xffff, v10;
	_ =	sdelay $0x5  }
0x155: {  	v11, _, _ =	vpop (xrf0)  }
0x156: {  	(v2sf) =	vpush v11, $0xF;
	_ =	sdelay $0x8  }
0x157: {  	v12 =	vadd.s32 s14, v8  }
0x158: {  	v10 =	vsub.s32 v12, v10  }
0x159: {  	vm1 =	veq.s32 v8, $0x1;
	v10 =	vadd.s32 v11, v10  }
0x15a: {  	vm2 =	vlt.s32 v10, $0x41;
	v8 =	vadd.s32 v7, v10;
	v10 =	vadd.s32 $0x17F, v10  }
0x15b: {  	vm1 =	vmand vm2, vm1;
	vm2 =	veq.s32 v7, $0x1;
	vm3 =	vlt.s32 v8, $0x41  }
0x15c: {  	v7 =	vadd.s32 $0x17F, v8;
	v8 =	vadd.s32 v9, v8;
	vm2 =	vmand vm3, vm2  }
0x15d: {  	vm3 =	veq.s32 v9, $0x1;
	vm4 =	vlt.s32 v8, $0x41;
	v9 =	vadd.s32 v6, v8;
	s18 =	spop (v2sf)  }
0x15e: {  	p0 =	sgt.u32 s17, $0x1E;
	vm3 =	vmand vm4, vm3;
	vm4 =	veq.s32 v6, $0x1;
	vm15 =	vlt.s32 v9, $0x41;
	s14 =	sadd.s32 s14, s18  }
0x15f: {  	v6 =	vadd.s32 $0x17F, v8;
	vm4 =	vmand vm15, vm4;
	p1 =	slt.s32 @!p0 s14, $0x40  }
0x160: {  	v8 =	vadd.s32 $0x17F, v9;
	p0 =	por p0, !p1  }
.Ltmp6:
0x161: {  	v9 =	vor.u32 s15, v2;
	(pc) =	sbr.rel @!p0 .LBB2_14-.Ltmp6, $4  }
0x162: {  	[tilespmem:v10+s11+$0x0] =	vst.idx.msk vm1, v9;
	v9 =	vor.u32 s15, v3  }
0x163: {  	[tilespmem:v7+s11+$0x0] =	vst.idx.msk vm2, v9;
	v7 =	vor.u32 s15, v4  }
0x164: {  	[tilespmem:v6+s11+$0x0] =	vst.idx.msk vm3, v7;
	v6 =	vor.u32 s15, v5  }
0x165: {  	s17 =	sadd.s32 $0x1, s17;
	s16 =	sadd.s32 $0x10, s16;
	s15 =	sadd.s32 $0x40, s15;
	[tilespmem:v8+s11+$0x0] =	vst.idx.msk vm4, v6  }
0x166: {  	v7 =	vimm.s32 $0x6;
	_ =	sdelay $0x1  }
0x167: {  	p0 =	slt.s32 s14, $0x40  }
0x168: {  	s14 =	simm.s32 @!p0 $0x40  }
0x169: {  	v6 =	vmov s14  }
0x16a: {  	[tilespmem:v7+s12+$0x0] =	vst.idx.msk $0x1, v6  }
0x16b: {  	v6 =	vld [tilespmem:$0x2400];
	_ =	sdelay $0x4  }
0x16c: {  	v6 =	vsel vm7, $0x0, v6  }
0x16d: {  	(xrf0) =	vadd.scan.msk.s32 $0xffff, v6;
	_ =	sdelay $0x5  }
0x16e: {  	v6, _, _ =	vpop (xrf0)  }
0x16f: {  	(v2sf) =	vpush v6, $0xF;
	_ =	sdelay $0xe  }
0x170: {  	s16 =	simm.s32 $0xE00;
	s31 =	spop (v2sf)  }
0x171: {  	s17 =	simm.s32 $0x0;
	s14 =	simm.s32 $0x0;
	s15 =	sshll.u32 s31, $0xB  }
.LBB2_16:
0x172: {  	v6 =	vld [tilespmem:s16+$0x0];
	_ =	sdelay $0x4  }
0x173: {  	v7 =	vshrl.u32 v6, $0x8  }
0x174: {  	v8 =	vand.u32 $0x1, v6;
	v9 =	vshrl.u32 v6, $0x10;
	v7 =	vand.u32 $0x1, v7  }
0x175: {  	v6 =	vshrl.u32 v6, $0x18;
	v9 =	vand.u32 $0x1, v9;
	v10 =	vadd.s32 v8, v7  }
0x176: {  	v6 =	vand.u32 $0x1, v6;
	v10 =	vadd.s32 v9, v10  }
0x177: {  	v10 =	vadd.s32 v6, v10  }
0x178: {  	(xrf0) =	vadd.scan.msk.s32 $0xffff, v10;
	_ =	sdelay $0x5  }
0x179: {  	v11, _, _ =	vpop (xrf0)  }
0x17a: {  	(v2sf) =	vpush v11, $0xF;
	_ =	sdelay $0x8  }
0x17b: {  	v12 =	vadd.s32 s14, v8  }
0x17c: {  	v10 =	vsub.s32 v12, v10  }
0x17d: {  	vm1 =	veq.s32 v8, $0x1;
	v10 =	vadd.s32 v11, v10  }
0x17e: {  	vm2 =	vlt.s32 v10, $0x41;
	v8 =	vadd.s32 v7, v10;
	v10 =	vadd.s32 $0x1BF, v10  }
0x17f: {  	vm1 =	vmand vm2, vm1;
	vm2 =	veq.s32 v7, $0x1;
	vm3 =	vlt.s32 v8, $0x41  }
0x180: {  	v7 =	vadd.s32 $0x1BF, v8;
	v8 =	vadd.s32 v9, v8;
	vm2 =	vmand vm3, vm2  }
0x181: {  	vm3 =	veq.s32 v9, $0x1;
	vm4 =	vlt.s32 v8, $0x41;
	v9 =	vadd.s32 v6, v8;
	s18 =	spop (v2sf)  }
0x182: {  	p0 =	sgt.u32 s17, $0x1E;
	vm3 =	vmand vm4, vm3;
	vm4 =	veq.s32 v6, $0x1;
	vm15 =	vlt.s32 v9, $0x41;
	s14 =	sadd.s32 s14, s18  }
0x183: {  	v6 =	vadd.s32 $0x1BF, v8;
	vm4 =	vmand vm15, vm4;
	p1 =	slt.s32 @!p0 s14, $0x40  }
0x184: {  	v8 =	vadd.s32 $0x1BF, v9;
	p0 =	por p0, !p1  }
.Ltmp7:
0x185: {  	v9 =	vor.u32 s15, v2;
	(pc) =	sbr.rel @!p0 .LBB2_16-.Ltmp7, $4  }
0x186: {  	[tilespmem:v10+s11+$0x0] =	vst.idx.msk vm1, v9;
	v9 =	vor.u32 s15, v3  }
0x187: {  	[tilespmem:v7+s11+$0x0] =	vst.idx.msk vm2, v9;
	v7 =	vor.u32 s15, v4  }
0x188: {  	[tilespmem:v6+s11+$0x0] =	vst.idx.msk vm3, v7;
	v6 =	vor.u32 s15, v5  }
0x189: {  	s17 =	sadd.s32 $0x1, s17;
	s16 =	sadd.s32 $0x10, s16;
	s15 =	sadd.s32 $0x40, s15;
	[tilespmem:v8+s11+$0x0] =	vst.idx.msk vm4, v6  }
0x18a: {  	v7 =	vimm.s32 $0x7;
	_ =	sdelay $0x1  }
0x18b: {  	p0 =	slt.s32 s14, $0x40  }
0x18c: {  	s14 =	simm.s32 @!p0 $0x40  }
0x18d: {  	v6 =	vmov s14  }
0x18e: {  	[tilespmem:v7+s12+$0x0] =	vst.idx.msk $0x1, v6  }
0x18f: {  	v6 =	vld [tilespmem:$0x2400];
	_ =	sdelay $0x4  }
0x190: {  	v6 =	vsel vm8, $0x0, v6  }
0x191: {  	(xrf0) =	vadd.scan.msk.s32 $0xffff, v6;
	_ =	sdelay $0x5  }
0x192: {  	v6, _, _ =	vpop (xrf0)  }
0x193: {  	(v2sf) =	vpush v6, $0xF;
	_ =	sdelay $0xe  }
0x194: {  	s16 =	simm.s32 $0x1000;
	s31 =	spop (v2sf)  }
0x195: {  	s17 =	simm.s32 $0x0;
	s14 =	simm.s32 $0x0;
	s15 =	sshll.u32 s31, $0xB  }
.LBB2_18:
0x196: {  	v6 =	vld [tilespmem:s16+$0x0];
	_ =	sdelay $0x4  }
0x197: {  	v7 =	vshrl.u32 v6, $0x8  }
0x198: {  	v8 =	vand.u32 $0x1, v6;
	v9 =	vshrl.u32 v6, $0x10;
	v7 =	vand.u32 $0x1, v7  }
0x199: {  	v6 =	vshrl.u32 v6, $0x18;
	v9 =	vand.u32 $0x1, v9;
	v10 =	vadd.s32 v8, v7  }
0x19a: {  	v6 =	vand.u32 $0x1, v6;
	v10 =	vadd.s32 v9, v10  }
0x19b: {  	v10 =	vadd.s32 v6, v10  }
0x19c: {  	(xrf0) =	vadd.scan.msk.s32 $0xffff, v10;
	_ =	sdelay $0x5  }
0x19d: {  	v11, _, _ =	vpop (xrf0)  }
0x19e: {  	(v2sf) =	vpush v11, $0xF;
	_ =	sdelay $0x8  }
0x19f: {  	v12 =	vadd.s32 s14, v8  }
0x1a0: {  	v10 =	vsub.s32 v12, v10  }
0x1a1: {  	vm1 =	veq.s32 v8, $0x1;
	v10 =	vadd.s32 v11, v10  }
0x1a2: {  	vm2 =	vlt.s32 v10, $0x41;
	v8 =	vadd.s32 v7, v10;
	v10 =	vadd.s32 $0x1FF, v10  }
0x1a3: {  	vm1 =	vmand vm2, vm1;
	vm2 =	veq.s32 v7, $0x1;
	vm3 =	vlt.s32 v8, $0x41  }
0x1a4: {  	v7 =	vadd.s32 $0x1FF, v8;
	v8 =	vadd.s32 v9, v8;
	vm2 =	vmand vm3, vm2  }
0x1a5: {  	vm3 =	veq.s32 v9, $0x1;
	vm4 =	vlt.s32 v8, $0x41;
	v9 =	vadd.s32 v6, v8;
	s18 =	spop (v2sf)  }
0x1a6: {  	p0 =	sgt.u32 s17, $0x1E;
	vm3 =	vmand vm4, vm3;
	vm4 =	veq.s32 v6, $0x1;
	vm15 =	vlt.s32 v9, $0x41;
	s14 =	sadd.s32 s14, s18  }
0x1a7: {  	v6 =	vadd.s32 $0x1FF, v8;
	vm4 =	vmand vm15, vm4;
	p1 =	slt.s32 @!p0 s14, $0x40  }
0x1a8: {  	v8 =	vadd.s32 $0x1FF, v9;
	p0 =	por p0, !p1  }
.Ltmp8:
0x1a9: {  	v9 =	vor.u32 s15, v2;
	(pc) =	sbr.rel @!p0 .LBB2_18-.Ltmp8, $4  }
0x1aa: {  	[tilespmem:v10+s11+$0x0] =	vst.idx.msk vm1, v9;
	v9 =	vor.u32 s15, v3  }
0x1ab: {  	[tilespmem:v7+s11+$0x0] =	vst.idx.msk vm2, v9;
	v7 =	vor.u32 s15, v4  }
0x1ac: {  	[tilespmem:v6+s11+$0x0] =	vst.idx.msk vm3, v7;
	v6 =	vor.u32 s15, v5  }
0x1ad: {  	s17 =	sadd.s32 $0x1, s17;
	s16 =	sadd.s32 $0x10, s16;
	s15 =	sadd.s32 $0x40, s15;
	[tilespmem:v8+s11+$0x0] =	vst.idx.msk vm4, v6  }
0x1ae: {  	v7 =	vimm.s32 $0x8;
	_ =	sdelay $0x1  }
0x1af: {  	p0 =	slt.s32 s14, $0x40  }
0x1b0: {  	s14 =	simm.s32 @!p0 $0x40  }
0x1b1: {  	v6 =	vmov s14  }
0x1b2: {  	[tilespmem:v7+s12+$0x0] =	vst.idx.msk $0x1, v6  }
0x1b3: {  	v6 =	vld [tilespmem:$0x2400];
	_ =	sdelay $0x4  }
0x1b4: {  	v6 =	vsel vm9, $0x0, v6  }
0x1b5: {  	(xrf0) =	vadd.scan.msk.s32 $0xffff, v6;
	_ =	sdelay $0x5  }
0x1b6: {  	v6, _, _ =	vpop (xrf0)  }
0x1b7: {  	(v2sf) =	vpush v6, $0xF;
	_ =	sdelay $0xe  }
0x1b8: {  	s16 =	simm.s32 $0x1200;
	s31 =	spop (v2sf)  }
0x1b9: {  	s17 =	simm.s32 $0x0;
	s14 =	simm.s32 $0x0;
	s15 =	sshll.u32 s31, $0xB  }
.LBB2_20:
0x1ba: {  	v6 =	vld [tilespmem:s16+$0x0];
	_ =	sdelay $0x4  }
0x1bb: {  	v7 =	vshrl.u32 v6, $0x8  }
0x1bc: {  	v8 =	vand.u32 $0x1, v6;
	v9 =	vshrl.u32 v6, $0x10;
	v7 =	vand.u32 $0x1, v7  }
0x1bd: {  	v6 =	vshrl.u32 v6, $0x18;
	v9 =	vand.u32 $0x1, v9;
	v10 =	vadd.s32 v8, v7  }
0x1be: {  	v6 =	vand.u32 $0x1, v6;
	v10 =	vadd.s32 v9, v10  }
0x1bf: {  	v10 =	vadd.s32 v6, v10  }
0x1c0: {  	(xrf0) =	vadd.scan.msk.s32 $0xffff, v10;
	_ =	sdelay $0x5  }
0x1c1: {  	v11, _, _ =	vpop (xrf0)  }
0x1c2: {  	(v2sf) =	vpush v11, $0xF;
	_ =	sdelay $0x8  }
0x1c3: {  	v12 =	vadd.s32 s14, v8  }
0x1c4: {  	v10 =	vsub.s32 v12, v10  }
0x1c5: {  	vm1 =	veq.s32 v8, $0x1;
	v10 =	vadd.s32 v11, v10  }
0x1c6: {  	vm2 =	vlt.s32 v10, $0x41;
	v8 =	vadd.s32 v7, v10;
	v10 =	vadd.s32 $0x23F, v10  }
0x1c7: {  	vm1 =	vmand vm2, vm1;
	vm2 =	veq.s32 v7, $0x1;
	vm3 =	vlt.s32 v8, $0x41  }
0x1c8: {  	v7 =	vadd.s32 $0x23F, v8;
	v8 =	vadd.s32 v9, v8;
	vm2 =	vmand vm3, vm2  }
0x1c9: {  	vm3 =	veq.s32 v9, $0x1;
	vm4 =	vlt.s32 v8, $0x41;
	v9 =	vadd.s32 v6, v8;
	s18 =	spop (v2sf)  }
0x1ca: {  	p0 =	sgt.u32 s17, $0x1E;
	vm3 =	vmand vm4, vm3;
	vm4 =	veq.s32 v6, $0x1;
	vm15 =	vlt.s32 v9, $0x41;
	s14 =	sadd.s32 s14, s18  }
0x1cb: {  	v6 =	vadd.s32 $0x23F, v8;
	vm4 =	vmand vm15, vm4;
	p1 =	slt.s32 @!p0 s14, $0x40  }
0x1cc: {  	v8 =	vadd.s32 $0x23F, v9;
	p0 =	por p0, !p1  }
.Ltmp9:
0x1cd: {  	v9 =	vor.u32 s15, v2;
	(pc) =	sbr.rel @!p0 .LBB2_20-.Ltmp9, $4  }
0x1ce: {  	[tilespmem:v10+s11+$0x0] =	vst.idx.msk vm1, v9;
	v9 =	vor.u32 s15, v3  }
0x1cf: {  	[tilespmem:v7+s11+$0x0] =	vst.idx.msk vm2, v9;
	v7 =	vor.u32 s15, v4  }
0x1d0: {  	[tilespmem:v6+s11+$0x0] =	vst.idx.msk vm3, v7;
	v6 =	vor.u32 s15, v5  }
0x1d1: {  	s17 =	sadd.s32 $0x1, s17;
	s16 =	sadd.s32 $0x10, s16;
	s15 =	sadd.s32 $0x40, s15;
	[tilespmem:v8+s11+$0x0] =	vst.idx.msk vm4, v6  }
0x1d2: {  	v7 =	vimm.s32 $0x9;
	_ =	sdelay $0x1  }
0x1d3: {  	p0 =	slt.s32 s14, $0x40  }
0x1d4: {  	s14 =	simm.s32 @!p0 $0x40  }
0x1d5: {  	v6 =	vmov s14  }
0x1d6: {  	[tilespmem:v7+s12+$0x0] =	vst.idx.msk $0x1, v6  }
0x1d7: {  	v6 =	vld [tilespmem:$0x2400];
	_ =	sdelay $0x4  }
0x1d8: {  	v6 =	vsel vm10, $0x0, v6  }
0x1d9: {  	(xrf0) =	vadd.scan.msk.s32 $0xffff, v6;
	_ =	sdelay $0x5  }
0x1da: {  	v6, _, _ =	vpop (xrf0)  }
0x1db: {  	(v2sf) =	vpush v6, $0xF;
	_ =	sdelay $0xe  }
0x1dc: {  	s16 =	simm.s32 $0x1400;
	s31 =	spop (v2sf)  }
0x1dd: {  	s17 =	simm.s32 $0x0;
	s14 =	simm.s32 $0x0;
	s15 =	sshll.u32 s31, $0xB  }
.LBB2_22:
0x1de: {  	v6 =	vld [tilespmem:s16+$0x0];
	_ =	sdelay $0x4  }
0x1df: {  	v7 =	vshrl.u32 v6, $0x8  }
0x1e0: {  	v8 =	vand.u32 $0x1, v6;
	v9 =	vshrl.u32 v6, $0x10;
	v7 =	vand.u32 $0x1, v7  }
0x1e1: {  	v6 =	vshrl.u32 v6, $0x18;
	v9 =	vand.u32 $0x1, v9;
	v10 =	vadd.s32 v8, v7  }
0x1e2: {  	v6 =	vand.u32 $0x1, v6;
	v10 =	vadd.s32 v9, v10  }
0x1e3: {  	v10 =	vadd.s32 v6, v10  }
0x1e4: {  	(xrf0) =	vadd.scan.msk.s32 $0xffff, v10;
	_ =	sdelay $0x5  }
0x1e5: {  	v11, _, _ =	vpop (xrf0)  }
0x1e6: {  	(v2sf) =	vpush v11, $0xF;
	_ =	sdelay $0x8  }
0x1e7: {  	v12 =	vadd.s32 s14, v8  }
0x1e8: {  	v10 =	vsub.s32 v12, v10  }
0x1e9: {  	vm1 =	veq.s32 v8, $0x1;
	v10 =	vadd.s32 v11, v10  }
0x1ea: {  	vm2 =	vlt.s32 v10, $0x41;
	v8 =	vadd.s32 v7, v10;
	v10 =	vadd.s32 $0x27F, v10  }
0x1eb: {  	vm1 =	vmand vm2, vm1;
	vm2 =	veq.s32 v7, $0x1;
	vm3 =	vlt.s32 v8, $0x41  }
0x1ec: {  	v7 =	vadd.s32 $0x27F, v8;
	v8 =	vadd.s32 v9, v8;
	vm2 =	vmand vm3, vm2  }
0x1ed: {  	vm3 =	veq.s32 v9, $0x1;
	vm4 =	vlt.s32 v8, $0x41;
	v9 =	vadd.s32 v6, v8;
	s18 =	spop (v2sf)  }
0x1ee: {  	p0 =	sgt.u32 s17, $0x1E;
	vm3 =	vmand vm4, vm3;
	vm4 =	veq.s32 v6, $0x1;
	vm15 =	vlt.s32 v9, $0x41;
	s14 =	sadd.s32 s14, s18  }
0x1ef: {  	v6 =	vadd.s32 $0x27F, v8;
	vm4 =	vmand vm15, vm4;
	p1 =	slt.s32 @!p0 s14, $0x40  }
0x1f0: {  	v8 =	vadd.s32 $0x27F, v9;
	p0 =	por p0, !p1  }
.Ltmp10:
0x1f1: {  	v9 =	vor.u32 s15, v2;
	(pc) =	sbr.rel @!p0 .LBB2_22-.Ltmp10, $4  }
0x1f2: {  	[tilespmem:v10+s11+$0x0] =	vst.idx.msk vm1, v9;
	v9 =	vor.u32 s15, v3  }
0x1f3: {  	[tilespmem:v7+s11+$0x0] =	vst.idx.msk vm2, v9;
	v7 =	vor.u32 s15, v4  }
0x1f4: {  	[tilespmem:v6+s11+$0x0] =	vst.idx.msk vm3, v7;
	v6 =	vor.u32 s15, v5  }
0x1f5: {  	s17 =	sadd.s32 $0x1, s17;
	s16 =	sadd.s32 $0x10, s16;
	s15 =	sadd.s32 $0x40, s15;
	[tilespmem:v8+s11+$0x0] =	vst.idx.msk vm4, v6  }
0x1f6: {  	v7 =	vimm.s32 $0xA;
	_ =	sdelay $0x1  }
0x1f7: {  	p0 =	slt.s32 s14, $0x40  }
0x1f8: {  	s14 =	simm.s32 @!p0 $0x40  }
0x1f9: {  	v6 =	vmov s14  }
0x1fa: {  	[tilespmem:v7+s12+$0x0] =	vst.idx.msk $0x1, v6  }
0x1fb: {  	v6 =	vld [tilespmem:$0x2400];
	_ =	sdelay $0x4  }
0x1fc: {  	v6 =	vsel vm11, $0x0, v6  }
0x1fd: {  	(xrf0) =	vadd.scan.msk.s32 $0xffff, v6;
	_ =	sdelay $0x5  }
0x1fe: {  	v6, _, _ =	vpop (xrf0)  }
0x1ff: {  	(v2sf) =	vpush v6, $0xF;
	_ =	sdelay $0xe  }
0x200: {  	s16 =	simm.s32 $0x1600;
	s31 =	spop (v2sf)  }
0x201: {  	s17 =	simm.s32 $0x0;
	s14 =	simm.s32 $0x0;
	s15 =	sshll.u32 s31, $0xB  }
.LBB2_24:
0x202: {  	v6 =	vld [tilespmem:s16+$0x0];
	_ =	sdelay $0x4  }
0x203: {  	v7 =	vshrl.u32 v6, $0x8  }
0x204: {  	v8 =	vand.u32 $0x1, v6;
	v9 =	vshrl.u32 v6, $0x10;
	v7 =	vand.u32 $0x1, v7  }
0x205: {  	v6 =	vshrl.u32 v6, $0x18;
	v9 =	vand.u32 $0x1, v9;
	v10 =	vadd.s32 v8, v7  }
0x206: {  	v6 =	vand.u32 $0x1, v6;
	v10 =	vadd.s32 v9, v10  }
0x207: {  	v10 =	vadd.s32 v6, v10  }
0x208: {  	(xrf0) =	vadd.scan.msk.s32 $0xffff, v10;
	_ =	sdelay $0x5  }
0x209: {  	v11, _, _ =	vpop (xrf0)  }
0x20a: {  	(v2sf) =	vpush v11, $0xF;
	_ =	sdelay $0x8  }
0x20b: {  	v12 =	vadd.s32 s14, v8  }
0x20c: {  	v10 =	vsub.s32 v12, v10  }
0x20d: {  	vm1 =	veq.s32 v8, $0x1;
	v10 =	vadd.s32 v11, v10  }
0x20e: {  	vm2 =	vlt.s32 v10, $0x41;
	v8 =	vadd.s32 v7, v10;
	v10 =	vadd.s32 $0x2BF, v10  }
0x20f: {  	vm1 =	vmand vm2, vm1;
	vm2 =	veq.s32 v7, $0x1;
	vm3 =	vlt.s32 v8, $0x41  }
0x210: {  	v7 =	vadd.s32 $0x2BF, v8;
	v8 =	vadd.s32 v9, v8;
	vm2 =	vmand vm3, vm2  }
0x211: {  	vm3 =	veq.s32 v9, $0x1;
	vm4 =	vlt.s32 v8, $0x41;
	v9 =	vadd.s32 v6, v8;
	s18 =	spop (v2sf)  }
0x212: {  	p0 =	sgt.u32 s17, $0x1E;
	vm3 =	vmand vm4, vm3;
	vm4 =	veq.s32 v6, $0x1;
	vm15 =	vlt.s32 v9, $0x41;
	s14 =	sadd.s32 s14, s18  }
0x213: {  	v6 =	vadd.s32 $0x2BF, v8;
	vm4 =	vmand vm15, vm4;
	p1 =	slt.s32 @!p0 s14, $0x40  }
0x214: {  	v8 =	vadd.s32 $0x2BF, v9;
	p0 =	por p0, !p1  }
.Ltmp11:
0x215: {  	v9 =	vor.u32 s15, v2;
	(pc) =	sbr.rel @!p0 .LBB2_24-.Ltmp11, $4  }
0x216: {  	[tilespmem:v10+s11+$0x0] =	vst.idx.msk vm1, v9;
	v9 =	vor.u32 s15, v3  }
0x217: {  	[tilespmem:v7+s11+$0x0] =	vst.idx.msk vm2, v9;
	v7 =	vor.u32 s15, v4  }
0x218: {  	[tilespmem:v6+s11+$0x0] =	vst.idx.msk vm3, v7;
	v6 =	vor.u32 s15, v5  }
0x219: {  	s17 =	sadd.s32 $0x1, s17;
	s16 =	sadd.s32 $0x10, s16;
	s15 =	sadd.s32 $0x40, s15;
	[tilespmem:v8+s11+$0x0] =	vst.idx.msk vm4, v6  }
0x21a: {  	v7 =	vimm.s32 $0xB;
	_ =	sdelay $0x1  }
0x21b: {  	p0 =	slt.s32 s14, $0x40  }
0x21c: {  	s14 =	simm.s32 @!p0 $0x40  }
0x21d: {  	v6 =	vmov s14  }
0x21e: {  	[tilespmem:v7+s12+$0x0] =	vst.idx.msk $0x1, v6  }
0x21f: {  	v6 =	vld [tilespmem:$0x2400];
	_ =	sdelay $0x4  }
0x220: {  	v6 =	vsel vm12, $0x0, v6  }
0x221: {  	(xrf0) =	vadd.scan.msk.s32 $0xffff, v6;
	_ =	sdelay $0x5  }
0x222: {  	v6, _, _ =	vpop (xrf0)  }
0x223: {  	(v2sf) =	vpush v6, $0xF;
	_ =	sdelay $0xe  }
0x224: {  	s16 =	simm.s32 $0x1800;
	s31 =	spop (v2sf)  }
0x225: {  	s17 =	simm.s32 $0x0;
	s14 =	simm.s32 $0x0;
	s15 =	sshll.u32 s31, $0xB  }
.LBB2_26:
0x226: {  	v6 =	vld [tilespmem:s16+$0x0];
	_ =	sdelay $0x4  }
0x227: {  	v7 =	vshrl.u32 v6, $0x8  }
0x228: {  	v8 =	vand.u32 $0x1, v6;
	v9 =	vshrl.u32 v6, $0x10;
	v7 =	vand.u32 $0x1, v7  }
0x229: {  	v6 =	vshrl.u32 v6, $0x18;
	v9 =	vand.u32 $0x1, v9;
	v10 =	vadd.s32 v8, v7  }
0x22a: {  	v6 =	vand.u32 $0x1, v6;
	v10 =	vadd.s32 v9, v10  }
0x22b: {  	v10 =	vadd.s32 v6, v10  }
0x22c: {  	(xrf0) =	vadd.scan.msk.s32 $0xffff, v10;
	_ =	sdelay $0x5  }
0x22d: {  	v11, _, _ =	vpop (xrf0)  }
0x22e: {  	(v2sf) =	vpush v11, $0xF;
	_ =	sdelay $0x8  }
0x22f: {  	v12 =	vadd.s32 s14, v8  }
0x230: {  	v10 =	vsub.s32 v12, v10  }
0x231: {  	vm1 =	veq.s32 v8, $0x1;
	v10 =	vadd.s32 v11, v10  }
0x232: {  	vm2 =	vlt.s32 v10, $0x41;
	v8 =	vadd.s32 v7, v10;
	v10 =	vadd.s32 $0x2FF, v10  }
0x233: {  	vm1 =	vmand vm2, vm1;
	vm2 =	veq.s32 v7, $0x1;
	vm3 =	vlt.s32 v8, $0x41  }
0x234: {  	v7 =	vadd.s32 $0x2FF, v8;
	v8 =	vadd.s32 v9, v8;
	vm2 =	vmand vm3, vm2  }
0x235: {  	vm3 =	veq.s32 v9, $0x1;
	vm4 =	vlt.s32 v8, $0x41;
	v9 =	vadd.s32 v6, v8;
	s18 =	spop (v2sf)  }
0x236: {  	p0 =	sgt.u32 s17, $0x1E;
	vm3 =	vmand vm4, vm3;
	vm4 =	veq.s32 v6, $0x1;
	vm15 =	vlt.s32 v9, $0x41;
	s14 =	sadd.s32 s14, s18  }
0x237: {  	v6 =	vadd.s32 $0x2FF, v8;
	vm4 =	vmand vm15, vm4;
	p1 =	slt.s32 @!p0 s14, $0x40  }
0x238: {  	v8 =	vadd.s32 $0x2FF, v9;
	p0 =	por p0, !p1  }
.Ltmp12:
0x239: {  	v9 =	vor.u32 s15, v2;
	(pc) =	sbr.rel @!p0 .LBB2_26-.Ltmp12, $4  }
0x23a: {  	[tilespmem:v10+s11+$0x0] =	vst.idx.msk vm1, v9;
	v9 =	vor.u32 s15, v3  }
0x23b: {  	[tilespmem:v7+s11+$0x0] =	vst.idx.msk vm2, v9;
	v7 =	vor.u32 s15, v4  }
0x23c: {  	[tilespmem:v6+s11+$0x0] =	vst.idx.msk vm3, v7;
	v6 =	vor.u32 s15, v5  }
0x23d: {  	s17 =	sadd.s32 $0x1, s17;
	s16 =	sadd.s32 $0x10, s16;
	s15 =	sadd.s32 $0x40, s15;
	[tilespmem:v8+s11+$0x0] =	vst.idx.msk vm4, v6  }
0x23e: {  	v7 =	vimm.s32 $0xC;
	_ =	sdelay $0x1  }
0x23f: {  	p0 =	slt.s32 s14, $0x40  }
0x240: {  	s14 =	simm.s32 @!p0 $0x40  }
0x241: {  	v6 =	vmov s14  }
0x242: {  	[tilespmem:v7+s12+$0x0] =	vst.idx.msk $0x1, v6  }
0x243: {  	v6 =	vld [tilespmem:$0x2400];
	_ =	sdelay $0x4  }
0x244: {  	v6 =	vsel vm13, $0x0, v6  }
0x245: {  	(xrf0) =	vadd.scan.msk.s32 $0xffff, v6;
	_ =	sdelay $0x5  }
0x246: {  	v6, _, _ =	vpop (xrf0)  }
0x247: {  	(v2sf) =	vpush v6, $0xF;
	_ =	sdelay $0xe  }
0x248: {  	s16 =	simm.s32 $0x1A00;
	s31 =	spop (v2sf)  }
0x249: {  	s17 =	simm.s32 $0x0;
	s14 =	simm.s32 $0x0;
	s15 =	sshll.u32 s31, $0xB  }
.LBB2_28:
0x24a: {  	v6 =	vld [tilespmem:s16+$0x0];
	_ =	sdelay $0x4  }
0x24b: {  	v7 =	vshrl.u32 v6, $0x8  }
0x24c: {  	v8 =	vand.u32 $0x1, v6;
	v9 =	vshrl.u32 v6, $0x10;
	v7 =	vand.u32 $0x1, v7  }
0x24d: {  	v6 =	vshrl.u32 v6, $0x18;
	v9 =	vand.u32 $0x1, v9;
	v10 =	vadd.s32 v8, v7  }
0x24e: {  	v6 =	vand.u32 $0x1, v6;
	v10 =	vadd.s32 v9, v10  }
0x24f: {  	v10 =	vadd.s32 v6, v10  }
0x250: {  	(xrf0) =	vadd.scan.msk.s32 $0xffff, v10;
	_ =	sdelay $0x5  }
0x251: {  	v11, _, _ =	vpop (xrf0)  }
0x252: {  	(v2sf) =	vpush v11, $0xF;
	_ =	sdelay $0x8  }
0x253: {  	v12 =	vadd.s32 s14, v8  }
0x254: {  	v10 =	vsub.s32 v12, v10  }
0x255: {  	vm1 =	veq.s32 v8, $0x1;
	v10 =	vadd.s32 v11, v10  }
0x256: {  	vm2 =	vlt.s32 v10, $0x41;
	v8 =	vadd.s32 v7, v10;
	v10 =	vadd.s32 $0x33F, v10  }
0x257: {  	vm1 =	vmand vm2, vm1;
	vm2 =	veq.s32 v7, $0x1;
	vm3 =	vlt.s32 v8, $0x41  }
0x258: {  	v7 =	vadd.s32 $0x33F, v8;
	v8 =	vadd.s32 v9, v8;
	vm2 =	vmand vm3, vm2  }
0x259: {  	vm3 =	veq.s32 v9, $0x1;
	vm4 =	vlt.s32 v8, $0x41;
	v9 =	vadd.s32 v6, v8;
	s18 =	spop (v2sf)  }
0x25a: {  	p0 =	sgt.u32 s17, $0x1E;
	vm3 =	vmand vm4, vm3;
	vm4 =	veq.s32 v6, $0x1;
	vm15 =	vlt.s32 v9, $0x41;
	s14 =	sadd.s32 s14, s18  }
0x25b: {  	v6 =	vadd.s32 $0x33F, v8;
	vm4 =	vmand vm15, vm4;
	p1 =	slt.s32 @!p0 s14, $0x40  }
0x25c: {  	v8 =	vadd.s32 $0x33F, v9;
	p0 =	por p0, !p1  }
.Ltmp13:
0x25d: {  	v9 =	vor.u32 s15, v2;
	(pc) =	sbr.rel @!p0 .LBB2_28-.Ltmp13, $4  }
0x25e: {  	[tilespmem:v10+s11+$0x0] =	vst.idx.msk vm1, v9;
	v9 =	vor.u32 s15, v3  }
0x25f: {  	[tilespmem:v7+s11+$0x0] =	vst.idx.msk vm2, v9;
	v7 =	vor.u32 s15, v4  }
0x260: {  	[tilespmem:v6+s11+$0x0] =	vst.idx.msk vm3, v7;
	v6 =	vor.u32 s15, v5  }
0x261: {  	s17 =	sadd.s32 $0x1, s17;
	s16 =	sadd.s32 $0x10, s16;
	s15 =	sadd.s32 $0x40, s15;
	[tilespmem:v8+s11+$0x0] =	vst.idx.msk vm4, v6  }
0x262: {  	v7 =	vimm.s32 $0xD;
	_ =	sdelay $0x1  }
0x263: {  	p0 =	slt.s32 s14, $0x40  }
0x264: {  	s14 =	simm.s32 @!p0 $0x40  }
0x265: {  	v6 =	vmov s14  }
0x266: {  	[tilespmem:v7+s12+$0x0] =	vst.idx.msk $0x1, v6  }
0x267: {  	v6 =	vld [tilespmem:$0x2400];
	_ =	sdelay $0x4  }
0x268: {  	v6 =	vsel vm14, $0x0, v6  }
0x269: {  	(xrf0) =	vadd.scan.msk.s32 $0xffff, v6;
	_ =	sdelay $0x5  }
0x26a: {  	v6, _, _ =	vpop (xrf0)  }
0x26b: {  	(v2sf) =	vpush v6, $0xF;
	_ =	sdelay $0xe  }
0x26c: {  	s16 =	simm.s32 $0x1C00;
	s31 =	spop (v2sf)  }
0x26d: {  	s17 =	simm.s32 $0x0;
	s14 =	simm.s32 $0x0;
	s15 =	sshll.u32 s31, $0xB  }
.LBB2_30:
0x26e: {  	v6 =	vld [tilespmem:s16+$0x0];
	_ =	sdelay $0x4  }
0x26f: {  	v7 =	vshrl.u32 v6, $0x8  }
0x270: {  	v8 =	vand.u32 $0x1, v6;
	v9 =	vshrl.u32 v6, $0x10;
	v7 =	vand.u32 $0x1, v7  }
0x271: {  	v6 =	vshrl.u32 v6, $0x18;
	v9 =	vand.u32 $0x1, v9;
	v10 =	vadd.s32 v8, v7  }
0x272: {  	v6 =	vand.u32 $0x1, v6;
	v10 =	vadd.s32 v9, v10  }
0x273: {  	v10 =	vadd.s32 v6, v10  }
0x274: {  	(xrf0) =	vadd.scan.msk.s32 $0xffff, v10;
	_ =	sdelay $0x5  }
0x275: {  	v11, _, _ =	vpop (xrf0)  }
0x276: {  	(v2sf) =	vpush v11, $0xF;
	_ =	sdelay $0x8  }
0x277: {  	v12 =	vadd.s32 s14, v8  }
0x278: {  	v10 =	vsub.s32 v12, v10  }
0x279: {  	vm1 =	veq.s32 v8, $0x1;
	v10 =	vadd.s32 v11, v10  }
0x27a: {  	vm2 =	vlt.s32 v10, $0x41;
	v8 =	vadd.s32 v7, v10;
	v10 =	vadd.s32 $0x37F, v10  }
0x27b: {  	vm1 =	vmand vm2, vm1;
	vm2 =	veq.s32 v7, $0x1;
	vm3 =	vlt.s32 v8, $0x41  }
0x27c: {  	v7 =	vadd.s32 $0x37F, v8;
	v8 =	vadd.s32 v9, v8;
	vm2 =	vmand vm3, vm2  }
0x27d: {  	vm3 =	veq.s32 v9, $0x1;
	vm4 =	vlt.s32 v8, $0x41;
	v9 =	vadd.s32 v6, v8;
	s18 =	spop (v2sf)  }
0x27e: {  	p0 =	sgt.u32 s17, $0x1E;
	vm3 =	vmand vm4, vm3;
	vm4 =	veq.s32 v6, $0x1;
	vm15 =	vlt.s32 v9, $0x41;
	s14 =	sadd.s32 s14, s18  }
0x27f: {  	v6 =	vadd.s32 $0x37F, v8;
	vm4 =	vmand vm15, vm4;
	p1 =	slt.s32 @!p0 s14, $0x40  }
0x280: {  	v8 =	vadd.s32 $0x37F, v9;
	p0 =	por p0, !p1  }
.Ltmp14:
0x281: {  	v9 =	vor.u32 s15, v2;
	(pc) =	sbr.rel @!p0 .LBB2_30-.Ltmp14, $4  }
0x282: {  	[tilespmem:v10+s11+$0x0] =	vst.idx.msk vm1, v9;
	v9 =	vor.u32 s15, v3  }
0x283: {  	[tilespmem:v7+s11+$0x0] =	vst.idx.msk vm2, v9;
	v7 =	vor.u32 s15, v4  }
0x284: {  	[tilespmem:v6+s11+$0x0] =	vst.idx.msk vm3, v7;
	v6 =	vor.u32 s15, v5  }
0x285: {  	s17 =	sadd.s32 $0x1, s17;
	s16 =	sadd.s32 $0x10, s16;
	s15 =	sadd.s32 $0x40, s15;
	[tilespmem:v8+s11+$0x0] =	vst.idx.msk vm4, v6  }
0x286: {  	v7 =	vimm.s32 $0xE;
	_ =	sdelay $0x1  }
0x287: {  	p0 =	slt.s32 s14, $0x40  }
0x288: {  	s14 =	simm.s32 @!p0 $0x40  }
0x289: {  	v6 =	vmov s14  }
0x28a: {  	[tilespmem:v7+s12+$0x0] =	vst.idx.msk $0x1, v6  }
0x28b: {  	v6 =	vld [tilespmem:$0x2400];
	_ =	sdelay $0x3  }
0x28c: {  	vm1 =	vmmov $0x7fff  }
0x28d: {  	v6 =	vsel vm1, $0x0, v6  }
0x28e: {  	(xrf0) =	vadd.scan.msk.s32 $0xffff, v6;
	_ =	sdelay $0x5  }
0x28f: {  	v6, _, _ =	vpop (xrf0)  }
0x290: {  	(v2sf) =	vpush v6, $0xF;
	_ =	sdelay $0xe  }
0x291: {  	s16 =	simm.s32 $0x1E00;
	s31 =	spop (v2sf)  }
0x292: {  	s17 =	simm.s32 $0x0;
	s14 =	simm.s32 $0x0;
	s15 =	sshll.u32 s31, $0xB  }
.LBB2_32:
0x293: {  	v6 =	vld [tilespmem:s16+$0x0];
	_ =	sdelay $0x4  }
0x294: {  	v7 =	vshrl.u32 v6, $0x8  }
0x295: {  	v8 =	vand.u32 $0x1, v6;
	v9 =	vshrl.u32 v6, $0x10;
	v7 =	vand.u32 $0x1, v7  }
0x296: {  	v6 =	vshrl.u32 v6, $0x18;
	v9 =	vand.u32 $0x1, v9;
	v10 =	vadd.s32 v8, v7  }
0x297: {  	v6 =	vand.u32 $0x1, v6;
	v10 =	vadd.s32 v9, v10  }
0x298: {  	v10 =	vadd.s32 v6, v10  }
0x299: {  	(xrf0) =	vadd.scan.msk.s32 $0xffff, v10;
	_ =	sdelay $0x5  }
0x29a: {  	v11, _, _ =	vpop (xrf0)  }
0x29b: {  	(v2sf) =	vpush v11, $0xF;
	_ =	sdelay $0x8  }
0x29c: {  	v12 =	vadd.s32 s14, v8  }
0x29d: {  	v10 =	vsub.s32 v12, v10  }
0x29e: {  	vm1 =	veq.s32 v8, $0x1;
	v10 =	vadd.s32 v11, v10  }
0x29f: {  	vm2 =	vlt.s32 v10, $0x41;
	v8 =	vadd.s32 v7, v10;
	v10 =	vadd.s32 $0x3BF, v10  }
0x2a0: {  	vm1 =	vmand vm2, vm1;
	vm2 =	veq.s32 v7, $0x1;
	vm3 =	vlt.s32 v8, $0x41  }
0x2a1: {  	v7 =	vadd.s32 $0x3BF, v8;
	v8 =	vadd.s32 v9, v8;
	vm2 =	vmand vm3, vm2  }
0x2a2: {  	vm3 =	veq.s32 v9, $0x1;
	vm4 =	vlt.s32 v8, $0x41;
	v9 =	vadd.s32 v6, v8;
	s18 =	spop (v2sf)  }
0x2a3: {  	p0 =	sgt.u32 s17, $0x1E;
	vm3 =	vmand vm4, vm3;
	vm4 =	veq.s32 v6, $0x1;
	vm15 =	vlt.s32 v9, $0x41;
	s14 =	sadd.s32 s14, s18  }
0x2a4: {  	v6 =	vadd.s32 $0x3BF, v8;
	vm4 =	vmand vm15, vm4;
	p1 =	slt.s32 @!p0 s14, $0x40  }
0x2a5: {  	v8 =	vadd.s32 $0x3BF, v9;
	p0 =	por p0, !p1  }
.Ltmp15:
0x2a6: {  	v9 =	vor.u32 s15, v2;
	(pc) =	sbr.rel @!p0 .LBB2_32-.Ltmp15, $4  }
0x2a7: {  	[tilespmem:v10+s11+$0x0] =	vst.idx.msk vm1, v9;
	v9 =	vor.u32 s15, v3  }
0x2a8: {  	[tilespmem:v7+s11+$0x0] =	vst.idx.msk vm2, v9;
	v7 =	vor.u32 s15, v4  }
0x2a9: {  	[tilespmem:v6+s11+$0x0] =	vst.idx.msk vm3, v7;
	v6 =	vor.u32 s15, v5  }
0x2aa: {  	s17 =	sadd.s32 $0x1, s17;
	s16 =	sadd.s32 $0x10, s16;
	s15 =	sadd.s32 $0x40, s15;
	[tilespmem:v8+s11+$0x0] =	vst.idx.msk vm4, v6  }
0x2ab: {  	v3 =	vimm.s32 $0xF;
	_ =	sdelay $0x1  }
0x2ac: {  	p0 =	slt.s32 s14, $0x40  }
0x2ad: {  	s14 =	simm.s32 @!p0 $0x40  }
0x2ae: {  	v2 =	vmov s14  }
0x2af: {  	[tilespmem:v3+s12+$0x0] =	vst.idx.msk $0x1, v2  }
0x2b0: {  	[hbm4b:s5+s2] =	stream.linear.scatter [tilespmem:s12], [sflag:$0x2], $0x10, $0x38;
	[tilespmem:$0x2420] =	vst v63  }
0x2b1: {  	s13 =	sadd.s32 $0x1, s13;
	_ =	swait.ge [sflag:s9], $0x10  }
0x2b2: {  	p0 =	sne.s32 s13, s7;
	[sflag:s9] =	ssyncset.done $0x0  }
.Ltmp16:
0x2b3: {  	[sflag:s9] =	ssyncadd.s32 $0xFFFFFFF0;
	(pc) =	sbr.rel @p0 .LBB2_1-.Ltmp16, $4  }
0x2b4: {  	[hbm4b:s6+s2] =	stream.linear.scatter [tilespmem:s11], [sflag:$0x2], $0x400, $0x38;
	[tilespmem:$0x2420] =	vst v63  }
0x2b5: {  	_ =	swait.ge [sflag:s9], $0x400  }
0x2b6: {  	[sflag:s9] =	ssyncset.done $0x0  }
0x2b7: {  	[sflag:s9] =	ssyncadd.s32 $0xFFFFFC00  }
0x2b8: {  	_ =	sfence.sel $0x180000  }
0x2b9: {  	[bflag:$0x0] =	sbarrier.arrive $0xFFFF  }
0x2ba: {  	p0 =	sne.s32 s0, $0x0;
	_ =	strace $0x90000047  }
0x2bb: {  	s0 =	sadd.s32 @!p0 $0x100000, s1;
	[bflag:$0x2] =	sbarrier.arrive $0xFFFF  }
0x2bc: {  	[sflag:s0] =	ssyncadd.tile.s32 @!p0 $0x1;
	_ =	shalt  }
.Lfunc_end2:
_tile_overlayer_lowered:
.L_overlay_start_2:
0x2bd: {  	(tag) =	ssettag $0x2  }
0x2be: {  	s0 =	rddreg [dreg:$0x0];
	s2 =	stileid.u32  }
0x2bf: {  	s1 =	rddreg [dreg:$0x1];
	p0 =	sne.s32 s2, $0x0  }
0x2c0: {  	s3 =	rddreg [dreg:$0x2];
	[bflag:$0x3] =	sbarrier.arrive $0xFFFF;
	s2 =	simm.s32 @!p0 $0x1C02  }
0x2c1: {  	[timem:s3], [sflag:s2] =	dma.local @!p0 [hbm:s0], s1  }
0x2c2: {  	s0 =	simm.s32 @!p0 $0x2  }
0x2c3: {  	_ =	swait.ge @!p0 [sflag:s0], s1  }
0x2c4: {  	s1 =	ssub.s32 @!p0 $0x0, s1;
	[sflag:s0] =	ssyncset.done @!p0 $0x0  }
0x2c5: {  	[sflag:s0] =	ssyncadd.s32 @!p0 s1  }
0x2c6: {  	[bflag:$0x3] =	sbarrier.arrive $0xFFFF  }
0x2c7: {  	_ =	shalt  }

// kernel: kernel.8.cloned.1.call-start
scs
__scs_entry_jumppad:
0x0: {  	(pc) =	sbr.rel $0x88, $3  }
0x1: {  	(tag) =	ssettag $0x0;
	lr =	simm.s32 $0x1  }
0x2: {  	[smem:$0x3F98] =	sst lr;
	_ =	strace $0xD0000000  }
0x3: {  	_ = 	snop  }
0x4: {  	_ = 	snop  }
0x5: {  	_ = 	snop  }
0x6: {  	_ = 	snop  }
0x7: {  	_ = 	snop  }
__scs_overlays_trampoline_lowered:
0x8: {  	[smem:$0x3FA7] =	sst s0  }
0x9: {  	[smem:$0x3FA8] =	sst s1  }
0xa: {  	[smem:$0x3FA9] =	sst s2  }
0xb: {  	[smem:$0x3FAA] =	sst s3  }
0xc: {  	[smem:$0x3FAB] =	sst s4  }
0xd: {  	[smem:$0x3FAC] =	sst s5  }
0xe: {  	[smem:$0x3FAD] =	sst s6  }
0xf: {  	[smem:$0x3FAE] =	sst s7  }
0x10: {  	[smem:$0x3FAF] =	sst s8  }
0x11: {  	[smem:$0x3FB0] =	sst s9;
	s0 =	simm.s32 @!p0 $0x0  }
0x12: {  	s1 =	sld [smem:$0x3F96];
	s0 =	simm.s32 @p0 $0x1  }
0x13: {  	[smem:$0x3FB1] =	sst s0;
	s0 =	simm.s32 @!p1 $0x0  }
0x14: {  	s2 =	sld [smem:$0x3F95];
	s0 =	simm.s32 @p1 $0x1  }
0x15: {  	[smem:$0x3FB2] =	sst s0;
	s0 =	simm.s32 @!p2 $0x0  }
0x16: {  	s3 =	sld [smem:$0x3FDB];
	s0 =	simm.s32 @p2 $0x1  }
0x17: {  	s4 =	simm.s32 $0x1BF5;
	[smem:$0x3FB4] =	sst s0  }
0x18: {  	s0 =	sld [smem:$0x3F97];
	_ =	swait.ge [sflag:s4], $0x0  }
0x19: {  	s7 =	sld [smem:$0x3F98]  }
0x1a: {  	s8 =	sadd.s32 $0xFFFFE003, lr  }
0x1b: {  	s9 =	sadd.s32 $0xFFFFFEF7, lr;
	s5 =	simm.s32 $0xFFFFFFFF;
	p2 =	slt.u32 s8, $0xFFFFF086  }
0x1c: {  	p1 =	slt.u32 s9, $0xF7A;
	s5 =	simm.s32 @!p2 $0x0  }
0x1d: {  	s5 =	simm.s32 @p1 $0x1;
	p0 =	seq.s32 s7, s2  }
0x1e: {  	s7 =	smul.u32 @!p0 $0xF7A, s2;
	p2 =	seq.s32 @!p0 s5, $0x0  }
0x1f: {  	s9 =	smul.u32 $0xF7A, s1;
	s8 =	simm.s32 @!p0 $0x1BF5;
	p2 =	por !p2, p0  }
0x20: {  	[sflag:s8] =	ssyncset.s32 @!p0 $0xFFFFF086;
	s6 =	sadd.s32 @!p0 s3, s7;
	s7 =	simm.s32 @!p0 $0x108  }
0x21: {  	s3 =	sadd.s32 s3, s9;
	s6 =	sadd.s32 @!p0 $0x88, s6;
	s7 =	simm.s32 @p2 $0x1082  }
0x22: {  	[simem:s7], [sflag:s8] =	dma.local @!p0 [hbm:s6], $0xF7A  }
0x23: {  	s9 =	sor.u32 $0xD0000000, s2;
	s6 =	simm.s32 $0x108;
	_ =	swait.ge @!p0 [sflag:s8], $0x0  }
0x24: {  	s3 =	sadd.s32 $0x88, s3;
	s6 =	simm.s32 @!p1 $0x1082;
	[sflag:s4] =	ssyncset.s32 $0xFFFFF086  }
0x25: {  	[simem:s6], [sflag:s4] =	dma.local [hbm:s3], $0xF7A  }
0x26: {  	[smem:$0x3F98] =	sst s1;
	(tag) =	ssettag s2;
	_ =	strace s9  }
0x27: {  	s1 =	sld [smem:$0x3FA8]  }
0x28: {  	s2 =	sld [smem:$0x3FA9]  }
0x29: {  	s4 =	sld [smem:$0x3FAB]  }
0x2a: {  	p0 =	seq.s32 s5, $0x0;
	s5 =	sld [smem:$0x3FAC]  }
0x2b: {  	s6 =	sld [smem:$0x3FAD]  }
0x2c: {  	s7 =	sld [smem:$0x3FAE]  }
0x2d: {  	s3 =	simm.s32 $0x108;
	s8 =	sld [smem:$0x3FAF]  }
0x2e: {  	s3 =	simm.s32 @!p0 $0x1082;
	s9 =	sld [smem:$0x3FB0]  }
0x2f: {  	lr =	sadd.s32 s0, s3;
	s0 =	sld [smem:$0x3FA7]  }
0x30: {  	s3 =	sld [smem:$0x3FAA]  }
0x31: {  	[smem:$0x3FB3] =	sst s10  }
0x32: {  	s10 =	sld [smem:$0x3FB1];
	_ =	sdelay $0x3  }
0x33: {  	p0 =	seq.s32 s10, $0x1;
	s10 =	sld [smem:$0x3FB3];
	_ =	sdelay $0x3  }
0x34: {  	[smem:$0x3FB3] =	sst s10  }
0x35: {  	s10 =	sld [smem:$0x3FB2];
	_ =	sdelay $0x3  }
0x36: {  	p1 =	seq.s32 s10, $0x1;
	s10 =	sld [smem:$0x3FB3];
	_ =	sdelay $0x3  }
0x37: {  	[smem:$0x3FB3] =	sst s10  }
0x38: {  	s10 =	sld [smem:$0x3FB4]  }
0x39: {  	_ = 	snop;
	(pc) =	sbr.ind lr, $3  }
0x3a: {  	_ = 	snop  }
0x3b: {  	_ = 	snop  }
0x3c: {  	p2 =	seq.s32 s10, $0x1;
	s10 =	sld [smem:$0x3FB3]  }
0x3d: {  	_ =	shalt  }
0x3e: {  	_ =	shalt  }
0x3f: {  	_ =	shalt  }
0x40: {  	_ =	shalt  }
0x41: {  	_ =	shalt  }
0x42: {  	_ =	shalt  }
0x43: {  	_ =	shalt  }
0x44: {  	_ =	shalt  }
0x45: {  	_ =	shalt  }
0x46: {  	_ =	shalt  }
0x47: {  	_ =	shalt  }
0x48: {  	_ =	shalt  }
0x49: {  	_ =	shalt  }
0x4a: {  	_ =	shalt  }
0x4b: {  	_ =	shalt  }
0x4c: {  	_ =	shalt  }
0x4d: {  	_ =	shalt  }
0x4e: {  	_ =	shalt  }
0x4f: {  	_ =	shalt  }
0x50: {  	_ =	shalt  }
0x51: {  	_ =	shalt  }
0x52: {  	_ =	shalt  }
0x53: {  	_ =	shalt  }
0x54: {  	_ =	shalt  }
0x55: {  	_ =	shalt  }
0x56: {  	_ =	shalt  }
0x57: {  	_ =	shalt  }
0x58: {  	_ =	shalt  }
0x59: {  	_ =	shalt  }
0x5a: {  	_ =	shalt  }
0x5b: {  	_ =	shalt  }
0x5c: {  	_ =	shalt  }
0x5d: {  	_ =	shalt  }
0x5e: {  	_ =	shalt  }
0x5f: {  	_ =	shalt  }
0x60: {  	_ =	shalt  }
0x61: {  	_ =	shalt  }
0x62: {  	_ =	shalt  }
0x63: {  	_ =	shalt  }
0x64: {  	_ =	shalt  }
0x65: {  	_ =	shalt  }
0x66: {  	_ =	shalt  }
0x67: {  	_ =	shalt  }
0x68: {  	_ =	shalt  }
0x69: {  	_ =	shalt  }
0x6a: {  	_ =	shalt  }
0x6b: {  	_ =	shalt  }
0x6c: {  	_ =	shalt  }
0x6d: {  	_ =	shalt  }
0x6e: {  	_ =	shalt  }
0x6f: {  	_ =	shalt  }
0x70: {  	_ =	shalt  }
0x71: {  	_ =	shalt  }
0x72: {  	_ =	shalt  }
0x73: {  	_ =	shalt  }
0x74: {  	_ =	shalt  }
0x75: {  	_ =	shalt  }
0x76: {  	_ =	shalt  }
0x77: {  	_ =	shalt  }
0x78: {  	_ =	shalt  }
0x79: {  	_ =	shalt  }
0x7a: {  	_ =	shalt  }
0x7b: {  	_ =	shalt  }
0x7c: {  	_ =	shalt  }
0x7d: {  	_ =	shalt  }
0x7e: {  	_ =	shalt  }
0x7f: {  	_ =	shalt  }
0x80: {  	_ =	shalt  }
0x81: {  	_ =	shalt  }
0x82: {  	_ =	shalt  }
0x83: {  	_ =	shalt  }
0x84: {  	_ =	shalt  }
0x85: {  	_ =	shalt  }
0x86: {  	_ =	shalt  }
0x87: {  	_ =	shalt  }
.Lfunc_end0:
.L_simem_size_0:
called_computation.1_lowered:
.L_overlay_start_0:
0x88: {  	s2 =	sld [smem:$0x3FD9]  }
0x89: {  	s3 =	sld [smem:$0x3FFE];
	_ =	sdelay $0x1  }
0x8a: {  	s1 =	srdreg.scid  }
0x8b: {  	s0 =	sand.u32 $0x1, s1  }
0x8c: {  	s16 =	sshll.u32 s0, $0xA;
	s2 =	sadd.s32 s3, s2  }
0x8d: {  	s2 =	sadd.s32 s2, s16  }
0x8e: {  	[smem:$0x3FBF] =	sst s2  }
0x8f: {  	_ = 	snop  }
0x90: {  	(tm) =	ssettm $0x1  }
0x91: {  	s17 =	sld [smem:$0x3FFB];
	_ =	sdelay $0x3  }
0x92: {  	_ =	strace s17  }
0x93: {  	s2 =	sld [smem:$0x3FFC];
	_ =	sdelay $0x3  }
0x94: {  	_ =	strace s2  }
0x95: {  	s2 =	sld [smem:$0x3FFD];
	_ =	sdelay $0x3  }
0x96: {  	_ =	strace s2  }
0x97: {  	_ =	strace $0x8FFFFFFF  }
0x98: {  	s18 =	sld [smem:$0x3FDB];
	_ =	sdelay $0x1  }
0x99: {  	s19 =	simm.s32 $_scs_section_size  }
0x9a: {  	s4 =	simm.s32 $_size__tile_overlayer_lowered;
	s5 =	simm.s32 $_tile_overlayer_lowered  }
0x9b: {  	s22 =	simm.s32 $0x1BFF;
	s21 =	sshll.u32 s5, $0x1;
	s2 =	sadd.s32 s19, s18  }
0x9c: {  	s6 =	simm.s32 $0x0;
	s20 =	sshll.u32 s4, $0x1;
	s4 =	sadd.s32 s21, s2  }
0x9d: {  	[timem:s6], [sflag:s22] =	dma.local [hbm:s4], s20  }
0x9e: {  	_ =	swait.ge [sflag:s22], s20  }
0x9f: {  	s3 =	ssub.s32 $0x0, s20;
	[sflag:s22] =	ssyncset.done $0x0  }
0xa0: {  	[sflag:s22] =	ssyncadd.s32 s3;
	_ =	sdelay $0x1  }
0xa1: {  	s23 =	simm.s32 $0x1B8B  }
0xa2: {  	_ =	swait.ge [sflag:s23], $0x1  }
0xa3: {  	[sflag:s23] =	ssyncset.done $0x0  }
0xa4: {  	s25 =	simm.s32 $0x1B8E;
	s24 =	sld [smem:$0x3FFE];
	[sflag:s23] =	ssyncadd.s32 $0xFFFFFFFF  }
0xa5: {  	s26 =	simm.s32 $execute0_lowered;
	[smem:$0x3FD2] =	sst s25  }
0xa6: {  	s4 =	sshll.u32 s26, $0x1;
	_ =	strace $0x80000049;
	[dreg:$0x1] =	wrdreg $0xFFFFFFFF  }
0xa7: {  	s28 =	simm.s32 $_size_execute0_lowered;
	s2 =	sadd.s32 s2, s4;
	[dreg:$0x0] =	wrdreg $0x0  }
0xa8: {  	s4 =	sshll.u32 s28, $0x1;
	[dreg:$0x2] =	wrdreg s2  }
0xa9: {  	[dreg:$0x3] =	wrdreg s4  }
0xaa: {  	[dreg:$0x4] =	wrdreg $0xC0  }
0xab: {  	_ =	task [dreg:s6], $0x5FFFF  }
0xac: {  	[dreg:$0x1] =	wrdreg $0xFFFFFFFF  }
0xad: {  	[dreg:$0x0] =	wrdreg $0x60  }
0xae: {  	[dreg:$0x2] =	wrdreg s24  }
0xaf: {  	[dreg:$0x3] =	wrdreg $0x9  }
0xb0: {  	_ =	task.clear_ibuf [dreg:s6], $0x4FFFF;
	_ =	strace $0x90000049  }
0xb1: {  	s29 =	simm.s32 $0x9;
	_ =	strace $0x8000004B  }
0xb2: {  	_ =	swait.ge [sflag:s29], $0x1  }
0xb3: {  	[sflag:s29] =	ssyncadd.s32 $0xFFFFFFFF  }
0xb4: {  	_ =	strace $0x9000004B  }
0xb5: {  	_ =	sfence  }
0xb6: {  	s30 =	sld [smem:$0x0];
	_ =	sdelay $0x2  }
0xb7: {  	s31 =	sshll.u32 s1, $0xD;
	s1 =	sshrl.u32 s1, $0x2  }
0xb8: {  	s3 =	sand.u32 $0x4000, s31;
	s1 =	sadd.s32 s1, s30  }
0xb9: {  	s0 =	sor.u32 s3, s0;
	s1 =	sshll.u32 s1, $0x11  }
0xba: {  	s0 =	sor.u32 s1, s0  }
0xbb: {  	s0 =	sadd.s32 $0x8F2B, s0  }
0xbc: {  	[sflag:s0] =	ssyncadd.remote.s32 $0x1  }
0xbd: {  	_ =	sfence.sel $0xFFFF  }
0xbe: {  	[dreg:$0x0] =	wrdreg $0xFFFFFFFF;
	(pc) =	sbr.abs _section_cstart, $3  }
0xbf: {  	[dreg:$0x1] =	wrdreg $0xFFFFFFFF  }
0xc0: {  	_ =	task.clear_ibuf [dreg:s6], $0x2FFFF;
	_ =	strace $0x9FFFFFFF  }
0xc1: {  	(tm) =	ssettm $0x7FFFFFFF  }
tec
execute0_lowered:
.L_overlay_start_1:
0x0: {  	(tag) =	ssettag $0x1  }
0x1: {  	s1 =	srdreg.scid  }
0x2: {  	s0 =	stileid.u32;
	s3 =	rddreg [dreg:$0x0];
	s2 =	simm.s32 $0x0  }
0x3: {  	s23 =	simm.s32 $0x3;
	s22 =	simm.s32 $0x80;
	s21 =	simm.s32 $0x400  }
0x4: {  	s20 =	simm.s32 $0x2400;
	s24 =	simm.s32 $0x100;
	s19 =	simm.s32 $0x4400  }
0x5: {  	s25 =	simm.s32 $0x180;
	s18 =	simm.s32 $0x6400;
	s17 =	simm.s32 $0x8400  }
0x6: {  	s28 =	simm.s32 $0x280;
	s14 =	simm.s32 $0xA400;
	s29 =	simm.s32 $0x300  }
0x7: {  	p0 =	por $0x0, $0x0;
	s15 =	simm.s32 $0xC400;
	s30 =	simm.s32 $0x380  }
0x8: {  	s12 =	simm.s32 $0xE400;
	s16 =	simm.s32 $0x1;
	s1 =	sand.u32 $0x1, s1  }
0x9: {  	s4 =	sshll.u32 s0, $0xB;
	s5 =	sshll.u32 s1, $0xA;
	s1 =	ssub.s32 $0x2, s1  }
0xa: {  	[smem:$0x7FF] =	sst s2;
	s10 =	sadd.s32 $0xAC00, s3;
	s26 =	sshrl.u32 s1, $0x1  }
0xb: {  	_ =	strace $0x8000004A;
	s4 =	sor.u32 s5, s4;
	s1 =	ssub.s32 s1, s26  }
0xc: {  	s5 =	sshrl.u32 s4, $0x3;
	s4 =	sshll.u32 s4, $0x3;
	s1 =	smax.u32 s1, $0x1  }
0xd: {  	s26 =	simm.s32 $0x200;
	s5 =	sadd.s32 s5, s3;
	p1 =	sne.s32 s1, $0x1  }
.Ltmp0:
0xe: {  	s3 =	sadd.s32 s4, s3;
	s5 =	sadd.s32 $0x9C00, s5;
	(pc) =	sbr.rel @!p1 .LBB2_3-.Ltmp0, $4  }
0xf: {  	s13 =	sadd.s32 $0x4AC00, s3;
	s11 =	sadd.s32 $0x4B000, s3;
	s9 =	sadd.s32 $0x4B400, s3  }
0x10: {  	s8 =	sadd.s32 $0x4B800, s3;
	s7 =	sadd.s32 $0x4BC00, s3;
	s6 =	sadd.s32 $0x4C000, s3  }
0x11: {  	s4 =	sadd.s32 $0x4C800, s3;
	s31 =	sadd.s32 $0xFFFFFFFF, s1;
	[dreg:$0x2] =	wrdreg s5  }
0x12: {  	s5 =	sadd.s32 $0x4C400, s3;
	s3 =	simm.s32 $0x2;
	s1 =	rddreg [dreg:$0x2]  }
0x13: {  	[tilespmem:s2], [sflag:$0x3] =	stream.linear.gather [hbm4b:s1+s2], $0x400, $0x38;
	[tilespmem:$0x10400] =	vst v63  }
0x14: {  	_ =	swait.ge [sflag:s23], $0x400  }
0x15: {  	[sflag:s23] =	ssyncset.done $0x0  }
0x16: {  	[sflag:s23] =	ssyncadd.s32 $0xFFFFFC00  }
0x17: {  	[tilespmem:s21], [sflag:$0x1] =	stream.indirect.gather [hbm4b:s10+s22], $0x40, s2, s22, $0xb8;
	[tilespmem:$0x10400] =	vst v63  }
0x18: {  	_ = 	snop  }
0x19: {  	[tilespmem:s20], [sflag:$0x1] =	stream.indirect.gather [hbm4b:s10+s22], $0x40, s22, s22, $0xb8;
	[tilespmem:$0x10400] =	vst v63  }
0x1a: {  	_ = 	snop  }
0x1b: {  	[tilespmem:s19], [sflag:$0x1] =	stream.indirect.gather [hbm4b:s10+s22], $0x40, s24, s22, $0xb8;
	[tilespmem:$0x10400] =	vst v63  }
0x1c: {  	_ = 	snop  }
0x1d: {  	[tilespmem:s18], [sflag:$0x1] =	stream.indirect.gather [hbm4b:s10+s22], $0x40, s25, s22, $0xb8;
	[tilespmem:$0x10400] =	vst v63  }
0x1e: {  	_ = 	snop  }
0x1f: {  	[tilespmem:s17], [sflag:$0x1] =	stream.indirect.gather [hbm4b:s10+s22], $0x40, s26, s22, $0xb8;
	[tilespmem:$0x10400] =	vst v63  }
0x20: {  	_ = 	snop  }
0x21: {  	[tilespmem:s14], [sflag:$0x1] =	stream.indirect.gather [hbm4b:s10+s22], $0x40, s28, s22, $0xb8;
	[tilespmem:$0x10400] =	vst v63  }
0x22: {  	_ = 	snop  }
0x23: {  	[tilespmem:s15], [sflag:$0x1] =	stream.indirect.gather [hbm4b:s10+s22], $0x40, s29, s22, $0xb8;
	[tilespmem:$0x10400] =	vst v63  }
0x24: {  	_ = 	snop  }
0x25: {  	[tilespmem:s12], [sflag:$0x1] =	stream.indirect.gather [hbm4b:s10+s22], $0x40, s30, s22, $0xb8;
	[tilespmem:$0x10400] =	vst v63  }
0x26: {  	_ =	swait.ge [sflag:s16], $0x2000  }
0x27: {  	[sflag:s16] =	ssyncset.done $0x0  }
0x28: {  	[sflag:s16] =	ssyncadd.s32 $0xFFFFE000  }
0x29: {  	[hbm4b:s13+s2] =	stream.linear.scatter [tilespmem:s21], [sflag:$0x2], $0x2000, $0x38;
	[tilespmem:$0x10400] =	vst v63  }
0x2a: {  	_ =	swait.ge [sflag:s16], $0x2000  }
0x2b: {  	[sflag:s16] =	ssyncset.done $0x0  }
0x2c: {  	[sflag:s16] =	ssyncadd.s32 $0xFFFFE000  }
0x2d: {  	[hbm4b:s11+s2] =	stream.linear.scatter [tilespmem:s20], [sflag:$0x2], $0x2000, $0x38;
	[tilespmem:$0x10400] =	vst v63  }
0x2e: {  	_ =	swait.ge [sflag:s16], $0x2000  }
0x2f: {  	[sflag:s16] =	ssyncset.done $0x0  }
0x30: {  	[sflag:s16] =	ssyncadd.s32 $0xFFFFE000  }
0x31: {  	[hbm4b:s9+s2] =	stream.linear.scatter [tilespmem:s19], [sflag:$0x2], $0x2000, $0x38;
	[tilespmem:$0x10400] =	vst v63  }
0x32: {  	_ =	swait.ge [sflag:s16], $0x2000  }
0x33: {  	[sflag:s16] =	ssyncset.done $0x0  }
0x34: {  	[sflag:s16] =	ssyncadd.s32 $0xFFFFE000  }
0x35: {  	[hbm4b:s8+s2] =	stream.linear.scatter [tilespmem:s18], [sflag:$0x2], $0x2000, $0x38;
	[tilespmem:$0x10400] =	vst v63  }
0x36: {  	_ =	swait.ge [sflag:s16], $0x2000  }
0x37: {  	[sflag:s16] =	ssyncset.done $0x0  }
0x38: {  	[sflag:s16] =	ssyncadd.s32 $0xFFFFE000  }
0x39: {  	[hbm4b:s7+s2] =	stream.linear.scatter [tilespmem:s17], [sflag:$0x2], $0x2000, $0x38;
	[tilespmem:$0x10400] =	vst v63  }
0x3a: {  	_ =	swait.ge [sflag:s16], $0x2000  }
0x3b: {  	[sflag:s16] =	ssyncset.done $0x0  }
0x3c: {  	[sflag:s16] =	ssyncadd.s32 $0xFFFFE000  }
0x3d: {  	[hbm4b:s6+s2] =	stream.linear.scatter [tilespmem:s14], [sflag:$0x2], $0x2000, $0x38;
	[tilespmem:$0x10400] =	vst v63  }
0x3e: {  	_ =	swait.ge [sflag:s16], $0x2000  }
0x3f: {  	[sflag:s16] =	ssyncset.done $0x0  }
0x40: {  	[sflag:s16] =	ssyncadd.s32 $0xFFFFE000  }
0x41: {  	[hbm4b:s5+s2] =	stream.linear.scatter [tilespmem:s15], [sflag:$0x2], $0x2000, $0x38;
	[tilespmem:$0x10400] =	vst v63  }
0x42: {  	_ =	swait.ge [sflag:s16], $0x2000  }
0x43: {  	[sflag:s16] =	ssyncset.done $0x0  }
0x44: {  	[sflag:s16] =	ssyncadd.s32 $0xFFFFE000  }
0x45: {  	[hbm4b:s4+s2] =	stream.linear.scatter [tilespmem:s12], [sflag:$0x2], $0x2000, $0x38;
	[tilespmem:$0x10400] =	vst v63  }
0x46: {  	_ =	swait.ge [sflag:s3], $0x2000  }
0x47: {  	[sflag:s3] =	ssyncset.done $0x0  }
0x48: {  	[sflag:s3] =	ssyncadd.s32 $0xFFFFE000  }
0x49: {  	_ =	swait.ge [sflag:s3], $0x2000  }
0x4a: {  	[sflag:s3] =	ssyncset.done $0x0  }
0x4b: {  	[sflag:s3] =	ssyncadd.s32 $0xFFFFE000  }
0x4c: {  	_ =	swait.ge [sflag:s3], $0x2000  }
0x4d: {  	[sflag:s3] =	ssyncset.done $0x0  }
0x4e: {  	[sflag:s3] =	ssyncadd.s32 $0xFFFFE000  }
0x4f: {  	_ =	swait.ge [sflag:s3], $0x2000  }
0x50: {  	[sflag:s3] =	ssyncset.done $0x0  }
0x51: {  	[sflag:s3] =	ssyncadd.s32 $0xFFFFE000  }
0x52: {  	_ =	swait.ge [sflag:s3], $0x2000  }
0x53: {  	[sflag:s3] =	ssyncset.done $0x0  }
0x54: {  	[sflag:s3] =	ssyncadd.s32 $0xFFFFE000  }
0x55: {  	_ =	swait.ge [sflag:s3], $0x2000  }
0x56: {  	[sflag:s3] =	ssyncset.done $0x0  }
0x57: {  	p1 =	sne.s32 s31, $0x1;
	[sflag:s3] =	ssyncadd.s32 $0xFFFFE000  }
.Ltmp1:
0x58: {  	_ =	swait.ge [sflag:s3], $0x2000;
	(pc) =	sbr.rel @!p1 .LBB2_3-.Ltmp1, $4  }
0x59: {  	[sflag:s3] =	ssyncset.done $0x0  }
0x5a: {  	[sflag:s3] =	ssyncadd.s32 $0xFFFFE000  }
0x5b: {  	s31 =	sadd.s32 $0xFFFFFFFF, s31;
	_ =	swait.ge [sflag:s3], $0x2000  }
0x5c: {  	p0 =	por $0x1, $0x1;
	s1 =	rddreg [dreg:$0x2];
	[sflag:s3] =	ssyncset.done $0x0  }
.LBB2_2:
0x5d: {  	[sflag:s3] =	ssyncadd.s32 $0xFFFFE000  }
0x5e: {  	[tilespmem:s2], [sflag:$0x3] =	stream.linear.gather [hbm4b:s1+s2], $0x400, $0x38;
	[tilespmem:$0x10400] =	vst v63  }
0x5f: {  	_ =	swait.ge [sflag:s23], $0x400  }
0x60: {  	[sflag:s23] =	ssyncset.done $0x0  }
0x61: {  	[sflag:s23] =	ssyncadd.s32 $0xFFFFFC00  }
0x62: {  	[tilespmem:s21], [sflag:$0x1] =	stream.indirect.gather [hbm4b:s10+s22], $0x40, s2, s22, $0xb8;
	[tilespmem:$0x10400] =	vst v63  }
0x63: {  	_ = 	snop  }
0x64: {  	[tilespmem:s20], [sflag:$0x1] =	stream.indirect.gather [hbm4b:s10+s22], $0x40, s22, s22, $0xb8;
	[tilespmem:$0x10400] =	vst v63  }
0x65: {  	_ = 	snop  }
0x66: {  	[tilespmem:s19], [sflag:$0x1] =	stream.indirect.gather [hbm4b:s10+s22], $0x40, s24, s22, $0xb8;
	[tilespmem:$0x10400] =	vst v63  }
0x67: {  	_ = 	snop  }
0x68: {  	[tilespmem:s18], [sflag:$0x1] =	stream.indirect.gather [hbm4b:s10+s22], $0x40, s25, s22, $0xb8;
	[tilespmem:$0x10400] =	vst v63  }
0x69: {  	_ = 	snop  }
0x6a: {  	[tilespmem:s17], [sflag:$0x1] =	stream.indirect.gather [hbm4b:s10+s22], $0x40, s26, s22, $0xb8;
	[tilespmem:$0x10400] =	vst v63  }
0x6b: {  	_ = 	snop  }
0x6c: {  	[tilespmem:s14], [sflag:$0x1] =	stream.indirect.gather [hbm4b:s10+s22], $0x40, s28, s22, $0xb8;
	[tilespmem:$0x10400] =	vst v63  }
0x6d: {  	_ = 	snop  }
0x6e: {  	[tilespmem:s15], [sflag:$0x1] =	stream.indirect.gather [hbm4b:s10+s22], $0x40, s29, s22, $0xb8;
	[tilespmem:$0x10400] =	vst v63  }
0x6f: {  	_ = 	snop  }
0x70: {  	[tilespmem:s12], [sflag:$0x1] =	stream.indirect.gather [hbm4b:s10+s22], $0x40, s30, s22, $0xb8;
	[tilespmem:$0x10400] =	vst v63  }
0x71: {  	_ =	swait.ge [sflag:s16], $0x2000  }
0x72: {  	[sflag:s16] =	ssyncset.done $0x0  }
0x73: {  	[sflag:s16] =	ssyncadd.s32 $0xFFFFE000  }
0x74: {  	[hbm4b:s13+s2] =	stream.linear.scatter [tilespmem:s21], [sflag:$0x2], $0x2000, $0x38;
	[tilespmem:$0x10400] =	vst v63  }
0x75: {  	_ =	swait.ge [sflag:s16], $0x2000  }
0x76: {  	[sflag:s16] =	ssyncset.done $0x0  }
0x77: {  	[sflag:s16] =	ssyncadd.s32 $0xFFFFE000  }
0x78: {  	[hbm4b:s11+s2] =	stream.linear.scatter [tilespmem:s20], [sflag:$0x2], $0x2000, $0x38;
	[tilespmem:$0x10400] =	vst v63  }
0x79: {  	_ =	swait.ge [sflag:s16], $0x2000  }
0x7a: {  	[sflag:s16] =	ssyncset.done $0x0  }
0x7b: {  	[sflag:s16] =	ssyncadd.s32 $0xFFFFE000  }
0x7c: {  	[hbm4b:s9+s2] =	stream.linear.scatter [tilespmem:s19], [sflag:$0x2], $0x2000, $0x38;
	[tilespmem:$0x10400] =	vst v63  }
0x7d: {  	_ =	swait.ge [sflag:s16], $0x2000  }
0x7e: {  	[sflag:s16] =	ssyncset.done $0x0  }
0x7f: {  	[sflag:s16] =	ssyncadd.s32 $0xFFFFE000  }
0x80: {  	[hbm4b:s8+s2] =	stream.linear.scatter [tilespmem:s18], [sflag:$0x2], $0x2000, $0x38;
	[tilespmem:$0x10400] =	vst v63  }
0x81: {  	_ =	swait.ge [sflag:s16], $0x2000  }
0x82: {  	[sflag:s16] =	ssyncset.done $0x0  }
0x83: {  	[sflag:s16] =	ssyncadd.s32 $0xFFFFE000  }
0x84: {  	[hbm4b:s7+s2] =	stream.linear.scatter [tilespmem:s17], [sflag:$0x2], $0x2000, $0x38;
	[tilespmem:$0x10400] =	vst v63  }
0x85: {  	_ =	swait.ge [sflag:s16], $0x2000  }
0x86: {  	[sflag:s16] =	ssyncset.done $0x0  }
0x87: {  	[sflag:s16] =	ssyncadd.s32 $0xFFFFE000  }
0x88: {  	[hbm4b:s6+s2] =	stream.linear.scatter [tilespmem:s14], [sflag:$0x2], $0x2000, $0x38;
	[tilespmem:$0x10400] =	vst v63  }
0x89: {  	_ =	swait.ge [sflag:s16], $0x2000  }
0x8a: {  	[sflag:s16] =	ssyncset.done $0x0  }
0x8b: {  	[sflag:s16] =	ssyncadd.s32 $0xFFFFE000  }
0x8c: {  	[hbm4b:s5+s2] =	stream.linear.scatter [tilespmem:s15], [sflag:$0x2], $0x2000, $0x38;
	[tilespmem:$0x10400] =	vst v63  }
0x8d: {  	_ =	swait.ge [sflag:s16], $0x2000  }
0x8e: {  	[sflag:s16] =	ssyncset.done $0x0  }
0x8f: {  	[sflag:s16] =	ssyncadd.s32 $0xFFFFE000  }
0x90: {  	[hbm4b:s4+s2] =	stream.linear.scatter [tilespmem:s12], [sflag:$0x2], $0x2000, $0x38;
	[tilespmem:$0x10400] =	vst v63  }
0x91: {  	_ =	swait.ge [sflag:s3], $0x2000  }
0x92: {  	[sflag:s3] =	ssyncset.done $0x0  }
0x93: {  	[sflag:s3] =	ssyncadd.s32 $0xFFFFE000  }
0x94: {  	_ =	swait.ge [sflag:s3], $0x2000  }
0x95: {  	[sflag:s3] =	ssyncset.done $0x0  }
0x96: {  	[sflag:s3] =	ssyncadd.s32 $0xFFFFE000  }
0x97: {  	_ =	swait.ge [sflag:s3], $0x2000  }
0x98: {  	[sflag:s3] =	ssyncset.done $0x0  }
0x99: {  	[sflag:s3] =	ssyncadd.s32 $0xFFFFE000  }
0x9a: {  	_ =	swait.ge [sflag:s3], $0x2000  }
0x9b: {  	[sflag:s3] =	ssyncset.done $0x0  }
0x9c: {  	[sflag:s3] =	ssyncadd.s32 $0xFFFFE000  }
0x9d: {  	_ =	swait.ge [sflag:s3], $0x2000  }
0x9e: {  	[sflag:s3] =	ssyncset.done $0x0  }
0x9f: {  	[sflag:s3] =	ssyncadd.s32 $0xFFFFE000  }
0xa0: {  	_ =	swait.ge [sflag:s3], $0x2000  }
0xa1: {  	[sflag:s3] =	ssyncset.done $0x0  }
0xa2: {  	p1 =	sne.s32 s31, $0x1;
	[sflag:s3] =	ssyncadd.s32 $0xFFFFE000  }
.Ltmp2:
0xa3: {  	_ =	swait.ge [sflag:s3], $0x2000;
	(pc) =	sbr.rel @p1 .LBB2_2-.Ltmp2, $4  }
0xa4: {  	[sflag:s3] =	ssyncset.done $0x0  }
0xa5: {  	[sflag:s3] =	ssyncadd.s32 $0xFFFFE000  }
0xa6: {  	_ =	swait.ge [sflag:s3], $0x2000  }
0xa7: {  	s31 =	sadd.s32 $0xFFFFFFFF, s31;
	s1 =	rddreg [dreg:$0x2];
	[sflag:s3] =	ssyncset.done $0x0  }
.LBB2_3:
0xa8: {  	[sflag:s3] =	ssyncadd.s32 @p0 $0xFFFFE000  }
0xa9: {  	[tilespmem:s2], [sflag:$0x3] =	stream.linear.gather [hbm4b:s1+s2], $0x400, $0x38;
	[tilespmem:$0x10400] =	vst v63  }
0xaa: {  	_ =	swait.ge [sflag:s23], $0x400  }
0xab: {  	[sflag:s23] =	ssyncset.done $0x0  }
0xac: {  	[sflag:s23] =	ssyncadd.s32 $0xFFFFFC00  }
0xad: {  	[tilespmem:s21], [sflag:$0x1] =	stream.indirect.gather [hbm4b:s10+s22], $0x40, s2, s22, $0xb8;
	[tilespmem:$0x10400] =	vst v63  }
0xae: {  	_ = 	snop  }
0xaf: {  	[tilespmem:s20], [sflag:$0x1] =	stream.indirect.gather [hbm4b:s10+s22], $0x40, s22, s22, $0xb8;
	[tilespmem:$0x10400] =	vst v63  }
0xb0: {  	_ = 	snop  }
0xb1: {  	[tilespmem:s19], [sflag:$0x1] =	stream.indirect.gather [hbm4b:s10+s22], $0x40, s24, s22, $0xb8;
	[tilespmem:$0x10400] =	vst v63  }
0xb2: {  	_ = 	snop  }
0xb3: {  	[tilespmem:s18], [sflag:$0x1] =	stream.indirect.gather [hbm4b:s10+s22], $0x40, s25, s22, $0xb8;
	[tilespmem:$0x10400] =	vst v63  }
0xb4: {  	_ = 	snop  }
0xb5: {  	[tilespmem:s17], [sflag:$0x1] =	stream.indirect.gather [hbm4b:s10+s22], $0x40, s26, s22, $0xb8;
	[tilespmem:$0x10400] =	vst v63  }
0xb6: {  	_ = 	snop  }
0xb7: {  	[tilespmem:s14], [sflag:$0x1] =	stream.indirect.gather [hbm4b:s10+s22], $0x40, s28, s22, $0xb8;
	[tilespmem:$0x10400] =	vst v63  }
0xb8: {  	_ = 	snop  }
0xb9: {  	[tilespmem:s15], [sflag:$0x1] =	stream.indirect.gather [hbm4b:s10+s22], $0x40, s29, s22, $0xb8;
	[tilespmem:$0x10400] =	vst v63  }
0xba: {  	_ = 	snop  }
0xbb: {  	[tilespmem:s12], [sflag:$0x1] =	stream.indirect.gather [hbm4b:s10+s22], $0x40, s30, s22, $0xb8;
	[tilespmem:$0x10400] =	vst v63  }
0xbc: {  	_ =	swait.ge [sflag:s16], $0x2000  }
0xbd: {  	[sflag:s16] =	ssyncset.done $0x0  }
0xbe: {  	[sflag:s16] =	ssyncadd.s32 $0xFFFFE000  }
0xbf: {  	[hbm4b:s13+s2] =	stream.linear.scatter [tilespmem:s21], [sflag:$0x2], $0x2000, $0x38;
	[tilespmem:$0x10400] =	vst v63  }
0xc0: {  	_ =	swait.ge [sflag:s16], $0x2000  }
0xc1: {  	[sflag:s16] =	ssyncset.done $0x0  }
0xc2: {  	[sflag:s16] =	ssyncadd.s32 $0xFFFFE000  }
0xc3: {  	[hbm4b:s11+s2] =	stream.linear.scatter [tilespmem:s20], [sflag:$0x2], $0x2000, $0x38;
	[tilespmem:$0x10400] =	vst v63  }
0xc4: {  	_ =	swait.ge [sflag:s16], $0x2000  }
0xc5: {  	[sflag:s16] =	ssyncset.done $0x0  }
0xc6: {  	[sflag:s16] =	ssyncadd.s32 $0xFFFFE000  }
0xc7: {  	[hbm4b:s9+s2] =	stream.linear.scatter [tilespmem:s19], [sflag:$0x2], $0x2000, $0x38;
	[tilespmem:$0x10400] =	vst v63  }
0xc8: {  	_ =	swait.ge [sflag:s16], $0x2000  }
0xc9: {  	[sflag:s16] =	ssyncset.done $0x0  }
0xca: {  	[sflag:s16] =	ssyncadd.s32 $0xFFFFE000  }
0xcb: {  	[hbm4b:s8+s2] =	stream.linear.scatter [tilespmem:s18], [sflag:$0x2], $0x2000, $0x38;
	[tilespmem:$0x10400] =	vst v63  }
0xcc: {  	_ =	swait.ge [sflag:s16], $0x2000  }
0xcd: {  	[sflag:s16] =	ssyncset.done $0x0  }
0xce: {  	[sflag:s16] =	ssyncadd.s32 $0xFFFFE000  }
0xcf: {  	[hbm4b:s7+s2] =	stream.linear.scatter [tilespmem:s17], [sflag:$0x2], $0x2000, $0x38;
	[tilespmem:$0x10400] =	vst v63  }
0xd0: {  	_ =	swait.ge [sflag:s16], $0x2000  }
0xd1: {  	[sflag:s16] =	ssyncset.done $0x0  }
0xd2: {  	[sflag:s16] =	ssyncadd.s32 $0xFFFFE000  }
0xd3: {  	[hbm4b:s6+s2] =	stream.linear.scatter [tilespmem:s14], [sflag:$0x2], $0x2000, $0x38;
	[tilespmem:$0x10400] =	vst v63  }
0xd4: {  	_ =	swait.ge [sflag:s16], $0x2000  }
0xd5: {  	[sflag:s16] =	ssyncset.done $0x0  }
0xd6: {  	[sflag:s16] =	ssyncadd.s32 $0xFFFFE000  }
0xd7: {  	[hbm4b:s5+s2] =	stream.linear.scatter [tilespmem:s15], [sflag:$0x2], $0x2000, $0x38;
	[tilespmem:$0x10400] =	vst v63  }
0xd8: {  	_ =	swait.ge [sflag:s16], $0x2000  }
0xd9: {  	[sflag:s16] =	ssyncset.done $0x0  }
0xda: {  	[sflag:s16] =	ssyncadd.s32 $0xFFFFE000  }
0xdb: {  	[hbm4b:s4+s2] =	stream.linear.scatter [tilespmem:s12], [sflag:$0x2], $0x2000, $0x38;
	[tilespmem:$0x10400] =	vst v63  }
0xdc: {  	_ =	swait.ge [sflag:s3], $0x2000  }
0xdd: {  	[sflag:s3] =	ssyncset.done $0x0  }
0xde: {  	[sflag:s3] =	ssyncadd.s32 $0xFFFFE000  }
0xdf: {  	_ =	swait.ge [sflag:s3], $0x2000  }
0xe0: {  	[sflag:s3] =	ssyncset.done $0x0  }
0xe1: {  	[sflag:s3] =	ssyncadd.s32 $0xFFFFE000  }
0xe2: {  	_ =	swait.ge [sflag:s3], $0x2000  }
0xe3: {  	[sflag:s3] =	ssyncset.done $0x0  }
0xe4: {  	[sflag:s3] =	ssyncadd.s32 $0xFFFFE000  }
0xe5: {  	_ =	swait.ge [sflag:s3], $0x2000  }
0xe6: {  	[sflag:s3] =	ssyncset.done $0x0  }
0xe7: {  	[sflag:s3] =	ssyncadd.s32 $0xFFFFE000  }
0xe8: {  	_ =	swait.ge [sflag:s3], $0x2000  }
0xe9: {  	[sflag:s3] =	ssyncset.done $0x0  }
0xea: {  	[sflag:s3] =	ssyncadd.s32 $0xFFFFE000  }
0xeb: {  	_ =	swait.ge [sflag:s3], $0x2000  }
0xec: {  	[sflag:s3] =	ssyncset.done $0x0  }
0xed: {  	[sflag:s3] =	ssyncadd.s32 $0xFFFFE000  }
0xee: {  	_ =	swait.ge [sflag:s3], $0x2000  }
0xef: {  	[sflag:s3] =	ssyncset.done $0x0  }
0xf0: {  	[sflag:s3] =	ssyncadd.s32 $0xFFFFE000  }
0xf1: {  	_ =	swait.ge [sflag:s3], $0x2000  }
0xf2: {  	[sflag:s3] =	ssyncset.done $0x0  }
0xf3: {  	[sflag:s3] =	ssyncadd.s32 $0xFFFFE000  }
0xf4: {  	_ =	sfence.sel $0x180000  }
0xf5: {  	[bflag:$0x0] =	sbarrier.arrive $0xFFFF  }
0xf6: {  	_ =	strace $0x9000004A  }
0xf7: {  	[bflag:$0x2] =	sbarrier.arrive $0xFFFF  }
0xf8: {  	p0 =	sne.s32 s0, $0x0;
	s0 =	rddreg [dreg:$0x1]  }
0xf9: {  	s0 =	sadd.s32 @!p0 $0x100000, s0  }
0xfa: {  	[sflag:s0] =	ssyncadd.tile.s32 @!p0 $0x1;
	_ =	shalt  }
.Lfunc_end2:
_tile_overlayer_lowered:
.L_overlay_start_2:
0xfb: {  	(tag) =	ssettag $0x2  }
0xfc: {  	s0 =	rddreg [dreg:$0x0];
	s2 =	stileid.u32  }
0xfd: {  	s1 =	rddreg [dreg:$0x1];
	p0 =	sne.s32 s2, $0x0  }
0xfe: {  	s3 =	rddreg [dreg:$0x2];
	[bflag:$0x3] =	sbarrier.arrive $0xFFFF;
	s2 =	simm.s32 @!p0 $0x1C03  }
0xff: {  	[timem:s3], [sflag:s2] =	dma.local @!p0 [hbm:s0], s1  }
0x100: {  	s0 =	simm.s32 @!p0 $0x3  }
0x101: {  	_ =	swait.ge @!p0 [sflag:s0], s1  }
0x102: {  	s1 =	ssub.s32 @!p0 $0x0, s1;
	[sflag:s0] =	ssyncset.done @!p0 $0x0  }
0x103: {  	[sflag:s0] =	ssyncadd.s32 @!p0 s1  }
0x104: {  	[bflag:$0x3] =	sbarrier.arrive $0xFFFF  }
0x105: {  	_ =	shalt  }

</sc_bundles>
